<compile_context>
chip_gen: v7x
topology: tpu7x:2x2x1
jax: 0.10.2.dev20260603
libtpu: 0.0.44.dev20260713+nightly
codegen_flags: <defaults>
</compile_context>

<pallas_src>
import functools

import jax
import jax.numpy as jnp
from jax import lax
from jax.experimental import pallas as pl
from jax.experimental.pallas import tpu as pltpu
from jax.experimental.pallas import tpu_sc as plsc

NC, NS, L = 2, 16, 16
NW = NC * NS
NPTS = 8192 * 256
PER_W = NPTS // NW
C = 16384
NCHUNK = PER_W // C
CR = C // 128
NWORDS = (256 * 256 * 256) // 4
MAGIC = 12582912.0


def _sc_body(xyz_hbm, table_hbm, params_hbm, out_hbm,
             params_v, xyz_v, widx_v, sh_v, words_v, out_v, sem):
    wid = lax.axis_index("s") * NC + lax.axis_index("c")
    pltpu.sync_copy(params_hbm, params_v)
    sx = params_v[pl.ds(0, L)]
    sy = params_v[pl.ds(L, L)]
    sz = params_v[pl.ds(2 * L, L)]
    hx = params_v[pl.ds(3 * L, L)]
    hy = params_v[pl.ds(4 * L, L)]
    hz = params_v[pl.ds(5 * L, L)]
    iota3 = lax.broadcasted_iota(jnp.int32, (L,), 0) * 3
    magic = jnp.full((L,), MAGIC, jnp.float32)

    for c in range(NCHUNK):
        pt0 = (wid * NCHUNK + c) * C
        pltpu.sync_copy(xyz_hbm.at[pl.ds(pt0 * 3, C * 3)], xyz_v)

        def idx_row(r, carry):
            ro = r * 128
            for c8 in range(8):
                ix = iota3 + (r * (8 * 48) + c8 * 48)
                x = plsc.load_gather(xyz_v, [ix])
                y = plsc.load_gather(xyz_v, [ix + 1])
                z = plsc.load_gather(xyz_v, [ix + 2])
                fi = lax.convert_element_type(
                    ((x * sx + hx) + magic) - magic, jnp.int32)
                fj = lax.convert_element_type(
                    ((y * sy + hy) + magic) - magic, jnp.int32)
                fk = lax.convert_element_type(
                    ((z * sz + hz) + magic) - magic, jnp.int32)
                flat = (fi << 16) | (fj << 8) | fk
                w = lax.shift_right_arithmetic(flat, 2)
                w = jnp.minimum(jnp.maximum(w, 0), NWORDS - 1)
                sh = (flat & 3) << 3
                sl = pl.ds(ro + c8 * L, L)
                widx_v[sl] = w
                sh_v[sl] = sh
            return carry

        lax.fori_loop(0, CR, idx_row, 0)

        pltpu.async_copy(table_hbm.at[widx_v], words_v, sem).wait()

        def out_row(r, carry):
            ro = r * 128
            for c8 in range(8):
                sl = pl.ds(ro + c8 * L, L)
                out_v[sl] = lax.shift_right_logical(
                    words_v[sl], sh_v[sl]) & 1
            return carry

        lax.fori_loop(0, CR, out_row, 0)

        pltpu.sync_copy(out_v, out_hbm.at[pl.ds(pt0, C)])


_sc_lookup = functools.partial(
    pl.kernel,
    out_type=jax.ShapeDtypeStruct((NPTS,), jnp.int32),
    mesh=plsc.VectorSubcoreMesh(core_axis_name="c", subcore_axis_name="s",
                                num_cores=NC, num_subcores=NS),
    scratch_types=[
        pltpu.VMEM((6 * L,), jnp.float32),
        pltpu.VMEM((C * 3,), jnp.float32),
        pltpu.VMEM((C,), jnp.int32),
        pltpu.VMEM((C,), jnp.int32),
        pltpu.VMEM((C,), jnp.int32),
        pltpu.VMEM((C,), jnp.int32),
        pltpu.SemaphoreType.DMA,
    ],
    compiler_params=pltpu.CompilerParams(needs_layout_passes=False),
)(_sc_body)


def kernel(xyz, mask, xyz2ijk_scale, xyz2ijk_shift):
    shape = xyz.shape[:-1]
    xyz_flat = xyz.reshape(-1)
    table = lax.bitcast_convert_type(
        mask.astype(jnp.uint8).reshape(-1, 4), jnp.int32)
    params = jnp.concatenate([
        jnp.broadcast_to(xyz2ijk_scale[:, None], (3, L)),
        jnp.broadcast_to(xyz2ijk_shift[:, None], (3, L)),
    ], axis=0).astype(jnp.float32).reshape(-1)
    out = _sc_lookup(xyz_flat, table, params)
    return out.reshape(shape).astype(jnp.bool_)

# --- scband reference (transcript-rebuilt; emitter-appended) ---
"""Pipeline reference for scband-mask-grid-16183436771720 (READ-ONLY COPY).

The authoritative reference and input builder live on the scoring server;
editing this copy changes nothing except your own understanding.
"""

import jax, jax.numpy as jnp
import numpy as np

GRID = (256, 256, 256)

def setup_inputs(seed: int = 0) -> dict:
    key = jax.random.key(seed)
    k1, k2 = jax.random.split(key)
    xyz = jax.random.uniform(k1, (8192, 256, 3), dtype=jnp.float32)
    # occupancy mask grid (buffer 'mask' in the torch module), ~50% occupied
    mask = jax.random.bernoulli(k2, 0.5, GRID)
    xyz_min = jnp.zeros((3,), dtype=jnp.float32)
    xyz_max = jnp.ones((3,), dtype=jnp.float32)
    xyz_len = xyz_max - xyz_min
    xyz2ijk_scale = (jnp.array(GRID, dtype=jnp.float32) - 1.0) / xyz_len
    xyz2ijk_shift = -xyz_min * xyz2ijk_scale
    return {"xyz": xyz, "mask": mask, "xyz2ijk_scale": xyz2ijk_scale, "xyz2ijk_shift": xyz2ijk_shift}

def reference(xyz, mask, xyz2ijk_scale, xyz2ijk_shift):
    # Faithful port of torch.ops.render_utils.maskcache_lookup (DVGO cuda op):
    # nearest-voxel lookup; out-of-bounds points -> False.
    shape = xyz.shape[:-1]
    pts = xyz.reshape(-1, 3)
    ijk = jnp.round(pts * xyz2ijk_scale + xyz2ijk_shift).astype(jnp.int32)
    gs = jnp.array(mask.shape, dtype=jnp.int32)
    in_bounds = jnp.all((ijk >= 0) & (ijk < gs), axis=-1)
    i = jnp.clip(ijk[:, 0], 0, mask.shape[0] - 1)
    j = jnp.clip(ijk[:, 1], 0, mask.shape[1] - 1)
    k = jnp.clip(ijk[:, 2], 0, mask.shape[2] - 1)
    vals = mask[i, j, k]
    out = vals & in_bounds
    return out.reshape(shape)

if __name__ == "__main__":
    import jax
    _d = setup_inputs()
    print(jax.jit(kernel)(*tuple(_d.values())))

</pallas_src>

<mosaic_0001>
#map = affine_map<(d0, d1) -> (0)>
module attributes {stable_mosaic.version = 14 : i64} {
  func.func @_sc_body(%arg0: i32, %arg1: i32, %arg2: memref<6291456xf32, #tpu.memory_space<hbm>>, %arg3: memref<4194304xi32, #tpu.memory_space<hbm>>, %arg4: memref<96xf32, #tpu.memory_space<hbm>>, %arg5: memref<2097152xi32, #tpu.memory_space<hbm>>, %arg6: memref<96xf32, #tpu.memory_space<vmem>>, %arg7: memref<49152xf32, #tpu.memory_space<vmem>>, %arg8: memref<16384xi32, #tpu.memory_space<vmem>>, %arg9: memref<16384xi32, #tpu.memory_space<vmem>>, %arg10: memref<16384xi32, #tpu.memory_space<vmem>>, %arg11: memref<16384xi32, #tpu.memory_space<vmem>>, %arg12: memref<!tpu.dma_semaphore, #tpu.memory_space<semaphore_mem>>) attributes {dimension_semantics = [#tpu.dimension_semantics<core_parallel>, #tpu.dimension_semantics<subcore_parallel>], iteration_bounds = array<i64: 2, 16>, scalar_prefetch = 0 : i64, scratch_operands = 7 : i64, tpu.core_type = #tpu.core_type<sc_vector_subcore>, window_params = [{transform_indices = #map}, {transform_indices = #map}, {transform_indices = #map}, {transform_indices = #map}]} {
    %mul3A = arith.constant 2 : i32
    %mul3A_0 = arith.muli %arg1, %mul3A : i32
    %add3A = arith.addi %mul3A_0, %arg0 : i32
    "tpu.region"() ({
      %run_scoped3A = tpu.sem_alloc : memref<!tpu.dma_semaphore, #tpu.memory_space<semaphore_mem>>
      tpu.enqueue_dma source(%arg4 : memref<96xf32, #tpu.memory_space<hbm>>) target(%arg6 : memref<96xf32, #tpu.memory_space<vmem>>) target_semaphore(%run_scoped3A : memref<!tpu.dma_semaphore, #tpu.memory_space<semaphore_mem>>)
      tpu.wait_dma2 semaphore(%run_scoped3A : memref<!tpu.dma_semaphore, #tpu.memory_space<semaphore_mem>>) src(%arg4 : memref<96xf32, #tpu.memory_space<hbm>>) dst(%arg6 : memref<96xf32, #tpu.memory_space<vmem>>)
      tpu.yield
    }) : () -> ()
    %get3A = arith.constant 0 : index
    %get3A_1 = tpu.vector_load %arg6[%get3A] {strides = array<i32>} : memref<96xf32, #tpu.memory_space<vmem>>, vector<16xf32>,
    %get3A_2 = arith.constant 16 : index
    %get3A_3 = tpu.vector_load %arg6[%get3A_2] {strides = array<i32>} : memref<96xf32, #tpu.memory_space<vmem>>, vector<16xf32>,
    %get3A_4 = arith.constant 32 : index
    %get3A_5 = tpu.vector_load %arg6[%get3A_4] {strides = array<i32>} : memref<96xf32, #tpu.memory_space<vmem>>, vector<16xf32>,
    %get3A_6 = arith.constant 48 : index
    %get3A_7 = tpu.vector_load %arg6[%get3A_6] {strides = array<i32>} : memref<96xf32, #tpu.memory_space<vmem>>, vector<16xf32>,
    %get3A_8 = arith.constant 64 : index
    %get3A_9 = tpu.vector_load %arg6[%get3A_8] {strides = array<i32>} : memref<96xf32, #tpu.memory_space<vmem>>, vector<16xf32>,
    %get3A_10 = arith.constant 80 : index
    %get3A_11 = tpu.vector_load %arg6[%get3A_10] {strides = array<i32>} : memref<96xf32, #tpu.memory_space<vmem>>, vector<16xf32>,
    %iota3A = tpu.iota {dimensions = array<i32: 0>} : vector<16xi32>
    %mul3A_12 = arith.constant 3 : i32
    %mul3A_13 = vector.broadcast %mul3A_12 : i32 to vector<16xi32>
    %mul3A_14 = arith.muli %iota3A, %mul3A_13 : vector<16xi32>
    %broadcast_in_dim3A = arith.constant 0x4B400000 : f32
    %broadcast_in_dim3A_15 = vector.broadcast %broadcast_in_dim3A : f32 to vector<16xf32>
    %mul3A_16 = arith.constant 4 : i32
    %mul3A_17 = arith.muli %add3A, %mul3A_16 : i32
    %add3A_18 = arith.constant 0 : i32
    %add3A_19 = arith.addi %mul3A_17, %add3A_18 : i32
    %mul3A_20 = arith.constant 16384 : i32
    %mul3A_21 = arith.muli %add3A_19, %mul3A_20 : i32
    %mul3A_22 = arith.constant 3 : i32
    %mul3A_23 = arith.muli %mul3A_21, %mul3A_22 : i32
    "tpu.region"() ({
      %run_scoped3A = tpu.sem_alloc : memref<!tpu.dma_semaphore, #tpu.memory_space<semaphore_mem>>
      %dma_start3A_109 = tpu.memref_slice %arg2[%mul3A_23] : memref<6291456xf32, #tpu.memory_space<hbm>> -> memref<49152xf32, #tpu.memory_space<hbm>>
      %dma_start3A_110 = tpu.memref_slice %arg2[%mul3A_23] : memref<6291456xf32, #tpu.memory_space<hbm>> -> memref<49152xf32, #tpu.memory_space<hbm>>
      tpu.enqueue_dma source(%dma_start3A_110 : memref<49152xf32, #tpu.memory_space<hbm>>) target(%arg7 : memref<49152xf32, #tpu.memory_space<vmem>>) target_semaphore(%run_scoped3A : memref<!tpu.dma_semaphore, #tpu.memory_space<semaphore_mem>>)
      %dma_wait3A_111 = tpu.memref_slice %arg2[%mul3A_23] : memref<6291456xf32, #tpu.memory_space<hbm>> -> memref<49152xf32, #tpu.memory_space<hbm>>
      %dma_wait3A_112 = tpu.memref_slice %arg2[%mul3A_23] : memref<6291456xf32, #tpu.memory_space<hbm>> -> memref<49152xf32, #tpu.memory_space<hbm>>
      tpu.wait_dma2 semaphore(%run_scoped3A : memref<!tpu.dma_semaphore, #tpu.memory_space<semaphore_mem>>) src(%dma_wait3A_112 : memref<49152xf32, #tpu.memory_space<hbm>>) dst(%arg7 : memref<49152xf32, #tpu.memory_space<vmem>>)
      tpu.yield
    }) : () -> ()
    %scan3A = arith.constant 0 : i32
    %scan3A_24 = arith.constant 0 : i32
    %scan3A_25 = arith.constant 128 : i32
    %scan3A_26 = arith.addi %scan3A_24, %scan3A_25 : i32
    %scan3A_27 = arith.constant 1 : i32
    scf.for %scan3A_109 = %scan3A_24 to %scan3A_26 step %scan3A_27  : i32 {
      %mul3A_110 = arith.constant 128 : i32
      %mul3A_111 = arith.muli %scan3A_109, %mul3A_110 : i32
      %mul3A_112 = arith.constant 384 : i32
      %mul3A_113 = arith.muli %scan3A_109, %mul3A_112 : i32
      %add3A_114 = arith.constant 0 : i32
      %add3A_115 = arith.addi %mul3A_113, %add3A_114 : i32
      %add3A_116 = vector.broadcast %add3A_115 : i32 to vector<16xi32>
      %add3A_117 = arith.addi %mul3A_14, %add3A_116 : vector<16xi32>
      %gather3A = tpu.vector_load_idx %arg7[%add3A_117] : memref<49152xf32, #tpu.memory_space<vmem>>[vector<16xi32>], vector<16xf32>,
      %add3A_118 = arith.constant 1 : i32
      %add3A_119 = vector.broadcast %add3A_118 : i32 to vector<16xi32>
      %add3A_120 = arith.addi %add3A_117, %add3A_119 : vector<16xi32>
      %gather3A_121 = tpu.vector_load_idx %arg7[%add3A_120] : memref<49152xf32, #tpu.memory_space<vmem>>[vector<16xi32>], vector<16xf32>,
      %add3A_122 = arith.constant 2 : i32
      %add3A_123 = vector.broadcast %add3A_122 : i32 to vector<16xi32>
      %add3A_124 = arith.addi %add3A_117, %add3A_123 : vector<16xi32>
      %gather3A_125 = tpu.vector_load_idx %arg7[%add3A_124] : memref<49152xf32, #tpu.memory_space<vmem>>[vector<16xi32>], vector<16xf32>,
      %mul3A_126 = arith.mulf %gather3A, %get3A_1 : vector<16xf32>
      %add3A_127 = arith.addf %mul3A_126, %get3A_7 : vector<16xf32>
      %add3A_128 = arith.addf %add3A_127, %broadcast_in_dim3A_15 : vector<16xf32>
      %sub3A = arith.subf %add3A_128, %broadcast_in_dim3A_15 : vector<16xf32>
      %convert_element_type3A = arith.fptosi %sub3A : vector<16xf32> to vector<16xi32>
      %mul3A_129 = arith.mulf %gather3A_121, %get3A_3 : vector<16xf32>
      %add3A_130 = arith.addf %mul3A_129, %get3A_9 : vector<16xf32>
      %add3A_131 = arith.addf %add3A_130, %broadcast_in_dim3A_15 : vector<16xf32>
      %sub3A_132 = arith.subf %add3A_131, %broadcast_in_dim3A_15 : vector<16xf32>
      %convert_element_type3A_133 = arith.fptosi %sub3A_132 : vector<16xf32> to vector<16xi32>
      %mul3A_134 = arith.mulf %gather3A_125, %get3A_5 : vector<16xf32>
      %add3A_135 = arith.addf %mul3A_134, %get3A_11 : vector<16xf32>
      %add3A_136 = arith.addf %add3A_135, %broadcast_in_dim3A_15 : vector<16xf32>
      %sub3A_137 = arith.subf %add3A_136, %broadcast_in_dim3A_15 : vector<16xf32>
      %convert_element_type3A_138 = arith.fptosi %sub3A_137 : vector<16xf32> to vector<16xi32>
      %shift_left3A = arith.constant 16 : i32
      %shift_left3A_139 = vector.broadcast %shift_left3A : i32 to vector<16xi32>
      %shift_left3A_140 = arith.shli %convert_element_type3A, %shift_left3A_139 : vector<16xi32>
      %shift_left3A_141 = arith.constant 8 : i32
      %shift_left3A_142 = vector.broadcast %shift_left3A_141 : i32 to vector<16xi32>
      %shift_left3A_143 = arith.shli %convert_element_type3A_133, %shift_left3A_142 : vector<16xi32>
      %or3A = arith.ori %shift_left3A_140, %shift_left3A_143 : vector<16xi32>
      %or3A_144 = arith.ori %or3A, %convert_element_type3A_138 : vector<16xi32>
      %shift_right_arithmetic3A = arith.constant 2 : i32
      %shift_right_arithmetic3A_145 = vector.broadcast %shift_right_arithmetic3A : i32 to vector<16xi32>
      %shift_right_arithmetic3A_146 = arith.shrsi %or3A_144, %shift_right_arithmetic3A_145 : vector<16xi32>
      %max3A = arith.constant 0 : i32
      %max3A_147 = vector.broadcast %max3A : i32 to vector<16xi32>
      %max3A_148 = arith.maxsi %shift_right_arithmetic3A_146, %max3A_147 : vector<16xi32>
      %min3A = arith.constant 4194303 : i32
      %min3A_149 = vector.broadcast %min3A : i32 to vector<16xi32>
      %min3A_150 = arith.minsi %max3A_148, %min3A_149 : vector<16xi32>
      %and3A = arith.constant 3 : i32
      %and3A_151 = vector.broadcast %and3A : i32 to vector<16xi32>
      %and3A_152 = arith.andi %or3A_144, %and3A_151 : vector<16xi32>
      %shift_left3A_153 = arith.constant 3 : i32
      %shift_left3A_154 = vector.broadcast %shift_left3A_153 : i32 to vector<16xi32>
      %shift_left3A_155 = arith.shli %and3A_152, %shift_left3A_154 : vector<16xi32>
      %add3A_156 = arith.constant 0 : i32
      %add3A_157 = arith.addi %mul3A_111, %add3A_156 : i32
      %swap3A = arith.index_cast %add3A_157 : i32 to index
      %swap3A_158 = tpu.vector_load %arg8[%swap3A] {strides = array<i32>} : memref<16384xi32, #tpu.memory_space<vmem>>, vector<16xi32>,
      tpu.vector_store %arg8[%swap3A], %min3A_150 {strides = array<i32>} : memref<16384xi32, #tpu.memory_space<vmem>>, vector<16xi32>,
      %swap3A_159 = arith.index_cast %add3A_157 : i32 to index
      %swap3A_160 = tpu.vector_load %arg9[%swap3A_159] {strides = array<i32>} : memref<16384xi32, #tpu.memory_space<vmem>>, vector<16xi32>,
      tpu.vector_store %arg9[%swap3A_159], %shift_left3A_155 {strides = array<i32>} : memref<16384xi32, #tpu.memory_space<vmem>>, vector<16xi32>,
      %mul3A_161 = arith.constant 384 : i32
      %mul3A_162 = arith.muli %scan3A_109, %mul3A_161 : i32
      %add3A_163 = arith.constant 48 : i32
      %add3A_164 = arith.addi %mul3A_162, %add3A_163 : i32
      %add3A_165 = vector.broadcast %add3A_164 : i32 to vector<16xi32>
      %add3A_166 = arith.addi %mul3A_14, %add3A_165 : vector<16xi32>
      %gather3A_167 = tpu.vector_load_idx %arg7[%add3A_166] : memref<49152xf32, #tpu.memory_space<vmem>>[vector<16xi32>], vector<16xf32>,
      %add3A_168 = arith.constant 1 : i32
      %add3A_169 = vector.broadcast %add3A_168 : i32 to vector<16xi32>
      %add3A_170 = arith.addi %add3A_166, %add3A_169 : vector<16xi32>
      %gather3A_171 = tpu.vector_load_idx %arg7[%add3A_170] : memref<49152xf32, #tpu.memory_space<vmem>>[vector<16xi32>], vector<16xf32>,
      %add3A_172 = arith.constant 2 : i32
      %add3A_173 = vector.broadcast %add3A_172 : i32 to vector<16xi32>
      %add3A_174 = arith.addi %add3A_166, %add3A_173 : vector<16xi32>
      %gather3A_175 = tpu.vector_load_idx %arg7[%add3A_174] : memref<49152xf32, #tpu.memory_space<vmem>>[vector<16xi32>], vector<16xf32>,
      %mul3A_176 = arith.mulf %gather3A_167, %get3A_1 : vector<16xf32>
      %add3A_177 = arith.addf %mul3A_176, %get3A_7 : vector<16xf32>
      %add3A_178 = arith.addf %add3A_177, %broadcast_in_dim3A_15 : vector<16xf32>
      %sub3A_179 = arith.subf %add3A_178, %broadcast_in_dim3A_15 : vector<16xf32>
      %convert_element_type3A_180 = arith.fptosi %sub3A_179 : vector<16xf32> to vector<16xi32>
      %mul3A_181 = arith.mulf %gather3A_171, %get3A_3 : vector<16xf32>
      %add3A_182 = arith.addf %mul3A_181, %get3A_9 : vector<16xf32>
      %add3A_183 = arith.addf %add3A_182, %broadcast_in_dim3A_15 : vector<16xf32>
      %sub3A_184 = arith.subf %add3A_183, %broadcast_in_dim3A_15 : vector<16xf32>
      %convert_element_type3A_185 = arith.fptosi %sub3A_184 : vector<16xf32> to vector<16xi32>
      %mul3A_186 = arith.mulf %gather3A_175, %get3A_5 : vector<16xf32>
      %add3A_187 = arith.addf %mul3A_186, %get3A_11 : vector<16xf32>
      %add3A_188 = arith.addf %add3A_187, %broadcast_in_dim3A_15 : vector<16xf32>
      %sub3A_189 = arith.subf %add3A_188, %broadcast_in_dim3A_15 : vector<16xf32>
      %convert_element_type3A_190 = arith.fptosi %sub3A_189 : vector<16xf32> to vector<16xi32>
      %shift_left3A_191 = arith.constant 16 : i32
      %shift_left3A_192 = vector.broadcast %shift_left3A_191 : i32 to vector<16xi32>
      %shift_left3A_193 = arith.shli %convert_element_type3A_180, %shift_left3A_192 : vector<16xi32>
      %shift_left3A_194 = arith.constant 8 : i32
      %shift_left3A_195 = vector.broadcast %shift_left3A_194 : i32 to vector<16xi32>
      %shift_left3A_196 = arith.shli %convert_element_type3A_185, %shift_left3A_195 : vector<16xi32>
      %or3A_197 = arith.ori %shift_left3A_193, %shift_left3A_196 : vector<16xi32>
      %or3A_198 = arith.ori %or3A_197, %convert_element_type3A_190 : vector<16xi32>
      %shift_right_arithmetic3A_199 = arith.constant 2 : i32
      %shift_right_arithmetic3A_200 = vector.broadcast %shift_right_arithmetic3A_199 : i32 to vector<16xi32>
      %shift_right_arithmetic3A_201 = arith.shrsi %or3A_198, %shift_right_arithmetic3A_200 : vector<16xi32>
      %max3A_202 = arith.constant 0 : i32
      %max3A_203 = vector.broadcast %max3A_202 : i32 to vector<16xi32>
      %max3A_204 = arith.maxsi %shift_right_arithmetic3A_201, %max3A_203 : vector<16xi32>
      %min3A_205 = arith.constant 4194303 : i32
      %min3A_206 = vector.broadcast %min3A_205 : i32 to vector<16xi32>
      %min3A_207 = arith.minsi %max3A_204, %min3A_206 : vector<16xi32>
      %and3A_208 = arith.constant 3 : i32
      %and3A_209 = vector.broadcast %and3A_208 : i32 to vector<16xi32>
      %and3A_210 = arith.andi %or3A_198, %and3A_209 : vector<16xi32>
      %shift_left3A_211 = arith.constant 3 : i32
      %shift_left3A_212 = vector.broadcast %shift_left3A_211 : i32 to vector<16xi32>
      %shift_left3A_213 = arith.shli %and3A_210, %shift_left3A_212 : vector<16xi32>
      %add3A_214 = arith.constant 16 : i32
      %add3A_215 = arith.addi %mul3A_111, %add3A_214 : i32
      %swap3A_216 = arith.index_cast %add3A_215 : i32 to index
      %swap3A_217 = tpu.vector_load %arg8[%swap3A_216] {strides = array<i32>} : memref<16384xi32, #tpu.memory_space<vmem>>, vector<16xi32>,
      tpu.vector_store %arg8[%swap3A_216], %min3A_207 {strides = array<i32>} : memref<16384xi32, #tpu.memory_space<vmem>>, vector<16xi32>,
      %swap3A_218 = arith.index_cast %add3A_215 : i32 to index
      %swap3A_219 = tpu.vector_load %arg9[%swap3A_218] {strides = array<i32>} : memref<16384xi32, #tpu.memory_space<vmem>>, vector<16xi32>,
      tpu.vector_store %arg9[%swap3A_218], %shift_left3A_213 {strides = array<i32>} : memref<16384xi32, #tpu.memory_space<vmem>>, vector<16xi32>,
      %mul3A_220 = arith.constant 384 : i32
      %mul3A_221 = arith.muli %scan3A_109, %mul3A_220 : i32
      %add3A_222 = arith.constant 96 : i32
      %add3A_223 = arith.addi %mul3A_221, %add3A_222 : i32
      %add3A_224 = vector.broadcast %add3A_223 : i32 to vector<16xi32>
      %add3A_225 = arith.addi %mul3A_14, %add3A_224 : vector<16xi32>
      %gather3A_226 = tpu.vector_load_idx %arg7[%add3A_225] : memref<49152xf32, #tpu.memory_space<vmem>>[vector<16xi32>], vector<16xf32>,
      %add3A_227 = arith.constant 1 : i32
      %add3A_228 = vector.broadcast %add3A_227 : i32 to vector<16xi32>
      %add3A_229 = arith.addi %add3A_225, %add3A_228 : vector<16xi32>
      %gather3A_230 = tpu.vector_load_idx %arg7[%add3A_229] : memref<49152xf32, #tpu.memory_space<vmem>>[vector<16xi32>], vector<16xf32>,
      %add3A_231 = arith.constant 2 : i32
      %add3A_232 = vector.broadcast %add3A_231 : i32 to vector<16xi32>
      %add3A_233 = arith.addi %add3A_225, %add3A_232 : vector<16xi32>
      %gather3A_234 = tpu.vector_load_idx %arg7[%add3A_233] : memref<49152xf32, #tpu.memory_space<vmem>>[vector<16xi32>], vector<16xf32>,
      %mul3A_235 = arith.mulf %gather3A_226, %get3A_1 : vector<16xf32>
      %add3A_236 = arith.addf %mul3A_235, %get3A_7 : vector<16xf32>
      %add3A_237 = arith.addf %add3A_236, %broadcast_in_dim3A_15 : vector<16xf32>
      %sub3A_238 = arith.subf %add3A_237, %broadcast_in_dim3A_15 : vector<16xf32>
      %convert_element_type3A_239 = arith.fptosi %sub3A_238 : vector<16xf32> to vector<16xi32>
      %mul3A_240 = arith.mulf %gather3A_230, %get3A_3 : vector<16xf32>
      %add3A_241 = arith.addf %mul3A_240, %get3A_9 : vector<16xf32>
      %add3A_242 = arith.addf %add3A_241, %broadcast_in_dim3A_15 : vector<16xf32>
      %sub3A_243 = arith.subf %add3A_242, %broadcast_in_dim3A_15 : vector<16xf32>
      %convert_element_type3A_244 = arith.fptosi %sub3A_243 : vector<16xf32> to vector<16xi32>
      %mul3A_245 = arith.mulf %gather3A_234, %get3A_5 : vector<16xf32>
      %add3A_246 = arith.addf %mul3A_245, %get3A_11 : vector<16xf32>
      %add3A_247 = arith.addf %add3A_246, %broadcast_in_dim3A_15 : vector<16xf32>
      %sub3A_248 = arith.subf %add3A_247, %broadcast_in_dim3A_15 : vector<16xf32>
      %convert_element_type3A_249 = arith.fptosi %sub3A_248 : vector<16xf32> to vector<16xi32>
      %shift_left3A_250 = arith.constant 16 : i32
      %shift_left3A_251 = vector.broadcast %shift_left3A_250 : i32 to vector<16xi32>
      %shift_left3A_252 = arith.shli %convert_element_type3A_239, %shift_left3A_251 : vector<16xi32>
      %shift_left3A_253 = arith.constant 8 : i32
      %shift_left3A_254 = vector.broadcast %shift_left3A_253 : i32 to vector<16xi32>
      %shift_left3A_255 = arith.shli %convert_element_type3A_244, %shift_left3A_254 : vector<16xi32>
      %or3A_256 = arith.ori %shift_left3A_252, %shift_left3A_255 : vector<16xi32>
      %or3A_257 = arith.ori %or3A_256, %convert_element_type3A_249 : vector<16xi32>
      %shift_right_arithmetic3A_258 = arith.constant 2 : i32
      %shift_right_arithmetic3A_259 = vector.broadcast %shift_right_arithmetic3A_258 : i32 to vector<16xi32>
      %shift_right_arithmetic3A_260 = arith.shrsi %or3A_257, %shift_right_arithmetic3A_259 : vector<16xi32>
      %max3A_261 = arith.constant 0 : i32
      %max3A_262 = vector.broadcast %max3A_261 : i32 to vector<16xi32>
      %max3A_263 = arith.maxsi %shift_right_arithmetic3A_260, %max3A_262 : vector<16xi32>
      %min3A_264 = arith.constant 4194303 : i32
      %min3A_265 = vector.broadcast %min3A_264 : i32 to vector<16xi32>
      %min3A_266 = arith.minsi %max3A_263, %min3A_265 : vector<16xi32>
      %and3A_267 = arith.constant 3 : i32
      %and3A_268 = vector.broadcast %and3A_267 : i32 to vector<16xi32>
      %and3A_269 = arith.andi %or3A_257, %and3A_268 : vector<16xi32>
      %shift_left3A_270 = arith.constant 3 : i32
      %shift_left3A_271 = vector.broadcast %shift_left3A_270 : i32 to vector<16xi32>
      %shift_left3A_272 = arith.shli %and3A_269, %shift_left3A_271 : vector<16xi32>
      %add3A_273 = arith.constant 32 : i32
      %add3A_274 = arith.addi %mul3A_111, %add3A_273 : i32
      %swap3A_275 = arith.index_cast %add3A_274 : i32 to index
      %swap3A_276 = tpu.vector_load %arg8[%swap3A_275] {strides = array<i32>} : memref<16384xi32, #tpu.memory_space<vmem>>, vector<16xi32>,
      tpu.vector_store %arg8[%swap3A_275], %min3A_266 {strides = array<i32>} : memref<16384xi32, #tpu.memory_space<vmem>>, vector<16xi32>,
      %swap3A_277 = arith.index_cast %add3A_274 : i32 to index
      %swap3A_278 = tpu.vector_load %arg9[%swap3A_277] {strides = array<i32>} : memref<16384xi32, #tpu.memory_space<vmem>>, vector<16xi32>,
      tpu.vector_store %arg9[%swap3A_277], %shift_left3A_272 {strides = array<i32>} : memref<16384xi32, #tpu.memory_space<vmem>>, vector<16xi32>,
      %mul3A_279 = arith.constant 384 : i32
      %mul3A_280 = arith.muli %scan3A_109, %mul3A_279 : i32
      %add3A_281 = arith.constant 144 : i32
      %add3A_282 = arith.addi %mul3A_280, %add3A_281 : i32
      %add3A_283 = vector.broadcast %add3A_282 : i32 to vector<16xi32>
      %add3A_284 = arith.addi %mul3A_14, %add3A_283 : vector<16xi32>
      %gather3A_285 = tpu.vector_load_idx %arg7[%add3A_284] : memref<49152xf32, #tpu.memory_space<vmem>>[vector<16xi32>], vector<16xf32>,
      %add3A_286 = arith.constant 1 : i32
      %add3A_287 = vector.broadcast %add3A_286 : i32 to vector<16xi32>
      %add3A_288 = arith.addi %add3A_284, %add3A_287 : vector<16xi32>
      %gather3A_289 = tpu.vector_load_idx %arg7[%add3A_288] : memref<49152xf32, #tpu.memory_space<vmem>>[vector<16xi32>], vector<16xf32>,
      %add3A_290 = arith.constant 2 : i32
      %add3A_291 = vector.broadcast %add3A_290 : i32 to vector<16xi32>
      %add3A_292 = arith.addi %add3A_284, %add3A_291 : vector<16xi32>
      %gather3A_293 = tpu.vector_load_idx %arg7[%add3A_292] : memref<49152xf32, #tpu.memory_space<vmem>>[vector<16xi32>], vector<16xf32>,
      %mul3A_294 = arith.mulf %gather3A_285, %get3A_1 : vector<16xf32>
      %add3A_295 = arith.addf %mul3A_294, %get3A_7 : vector<16xf32>
      %add3A_296 = arith.addf %add3A_295, %broadcast_in_dim3A_15 : vector<16xf32>
      %sub3A_297 = arith.subf %add3A_296, %broadcast_in_dim3A_15 : vector<16xf32>
      %convert_element_type3A_298 = arith.fptosi %sub3A_297 : vector<16xf32> to vector<16xi32>
      %mul3A_299 = arith.mulf %gather3A_289, %get3A_3 : vector<16xf32>
      %add3A_300 = arith.addf %mul3A_299, %get3A_9 : vector<16xf32>
      %add3A_301 = arith.addf %add3A_300, %broadcast_in_dim3A_15 : vector<16xf32>
      %sub3A_302 = arith.subf %add3A_301, %broadcast_in_dim3A_15 : vector<16xf32>
      %convert_element_type3A_303 = arith.fptosi %sub3A_302 : vector<16xf32> to vector<16xi32>
      %mul3A_304 = arith.mulf %gather3A_293, %get3A_5 : vector<16xf32>
      %add3A_305 = arith.addf %mul3A_304, %get3A_11 : vector<16xf32>
      %add3A_306 = arith.addf %add3A_305, %broadcast_in_dim3A_15 : vector<16xf32>
      %sub3A_307 = arith.subf %add3A_306, %broadcast_in_dim3A_15 : vector<16xf32>
      %convert_element_type3A_308 = arith.fptosi %sub3A_307 : vector<16xf32> to vector<16xi32>
      %shift_left3A_309 = arith.constant 16 : i32
      %shift_left3A_310 = vector.broadcast %shift_left3A_309 : i32 to vector<16xi32>
      %shift_left3A_311 = arith.shli %convert_element_type3A_298, %shift_left3A_310 : vector<16xi32>
      %shift_left3A_312 = arith.constant 8 : i32
      %shift_left3A_313 = vector.broadcast %shift_left3A_312 : i32 to vector<16xi32>
      %shift_left3A_314 = arith.shli %convert_element_type3A_303, %shift_left3A_313 : vector<16xi32>
      %or3A_315 = arith.ori %shift_left3A_311, %shift_left3A_314 : vector<16xi32>
      %or3A_316 = arith.ori %or3A_315, %convert_element_type3A_308 : vector<16xi32>
      %shift_right_arithmetic3A_317 = arith.constant 2 : i32
      %shift_right_arithmetic3A_318 = vector.broadcast %shift_right_arithmetic3A_317 : i32 to vector<16xi32>
      %shift_right_arithmetic3A_319 = arith.shrsi %or3A_316, %shift_right_arithmetic3A_318 : vector<16xi32>
      %max3A_320 = arith.constant 0 : i32
      %max3A_321 = vector.broadcast %max3A_320 : i32 to vector<16xi32>
      %max3A_322 = arith.maxsi %shift_right_arithmetic3A_319, %max3A_321 : vector<16xi32>
      %min3A_323 = arith.constant 4194303 : i32
      %min3A_324 = vector.broadcast %min3A_323 : i32 to vector<16xi32>
      %min3A_325 = arith.minsi %max3A_322, %min3A_324 : vector<16xi32>
      %and3A_326 = arith.constant 3 : i32
      %and3A_327 = vector.broadcast %and3A_326 : i32 to vector<16xi32>
      %and3A_328 = arith.andi %or3A_316, %and3A_327 : vector<16xi32>
      %shift_left3A_329 = arith.constant 3 : i32
      %shift_left3A_330 = vector.broadcast %shift_left3A_329 : i32 to vector<16xi32>
      %shift_left3A_331 = arith.shli %and3A_328, %shift_left3A_330 : vector<16xi32>
      %add3A_332 = arith.constant 48 : i32
      %add3A_333 = arith.addi %mul3A_111, %add3A_332 : i32
      %swap3A_334 = arith.index_cast %add3A_333 : i32 to index
      %swap3A_335 = tpu.vector_load %arg8[%swap3A_334] {strides = array<i32>} : memref<16384xi32, #tpu.memory_space<vmem>>, vector<16xi32>,
      tpu.vector_store %arg8[%swap3A_334], %min3A_325 {strides = array<i32>} : memref<16384xi32, #tpu.memory_space<vmem>>, vector<16xi32>,
      %swap3A_336 = arith.index_cast %add3A_333 : i32 to index
      %swap3A_337 = tpu.vector_load %arg9[%swap3A_336] {strides = array<i32>} : memref<16384xi32, #tpu.memory_space<vmem>>, vector<16xi32>,
      tpu.vector_store %arg9[%swap3A_336], %shift_left3A_331 {strides = array<i32>} : memref<16384xi32, #tpu.memory_space<vmem>>, vector<16xi32>,
      %mul3A_338 = arith.constant 384 : i32
      %mul3A_339 = arith.muli %scan3A_109, %mul3A_338 : i32
      %add3A_340 = arith.constant 192 : i32
      %add3A_341 = arith.addi %mul3A_339, %add3A_340 : i32
      %add3A_342 = vector.broadcast %add3A_341 : i32 to vector<16xi32>
      %add3A_343 = arith.addi %mul3A_14, %add3A_342 : vector<16xi32>
      %gather3A_344 = tpu.vector_load_idx %arg7[%add3A_343] : memref<49152xf32, #tpu.memory_space<vmem>>[vector<16xi32>], vector<16xf32>,
      %add3A_345 = arith.constant 1 : i32
      %add3A_346 = vector.broadcast %add3A_345 : i32 to vector<16xi32>
      %add3A_347 = arith.addi %add3A_343, %add3A_346 : vector<16xi32>
      %gather3A_348 = tpu.vector_load_idx %arg7[%add3A_347] : memref<49152xf32, #tpu.memory_space<vmem>>[vector<16xi32>], vector<16xf32>,
      %add3A_349 = arith.constant 2 : i32
      %add3A_350 = vector.broadcast %add3A_349 : i32 to vector<16xi32>
      %add3A_351 = arith.addi %add3A_343, %add3A_350 : vector<16xi32>
      %gather3A_352 = tpu.vector_load_idx %arg7[%add3A_351] : memref<49152xf32, #tpu.memory_space<vmem>>[vector<16xi32>], vector<16xf32>,
      %mul3A_353 = arith.mulf %gather3A_344, %get3A_1 : vector<16xf32>
      %add3A_354 = arith.addf %mul3A_353, %get3A_7 : vector<16xf32>
      %add3A_355 = arith.addf %add3A_354, %broadcast_in_dim3A_15 : vector<16xf32>
      %sub3A_356 = arith.subf %add3A_355, %broadcast_in_dim3A_15 : vector<16xf32>
      %convert_element_type3A_357 = arith.fptosi %sub3A_356 : vector<16xf32> to vector<16xi32>
      %mul3A_358 = arith.mulf %gather3A_348, %get3A_3 : vector<16xf32>
      %add3A_359 = arith.addf %mul3A_358, %get3A_9 : vector<16xf32>
      %add3A_360 = arith.addf %add3A_359, %broadcast_in_dim3A_15 : vector<16xf32>
      %sub3A_361 = arith.subf %add3A_360, %broadcast_in_dim3A_15 : vector<16xf32>
      %convert_element_type3A_362 = arith.fptosi %sub3A_361 : vector<16xf32> to vector<16xi32>
      %mul3A_363 = arith.mulf %gather3A_352, %get3A_5 : vector<16xf32>
      %add3A_364 = arith.addf %mul3A_363, %get3A_11 : vector<16xf32>
      %add3A_365 = arith.addf %add3A_364, %broadcast_in_dim3A_15 : vector<16xf32>
      %sub3A_366 = arith.subf %add3A_365, %broadcast_in_dim3A_15 : vector<16xf32>
      %convert_element_type3A_367 = arith.fptosi %sub3A_366 : vector<16xf32> to vector<16xi32>
      %shift_left3A_368 = arith.constant 16 : i32
      %shift_left3A_369 = vector.broadcast %shift_left3A_368 : i32 to vector<16xi32>
      %shift_left3A_370 = arith.shli %convert_element_type3A_357, %shift_left3A_369 : vector<16xi32>
      %shift_left3A_371 = arith.constant 8 : i32
      %shift_left3A_372 = vector.broadcast %shift_left3A_371 : i32 to vector<16xi32>
      %shift_left3A_373 = arith.shli %convert_element_type3A_362, %shift_left3A_372 : vector<16xi32>
      %or3A_374 = arith.ori %shift_left3A_370, %shift_left3A_373 : vector<16xi32>
      %or3A_375 = arith.ori %or3A_374, %convert_element_type3A_367 : vector<16xi32>
      %shift_right_arithmetic3A_376 = arith.constant 2 : i32
      %shift_right_arithmetic3A_377 = vector.broadcast %shift_right_arithmetic3A_376 : i32 to vector<16xi32>
      %shift_right_arithmetic3A_378 = arith.shrsi %or3A_375, %shift_right_arithmetic3A_377 : vector<16xi32>
      %max3A_379 = arith.constant 0 : i32
      %max3A_380 = vector.broadcast %max3A_379 : i32 to vector<16xi32>
      %max3A_381 = arith.maxsi %shift_right_arithmetic3A_378, %max3A_380 : vector<16xi32>
      %min3A_382 = arith.constant 4194303 : i32
      %min3A_383 = vector.broadcast %min3A_382 : i32 to vector<16xi32>
      %min3A_384 = arith.minsi %max3A_381, %min3A_383 : vector<16xi32>
      %and3A_385 = arith.constant 3 : i32
      %and3A_386 = vector.broadcast %and3A_385 : i32 to vector<16xi32>
      %and3A_387 = arith.andi %or3A_375, %and3A_386 : vector<16xi32>
      %shift_left3A_388 = arith.constant 3 : i32
      %shift_left3A_389 = vector.broadcast %shift_left3A_388 : i32 to vector<16xi32>
      %shift_left3A_390 = arith.shli %and3A_387, %shift_left3A_389 : vector<16xi32>
      %add3A_391 = arith.constant 64 : i32
      %add3A_392 = arith.addi %mul3A_111, %add3A_391 : i32
      %swap3A_393 = arith.index_cast %add3A_392 : i32 to index
      %swap3A_394 = tpu.vector_load %arg8[%swap3A_393] {strides = array<i32>} : memref<16384xi32, #tpu.memory_space<vmem>>, vector<16xi32>,
      tpu.vector_store %arg8[%swap3A_393], %min3A_384 {strides = array<i32>} : memref<16384xi32, #tpu.memory_space<vmem>>, vector<16xi32>,
      %swap3A_395 = arith.index_cast %add3A_392 : i32 to index
      %swap3A_396 = tpu.vector_load %arg9[%swap3A_395] {strides = array<i32>} : memref<16384xi32, #tpu.memory_space<vmem>>, vector<16xi32>,
      tpu.vector_store %arg9[%swap3A_395], %shift_left3A_390 {strides = array<i32>} : memref<16384xi32, #tpu.memory_space<vmem>>, vector<16xi32>,
      %mul3A_397 = arith.constant 384 : i32
      %mul3A_398 = arith.muli %scan3A_109, %mul3A_397 : i32
      %add3A_399 = arith.constant 240 : i32
      %add3A_400 = arith.addi %mul3A_398, %add3A_399 : i32
      %add3A_401 = vector.broadcast %add3A_400 : i32 to vector<16xi32>
      %add3A_402 = arith.addi %mul3A_14, %add3A_401 : vector<16xi32>
      %gather3A_403 = tpu.vector_load_idx %arg7[%add3A_402] : memref<49152xf32, #tpu.memory_space<vmem>>[vector<16xi32>], vector<16xf32>,
      %add3A_404 = arith.constant 1 : i32
      %add3A_405 = vector.broadcast %add3A_404 : i32 to vector<16xi32>
      %add3A_406 = arith.addi %add3A_402, %add3A_405 : vector<16xi32>
      %gather3A_407 = tpu.vector_load_idx %arg7[%add3A_406] : memref<49152xf32, #tpu.memory_space<vmem>>[vector<16xi32>], vector<16xf32>,
      %add3A_408 = arith.constant 2 : i32
      %add3A_409 = vector.broadcast %add3A_408 : i32 to vector<16xi32>
      %add3A_410 = arith.addi %add3A_402, %add3A_409 : vector<16xi32>
      %gather3A_411 = tpu.vector_load_idx %arg7[%add3A_410] : memref<49152xf32, #tpu.memory_space<vmem>>[vector<16xi32>], vector<16xf32>,
      %mul3A_412 = arith.mulf %gather3A_403, %get3A_1 : vector<16xf32>
      %add3A_413 = arith.addf %mul3A_412, %get3A_7 : vector<16xf32>
      %add3A_414 = arith.addf %add3A_413, %broadcast_in_dim3A_15 : vector<16xf32>
      %sub3A_415 = arith.subf %add3A_414, %broadcast_in_dim3A_15 : vector<16xf32>
      %convert_element_type3A_416 = arith.fptosi %sub3A_415 : vector<16xf32> to vector<16xi32>
      %mul3A_417 = arith.mulf %gather3A_407, %get3A_3 : vector<16xf32>
      %add3A_418 = arith.addf %mul3A_417, %get3A_9 : vector<16xf32>
      %add3A_419 = arith.addf %add3A_418, %broadcast_in_dim3A_15 : vector<16xf32>
      %sub3A_420 = arith.subf %add3A_419, %broadcast_in_dim3A_15 : vector<16xf32>
      %convert_element_type3A_421 = arith.fptosi %sub3A_420 : vector<16xf32> to vector<16xi32>
      %mul3A_422 = arith.mulf %gather3A_411, %get3A_5 : vector<16xf32>
      %add3A_423 = arith.addf %mul3A_422, %get3A_11 : vector<16xf32>
      %add3A_424 = arith.addf %add3A_423, %broadcast_in_dim3A_15 : vector<16xf32>
      %sub3A_425 = arith.subf %add3A_424, %broadcast_in_dim3A_15 : vector<16xf32>
      %convert_element_type3A_426 = arith.fptosi %sub3A_425 : vector<16xf32> to vector<16xi32>
      %shift_left3A_427 = arith.constant 16 : i32
      %shift_left3A_428 = vector.broadcast %shift_left3A_427 : i32 to vector<16xi32>
      %shift_left3A_429 = arith.shli %convert_element_type3A_416, %shift_left3A_428 : vector<16xi32>
      %shift_left3A_430 = arith.constant 8 : i32
      %shift_left3A_431 = vector.broadcast %shift_left3A_430 : i32 to vector<16xi32>
      %shift_left3A_432 = arith.shli %convert_element_type3A_421, %shift_left3A_431 : vector<16xi32>
      %or3A_433 = arith.ori %shift_left3A_429, %shift_left3A_432 : vector<16xi32>
      %or3A_434 = arith.ori %or3A_433, %convert_element_type3A_426 : vector<16xi32>
      %shift_right_arithmetic3A_435 = arith.constant 2 : i32
      %shift_right_arithmetic3A_436 = vector.broadcast %shift_right_arithmetic3A_435 : i32 to vector<16xi32>
      %shift_right_arithmetic3A_437 = arith.shrsi %or3A_434, %shift_right_arithmetic3A_436 : vector<16xi32>
      %max3A_438 = arith.constant 0 : i32
      %max3A_439 = vector.broadcast %max3A_438 : i32 to vector<16xi32>
      %max3A_440 = arith.maxsi %shift_right_arithmetic3A_437, %max3A_439 : vector<16xi32>
      %min3A_441 = arith.constant 4194303 : i32
      %min3A_442 = vector.broadcast %min3A_441 : i32 to vector<16xi32>
      %min3A_443 = arith.minsi %max3A_440, %min3A_442 : vector<16xi32>
      %and3A_444 = arith.constant 3 : i32
      %and3A_445 = vector.broadcast %and3A_444 : i32 to vector<16xi32>
      %and3A_446 = arith.andi %or3A_434, %and3A_445 : vector<16xi32>
      %shift_left3A_447 = arith.constant 3 : i32
      %shift_left3A_448 = vector.broadcast %shift_left3A_447 : i32 to vector<16xi32>
      %shift_left3A_449 = arith.shli %and3A_446, %shift_left3A_448 : vector<16xi32>
      %add3A_450 = arith.constant 80 : i32
      %add3A_451 = arith.addi %mul3A_111, %add3A_450 : i32
      %swap3A_452 = arith.index_cast %add3A_451 : i32 to index
      %swap3A_453 = tpu.vector_load %arg8[%swap3A_452] {strides = array<i32>} : memref<16384xi32, #tpu.memory_space<vmem>>, vector<16xi32>,
      tpu.vector_store %arg8[%swap3A_452], %min3A_443 {strides = array<i32>} : memref<16384xi32, #tpu.memory_space<vmem>>, vector<16xi32>,
      %swap3A_454 = arith.index_cast %add3A_451 : i32 to index
      %swap3A_455 = tpu.vector_load %arg9[%swap3A_454] {strides = array<i32>} : memref<16384xi32, #tpu.memory_space<vmem>>, vector<16xi32>,
      tpu.vector_store %arg9[%swap3A_454], %shift_left3A_449 {strides = array<i32>} : memref<16384xi32, #tpu.memory_space<vmem>>, vector<16xi32>,
      %mul3A_456 = arith.constant 384 : i32
      %mul3A_457 = arith.muli %scan3A_109, %mul3A_456 : i32
      %add3A_458 = arith.constant 288 : i32
      %add3A_459 = arith.addi %mul3A_457, %add3A_458 : i32
      %add3A_460 = vector.broadcast %add3A_459 : i32 to vector<16xi32>
      %add3A_461 = arith.addi %mul3A_14, %add3A_460 : vector<16xi32>
      %gather3A_462 = tpu.vector_load_idx %arg7[%add3A_461] : memref<49152xf32, #tpu.memory_space<vmem>>[vector<16xi32>], vector<16xf32>,
      %add3A_463 = arith.constant 1 : i32
      %add3A_464 = vector.broadcast %add3A_463 : i32 to vector<16xi32>
      %add3A_465 = arith.addi %add3A_461, %add3A_464 : vector<16xi32>
      %gather3A_466 = tpu.vector_load_idx %arg7[%add3A_465] : memref<49152xf32, #tpu.memory_space<vmem>>[vector<16xi32>], vector<16xf32>,
      %add3A_467 = arith.constant 2 : i32
      %add3A_468 = vector.broadcast %add3A_467 : i32 to vector<16xi32>
      %add3A_469 = arith.addi %add3A_461, %add3A_468 : vector<16xi32>
      %gather3A_470 = tpu.vector_load_idx %arg7[%add3A_469] : memref<49152xf32, #tpu.memory_space<vmem>>[vector<16xi32>], vector<16xf32>,
      %mul3A_471 = arith.mulf %gather3A_462, %get3A_1 : vector<16xf32>
      %add3A_472 = arith.addf %mul3A_471, %get3A_7 : vector<16xf32>
      %add3A_473 = arith.addf %add3A_472, %broadcast_in_dim3A_15 : vector<16xf32>
      %sub3A_474 = arith.subf %add3A_473, %broadcast_in_dim3A_15 : vector<16xf32>
      %convert_element_type3A_475 = arith.fptosi %sub3A_474 : vector<16xf32> to vector<16xi32>
      %mul3A_476 = arith.mulf %gather3A_466, %get3A_3 : vector<16xf32>
      %add3A_477 = arith.addf %mul3A_476, %get3A_9 : vector<16xf32>
      %add3A_478 = arith.addf %add3A_477, %broadcast_in_dim3A_15 : vector<16xf32>
      %sub3A_479 = arith.subf %add3A_478, %broadcast_in_dim3A_15 : vector<16xf32>
      %convert_element_type3A_480 = arith.fptosi %sub3A_479 : vector<16xf32> to vector<16xi32>
      %mul3A_481 = arith.mulf %gather3A_470, %get3A_5 : vector<16xf32>
      %add3A_482 = arith.addf %mul3A_481, %get3A_11 : vector<16xf32>
      %add3A_483 = arith.addf %add3A_482, %broadcast_in_dim3A_15 : vector<16xf32>
      %sub3A_484 = arith.subf %add3A_483, %broadcast_in_dim3A_15 : vector<16xf32>
      %convert_element_type3A_485 = arith.fptosi %sub3A_484 : vector<16xf32> to vector<16xi32>
      %shift_left3A_486 = arith.constant 16 : i32
      %shift_left3A_487 = vector.broadcast %shift_left3A_486 : i32 to vector<16xi32>
      %shift_left3A_488 = arith.shli %convert_element_type3A_475, %shift_left3A_487 : vector<16xi32>
      %shift_left3A_489 = arith.constant 8 : i32
      %shift_left3A_490 = vector.broadcast %shift_left3A_489 : i32 to vector<16xi32>
      %shift_left3A_491 = arith.shli %convert_element_type3A_480, %shift_left3A_490 : vector<16xi32>
      %or3A_492 = arith.ori %shift_left3A_488, %shift_left3A_491 : vector<16xi32>
      %or3A_493 = arith.ori %or3A_492, %convert_element_type3A_485 : vector<16xi32>
      %shift_right_arithmetic3A_494 = arith.constant 2 : i32
      %shift_right_arithmetic3A_495 = vector.broadcast %shift_right_arithmetic3A_494 : i32 to vector<16xi32>
      %shift_right_arithmetic3A_496 = arith.shrsi %or3A_493, %shift_right_arithmetic3A_495 : vector<16xi32>
      %max3A_497 = arith.constant 0 : i32
      %max3A_498 = vector.broadcast %max3A_497 : i32 to vector<16xi32>
      %max3A_499 = arith.maxsi %shift_right_arithmetic3A_496, %max3A_498 : vector<16xi32>
      %min3A_500 = arith.constant 4194303 : i32
      %min3A_501 = vector.broadcast %min3A_500 : i32 to vector<16xi32>
      %min3A_502 = arith.minsi %max3A_499, %min3A_501 : vector<16xi32>
      %and3A_503 = arith.constant 3 : i32
      %and3A_504 = vector.broadcast %and3A_503 : i32 to vector<16xi32>
      %and3A_505 = arith.andi %or3A_493, %and3A_504 : vector<16xi32>
      %shift_left3A_506 = arith.constant 3 : i32
      %shift_left3A_507 = vector.broadcast %shift_left3A_506 : i32 to vector<16xi32>
      %shift_left3A_508 = arith.shli %and3A_505, %shift_left3A_507 : vector<16xi32>
      %add3A_509 = arith.constant 96 : i32
      %add3A_510 = arith.addi %mul3A_111, %add3A_509 : i32
      %swap3A_511 = arith.index_cast %add3A_510 : i32 to index
      %swap3A_512 = tpu.vector_load %arg8[%swap3A_511] {strides = array<i32>} : memref<16384xi32, #tpu.memory_space<vmem>>, vector<16xi32>,
      tpu.vector_store %arg8[%swap3A_511], %min3A_502 {strides = array<i32>} : memref<16384xi32, #tpu.memory_space<vmem>>, vector<16xi32>,
      %swap3A_513 = arith.index_cast %add3A_510 : i32 to index
      %swap3A_514 = tpu.vector_load %arg9[%swap3A_513] {strides = array<i32>} : memref<16384xi32, #tpu.memory_space<vmem>>, vector<16xi32>,
      tpu.vector_store %arg9[%swap3A_513], %shift_left3A_508 {strides = array<i32>} : memref<16384xi32, #tpu.memory_space<vmem>>, vector<16xi32>,
      %mul3A_515 = arith.constant 384 : i32
      %mul3A_516 = arith.muli %scan3A_109, %mul3A_515 : i32
      %add3A_517 = arith.constant 336 : i32
      %add3A_518 = arith.addi %mul3A_516, %add3A_517 : i32
      %add3A_519 = vector.broadcast %add3A_518 : i32 to vector<16xi32>
      %add3A_520 = arith.addi %mul3A_14, %add3A_519 : vector<16xi32>
      %gather3A_521 = tpu.vector_load_idx %arg7[%add3A_520] : memref<49152xf32, #tpu.memory_space<vmem>>[vector<16xi32>], vector<16xf32>,
      %add3A_522 = arith.constant 1 : i32
      %add3A_523 = vector.broadcast %add3A_522 : i32 to vector<16xi32>
      %add3A_524 = arith.addi %add3A_520, %add3A_523 : vector<16xi32>
      %gather3A_525 = tpu.vector_load_idx %arg7[%add3A_524] : memref<49152xf32, #tpu.memory_space<vmem>>[vector<16xi32>], vector<16xf32>,
      %add3A_526 = arith.constant 2 : i32
      %add3A_527 = vector.broadcast %add3A_526 : i32 to vector<16xi32>
      %add3A_528 = arith.addi %add3A_520, %add3A_527 : vector<16xi32>
      %gather3A_529 = tpu.vector_load_idx %arg7[%add3A_528] : memref<49152xf32, #tpu.memory_space<vmem>>[vector<16xi32>], vector<16xf32>,
      %mul3A_530 = arith.mulf %gather3A_521, %get3A_1 : vector<16xf32>
      %add3A_531 = arith.addf %mul3A_530, %get3A_7 : vector<16xf32>
      %add3A_532 = arith.addf %add3A_531, %broadcast_in_dim3A_15 : vector<16xf32>
      %sub3A_533 = arith.subf %add3A_532, %broadcast_in_dim3A_15 : vector<16xf32>
      %convert_element_type3A_534 = arith.fptosi %sub3A_533 : vector<16xf32> to vector<16xi32>
      %mul3A_535 = arith.mulf %gather3A_525, %get3A_3 : vector<16xf32>
      %add3A_536 = arith.addf %mul3A_535, %get3A_9 : vector<16xf32>
      %add3A_537 = arith.addf %add3A_536, %broadcast_in_dim3A_15 : vector<16xf32>
      %sub3A_538 = arith.subf %add3A_537, %broadcast_in_dim3A_15 : vector<16xf32>
      %convert_element_type3A_539 = arith.fptosi %sub3A_538 : vector<16xf32> to vector<16xi32>
      %mul3A_540 = arith.mulf %gather3A_529, %get3A_5 : vector<16xf32>
      %add3A_541 = arith.addf %mul3A_540, %get3A_11 : vector<16xf32>
      %add3A_542 = arith.addf %add3A_541, %broadcast_in_dim3A_15 : vector<16xf32>
      %sub3A_543 = arith.subf %add3A_542, %broadcast_in_dim3A_15 : vector<16xf32>
      %convert_element_type3A_544 = arith.fptosi %sub3A_543 : vector<16xf32> to vector<16xi32>
      %shift_left3A_545 = arith.constant 16 : i32
      %shift_left3A_546 = vector.broadcast %shift_left3A_545 : i32 to vector<16xi32>
      %shift_left3A_547 = arith.shli %convert_element_type3A_534, %shift_left3A_546 : vector<16xi32>
      %shift_left3A_548 = arith.constant 8 : i32
      %shift_left3A_549 = vector.broadcast %shift_left3A_548 : i32 to vector<16xi32>
      %shift_left3A_550 = arith.shli %convert_element_type3A_539, %shift_left3A_549 : vector<16xi32>
      %or3A_551 = arith.ori %shift_left3A_547, %shift_left3A_550 : vector<16xi32>
      %or3A_552 = arith.ori %or3A_551, %convert_element_type3A_544 : vector<16xi32>
      %shift_right_arithmetic3A_553 = arith.constant 2 : i32
      %shift_right_arithmetic3A_554 = vector.broadcast %shift_right_arithmetic3A_553 : i32 to vector<16xi32>
      %shift_right_arithmetic3A_555 = arith.shrsi %or3A_552, %shift_right_arithmetic3A_554 : vector<16xi32>
      %max3A_556 = arith.constant 0 : i32
      %max3A_557 = vector.broadcast %max3A_556 : i32 to vector<16xi32>
      %max3A_558 = arith.maxsi %shift_right_arithmetic3A_555, %max3A_557 : vector<16xi32>
      %min3A_559 = arith.constant 4194303 : i32
      %min3A_560 = vector.broadcast %min3A_559 : i32 to vector<16xi32>
      %min3A_561 = arith.minsi %max3A_558, %min3A_560 : vector<16xi32>
      %and3A_562 = arith.constant 3 : i32
      %and3A_563 = vector.broadcast %and3A_562 : i32 to vector<16xi32>
      %and3A_564 = arith.andi %or3A_552, %and3A_563 : vector<16xi32>
      %shift_left3A_565 = arith.constant 3 : i32
      %shift_left3A_566 = vector.broadcast %shift_left3A_565 : i32 to vector<16xi32>
      %shift_left3A_567 = arith.shli %and3A_564, %shift_left3A_566 : vector<16xi32>
      %add3A_568 = arith.constant 112 : i32
      %add3A_569 = arith.addi %mul3A_111, %add3A_568 : i32
      %swap3A_570 = arith.index_cast %add3A_569 : i32 to index
      %swap3A_571 = tpu.vector_load %arg8[%swap3A_570] {strides = array<i32>} : memref<16384xi32, #tpu.memory_space<vmem>>, vector<16xi32>,
      tpu.vector_store %arg8[%swap3A_570], %min3A_561 {strides = array<i32>} : memref<16384xi32, #tpu.memory_space<vmem>>, vector<16xi32>,
      %swap3A_572 = arith.index_cast %add3A_569 : i32 to index
      %swap3A_573 = tpu.vector_load %arg9[%swap3A_572] {strides = array<i32>} : memref<16384xi32, #tpu.memory_space<vmem>>, vector<16xi32>,
      tpu.vector_store %arg9[%swap3A_572], %shift_left3A_567 {strides = array<i32>} : memref<16384xi32, #tpu.memory_space<vmem>>, vector<16xi32>,
    }
    %scan3A_28 = arith.constant 128 : i32
    %dma_start3A = arith.constant 0 : i32
    %dma_start3A_29 = tpu.memref_slice %arg3[%dma_start3A] : memref<4194304xi32, #tpu.memory_space<hbm>> -> memref<4194304xi32, #tpu.memory_space<hbm>>
    tpu.enqueue_indirect_dma source(%dma_start3A_29 : memref<4194304xi32, #tpu.memory_space<hbm>>) target(%arg10 : memref<16384xi32, #tpu.memory_space<vmem>>) offsets(%arg8 : memref<16384xi32, #tpu.memory_space<vmem>>) semaphore(%arg12 : memref<!tpu.dma_semaphore, #tpu.memory_space<semaphore_mem>>)
    %dma_wait3A = arith.constant 0 : i32
    %dma_wait3A_30 = tpu.memref_slice %arg3[%dma_wait3A] : memref<4194304xi32, #tpu.memory_space<hbm>> -> memref<4194304xi32, #tpu.memory_space<hbm>>
    tpu.wait_indirect_dma semaphore(%arg12 : memref<!tpu.dma_semaphore, #tpu.memory_space<semaphore_mem>>) src(%dma_wait3A_30 : memref<4194304xi32, #tpu.memory_space<hbm>>) dst(%arg10 : memref<16384xi32, #tpu.memory_space<vmem>>)
    %scan3A_31 = arith.constant 0 : i32
    %scan3A_32 = arith.constant 0 : i32
    %scan3A_33 = arith.constant 128 : i32
    %scan3A_34 = arith.addi %scan3A_32, %scan3A_33 : i32
    %scan3A_35 = arith.constant 1 : i32
    scf.for %scan3A_109 = %scan3A_32 to %scan3A_34 step %scan3A_35  : i32 {
      %mul3A_110 = arith.constant 128 : i32
      %mul3A_111 = arith.muli %scan3A_109, %mul3A_110 : i32
      %add3A_112 = arith.constant 0 : i32
      %add3A_113 = arith.addi %mul3A_111, %add3A_112 : i32
      %get3A_114 = arith.index_cast %add3A_113 : i32 to index
      %get3A_115 = tpu.vector_load %arg10[%get3A_114] {strides = array<i32>} : memref<16384xi32, #tpu.memory_space<vmem>>, vector<16xi32>,
      %get3A_116 = arith.index_cast %add3A_113 : i32 to index
      %get3A_117 = tpu.vector_load %arg9[%get3A_116] {strides = array<i32>} : memref<16384xi32, #tpu.memory_space<vmem>>, vector<16xi32>,
      %shift_right_logical3A = arith.shrui %get3A_115, %get3A_117 : vector<16xi32>
      %and3A = arith.constant 1 : i32
      %and3A_118 = vector.broadcast %and3A : i32 to vector<16xi32>
      %and3A_119 = arith.andi %shift_right_logical3A, %and3A_118 : vector<16xi32>
      %swap3A = arith.index_cast %add3A_113 : i32 to index
      %swap3A_120 = tpu.vector_load %arg11[%swap3A] {strides = array<i32>} : memref<16384xi32, #tpu.memory_space<vmem>>, vector<16xi32>,
      tpu.vector_store %arg11[%swap3A], %and3A_119 {strides = array<i32>} : memref<16384xi32, #tpu.memory_space<vmem>>, vector<16xi32>,
      %add3A_121 = arith.constant 16 : i32
      %add3A_122 = arith.addi %mul3A_111, %add3A_121 : i32
      %get3A_123 = arith.index_cast %add3A_122 : i32 to index
      %get3A_124 = tpu.vector_load %arg10[%get3A_123] {strides = array<i32>} : memref<16384xi32, #tpu.memory_space<vmem>>, vector<16xi32>,
      %get3A_125 = arith.index_cast %add3A_122 : i32 to index
      %get3A_126 = tpu.vector_load %arg9[%get3A_125] {strides = array<i32>} : memref<16384xi32, #tpu.memory_space<vmem>>, vector<16xi32>,
      %shift_right_logical3A_127 = arith.shrui %get3A_124, %get3A_126 : vector<16xi32>
      %and3A_128 = arith.constant 1 : i32
      %and3A_129 = vector.broadcast %and3A_128 : i32 to vector<16xi32>
      %and3A_130 = arith.andi %shift_right_logical3A_127, %and3A_129 : vector<16xi32>
      %swap3A_131 = arith.index_cast %add3A_122 : i32 to index
      %swap3A_132 = tpu.vector_load %arg11[%swap3A_131] {strides = array<i32>} : memref<16384xi32, #tpu.memory_space<vmem>>, vector<16xi32>,
      tpu.vector_store %arg11[%swap3A_131], %and3A_130 {strides = array<i32>} : memref<16384xi32, #tpu.memory_space<vmem>>, vector<16xi32>,
      %add3A_133 = arith.constant 32 : i32
      %add3A_134 = arith.addi %mul3A_111, %add3A_133 : i32
      %get3A_135 = arith.index_cast %add3A_134 : i32 to index
      %get3A_136 = tpu.vector_load %arg10[%get3A_135] {strides = array<i32>} : memref<16384xi32, #tpu.memory_space<vmem>>, vector<16xi32>,
      %get3A_137 = arith.index_cast %add3A_134 : i32 to index
      %get3A_138 = tpu.vector_load %arg9[%get3A_137] {strides = array<i32>} : memref<16384xi32, #tpu.memory_space<vmem>>, vector<16xi32>,
      %shift_right_logical3A_139 = arith.shrui %get3A_136, %get3A_138 : vector<16xi32>
      %and3A_140 = arith.constant 1 : i32
      %and3A_141 = vector.broadcast %and3A_140 : i32 to vector<16xi32>
      %and3A_142 = arith.andi %shift_right_logical3A_139, %and3A_141 : vector<16xi32>
      %swap3A_143 = arith.index_cast %add3A_134 : i32 to index
      %swap3A_144 = tpu.vector_load %arg11[%swap3A_143] {strides = array<i32>} : memref<16384xi32, #tpu.memory_space<vmem>>, vector<16xi32>,
      tpu.vector_store %arg11[%swap3A_143], %and3A_142 {strides = array<i32>} : memref<16384xi32, #tpu.memory_space<vmem>>, vector<16xi32>,
      %add3A_145 = arith.constant 48 : i32
      %add3A_146 = arith.addi %mul3A_111, %add3A_145 : i32
      %get3A_147 = arith.index_cast %add3A_146 : i32 to index
      %get3A_148 = tpu.vector_load %arg10[%get3A_147] {strides = array<i32>} : memref<16384xi32, #tpu.memory_space<vmem>>, vector<16xi32>,
      %get3A_149 = arith.index_cast %add3A_146 : i32 to index
      %get3A_150 = tpu.vector_load %arg9[%get3A_149] {strides = array<i32>} : memref<16384xi32, #tpu.memory_space<vmem>>, vector<16xi32>,
      %shift_right_logical3A_151 = arith.shrui %get3A_148, %get3A_150 : vector<16xi32>
      %and3A_152 = arith.constant 1 : i32
      %and3A_153 = vector.broadcast %and3A_152 : i32 to vector<16xi32>
      %and3A_154 = arith.andi %shift_right_logical3A_151, %and3A_153 : vector<16xi32>
      %swap3A_155 = arith.index_cast %add3A_146 : i32 to index
      %swap3A_156 = tpu.vector_load %arg11[%swap3A_155] {strides = array<i32>} : memref<16384xi32, #tpu.memory_space<vmem>>, vector<16xi32>,
      tpu.vector_store %arg11[%swap3A_155], %and3A_154 {strides = array<i32>} : memref<16384xi32, #tpu.memory_space<vmem>>, vector<16xi32>,
      %add3A_157 = arith.constant 64 : i32
      %add3A_158 = arith.addi %mul3A_111, %add3A_157 : i32
      %get3A_159 = arith.index_cast %add3A_158 : i32 to index
      %get3A_160 = tpu.vector_load %arg10[%get3A_159] {strides = array<i32>} : memref<16384xi32, #tpu.memory_space<vmem>>, vector<16xi32>,
      %get3A_161 = arith.index_cast %add3A_158 : i32 to index
      %get3A_162 = tpu.vector_load %arg9[%get3A_161] {strides = array<i32>} : memref<16384xi32, #tpu.memory_space<vmem>>, vector<16xi32>,
      %shift_right_logical3A_163 = arith.shrui %get3A_160, %get3A_162 : vector<16xi32>
      %and3A_164 = arith.constant 1 : i32
      %and3A_165 = vector.broadcast %and3A_164 : i32 to vector<16xi32>
      %and3A_166 = arith.andi %shift_right_logical3A_163, %and3A_165 : vector<16xi32>
      %swap3A_167 = arith.index_cast %add3A_158 : i32 to index
      %swap3A_168 = tpu.vector_load %arg11[%swap3A_167] {strides = array<i32>} : memref<16384xi32, #tpu.memory_space<vmem>>, vector<16xi32>,
      tpu.vector_store %arg11[%swap3A_167], %and3A_166 {strides = array<i32>} : memref<16384xi32, #tpu.memory_space<vmem>>, vector<16xi32>,
      %add3A_169 = arith.constant 80 : i32
      %add3A_170 = arith.addi %mul3A_111, %add3A_169 : i32
      %get3A_171 = arith.index_cast %add3A_170 : i32 to index
      %get3A_172 = tpu.vector_load %arg10[%get3A_171] {strides = array<i32>} : memref<16384xi32, #tpu.memory_space<vmem>>, vector<16xi32>,
      %get3A_173 = arith.index_cast %add3A_170 : i32 to index
      %get3A_174 = tpu.vector_load %arg9[%get3A_173] {strides = array<i32>} : memref<16384xi32, #tpu.memory_space<vmem>>, vector<16xi32>,
      %shift_right_logical3A_175 = arith.shrui %get3A_172, %get3A_174 : vector<16xi32>
      %and3A_176 = arith.constant 1 : i32
      %and3A_177 = vector.broadcast %and3A_176 : i32 to vector<16xi32>
      %and3A_178 = arith.andi %shift_right_logical3A_175, %and3A_177 : vector<16xi32>
      %swap3A_179 = arith.index_cast %add3A_170 : i32 to index
      %swap3A_180 = tpu.vector_load %arg11[%swap3A_179] {strides = array<i32>} : memref<16384xi32, #tpu.memory_space<vmem>>, vector<16xi32>,
      tpu.vector_store %arg11[%swap3A_179], %and3A_178 {strides = array<i32>} : memref<16384xi32, #tpu.memory_space<vmem>>, vector<16xi32>,
      %add3A_181 = arith.constant 96 : i32
      %add3A_182 = arith.addi %mul3A_111, %add3A_181 : i32
      %get3A_183 = arith.index_cast %add3A_182 : i32 to index
      %get3A_184 = tpu.vector_load %arg10[%get3A_183] {strides = array<i32>} : memref<16384xi32, #tpu.memory_space<vmem>>, vector<16xi32>,
      %get3A_185 = arith.index_cast %add3A_182 : i32 to index
      %get3A_186 = tpu.vector_load %arg9[%get3A_185] {strides = array<i32>} : memref<16384xi32, #tpu.memory_space<vmem>>, vector<16xi32>,
      %shift_right_logical3A_187 = arith.shrui %get3A_184, %get3A_186 : vector<16xi32>
      %and3A_188 = arith.constant 1 : i32
      %and3A_189 = vector.broadcast %and3A_188 : i32 to vector<16xi32>
      %and3A_190 = arith.andi %shift_right_logical3A_187, %and3A_189 : vector<16xi32>
      %swap3A_191 = arith.index_cast %add3A_182 : i32 to index
      %swap3A_192 = tpu.vector_load %arg11[%swap3A_191] {strides = array<i32>} : memref<16384xi32, #tpu.memory_space<vmem>>, vector<16xi32>,
      tpu.vector_store %arg11[%swap3A_191], %and3A_190 {strides = array<i32>} : memref<16384xi32, #tpu.memory_space<vmem>>, vector<16xi32>,
      %add3A_193 = arith.constant 112 : i32
      %add3A_194 = arith.addi %mul3A_111, %add3A_193 : i32
      %get3A_195 = arith.index_cast %add3A_194 : i32 to index
      %get3A_196 = tpu.vector_load %arg10[%get3A_195] {strides = array<i32>} : memref<16384xi32, #tpu.memory_space<vmem>>, vector<16xi32>,
      %get3A_197 = arith.index_cast %add3A_194 : i32 to index
      %get3A_198 = tpu.vector_load %arg9[%get3A_197] {strides = array<i32>} : memref<16384xi32, #tpu.memory_space<vmem>>, vector<16xi32>,
      %shift_right_logical3A_199 = arith.shrui %get3A_196, %get3A_198 : vector<16xi32>
      %and3A_200 = arith.constant 1 : i32
      %and3A_201 = vector.broadcast %and3A_200 : i32 to vector<16xi32>
      %and3A_202 = arith.andi %shift_right_logical3A_199, %and3A_201 : vector<16xi32>
      %swap3A_203 = arith.index_cast %add3A_194 : i32 to index
      %swap3A_204 = tpu.vector_load %arg11[%swap3A_203] {strides = array<i32>} : memref<16384xi32, #tpu.memory_space<vmem>>, vector<16xi32>,
      tpu.vector_store %arg11[%swap3A_203], %and3A_202 {strides = array<i32>} : memref<16384xi32, #tpu.memory_space<vmem>>, vector<16xi32>,
    }
    %scan3A_36 = arith.constant 128 : i32
    "tpu.region"() ({
      %run_scoped3A = tpu.sem_alloc : memref<!tpu.dma_semaphore, #tpu.memory_space<semaphore_mem>>
      %dma_start3A_109 = tpu.memref_slice %arg5[%mul3A_21] : memref<2097152xi32, #tpu.memory_space<hbm>> -> memref<16384xi32, #tpu.memory_space<hbm>>
      %dma_start3A_110 = tpu.memref_slice %arg5[%mul3A_21] : memref<2097152xi32, #tpu.memory_space<hbm>> -> memref<16384xi32, #tpu.memory_space<hbm>>
      tpu.enqueue_dma source(%arg11 : memref<16384xi32, #tpu.memory_space<vmem>>) target(%dma_start3A_110 : memref<16384xi32, #tpu.memory_space<hbm>>) target_semaphore(%run_scoped3A : memref<!tpu.dma_semaphore, #tpu.memory_space<semaphore_mem>>)
      %dma_wait3A_111 = tpu.memref_slice %arg5[%mul3A_21] : memref<2097152xi32, #tpu.memory_space<hbm>> -> memref<16384xi32, #tpu.memory_space<hbm>>
      %dma_wait3A_112 = tpu.memref_slice %arg5[%mul3A_21] : memref<2097152xi32, #tpu.memory_space<hbm>> -> memref<16384xi32, #tpu.memory_space<hbm>>
      tpu.wait_dma2 semaphore(%run_scoped3A : memref<!tpu.dma_semaphore, #tpu.memory_space<semaphore_mem>>) src(%arg11 : memref<16384xi32, #tpu.memory_space<vmem>>) dst(%dma_wait3A_112 : memref<16384xi32, #tpu.memory_space<hbm>>)
      tpu.yield
    }) : () -> ()
    %mul3A_37 = arith.constant 4 : i32
    %mul3A_38 = arith.muli %add3A, %mul3A_37 : i32
    %add3A_39 = arith.constant 1 : i32
    %add3A_40 = arith.addi %mul3A_38, %add3A_39 : i32
    %mul3A_41 = arith.constant 16384 : i32
    %mul3A_42 = arith.muli %add3A_40, %mul3A_41 : i32
    %mul3A_43 = arith.constant 3 : i32
    %mul3A_44 = arith.muli %mul3A_42, %mul3A_43 : i32
    "tpu.region"() ({
      %run_scoped3A = tpu.sem_alloc : memref<!tpu.dma_semaphore, #tpu.memory_space<semaphore_mem>>
      %dma_start3A_109 = tpu.memref_slice %arg2[%mul3A_44] : memref<6291456xf32, #tpu.memory_space<hbm>> -> memref<49152xf32, #tpu.memory_space<hbm>>
      %dma_start3A_110 = tpu.memref_slice %arg2[%mul3A_44] : memref<6291456xf32, #tpu.memory_space<hbm>> -> memref<49152xf32, #tpu.memory_space<hbm>>
      tpu.enqueue_dma source(%dma_start3A_110 : memref<49152xf32, #tpu.memory_space<hbm>>) target(%arg7 : memref<49152xf32, #tpu.memory_space<vmem>>) target_semaphore(%run_scoped3A : memref<!tpu.dma_semaphore, #tpu.memory_space<semaphore_mem>>)
      %dma_wait3A_111 = tpu.memref_slice %arg2[%mul3A_44] : memref<6291456xf32, #tpu.memory_space<hbm>> -> memref<49152xf32, #tpu.memory_space<hbm>>
      %dma_wait3A_112 = tpu.memref_slice %arg2[%mul3A_44] : memref<6291456xf32, #tpu.memory_space<hbm>> -> memref<49152xf32, #tpu.memory_space<hbm>>
      tpu.wait_dma2 semaphore(%run_scoped3A : memref<!tpu.dma_semaphore, #tpu.memory_space<semaphore_mem>>) src(%dma_wait3A_112 : memref<49152xf32, #tpu.memory_space<hbm>>) dst(%arg7 : memref<49152xf32, #tpu.memory_space<vmem>>)
      tpu.yield
    }) : () -> ()
    %scan3A_45 = arith.constant 0 : i32
    %scan3A_46 = arith.constant 0 : i32
    %scan3A_47 = arith.constant 128 : i32
    %scan3A_48 = arith.addi %scan3A_46, %scan3A_47 : i32
    %scan3A_49 = arith.constant 1 : i32
    scf.for %scan3A_109 = %scan3A_46 to %scan3A_48 step %scan3A_49  : i32 {
      %mul3A_110 = arith.constant 128 : i32
      %mul3A_111 = arith.muli %scan3A_109, %mul3A_110 : i32
      %mul3A_112 = arith.constant 384 : i32
      %mul3A_113 = arith.muli %scan3A_109, %mul3A_112 : i32
      %add3A_114 = arith.constant 0 : i32
      %add3A_115 = arith.addi %mul3A_113, %add3A_114 : i32
      %add3A_116 = vector.broadcast %add3A_115 : i32 to vector<16xi32>
      %add3A_117 = arith.addi %mul3A_14, %add3A_116 : vector<16xi32>
      %gather3A = tpu.vector_load_idx %arg7[%add3A_117] : memref<49152xf32, #tpu.memory_space<vmem>>[vector<16xi32>], vector<16xf32>,
      %add3A_118 = arith.constant 1 : i32
      %add3A_119 = vector.broadcast %add3A_118 : i32 to vector<16xi32>
      %add3A_120 = arith.addi %add3A_117, %add3A_119 : vector<16xi32>
      %gather3A_121 = tpu.vector_load_idx %arg7[%add3A_120] : memref<49152xf32, #tpu.memory_space<vmem>>[vector<16xi32>], vector<16xf32>,
      %add3A_122 = arith.constant 2 : i32
      %add3A_123 = vector.broadcast %add3A_122 : i32 to vector<16xi32>
      %add3A_124 = arith.addi %add3A_117, %add3A_123 : vector<16xi32>
      %gather3A_125 = tpu.vector_load_idx %arg7[%add3A_124] : memref<49152xf32, #tpu.memory_space<vmem>>[vector<16xi32>], vector<16xf32>,
      %mul3A_126 = arith.mulf %gather3A, %get3A_1 : vector<16xf32>
      %add3A_127 = arith.addf %mul3A_126, %get3A_7 : vector<16xf32>
      %add3A_128 = arith.addf %add3A_127, %broadcast_in_dim3A_15 : vector<16xf32>
      %sub3A = arith.subf %add3A_128, %broadcast_in_dim3A_15 : vector<16xf32>
      %convert_element_type3A = arith.fptosi %sub3A : vector<16xf32> to vector<16xi32>
      %mul3A_129 = arith.mulf %gather3A_121, %get3A_3 : vector<16xf32>
      %add3A_130 = arith.addf %mul3A_129, %get3A_9 : vector<16xf32>
      %add3A_131 = arith.addf %add3A_130, %broadcast_in_dim3A_15 : vector<16xf32>
      %sub3A_132 = arith.subf %add3A_131, %broadcast_in_dim3A_15 : vector<16xf32>
      %convert_element_type3A_133 = arith.fptosi %sub3A_132 : vector<16xf32> to vector<16xi32>
      %mul3A_134 = arith.mulf %gather3A_125, %get3A_5 : vector<16xf32>
      %add3A_135 = arith.addf %mul3A_134, %get3A_11 : vector<16xf32>
      %add3A_136 = arith.addf %add3A_135, %broadcast_in_dim3A_15 : vector<16xf32>
      %sub3A_137 = arith.subf %add3A_136, %broadcast_in_dim3A_15 : vector<16xf32>
      %convert_element_type3A_138 = arith.fptosi %sub3A_137 : vector<16xf32> to vector<16xi32>
      %shift_left3A = arith.constant 16 : i32
      %shift_left3A_139 = vector.broadcast %shift_left3A : i32 to vector<16xi32>
      %shift_left3A_140 = arith.shli %convert_element_type3A, %shift_left3A_139 : vector<16xi32>
      %shift_left3A_141 = arith.constant 8 : i32
      %shift_left3A_142 = vector.broadcast %shift_left3A_141 : i32 to vector<16xi32>
      %shift_left3A_143 = arith.shli %convert_element_type3A_133, %shift_left3A_142 : vector<16xi32>
      %or3A = arith.ori %shift_left3A_140, %shift_left3A_143 : vector<16xi32>
      %or3A_144 = arith.ori %or3A, %convert_element_type3A_138 : vector<16xi32>
      %shift_right_arithmetic3A = arith.constant 2 : i32
      %shift_right_arithmetic3A_145 = vector.broadcast %shift_right_arithmetic3A : i32 to vector<16xi32>
      %shift_right_arithmetic3A_146 = arith.shrsi %or3A_144, %shift_right_arithmetic3A_145 : vector<16xi32>
      %max3A = arith.constant 0 : i32
      %max3A_147 = vector.broadcast %max3A : i32 to vector<16xi32>
      %max3A_148 = arith.maxsi %shift_right_arithmetic3A_146, %max3A_147 : vector<16xi32>
      %min3A = arith.constant 4194303 : i32
      %min3A_149 = vector.broadcast %min3A : i32 to vector<16xi32>
      %min3A_150 = arith.minsi %max3A_148, %min3A_149 : vector<16xi32>
      %and3A = arith.constant 3 : i32
      %and3A_151 = vector.broadcast %and3A : i32 to vector<16xi32>
      %and3A_152 = arith.andi %or3A_144, %and3A_151 : vector<16xi32>
      %shift_left3A_153 = arith.constant 3 : i32
      %shift_left3A_154 = vector.broadcast %shift_left3A_153 : i32 to vector<16xi32>
      %shift_left3A_155 = arith.shli %and3A_152, %shift_left3A_154 : vector<16xi32>
      %add3A_156 = arith.constant 0 : i32
      %add3A_157 = arith.addi %mul3A_111, %add3A_156 : i32
      %swap3A = arith.index_cast %add3A_157 : i32 to index
      %swap3A_158 = tpu.vector_load %arg8[%swap3A] {strides = array<i32>} : memref<16384xi32, #tpu.memory_space<vmem>>, vector<16xi32>,
      tpu.vector_store %arg8[%swap3A], %min3A_150 {strides = array<i32>} : memref<16384xi32, #tpu.memory_space<vmem>>, vector<16xi32>,
      %swap3A_159 = arith.index_cast %add3A_157 : i32 to index
      %swap3A_160 = tpu.vector_load %arg9[%swap3A_159] {strides = array<i32>} : memref<16384xi32, #tpu.memory_space<vmem>>, vector<16xi32>,
      tpu.vector_store %arg9[%swap3A_159], %shift_left3A_155 {strides = array<i32>} : memref<16384xi32, #tpu.memory_space<vmem>>, vector<16xi32>,
      %mul3A_161 = arith.constant 384 : i32
      %mul3A_162 = arith.muli %scan3A_109, %mul3A_161 : i32
      %add3A_163 = arith.constant 48 : i32
      %add3A_164 = arith.addi %mul3A_162, %add3A_163 : i32
      %add3A_165 = vector.broadcast %add3A_164 : i32 to vector<16xi32>
      %add3A_166 = arith.addi %mul3A_14, %add3A_165 : vector<16xi32>
      %gather3A_167 = tpu.vector_load_idx %arg7[%add3A_166] : memref<49152xf32, #tpu.memory_space<vmem>>[vector<16xi32>], vector<16xf32>,
      %add3A_168 = arith.constant 1 : i32
      %add3A_169 = vector.broadcast %add3A_168 : i32 to vector<16xi32>
      %add3A_170 = arith.addi %add3A_166, %add3A_169 : vector<16xi32>
      %gather3A_171 = tpu.vector_load_idx %arg7[%add3A_170] : memref<49152xf32, #tpu.memory_space<vmem>>[vector<16xi32>], vector<16xf32>,
      %add3A_172 = arith.constant 2 : i32
      %add3A_173 = vector.broadcast %add3A_172 : i32 to vector<16xi32>
      %add3A_174 = arith.addi %add3A_166, %add3A_173 : vector<16xi32>
      %gather3A_175 = tpu.vector_load_idx %arg7[%add3A_174] : memref<49152xf32, #tpu.memory_space<vmem>>[vector<16xi32>], vector<16xf32>,
      %mul3A_176 = arith.mulf %gather3A_167, %get3A_1 : vector<16xf32>
      %add3A_177 = arith.addf %mul3A_176, %get3A_7 : vector<16xf32>
      %add3A_178 = arith.addf %add3A_177, %broadcast_in_dim3A_15 : vector<16xf32>
      %sub3A_179 = arith.subf %add3A_178, %broadcast_in_dim3A_15 : vector<16xf32>
      %convert_element_type3A_180 = arith.fptosi %sub3A_179 : vector<16xf32> to vector<16xi32>
      %mul3A_181 = arith.mulf %gather3A_171, %get3A_3 : vector<16xf32>
      %add3A_182 = arith.addf %mul3A_181, %get3A_9 : vector<16xf32>
      %add3A_183 = arith.addf %add3A_182, %broadcast_in_dim3A_15 : vector<16xf32>
      %sub3A_184 = arith.subf %add3A_183, %broadcast_in_dim3A_15 : vector<16xf32>
      %convert_element_type3A_185 = arith.fptosi %sub3A_184 : vector<16xf32> to vector<16xi32>
      %mul3A_186 = arith.mulf %gather3A_175, %get3A_5 : vector<16xf32>
      %add3A_187 = arith.addf %mul3A_186, %get3A_11 : vector<16xf32>
      %add3A_188 = arith.addf %add3A_187, %broadcast_in_dim3A_15 : vector<16xf32>
      %sub3A_189 = arith.subf %add3A_188, %broadcast_in_dim3A_15 : vector<16xf32>
      %convert_element_type3A_190 = arith.fptosi %sub3A_189 : vector<16xf32> to vector<16xi32>
      %shift_left3A_191 = arith.constant 16 : i32
      %shift_left3A_192 = vector.broadcast %shift_left3A_191 : i32 to vector<16xi32>
      %shift_left3A_193 = arith.shli %convert_element_type3A_180, %shift_left3A_192 : vector<16xi32>
      %shift_left3A_194 = arith.constant 8 : i32
      %shift_left3A_195 = vector.broadcast %shift_left3A_194 : i32 to vector<16xi32>
      %shift_left3A_196 = arith.shli %convert_element_type3A_185, %shift_left3A_195 : vector<16xi32>
      %or3A_197 = arith.ori %shift_left3A_193, %shift_left3A_196 : vector<16xi32>
      %or3A_198 = arith.ori %or3A_197, %convert_element_type3A_190 : vector<16xi32>
      %shift_right_arithmetic3A_199 = arith.constant 2 : i32
      %shift_right_arithmetic3A_200 = vector.broadcast %shift_right_arithmetic3A_199 : i32 to vector<16xi32>
      %shift_right_arithmetic3A_201 = arith.shrsi %or3A_198, %shift_right_arithmetic3A_200 : vector<16xi32>
      %max3A_202 = arith.constant 0 : i32
      %max3A_203 = vector.broadcast %max3A_202 : i32 to vector<16xi32>
      %max3A_204 = arith.maxsi %shift_right_arithmetic3A_201, %max3A_203 : vector<16xi32>
      %min3A_205 = arith.constant 4194303 : i32
      %min3A_206 = vector.broadcast %min3A_205 : i32 to vector<16xi32>
      %min3A_207 = arith.minsi %max3A_204, %min3A_206 : vector<16xi32>
      %and3A_208 = arith.constant 3 : i32
      %and3A_209 = vector.broadcast %and3A_208 : i32 to vector<16xi32>
      %and3A_210 = arith.andi %or3A_198, %and3A_209 : vector<16xi32>
      %shift_left3A_211 = arith.constant 3 : i32
      %shift_left3A_212 = vector.broadcast %shift_left3A_211 : i32 to vector<16xi32>
      %shift_left3A_213 = arith.shli %and3A_210, %shift_left3A_212 : vector<16xi32>
      %add3A_214 = arith.constant 16 : i32
      %add3A_215 = arith.addi %mul3A_111, %add3A_214 : i32
      %swap3A_216 = arith.index_cast %add3A_215 : i32 to index
      %swap3A_217 = tpu.vector_load %arg8[%swap3A_216] {strides = array<i32>} : memref<16384xi32, #tpu.memory_space<vmem>>, vector<16xi32>,
      tpu.vector_store %arg8[%swap3A_216], %min3A_207 {strides = array<i32>} : memref<16384xi32, #tpu.memory_space<vmem>>, vector<16xi32>,
      %swap3A_218 = arith.index_cast %add3A_215 : i32 to index
      %swap3A_219 = tpu.vector_load %arg9[%swap3A_218] {strides = array<i32>} : memref<16384xi32, #tpu.memory_space<vmem>>, vector<16xi32>,
      tpu.vector_store %arg9[%swap3A_218], %shift_left3A_213 {strides = array<i32>} : memref<16384xi32, #tpu.memory_space<vmem>>, vector<16xi32>,
      %mul3A_220 = arith.constant 384 : i32
      %mul3A_221 = arith.muli %scan3A_109, %mul3A_220 : i32
      %add3A_222 = arith.constant 96 : i32
      %add3A_223 = arith.addi %mul3A_221, %add3A_222 : i32
      %add3A_224 = vector.broadcast %add3A_223 : i32 to vector<16xi32>
      %add3A_225 = arith.addi %mul3A_14, %add3A_224 : vector<16xi32>
      %gather3A_226 = tpu.vector_load_idx %arg7[%add3A_225] : memref<49152xf32, #tpu.memory_space<vmem>>[vector<16xi32>], vector<16xf32>,
      %add3A_227 = arith.constant 1 : i32
      %add3A_228 = vector.broadcast %add3A_227 : i32 to vector<16xi32>
      %add3A_229 = arith.addi %add3A_225, %add3A_228 : vector<16xi32>
      %gather3A_230 = tpu.vector_load_idx %arg7[%add3A_229] : memref<49152xf32, #tpu.memory_space<vmem>>[vector<16xi32>], vector<16xf32>,
      %add3A_231 = arith.constant 2 : i32
      %add3A_232 = vector.broadcast %add3A_231 : i32 to vector<16xi32>
      %add3A_233 = arith.addi %add3A_225, %add3A_232 : vector<16xi32>
      %gather3A_234 = tpu.vector_load_idx %arg7[%add3A_233] : memref<49152xf32, #tpu.memory_space<vmem>>[vector<16xi32>], vector<16xf32>,
      %mul3A_235 = arith.mulf %gather3A_226, %get3A_1 : vector<16xf32>
      %add3A_236 = arith.addf %mul3A_235, %get3A_7 : vector<16xf32>
      %add3A_237 = arith.addf %add3A_236, %broadcast_in_dim3A_15 : vector<16xf32>
      %sub3A_238 = arith.subf %add3A_237, %broadcast_in_dim3A_15 : vector<16xf32>
      %convert_element_type3A_239 = arith.fptosi %sub3A_238 : vector<16xf32> to vector<16xi32>
      %mul3A_240 = arith.mulf %gather3A_230, %get3A_3 : vector<16xf32>
      %add3A_241 = arith.addf %mul3A_240, %get3A_9 : vector<16xf32>
      %add3A_242 = arith.addf %add3A_241, %broadcast_in_dim3A_15 : vector<16xf32>
      %sub3A_243 = arith.subf %add3A_242, %broadcast_in_dim3A_15 : vector<16xf32>
      %convert_element_type3A_244 = arith.fptosi %sub3A_243 : vector<16xf32> to vector<16xi32>
      %mul3A_245 = arith.mulf %gather3A_234, %get3A_5 : vector<16xf32>
      %add3A_246 = arith.addf %mul3A_245, %get3A_11 : vector<16xf32>
      %add3A_247 = arith.addf %add3A_246, %broadcast_in_dim3A_15 : vector<16xf32>
      %sub3A_248 = arith.subf %add3A_247, %broadcast_in_dim3A_15 : vector<16xf32>
      %convert_element_type3A_249 = arith.fptosi %sub3A_248 : vector<16xf32> to vector<16xi32>
      %shift_left3A_250 = arith.constant 16 : i32
      %shift_left3A_251 = vector.broadcast %shift_left3A_250 : i32 to vector<16xi32>
      %shift_left3A_252 = arith.shli %convert_element_type3A_239, %shift_left3A_251 : vector<16xi32>
      %shift_left3A_253 = arith.constant 8 : i32
      %shift_left3A_254 = vector.broadcast %shift_left3A_253 : i32 to vector<16xi32>
      %shift_left3A_255 = arith.shli %convert_element_type3A_244, %shift_left3A_254 : vector<16xi32>
      %or3A_256 = arith.ori %shift_left3A_252, %shift_left3A_255 : vector<16xi32>
      %or3A_257 = arith.ori %or3A_256, %convert_element_type3A_249 : vector<16xi32>
      %shift_right_arithmetic3A_258 = arith.constant 2 : i32
      %shift_right_arithmetic3A_259 = vector.broadcast %shift_right_arithmetic3A_258 : i32 to vector<16xi32>
      %shift_right_arithmetic3A_260 = arith.shrsi %or3A_257, %shift_right_arithmetic3A_259 : vector<16xi32>
      %max3A_261 = arith.constant 0 : i32
      %max3A_262 = vector.broadcast %max3A_261 : i32 to vector<16xi32>
      %max3A_263 = arith.maxsi %shift_right_arithmetic3A_260, %max3A_262 : vector<16xi32>
      %min3A_264 = arith.constant 4194303 : i32
      %min3A_265 = vector.broadcast %min3A_264 : i32 to vector<16xi32>
      %min3A_266 = arith.minsi %max3A_263, %min3A_265 : vector<16xi32>
      %and3A_267 = arith.constant 3 : i32
      %and3A_268 = vector.broadcast %and3A_267 : i32 to vector<16xi32>
      %and3A_269 = arith.andi %or3A_257, %and3A_268 : vector<16xi32>
      %shift_left3A_270 = arith.constant 3 : i32
      %shift_left3A_271 = vector.broadcast %shift_left3A_270 : i32 to vector<16xi32>
      %shift_left3A_272 = arith.shli %and3A_269, %shift_left3A_271 : vector<16xi32>
      %add3A_273 = arith.constant 32 : i32
      %add3A_274 = arith.addi %mul3A_111, %add3A_273 : i32
      %swap3A_275 = arith.index_cast %add3A_274 : i32 to index
      %swap3A_276 = tpu.vector_load %arg8[%swap3A_275] {strides = array<i32>} : memref<16384xi32, #tpu.memory_space<vmem>>, vector<16xi32>,
      tpu.vector_store %arg8[%swap3A_275], %min3A_266 {strides = array<i32>} : memref<16384xi32, #tpu.memory_space<vmem>>, vector<16xi32>,
      %swap3A_277 = arith.index_cast %add3A_274 : i32 to index
      %swap3A_278 = tpu.vector_load %arg9[%swap3A_277] {strides = array<i32>} : memref<16384xi32, #tpu.memory_space<vmem>>, vector<16xi32>,
      tpu.vector_store %arg9[%swap3A_277], %shift_left3A_272 {strides = array<i32>} : memref<16384xi32, #tpu.memory_space<vmem>>, vector<16xi32>,
      %mul3A_279 = arith.constant 384 : i32
      %mul3A_280 = arith.muli %scan3A_109, %mul3A_279 : i32
      %add3A_281 = arith.constant 144 : i32
      %add3A_282 = arith.addi %mul3A_280, %add3A_281 : i32
      %add3A_283 = vector.broadcast %add3A_282 : i32 to vector<16xi32>
      %add3A_284 = arith.addi %mul3A_14, %add3A_283 : vector<16xi32>
      %gather3A_285 = tpu.vector_load_idx %arg7[%add3A_284] : memref<49152xf32, #tpu.memory_space<vmem>>[vector<16xi32>], vector<16xf32>,
      %add3A_286 = arith.constant 1 : i32
      %add3A_287 = vector.broadcast %add3A_286 : i32 to vector<16xi32>
      %add3A_288 = arith.addi %add3A_284, %add3A_287 : vector<16xi32>
      %gather3A_289 = tpu.vector_load_idx %arg7[%add3A_288] : memref<49152xf32, #tpu.memory_space<vmem>>[vector<16xi32>], vector<16xf32>,
      %add3A_290 = arith.constant 2 : i32
      %add3A_291 = vector.broadcast %add3A_290 : i32 to vector<16xi32>
      %add3A_292 = arith.addi %add3A_284, %add3A_291 : vector<16xi32>
      %gather3A_293 = tpu.vector_load_idx %arg7[%add3A_292] : memref<49152xf32, #tpu.memory_space<vmem>>[vector<16xi32>], vector<16xf32>,
      %mul3A_294 = arith.mulf %gather3A_285, %get3A_1 : vector<16xf32>
      %add3A_295 = arith.addf %mul3A_294, %get3A_7 : vector<16xf32>
      %add3A_296 = arith.addf %add3A_295, %broadcast_in_dim3A_15 : vector<16xf32>
      %sub3A_297 = arith.subf %add3A_296, %broadcast_in_dim3A_15 : vector<16xf32>
      %convert_element_type3A_298 = arith.fptosi %sub3A_297 : vector<16xf32> to vector<16xi32>
      %mul3A_299 = arith.mulf %gather3A_289, %get3A_3 : vector<16xf32>
      %add3A_300 = arith.addf %mul3A_299, %get3A_9 : vector<16xf32>
      %add3A_301 = arith.addf %add3A_300, %broadcast_in_dim3A_15 : vector<16xf32>
      %sub3A_302 = arith.subf %add3A_301, %broadcast_in_dim3A_15 : vector<16xf32>
      %convert_element_type3A_303 = arith.fptosi %sub3A_302 : vector<16xf32> to vector<16xi32>
      %mul3A_304 = arith.mulf %gather3A_293, %get3A_5 : vector<16xf32>
      %add3A_305 = arith.addf %mul3A_304, %get3A_11 : vector<16xf32>
      %add3A_306 = arith.addf %add3A_305, %broadcast_in_dim3A_15 : vector<16xf32>
      %sub3A_307 = arith.subf %add3A_306, %broadcast_in_dim3A_15 : vector<16xf32>
      %convert_element_type3A_308 = arith.fptosi %sub3A_307 : vector<16xf32> to vector<16xi32>
      %shift_left3A_309 = arith.constant 16 : i32
      %shift_left3A_310 = vector.broadcast %shift_left3A_309 : i32 to vector<16xi32>
      %shift_left3A_311 = arith.shli %convert_element_type3A_298, %shift_left3A_310 : vector<16xi32>
      %shift_left3A_312 = arith.constant 8 : i32
      %shift_left3A_313 = vector.broadcast %shift_left3A_312 : i32 to vector<16xi32>
      %shift_left3A_314 = arith.shli %convert_element_type3A_303, %shift_left3A_313 : vector<16xi32>
      %or3A_315 = arith.ori %shift_left3A_311, %shift_left3A_314 : vector<16xi32>
      %or3A_316 = arith.ori %or3A_315, %convert_element_type3A_308 : vector<16xi32>
      %shift_right_arithmetic3A_317 = arith.constant 2 : i32
      %shift_right_arithmetic3A_318 = vector.broadcast %shift_right_arithmetic3A_317 : i32 to vector<16xi32>
      %shift_right_arithmetic3A_319 = arith.shrsi %or3A_316, %shift_right_arithmetic3A_318 : vector<16xi32>
      %max3A_320 = arith.constant 0 : i32
      %max3A_321 = vector.broadcast %max3A_320 : i32 to vector<16xi32>
      %max3A_322 = arith.maxsi %shift_right_arithmetic3A_319, %max3A_321 : vector<16xi32>
      %min3A_323 = arith.constant 4194303 : i32
      %min3A_324 = vector.broadcast %min3A_323 : i32 to vector<16xi32>
      %min3A_325 = arith.minsi %max3A_322, %min3A_324 : vector<16xi32>
      %and3A_326 = arith.constant 3 : i32
      %and3A_327 = vector.broadcast %and3A_326 : i32 to vector<16xi32>
      %and3A_328 = arith.andi %or3A_316, %and3A_327 : vector<16xi32>
      %shift_left3A_329 = arith.constant 3 : i32
      %shift_left3A_330 = vector.broadcast %shift_left3A_329 : i32 to vector<16xi32>
      %shift_left3A_331 = arith.shli %and3A_328, %shift_left3A_330 : vector<16xi32>
      %add3A_332 = arith.constant 48 : i32
      %add3A_333 = arith.addi %mul3A_111, %add3A_332 : i32
      %swap3A_334 = arith.index_cast %add3A_333 : i32 to index
      %swap3A_335 = tpu.vector_load %arg8[%swap3A_334] {strides = array<i32>} : memref<16384xi32, #tpu.memory_space<vmem>>, vector<16xi32>,
      tpu.vector_store %arg8[%swap3A_334], %min3A_325 {strides = array<i32>} : memref<16384xi32, #tpu.memory_space<vmem>>, vector<16xi32>,
      %swap3A_336 = arith.index_cast %add3A_333 : i32 to index
      %swap3A_337 = tpu.vector_load %arg9[%swap3A_336] {strides = array<i32>} : memref<16384xi32, #tpu.memory_space<vmem>>, vector<16xi32>,
      tpu.vector_store %arg9[%swap3A_336], %shift_left3A_331 {strides = array<i32>} : memref<16384xi32, #tpu.memory_space<vmem>>, vector<16xi32>,
      %mul3A_338 = arith.constant 384 : i32
      %mul3A_339 = arith.muli %scan3A_109, %mul3A_338 : i32
      %add3A_340 = arith.constant 192 : i32
      %add3A_341 = arith.addi %mul3A_339, %add3A_340 : i32
      %add3A_342 = vector.broadcast %add3A_341 : i32 to vector<16xi32>
      %add3A_343 = arith.addi %mul3A_14, %add3A_342 : vector<16xi32>
      %gather3A_344 = tpu.vector_load_idx %arg7[%add3A_343] : memref<49152xf32, #tpu.memory_space<vmem>>[vector<16xi32>], vector<16xf32>,
      %add3A_345 = arith.constant 1 : i32
      %add3A_346 = vector.broadcast %add3A_345 : i32 to vector<16xi32>
      %add3A_347 = arith.addi %add3A_343, %add3A_346 : vector<16xi32>
      %gather3A_348 = tpu.vector_load_idx %arg7[%add3A_347] : memref<49152xf32, #tpu.memory_space<vmem>>[vector<16xi32>], vector<16xf32>,
      %add3A_349 = arith.constant 2 : i32
      %add3A_350 = vector.broadcast %add3A_349 : i32 to vector<16xi32>
      %add3A_351 = arith.addi %add3A_343, %add3A_350 : vector<16xi32>
      %gather3A_352 = tpu.vector_load_idx %arg7[%add3A_351] : memref<49152xf32, #tpu.memory_space<vmem>>[vector<16xi32>], vector<16xf32>,
      %mul3A_353 = arith.mulf %gather3A_344, %get3A_1 : vector<16xf32>
      %add3A_354 = arith.addf %mul3A_353, %get3A_7 : vector<16xf32>
      %add3A_355 = arith.addf %add3A_354, %broadcast_in_dim3A_15 : vector<16xf32>
      %sub3A_356 = arith.subf %add3A_355, %broadcast_in_dim3A_15 : vector<16xf32>
      %convert_element_type3A_357 = arith.fptosi %sub3A_356 : vector<16xf32> to vector<16xi32>
      %mul3A_358 = arith.mulf %gather3A_348, %get3A_3 : vector<16xf32>
      %add3A_359 = arith.addf %mul3A_358, %get3A_9 : vector<16xf32>
      %add3A_360 = arith.addf %add3A_359, %broadcast_in_dim3A_15 : vector<16xf32>
      %sub3A_361 = arith.subf %add3A_360, %broadcast_in_dim3A_15 : vector<16xf32>
      %convert_element_type3A_362 = arith.fptosi %sub3A_361 : vector<16xf32> to vector<16xi32>
      %mul3A_363 = arith.mulf %gather3A_352, %get3A_5 : vector<16xf32>
      %add3A_364 = arith.addf %mul3A_363, %get3A_11 : vector<16xf32>
      %add3A_365 = arith.addf %add3A_364, %broadcast_in_dim3A_15 : vector<16xf32>
      %sub3A_366 = arith.subf %add3A_365, %broadcast_in_dim3A_15 : vector<16xf32>
      %convert_element_type3A_367 = arith.fptosi %sub3A_366 : vector<16xf32> to vector<16xi32>
      %shift_left3A_368 = arith.constant 16 : i32
      %shift_left3A_369 = vector.broadcast %shift_left3A_368 : i32 to vector<16xi32>
      %shift_left3A_370 = arith.shli %convert_element_type3A_357, %shift_left3A_369 : vector<16xi32>
      %shift_left3A_371 = arith.constant 8 : i32
      %shift_left3A_372 = vector.broadcast %shift_left3A_371 : i32 to vector<16xi32>
      %shift_left3A_373 = arith.shli %convert_element_type3A_362, %shift_left3A_372 : vector<16xi32>
      %or3A_374 = arith.ori %shift_left3A_370, %shift_left3A_373 : vector<16xi32>
      %or3A_375 = arith.ori %or3A_374, %convert_element_type3A_367 : vector<16xi32>
      %shift_right_arithmetic3A_376 = arith.constant 2 : i32
      %shift_right_arithmetic3A_377 = vector.broadcast %shift_right_arithmetic3A_376 : i32 to vector<16xi32>
      %shift_right_arithmetic3A_378 = arith.shrsi %or3A_375, %shift_right_arithmetic3A_377 : vector<16xi32>
      %max3A_379 = arith.constant 0 : i32
      %max3A_380 = vector.broadcast %max3A_379 : i32 to vector<16xi32>
      %max3A_381 = arith.maxsi %shift_right_arithmetic3A_378, %max3A_380 : vector<16xi32>
      %min3A_382 = arith.constant 4194303 : i32
      %min3A_383 = vector.broadcast %min3A_382 : i32 to vector<16xi32>
      %min3A_384 = arith.minsi %max3A_381, %min3A_383 : vector<16xi32>
      %and3A_385 = arith.constant 3 : i32
      %and3A_386 = vector.broadcast %and3A_385 : i32 to vector<16xi32>
      %and3A_387 = arith.andi %or3A_375, %and3A_386 : vector<16xi32>
      %shift_left3A_388 = arith.constant 3 : i32
      %shift_left3A_389 = vector.broadcast %shift_left3A_388 : i32 to vector<16xi32>
      %shift_left3A_390 = arith.shli %and3A_387, %shift_left3A_389 : vector<16xi32>
      %add3A_391 = arith.constant 64 : i32
      %add3A_392 = arith.addi %mul3A_111, %add3A_391 : i32
      %swap3A_393 = arith.index_cast %add3A_392 : i32 to index
      %swap3A_394 = tpu.vector_load %arg8[%swap3A_393] {strides = array<i32>} : memref<16384xi32, #tpu.memory_space<vmem>>, vector<16xi32>,
      tpu.vector_store %arg8[%swap3A_393], %min3A_384 {strides = array<i32>} : memref<16384xi32, #tpu.memory_space<vmem>>, vector<16xi32>,
      %swap3A_395 = arith.index_cast %add3A_392 : i32 to index
      %swap3A_396 = tpu.vector_load %arg9[%swap3A_395] {strides = array<i32>} : memref<16384xi32, #tpu.memory_space<vmem>>, vector<16xi32>,
      tpu.vector_store %arg9[%swap3A_395], %shift_left3A_390 {strides = array<i32>} : memref<16384xi32, #tpu.memory_space<vmem>>, vector<16xi32>,
      %mul3A_397 = arith.constant 384 : i32
      %mul3A_398 = arith.muli %scan3A_109, %mul3A_397 : i32
      %add3A_399 = arith.constant 240 : i32
      %add3A_400 = arith.addi %mul3A_398, %add3A_399 : i32
      %add3A_401 = vector.broadcast %add3A_400 : i32 to vector<16xi32>
      %add3A_402 = arith.addi %mul3A_14, %add3A_401 : vector<16xi32>
      %gather3A_403 = tpu.vector_load_idx %arg7[%add3A_402] : memref<49152xf32, #tpu.memory_space<vmem>>[vector<16xi32>], vector<16xf32>,
      %add3A_404 = arith.constant 1 : i32
      %add3A_405 = vector.broadcast %add3A_404 : i32 to vector<16xi32>
      %add3A_406 = arith.addi %add3A_402, %add3A_405 : vector<16xi32>
      %gather3A_407 = tpu.vector_load_idx %arg7[%add3A_406] : memref<49152xf32, #tpu.memory_space<vmem>>[vector<16xi32>], vector<16xf32>,
      %add3A_408 = arith.constant 2 : i32
      %add3A_409 = vector.broadcast %add3A_408 : i32 to vector<16xi32>
      %add3A_410 = arith.addi %add3A_402, %add3A_409 : vector<16xi32>
      %gather3A_411 = tpu.vector_load_idx %arg7[%add3A_410] : memref<49152xf32, #tpu.memory_space<vmem>>[vector<16xi32>], vector<16xf32>,
      %mul3A_412 = arith.mulf %gather3A_403, %get3A_1 : vector<16xf32>
      %add3A_413 = arith.addf %mul3A_412, %get3A_7 : vector<16xf32>
      %add3A_414 = arith.addf %add3A_413, %broadcast_in_dim3A_15 : vector<16xf32>
      %sub3A_415 = arith.subf %add3A_414, %broadcast_in_dim3A_15 : vector<16xf32>
      %convert_element_type3A_416 = arith.fptosi %sub3A_415 : vector<16xf32> to vector<16xi32>
      %mul3A_417 = arith.mulf %gather3A_407, %get3A_3 : vector<16xf32>
      %add3A_418 = arith.addf %mul3A_417, %get3A_9 : vector<16xf32>
      %add3A_419 = arith.addf %add3A_418, %broadcast_in_dim3A_15 : vector<16xf32>
      %sub3A_420 = arith.subf %add3A_419, %broadcast_in_dim3A_15 : vector<16xf32>
      %convert_element_type3A_421 = arith.fptosi %sub3A_420 : vector<16xf32> to vector<16xi32>
      %mul3A_422 = arith.mulf %gather3A_411, %get3A_5 : vector<16xf32>
      %add3A_423 = arith.addf %mul3A_422, %get3A_11 : vector<16xf32>
      %add3A_424 = arith.addf %add3A_423, %broadcast_in_dim3A_15 : vector<16xf32>
      %sub3A_425 = arith.subf %add3A_424, %broadcast_in_dim3A_15 : vector<16xf32>
      %convert_element_type3A_426 = arith.fptosi %sub3A_425 : vector<16xf32> to vector<16xi32>
      %shift_left3A_427 = arith.constant 16 : i32
      %shift_left3A_428 = vector.broadcast %shift_left3A_427 : i32 to vector<16xi32>
      %shift_left3A_429 = arith.shli %convert_element_type3A_416, %shift_left3A_428 : vector<16xi32>
      %shift_left3A_430 = arith.constant 8 : i32
      %shift_left3A_431 = vector.broadcast %shift_left3A_430 : i32 to vector<16xi32>
      %shift_left3A_432 = arith.shli %convert_element_type3A_421, %shift_left3A_431 : vector<16xi32>
      %or3A_433 = arith.ori %shift_left3A_429, %shift_left3A_432 : vector<16xi32>
      %or3A_434 = arith.ori %or3A_433, %convert_element_type3A_426 : vector<16xi32>
      %shift_right_arithmetic3A_435 = arith.constant 2 : i32
      %shift_right_arithmetic3A_436 = vector.broadcast %shift_right_arithmetic3A_435 : i32 to vector<16xi32>
      %shift_right_arithmetic3A_437 = arith.shrsi %or3A_434, %shift_right_arithmetic3A_436 : vector<16xi32>
      %max3A_438 = arith.constant 0 : i32
      %max3A_439 = vector.broadcast %max3A_438 : i32 to vector<16xi32>
      %max3A_440 = arith.maxsi %shift_right_arithmetic3A_437, %max3A_439 : vector<16xi32>
      %min3A_441 = arith.constant 4194303 : i32
      %min3A_442 = vector.broadcast %min3A_441 : i32 to vector<16xi32>
      %min3A_443 = arith.minsi %max3A_440, %min3A_442 : vector<16xi32>
      %and3A_444 = arith.constant 3 : i32
      %and3A_445 = vector.broadcast %and3A_444 : i32 to vector<16xi32>
      %and3A_446 = arith.andi %or3A_434, %and3A_445 : vector<16xi32>
      %shift_left3A_447 = arith.constant 3 : i32
      %shift_left3A_448 = vector.broadcast %shift_left3A_447 : i32 to vector<16xi32>
      %shift_left3A_449 = arith.shli %and3A_446, %shift_left3A_448 : vector<16xi32>
      %add3A_450 = arith.constant 80 : i32
      %add3A_451 = arith.addi %mul3A_111, %add3A_450 : i32
      %swap3A_452 = arith.index_cast %add3A_451 : i32 to index
      %swap3A_453 = tpu.vector_load %arg8[%swap3A_452] {strides = array<i32>} : memref<16384xi32, #tpu.memory_space<vmem>>, vector<16xi32>,
      tpu.vector_store %arg8[%swap3A_452], %min3A_443 {strides = array<i32>} : memref<16384xi32, #tpu.memory_space<vmem>>, vector<16xi32>,
      %swap3A_454 = arith.index_cast %add3A_451 : i32 to index
      %swap3A_455 = tpu.vector_load %arg9[%swap3A_454] {strides = array<i32>} : memref<16384xi32, #tpu.memory_space<vmem>>, vector<16xi32>,
      tpu.vector_store %arg9[%swap3A_454], %shift_left3A_449 {strides = array<i32>} : memref<16384xi32, #tpu.memory_space<vmem>>, vector<16xi32>,
      %mul3A_456 = arith.constant 384 : i32
      %mul3A_457 = arith.muli %scan3A_109, %mul3A_456 : i32
      %add3A_458 = arith.constant 288 : i32
      %add3A_459 = arith.addi %mul3A_457, %add3A_458 : i32
      %add3A_460 = vector.broadcast %add3A_459 : i32 to vector<16xi32>
      %add3A_461 = arith.addi %mul3A_14, %add3A_460 : vector<16xi32>
      %gather3A_462 = tpu.vector_load_idx %arg7[%add3A_461] : memref<49152xf32, #tpu.memory_space<vmem>>[vector<16xi32>], vector<16xf32>,
      %add3A_463 = arith.constant 1 : i32
      %add3A_464 = vector.broadcast %add3A_463 : i32 to vector<16xi32>
      %add3A_465 = arith.addi %add3A_461, %add3A_464 : vector<16xi32>
      %gather3A_466 = tpu.vector_load_idx %arg7[%add3A_465] : memref<49152xf32, #tpu.memory_space<vmem>>[vector<16xi32>], vector<16xf32>,
      %add3A_467 = arith.constant 2 : i32
      %add3A_468 = vector.broadcast %add3A_467 : i32 to vector<16xi32>
      %add3A_469 = arith.addi %add3A_461, %add3A_468 : vector<16xi32>
      %gather3A_470 = tpu.vector_load_idx %arg7[%add3A_469] : memref<49152xf32, #tpu.memory_space<vmem>>[vector<16xi32>], vector<16xf32>,
      %mul3A_471 = arith.mulf %gather3A_462, %get3A_1 : vector<16xf32>
      %add3A_472 = arith.addf %mul3A_471, %get3A_7 : vector<16xf32>
      %add3A_473 = arith.addf %add3A_472, %broadcast_in_dim3A_15 : vector<16xf32>
      %sub3A_474 = arith.subf %add3A_473, %broadcast_in_dim3A_15 : vector<16xf32>
      %convert_element_type3A_475 = arith.fptosi %sub3A_474 : vector<16xf32> to vector<16xi32>
      %mul3A_476 = arith.mulf %gather3A_466, %get3A_3 : vector<16xf32>
      %add3A_477 = arith.addf %mul3A_476, %get3A_9 : vector<16xf32>
      %add3A_478 = arith.addf %add3A_477, %broadcast_in_dim3A_15 : vector<16xf32>
      %sub3A_479 = arith.subf %add3A_478, %broadcast_in_dim3A_15 : vector<16xf32>
      %convert_element_type3A_480 = arith.fptosi %sub3A_479 : vector<16xf32> to vector<16xi32>
      %mul3A_481 = arith.mulf %gather3A_470, %get3A_5 : vector<16xf32>
      %add3A_482 = arith.addf %mul3A_481, %get3A_11 : vector<16xf32>
      %add3A_483 = arith.addf %add3A_482, %broadcast_in_dim3A_15 : vector<16xf32>
      %sub3A_484 = arith.subf %add3A_483, %broadcast_in_dim3A_15 : vector<16xf32>
      %convert_element_type3A_485 = arith.fptosi %sub3A_484 : vector<16xf32> to vector<16xi32>
      %shift_left3A_486 = arith.constant 16 : i32
      %shift_left3A_487 = vector.broadcast %shift_left3A_486 : i32 to vector<16xi32>
      %shift_left3A_488 = arith.shli %convert_element_type3A_475, %shift_left3A_487 : vector<16xi32>
      %shift_left3A_489 = arith.constant 8 : i32
      %shift_left3A_490 = vector.broadcast %shift_left3A_489 : i32 to vector<16xi32>
      %shift_left3A_491 = arith.shli %convert_element_type3A_480, %shift_left3A_490 : vector<16xi32>
      %or3A_492 = arith.ori %shift_left3A_488, %shift_left3A_491 : vector<16xi32>
      %or3A_493 = arith.ori %or3A_492, %convert_element_type3A_485 : vector<16xi32>
      %shift_right_arithmetic3A_494 = arith.constant 2 : i32
      %shift_right_arithmetic3A_495 = vector.broadcast %shift_right_arithmetic3A_494 : i32 to vector<16xi32>
      %shift_right_arithmetic3A_496 = arith.shrsi %or3A_493, %shift_right_arithmetic3A_495 : vector<16xi32>
      %max3A_497 = arith.constant 0 : i32
      %max3A_498 = vector.broadcast %max3A_497 : i32 to vector<16xi32>
      %max3A_499 = arith.maxsi %shift_right_arithmetic3A_496, %max3A_498 : vector<16xi32>
      %min3A_500 = arith.constant 4194303 : i32
      %min3A_501 = vector.broadcast %min3A_500 : i32 to vector<16xi32>
      %min3A_502 = arith.minsi %max3A_499, %min3A_501 : vector<16xi32>
      %and3A_503 = arith.constant 3 : i32
      %and3A_504 = vector.broadcast %and3A_503 : i32 to vector<16xi32>
      %and3A_505 = arith.andi %or3A_493, %and3A_504 : vector<16xi32>
      %shift_left3A_506 = arith.constant 3 : i32
      %shift_left3A_507 = vector.broadcast %shift_left3A_506 : i32 to vector<16xi32>
      %shift_left3A_508 = arith.shli %and3A_505, %shift_left3A_507 : vector<16xi32>
      %add3A_509 = arith.constant 96 : i32
      %add3A_510 = arith.addi %mul3A_111, %add3A_509 : i32
      %swap3A_511 = arith.index_cast %add3A_510 : i32 to index
      %swap3A_512 = tpu.vector_load %arg8[%swap3A_511] {strides = array<i32>} : memref<16384xi32, #tpu.memory_space<vmem>>, vector<16xi32>,
      tpu.vector_store %arg8[%swap3A_511], %min3A_502 {strides = array<i32>} : memref<16384xi32, #tpu.memory_space<vmem>>, vector<16xi32>,
      %swap3A_513 = arith.index_cast %add3A_510 : i32 to index
      %swap3A_514 = tpu.vector_load %arg9[%swap3A_513] {strides = array<i32>} : memref<16384xi32, #tpu.memory_space<vmem>>, vector<16xi32>,
      tpu.vector_store %arg9[%swap3A_513], %shift_left3A_508 {strides = array<i32>} : memref<16384xi32, #tpu.memory_space<vmem>>, vector<16xi32>,
      %mul3A_515 = arith.constant 384 : i32
      %mul3A_516 = arith.muli %scan3A_109, %mul3A_515 : i32
      %add3A_517 = arith.constant 336 : i32
      %add3A_518 = arith.addi %mul3A_516, %add3A_517 : i32
      %add3A_519 = vector.broadcast %add3A_518 : i32 to vector<16xi32>
      %add3A_520 = arith.addi %mul3A_14, %add3A_519 : vector<16xi32>
      %gather3A_521 = tpu.vector_load_idx %arg7[%add3A_520] : memref<49152xf32, #tpu.memory_space<vmem>>[vector<16xi32>], vector<16xf32>,
      %add3A_522 = arith.constant 1 : i32
      %add3A_523 = vector.broadcast %add3A_522 : i32 to vector<16xi32>
      %add3A_524 = arith.addi %add3A_520, %add3A_523 : vector<16xi32>
      %gather3A_525 = tpu.vector_load_idx %arg7[%add3A_524] : memref<49152xf32, #tpu.memory_space<vmem>>[vector<16xi32>], vector<16xf32>,
      %add3A_526 = arith.constant 2 : i32
      %add3A_527 = vector.broadcast %add3A_526 : i32 to vector<16xi32>
      %add3A_528 = arith.addi %add3A_520, %add3A_527 : vector<16xi32>
      %gather3A_529 = tpu.vector_load_idx %arg7[%add3A_528] : memref<49152xf32, #tpu.memory_space<vmem>>[vector<16xi32>], vector<16xf32>,
      %mul3A_530 = arith.mulf %gather3A_521, %get3A_1 : vector<16xf32>
      %add3A_531 = arith.addf %mul3A_530, %get3A_7 : vector<16xf32>
      %add3A_532 = arith.addf %add3A_531, %broadcast_in_dim3A_15 : vector<16xf32>
      %sub3A_533 = arith.subf %add3A_532, %broadcast_in_dim3A_15 : vector<16xf32>
      %convert_element_type3A_534 = arith.fptosi %sub3A_533 : vector<16xf32> to vector<16xi32>
      %mul3A_535 = arith.mulf %gather3A_525, %get3A_3 : vector<16xf32>
      %add3A_536 = arith.addf %mul3A_535, %get3A_9 : vector<16xf32>
      %add3A_537 = arith.addf %add3A_536, %broadcast_in_dim3A_15 : vector<16xf32>
      %sub3A_538 = arith.subf %add3A_537, %broadcast_in_dim3A_15 : vector<16xf32>
      %convert_element_type3A_539 = arith.fptosi %sub3A_538 : vector<16xf32> to vector<16xi32>
      %mul3A_540 = arith.mulf %gather3A_529, %get3A_5 : vector<16xf32>
      %add3A_541 = arith.addf %mul3A_540, %get3A_11 : vector<16xf32>
      %add3A_542 = arith.addf %add3A_541, %broadcast_in_dim3A_15 : vector<16xf32>
      %sub3A_543 = arith.subf %add3A_542, %broadcast_in_dim3A_15 : vector<16xf32>
      %convert_element_type3A_544 = arith.fptosi %sub3A_543 : vector<16xf32> to vector<16xi32>
      %shift_left3A_545 = arith.constant 16 : i32
      %shift_left3A_546 = vector.broadcast %shift_left3A_545 : i32 to vector<16xi32>
      %shift_left3A_547 = arith.shli %convert_element_type3A_534, %shift_left3A_546 : vector<16xi32>
      %shift_left3A_548 = arith.constant 8 : i32
      %shift_left3A_549 = vector.broadcast %shift_left3A_548 : i32 to vector<16xi32>
      %shift_left3A_550 = arith.shli %convert_element_type3A_539, %shift_left3A_549 : vector<16xi32>
      %or3A_551 = arith.ori %shift_left3A_547, %shift_left3A_550 : vector<16xi32>
      %or3A_552 = arith.ori %or3A_551, %convert_element_type3A_544 : vector<16xi32>
      %shift_right_arithmetic3A_553 = arith.constant 2 : i32
      %shift_right_arithmetic3A_554 = vector.broadcast %shift_right_arithmetic3A_553 : i32 to vector<16xi32>
      %shift_right_arithmetic3A_555 = arith.shrsi %or3A_552, %shift_right_arithmetic3A_554 : vector<16xi32>
      %max3A_556 = arith.constant 0 : i32
      %max3A_557 = vector.broadcast %max3A_556 : i32 to vector<16xi32>
      %max3A_558 = arith.maxsi %shift_right_arithmetic3A_555, %max3A_557 : vector<16xi32>
      %min3A_559 = arith.constant 4194303 : i32
      %min3A_560 = vector.broadcast %min3A_559 : i32 to vector<16xi32>
      %min3A_561 = arith.minsi %max3A_558, %min3A_560 : vector<16xi32>
      %and3A_562 = arith.constant 3 : i32
      %and3A_563 = vector.broadcast %and3A_562 : i32 to vector<16xi32>
      %and3A_564 = arith.andi %or3A_552, %and3A_563 : vector<16xi32>
      %shift_left3A_565 = arith.constant 3 : i32
      %shift_left3A_566 = vector.broadcast %shift_left3A_565 : i32 to vector<16xi32>
      %shift_left3A_567 = arith.shli %and3A_564, %shift_left3A_566 : vector<16xi32>
      %add3A_568 = arith.constant 112 : i32
      %add3A_569 = arith.addi %mul3A_111, %add3A_568 : i32
      %swap3A_570 = arith.index_cast %add3A_569 : i32 to index
      %swap3A_571 = tpu.vector_load %arg8[%swap3A_570] {strides = array<i32>} : memref<16384xi32, #tpu.memory_space<vmem>>, vector<16xi32>,
      tpu.vector_store %arg8[%swap3A_570], %min3A_561 {strides = array<i32>} : memref<16384xi32, #tpu.memory_space<vmem>>, vector<16xi32>,
      %swap3A_572 = arith.index_cast %add3A_569 : i32 to index
      %swap3A_573 = tpu.vector_load %arg9[%swap3A_572] {strides = array<i32>} : memref<16384xi32, #tpu.memory_space<vmem>>, vector<16xi32>,
      tpu.vector_store %arg9[%swap3A_572], %shift_left3A_567 {strides = array<i32>} : memref<16384xi32, #tpu.memory_space<vmem>>, vector<16xi32>,
    }
    %scan3A_50 = arith.constant 128 : i32
    %dma_start3A_51 = arith.constant 0 : i32
    %dma_start3A_52 = tpu.memref_slice %arg3[%dma_start3A_51] : memref<4194304xi32, #tpu.memory_space<hbm>> -> memref<4194304xi32, #tpu.memory_space<hbm>>
    tpu.enqueue_indirect_dma source(%dma_start3A_52 : memref<4194304xi32, #tpu.memory_space<hbm>>) target(%arg10 : memref<16384xi32, #tpu.memory_space<vmem>>) offsets(%arg8 : memref<16384xi32, #tpu.memory_space<vmem>>) semaphore(%arg12 : memref<!tpu.dma_semaphore, #tpu.memory_space<semaphore_mem>>)
    %dma_wait3A_53 = arith.constant 0 : i32
    %dma_wait3A_54 = tpu.memref_slice %arg3[%dma_wait3A_53] : memref<4194304xi32, #tpu.memory_space<hbm>> -> memref<4194304xi32, #tpu.memory_space<hbm>>
    tpu.wait_indirect_dma semaphore(%arg12 : memref<!tpu.dma_semaphore, #tpu.memory_space<semaphore_mem>>) src(%dma_wait3A_54 : memref<4194304xi32, #tpu.memory_space<hbm>>) dst(%arg10 : memref<16384xi32, #tpu.memory_space<vmem>>)
    %scan3A_55 = arith.constant 0 : i32
    %scan3A_56 = arith.constant 0 : i32
    %scan3A_57 = arith.constant 128 : i32
    %scan3A_58 = arith.addi %scan3A_56, %scan3A_57 : i32
    %scan3A_59 = arith.constant 1 : i32
    scf.for %scan3A_109 = %scan3A_56 to %scan3A_58 step %scan3A_59  : i32 {
      %mul3A_110 = arith.constant 128 : i32
      %mul3A_111 = arith.muli %scan3A_109, %mul3A_110 : i32
      %add3A_112 = arith.constant 0 : i32
      %add3A_113 = arith.addi %mul3A_111, %add3A_112 : i32
      %get3A_114 = arith.index_cast %add3A_113 : i32 to index
      %get3A_115 = tpu.vector_load %arg10[%get3A_114] {strides = array<i32>} : memref<16384xi32, #tpu.memory_space<vmem>>, vector<16xi32>,
      %get3A_116 = arith.index_cast %add3A_113 : i32 to index
      %get3A_117 = tpu.vector_load %arg9[%get3A_116] {strides = array<i32>} : memref<16384xi32, #tpu.memory_space<vmem>>, vector<16xi32>,
      %shift_right_logical3A = arith.shrui %get3A_115, %get3A_117 : vector<16xi32>
      %and3A = arith.constant 1 : i32
      %and3A_118 = vector.broadcast %and3A : i32 to vector<16xi32>
      %and3A_119 = arith.andi %shift_right_logical3A, %and3A_118 : vector<16xi32>
      %swap3A = arith.index_cast %add3A_113 : i32 to index
      %swap3A_120 = tpu.vector_load %arg11[%swap3A] {strides = array<i32>} : memref<16384xi32, #tpu.memory_space<vmem>>, vector<16xi32>,
      tpu.vector_store %arg11[%swap3A], %and3A_119 {strides = array<i32>} : memref<16384xi32, #tpu.memory_space<vmem>>, vector<16xi32>,
      %add3A_121 = arith.constant 16 : i32
      %add3A_122 = arith.addi %mul3A_111, %add3A_121 : i32
      %get3A_123 = arith.index_cast %add3A_122 : i32 to index
      %get3A_124 = tpu.vector_load %arg10[%get3A_123] {strides = array<i32>} : memref<16384xi32, #tpu.memory_space<vmem>>, vector<16xi32>,
      %get3A_125 = arith.index_cast %add3A_122 : i32 to index
      %get3A_126 = tpu.vector_load %arg9[%get3A_125] {strides = array<i32>} : memref<16384xi32, #tpu.memory_space<vmem>>, vector<16xi32>,
      %shift_right_logical3A_127 = arith.shrui %get3A_124, %get3A_126 : vector<16xi32>
      %and3A_128 = arith.constant 1 : i32
      %and3A_129 = vector.broadcast %and3A_128 : i32 to vector<16xi32>
      %and3A_130 = arith.andi %shift_right_logical3A_127, %and3A_129 : vector<16xi32>
      %swap3A_131 = arith.index_cast %add3A_122 : i32 to index
      %swap3A_132 = tpu.vector_load %arg11[%swap3A_131] {strides = array<i32>} : memref<16384xi32, #tpu.memory_space<vmem>>, vector<16xi32>,
      tpu.vector_store %arg11[%swap3A_131], %and3A_130 {strides = array<i32>} : memref<16384xi32, #tpu.memory_space<vmem>>, vector<16xi32>,
      %add3A_133 = arith.constant 32 : i32
      %add3A_134 = arith.addi %mul3A_111, %add3A_133 : i32
      %get3A_135 = arith.index_cast %add3A_134 : i32 to index
      %get3A_136 = tpu.vector_load %arg10[%get3A_135] {strides = array<i32>} : memref<16384xi32, #tpu.memory_space<vmem>>, vector<16xi32>,
      %get3A_137 = arith.index_cast %add3A_134 : i32 to index
      %get3A_138 = tpu.vector_load %arg9[%get3A_137] {strides = array<i32>} : memref<16384xi32, #tpu.memory_space<vmem>>, vector<16xi32>,
      %shift_right_logical3A_139 = arith.shrui %get3A_136, %get3A_138 : vector<16xi32>
      %and3A_140 = arith.constant 1 : i32
      %and3A_141 = vector.broadcast %and3A_140 : i32 to vector<16xi32>
      %and3A_142 = arith.andi %shift_right_logical3A_139, %and3A_141 : vector<16xi32>
      %swap3A_143 = arith.index_cast %add3A_134 : i32 to index
      %swap3A_144 = tpu.vector_load %arg11[%swap3A_143] {strides = array<i32>} : memref<16384xi32, #tpu.memory_space<vmem>>, vector<16xi32>,
      tpu.vector_store %arg11[%swap3A_143], %and3A_142 {strides = array<i32>} : memref<16384xi32, #tpu.memory_space<vmem>>, vector<16xi32>,
      %add3A_145 = arith.constant 48 : i32
      %add3A_146 = arith.addi %mul3A_111, %add3A_145 : i32
      %get3A_147 = arith.index_cast %add3A_146 : i32 to index
      %get3A_148 = tpu.vector_load %arg10[%get3A_147] {strides = array<i32>} : memref<16384xi32, #tpu.memory_space<vmem>>, vector<16xi32>,
      %get3A_149 = arith.index_cast %add3A_146 : i32 to index
      %get3A_150 = tpu.vector_load %arg9[%get3A_149] {strides = array<i32>} : memref<16384xi32, #tpu.memory_space<vmem>>, vector<16xi32>,
      %shift_right_logical3A_151 = arith.shrui %get3A_148, %get3A_150 : vector<16xi32>
      %and3A_152 = arith.constant 1 : i32
      %and3A_153 = vector.broadcast %and3A_152 : i32 to vector<16xi32>
      %and3A_154 = arith.andi %shift_right_logical3A_151, %and3A_153 : vector<16xi32>
      %swap3A_155 = arith.index_cast %add3A_146 : i32 to index
      %swap3A_156 = tpu.vector_load %arg11[%swap3A_155] {strides = array<i32>} : memref<16384xi32, #tpu.memory_space<vmem>>, vector<16xi32>,
      tpu.vector_store %arg11[%swap3A_155], %and3A_154 {strides = array<i32>} : memref<16384xi32, #tpu.memory_space<vmem>>, vector<16xi32>,
      %add3A_157 = arith.constant 64 : i32
      %add3A_158 = arith.addi %mul3A_111, %add3A_157 : i32
      %get3A_159 = arith.index_cast %add3A_158 : i32 to index
      %get3A_160 = tpu.vector_load %arg10[%get3A_159] {strides = array<i32>} : memref<16384xi32, #tpu.memory_space<vmem>>, vector<16xi32>,
      %get3A_161 = arith.index_cast %add3A_158 : i32 to index
      %get3A_162 = tpu.vector_load %arg9[%get3A_161] {strides = array<i32>} : memref<16384xi32, #tpu.memory_space<vmem>>, vector<16xi32>,
      %shift_right_logical3A_163 = arith.shrui %get3A_160, %get3A_162 : vector<16xi32>
      %and3A_164 = arith.constant 1 : i32
      %and3A_165 = vector.broadcast %and3A_164 : i32 to vector<16xi32>
      %and3A_166 = arith.andi %shift_right_logical3A_163, %and3A_165 : vector<16xi32>
      %swap3A_167 = arith.index_cast %add3A_158 : i32 to index
      %swap3A_168 = tpu.vector_load %arg11[%swap3A_167] {strides = array<i32>} : memref<16384xi32, #tpu.memory_space<vmem>>, vector<16xi32>,
      tpu.vector_store %arg11[%swap3A_167], %and3A_166 {strides = array<i32>} : memref<16384xi32, #tpu.memory_space<vmem>>, vector<16xi32>,
      %add3A_169 = arith.constant 80 : i32
      %add3A_170 = arith.addi %mul3A_111, %add3A_169 : i32
      %get3A_171 = arith.index_cast %add3A_170 : i32 to index
      %get3A_172 = tpu.vector_load %arg10[%get3A_171] {strides = array<i32>} : memref<16384xi32, #tpu.memory_space<vmem>>, vector<16xi32>,
      %get3A_173 = arith.index_cast %add3A_170 : i32 to index
      %get3A_174 = tpu.vector_load %arg9[%get3A_173] {strides = array<i32>} : memref<16384xi32, #tpu.memory_space<vmem>>, vector<16xi32>,
      %shift_right_logical3A_175 = arith.shrui %get3A_172, %get3A_174 : vector<16xi32>
      %and3A_176 = arith.constant 1 : i32
      %and3A_177 = vector.broadcast %and3A_176 : i32 to vector<16xi32>
      %and3A_178 = arith.andi %shift_right_logical3A_175, %and3A_177 : vector<16xi32>
      %swap3A_179 = arith.index_cast %add3A_170 : i32 to index
      %swap3A_180 = tpu.vector_load %arg11[%swap3A_179] {strides = array<i32>} : memref<16384xi32, #tpu.memory_space<vmem>>, vector<16xi32>,
      tpu.vector_store %arg11[%swap3A_179], %and3A_178 {strides = array<i32>} : memref<16384xi32, #tpu.memory_space<vmem>>, vector<16xi32>,
      %add3A_181 = arith.constant 96 : i32
      %add3A_182 = arith.addi %mul3A_111, %add3A_181 : i32
      %get3A_183 = arith.index_cast %add3A_182 : i32 to index
      %get3A_184 = tpu.vector_load %arg10[%get3A_183] {strides = array<i32>} : memref<16384xi32, #tpu.memory_space<vmem>>, vector<16xi32>,
      %get3A_185 = arith.index_cast %add3A_182 : i32 to index
      %get3A_186 = tpu.vector_load %arg9[%get3A_185] {strides = array<i32>} : memref<16384xi32, #tpu.memory_space<vmem>>, vector<16xi32>,
      %shift_right_logical3A_187 = arith.shrui %get3A_184, %get3A_186 : vector<16xi32>
      %and3A_188 = arith.constant 1 : i32
      %and3A_189 = vector.broadcast %and3A_188 : i32 to vector<16xi32>
      %and3A_190 = arith.andi %shift_right_logical3A_187, %and3A_189 : vector<16xi32>
      %swap3A_191 = arith.index_cast %add3A_182 : i32 to index
      %swap3A_192 = tpu.vector_load %arg11[%swap3A_191] {strides = array<i32>} : memref<16384xi32, #tpu.memory_space<vmem>>, vector<16xi32>,
      tpu.vector_store %arg11[%swap3A_191], %and3A_190 {strides = array<i32>} : memref<16384xi32, #tpu.memory_space<vmem>>, vector<16xi32>,
      %add3A_193 = arith.constant 112 : i32
      %add3A_194 = arith.addi %mul3A_111, %add3A_193 : i32
      %get3A_195 = arith.index_cast %add3A_194 : i32 to index
      %get3A_196 = tpu.vector_load %arg10[%get3A_195] {strides = array<i32>} : memref<16384xi32, #tpu.memory_space<vmem>>, vector<16xi32>,
      %get3A_197 = arith.index_cast %add3A_194 : i32 to index
      %get3A_198 = tpu.vector_load %arg9[%get3A_197] {strides = array<i32>} : memref<16384xi32, #tpu.memory_space<vmem>>, vector<16xi32>,
      %shift_right_logical3A_199 = arith.shrui %get3A_196, %get3A_198 : vector<16xi32>
      %and3A_200 = arith.constant 1 : i32
      %and3A_201 = vector.broadcast %and3A_200 : i32 to vector<16xi32>
      %and3A_202 = arith.andi %shift_right_logical3A_199, %and3A_201 : vector<16xi32>
      %swap3A_203 = arith.index_cast %add3A_194 : i32 to index
      %swap3A_204 = tpu.vector_load %arg11[%swap3A_203] {strides = array<i32>} : memref<16384xi32, #tpu.memory_space<vmem>>, vector<16xi32>,
      tpu.vector_store %arg11[%swap3A_203], %and3A_202 {strides = array<i32>} : memref<16384xi32, #tpu.memory_space<vmem>>, vector<16xi32>,
    }
    %scan3A_60 = arith.constant 128 : i32
    "tpu.region"() ({
      %run_scoped3A = tpu.sem_alloc : memref<!tpu.dma_semaphore, #tpu.memory_space<semaphore_mem>>
      %dma_start3A_109 = tpu.memref_slice %arg5[%mul3A_42] : memref<2097152xi32, #tpu.memory_space<hbm>> -> memref<16384xi32, #tpu.memory_space<hbm>>
      %dma_start3A_110 = tpu.memref_slice %arg5[%mul3A_42] : memref<2097152xi32, #tpu.memory_space<hbm>> -> memref<16384xi32, #tpu.memory_space<hbm>>
      tpu.enqueue_dma source(%arg11 : memref<16384xi32, #tpu.memory_space<vmem>>) target(%dma_start3A_110 : memref<16384xi32, #tpu.memory_space<hbm>>) target_semaphore(%run_scoped3A : memref<!tpu.dma_semaphore, #tpu.memory_space<semaphore_mem>>)
      %dma_wait3A_111 = tpu.memref_slice %arg5[%mul3A_42] : memref<2097152xi32, #tpu.memory_space<hbm>> -> memref<16384xi32, #tpu.memory_space<hbm>>
      %dma_wait3A_112 = tpu.memref_slice %arg5[%mul3A_42] : memref<2097152xi32, #tpu.memory_space<hbm>> -> memref<16384xi32, #tpu.memory_space<hbm>>
      tpu.wait_dma2 semaphore(%run_scoped3A : memref<!tpu.dma_semaphore, #tpu.memory_space<semaphore_mem>>) src(%arg11 : memref<16384xi32, #tpu.memory_space<vmem>>) dst(%dma_wait3A_112 : memref<16384xi32, #tpu.memory_space<hbm>>)
      tpu.yield
    }) : () -> ()
    %mul3A_61 = arith.constant 4 : i32
    %mul3A_62 = arith.muli %add3A, %mul3A_61 : i32
    %add3A_63 = arith.constant 2 : i32
    %add3A_64 = arith.addi %mul3A_62, %add3A_63 : i32
    %mul3A_65 = arith.constant 16384 : i32
    %mul3A_66 = arith.muli %add3A_64, %mul3A_65 : i32
    %mul3A_67 = arith.constant 3 : i32
    %mul3A_68 = arith.muli %mul3A_66, %mul3A_67 : i32
    "tpu.region"() ({
      %run_scoped3A = tpu.sem_alloc : memref<!tpu.dma_semaphore, #tpu.memory_space<semaphore_mem>>
      %dma_start3A_109 = tpu.memref_slice %arg2[%mul3A_68] : memref<6291456xf32, #tpu.memory_space<hbm>> -> memref<49152xf32, #tpu.memory_space<hbm>>
      %dma_start3A_110 = tpu.memref_slice %arg2[%mul3A_68] : memref<6291456xf32, #tpu.memory_space<hbm>> -> memref<49152xf32, #tpu.memory_space<hbm>>
      tpu.enqueue_dma source(%dma_start3A_110 : memref<49152xf32, #tpu.memory_space<hbm>>) target(%arg7 : memref<49152xf32, #tpu.memory_space<vmem>>) target_semaphore(%run_scoped3A : memref<!tpu.dma_semaphore, #tpu.memory_space<semaphore_mem>>)
      %dma_wait3A_111 = tpu.memref_slice %arg2[%mul3A_68] : memref<6291456xf32, #tpu.memory_space<hbm>> -> memref<49152xf32, #tpu.memory_space<hbm>>
      %dma_wait3A_112 = tpu.memref_slice %arg2[%mul3A_68] : memref<6291456xf32, #tpu.memory_space<hbm>> -> memref<49152xf32, #tpu.memory_space<hbm>>
      tpu.wait_dma2 semaphore(%run_scoped3A : memref<!tpu.dma_semaphore, #tpu.memory_space<semaphore_mem>>) src(%dma_wait3A_112 : memref<49152xf32, #tpu.memory_space<hbm>>) dst(%arg7 : memref<49152xf32, #tpu.memory_space<vmem>>)
      tpu.yield
    }) : () -> ()
    %scan3A_69 = arith.constant 0 : i32
    %scan3A_70 = arith.constant 0 : i32
    %scan3A_71 = arith.constant 128 : i32
    %scan3A_72 = arith.addi %scan3A_70, %scan3A_71 : i32
    %scan3A_73 = arith.constant 1 : i32
    scf.for %scan3A_109 = %scan3A_70 to %scan3A_72 step %scan3A_73  : i32 {
      %mul3A_110 = arith.constant 128 : i32
      %mul3A_111 = arith.muli %scan3A_109, %mul3A_110 : i32
      %mul3A_112 = arith.constant 384 : i32
      %mul3A_113 = arith.muli %scan3A_109, %mul3A_112 : i32
      %add3A_114 = arith.constant 0 : i32
      %add3A_115 = arith.addi %mul3A_113, %add3A_114 : i32
      %add3A_116 = vector.broadcast %add3A_115 : i32 to vector<16xi32>
      %add3A_117 = arith.addi %mul3A_14, %add3A_116 : vector<16xi32>
      %gather3A = tpu.vector_load_idx %arg7[%add3A_117] : memref<49152xf32, #tpu.memory_space<vmem>>[vector<16xi32>], vector<16xf32>,
      %add3A_118 = arith.constant 1 : i32
      %add3A_119 = vector.broadcast %add3A_118 : i32 to vector<16xi32>
      %add3A_120 = arith.addi %add3A_117, %add3A_119 : vector<16xi32>
      %gather3A_121 = tpu.vector_load_idx %arg7[%add3A_120] : memref<49152xf32, #tpu.memory_space<vmem>>[vector<16xi32>], vector<16xf32>,
      %add3A_122 = arith.constant 2 : i32
      %add3A_123 = vector.broadcast %add3A_122 : i32 to vector<16xi32>
      %add3A_124 = arith.addi %add3A_117, %add3A_123 : vector<16xi32>
      %gather3A_125 = tpu.vector_load_idx %arg7[%add3A_124] : memref<49152xf32, #tpu.memory_space<vmem>>[vector<16xi32>], vector<16xf32>,
      %mul3A_126 = arith.mulf %gather3A, %get3A_1 : vector<16xf32>
      %add3A_127 = arith.addf %mul3A_126, %get3A_7 : vector<16xf32>
      %add3A_128 = arith.addf %add3A_127, %broadcast_in_dim3A_15 : vector<16xf32>
      %sub3A = arith.subf %add3A_128, %broadcast_in_dim3A_15 : vector<16xf32>
      %convert_element_type3A = arith.fptosi %sub3A : vector<16xf32> to vector<16xi32>
      %mul3A_129 = arith.mulf %gather3A_121, %get3A_3 : vector<16xf32>
      %add3A_130 = arith.addf %mul3A_129, %get3A_9 : vector<16xf32>
      %add3A_131 = arith.addf %add3A_130, %broadcast_in_dim3A_15 : vector<16xf32>
      %sub3A_132 = arith.subf %add3A_131, %broadcast_in_dim3A_15 : vector<16xf32>
      %convert_element_type3A_133 = arith.fptosi %sub3A_132 : vector<16xf32> to vector<16xi32>
      %mul3A_134 = arith.mulf %gather3A_125, %get3A_5 : vector<16xf32>
      %add3A_135 = arith.addf %mul3A_134, %get3A_11 : vector<16xf32>
      %add3A_136 = arith.addf %add3A_135, %broadcast_in_dim3A_15 : vector<16xf32>
      %sub3A_137 = arith.subf %add3A_136, %broadcast_in_dim3A_15 : vector<16xf32>
      %convert_element_type3A_138 = arith.fptosi %sub3A_137 : vector<16xf32> to vector<16xi32>
      %shift_left3A = arith.constant 16 : i32
      %shift_left3A_139 = vector.broadcast %shift_left3A : i32 to vector<16xi32>
      %shift_left3A_140 = arith.shli %convert_element_type3A, %shift_left3A_139 : vector<16xi32>
      %shift_left3A_141 = arith.constant 8 : i32
      %shift_left3A_142 = vector.broadcast %shift_left3A_141 : i32 to vector<16xi32>
      %shift_left3A_143 = arith.shli %convert_element_type3A_133, %shift_left3A_142 : vector<16xi32>
      %or3A = arith.ori %shift_left3A_140, %shift_left3A_143 : vector<16xi32>
      %or3A_144 = arith.ori %or3A, %convert_element_type3A_138 : vector<16xi32>
      %shift_right_arithmetic3A = arith.constant 2 : i32
      %shift_right_arithmetic3A_145 = vector.broadcast %shift_right_arithmetic3A : i32 to vector<16xi32>
      %shift_right_arithmetic3A_146 = arith.shrsi %or3A_144, %shift_right_arithmetic3A_145 : vector<16xi32>
      %max3A = arith.constant 0 : i32
      %max3A_147 = vector.broadcast %max3A : i32 to vector<16xi32>
      %max3A_148 = arith.maxsi %shift_right_arithmetic3A_146, %max3A_147 : vector<16xi32>
      %min3A = arith.constant 4194303 : i32
      %min3A_149 = vector.broadcast %min3A : i32 to vector<16xi32>
      %min3A_150 = arith.minsi %max3A_148, %min3A_149 : vector<16xi32>
      %and3A = arith.constant 3 : i32
      %and3A_151 = vector.broadcast %and3A : i32 to vector<16xi32>
      %and3A_152 = arith.andi %or3A_144, %and3A_151 : vector<16xi32>
      %shift_left3A_153 = arith.constant 3 : i32
      %shift_left3A_154 = vector.broadcast %shift_left3A_153 : i32 to vector<16xi32>
      %shift_left3A_155 = arith.shli %and3A_152, %shift_left3A_154 : vector<16xi32>
      %add3A_156 = arith.constant 0 : i32
      %add3A_157 = arith.addi %mul3A_111, %add3A_156 : i32
      %swap3A = arith.index_cast %add3A_157 : i32 to index
      %swap3A_158 = tpu.vector_load %arg8[%swap3A] {strides = array<i32>} : memref<16384xi32, #tpu.memory_space<vmem>>, vector<16xi32>,
      tpu.vector_store %arg8[%swap3A], %min3A_150 {strides = array<i32>} : memref<16384xi32, #tpu.memory_space<vmem>>, vector<16xi32>,
      %swap3A_159 = arith.index_cast %add3A_157 : i32 to index
      %swap3A_160 = tpu.vector_load %arg9[%swap3A_159] {strides = array<i32>} : memref<16384xi32, #tpu.memory_space<vmem>>, vector<16xi32>,
      tpu.vector_store %arg9[%swap3A_159], %shift_left3A_155 {strides = array<i32>} : memref<16384xi32, #tpu.memory_space<vmem>>, vector<16xi32>,
      %mul3A_161 = arith.constant 384 : i32
      %mul3A_162 = arith.muli %scan3A_109, %mul3A_161 : i32
      %add3A_163 = arith.constant 48 : i32
      %add3A_164 = arith.addi %mul3A_162, %add3A_163 : i32
      %add3A_165 = vector.broadcast %add3A_164 : i32 to vector<16xi32>
      %add3A_166 = arith.addi %mul3A_14, %add3A_165 : vector<16xi32>
      %gather3A_167 = tpu.vector_load_idx %arg7[%add3A_166] : memref<49152xf32, #tpu.memory_space<vmem>>[vector<16xi32>], vector<16xf32>,
      %add3A_168 = arith.constant 1 : i32
      %add3A_169 = vector.broadcast %add3A_168 : i32 to vector<16xi32>
      %add3A_170 = arith.addi %add3A_166, %add3A_169 : vector<16xi32>
      %gather3A_171 = tpu.vector_load_idx %arg7[%add3A_170] : memref<49152xf32, #tpu.memory_space<vmem>>[vector<16xi32>], vector<16xf32>,
      %add3A_172 = arith.constant 2 : i32
      %add3A_173 = vector.broadcast %add3A_172 : i32 to vector<16xi32>
      %add3A_174 = arith.addi %add3A_166, %add3A_173 : vector<16xi32>
      %gather3A_175 = tpu.vector_load_idx %arg7[%add3A_174] : memref<49152xf32, #tpu.memory_space<vmem>>[vector<16xi32>], vector<16xf32>,
      %mul3A_176 = arith.mulf %gather3A_167, %get3A_1 : vector<16xf32>
      %add3A_177 = arith.addf %mul3A_176, %get3A_7 : vector<16xf32>
      %add3A_178 = arith.addf %add3A_177, %broadcast_in_dim3A_15 : vector<16xf32>
      %sub3A_179 = arith.subf %add3A_178, %broadcast_in_dim3A_15 : vector<16xf32>
      %convert_element_type3A_180 = arith.fptosi %sub3A_179 : vector<16xf32> to vector<16xi32>
      %mul3A_181 = arith.mulf %gather3A_171, %get3A_3 : vector<16xf32>
      %add3A_182 = arith.addf %mul3A_181, %get3A_9 : vector<16xf32>
      %add3A_183 = arith.addf %add3A_182, %broadcast_in_dim3A_15 : vector<16xf32>
      %sub3A_184 = arith.subf %add3A_183, %broadcast_in_dim3A_15 : vector<16xf32>
      %convert_element_type3A_185 = arith.fptosi %sub3A_184 : vector<16xf32> to vector<16xi32>
      %mul3A_186 = arith.mulf %gather3A_175, %get3A_5 : vector<16xf32>
      %add3A_187 = arith.addf %mul3A_186, %get3A_11 : vector<16xf32>
      %add3A_188 = arith.addf %add3A_187, %broadcast_in_dim3A_15 : vector<16xf32>
      %sub3A_189 = arith.subf %add3A_188, %broadcast_in_dim3A_15 : vector<16xf32>
      %convert_element_type3A_190 = arith.fptosi %sub3A_189 : vector<16xf32> to vector<16xi32>
      %shift_left3A_191 = arith.constant 16 : i32
      %shift_left3A_192 = vector.broadcast %shift_left3A_191 : i32 to vector<16xi32>
      %shift_left3A_193 = arith.shli %convert_element_type3A_180, %shift_left3A_192 : vector<16xi32>
      %shift_left3A_194 = arith.constant 8 : i32
      %shift_left3A_195 = vector.broadcast %shift_left3A_194 : i32 to vector<16xi32>
      %shift_left3A_196 = arith.shli %convert_element_type3A_185, %shift_left3A_195 : vector<16xi32>
      %or3A_197 = arith.ori %shift_left3A_193, %shift_left3A_196 : vector<16xi32>
      %or3A_198 = arith.ori %or3A_197, %convert_element_type3A_190 : vector<16xi32>
      %shift_right_arithmetic3A_199 = arith.constant 2 : i32
      %shift_right_arithmetic3A_200 = vector.broadcast %shift_right_arithmetic3A_199 : i32 to vector<16xi32>
      %shift_right_arithmetic3A_201 = arith.shrsi %or3A_198, %shift_right_arithmetic3A_200 : vector<16xi32>
      %max3A_202 = arith.constant 0 : i32
      %max3A_203 = vector.broadcast %max3A_202 : i32 to vector<16xi32>
      %max3A_204 = arith.maxsi %shift_right_arithmetic3A_201, %max3A_203 : vector<16xi32>
      %min3A_205 = arith.constant 4194303 : i32
      %min3A_206 = vector.broadcast %min3A_205 : i32 to vector<16xi32>
      %min3A_207 = arith.minsi %max3A_204, %min3A_206 : vector<16xi32>
      %and3A_208 = arith.constant 3 : i32
      %and3A_209 = vector.broadcast %and3A_208 : i32 to vector<16xi32>
      %and3A_210 = arith.andi %or3A_198, %and3A_209 : vector<16xi32>
      %shift_left3A_211 = arith.constant 3 : i32
      %shift_left3A_212 = vector.broadcast %shift_left3A_211 : i32 to vector<16xi32>
      %shift_left3A_213 = arith.shli %and3A_210, %shift_left3A_212 : vector<16xi32>
      %add3A_214 = arith.constant 16 : i32
      %add3A_215 = arith.addi %mul3A_111, %add3A_214 : i32
      %swap3A_216 = arith.index_cast %add3A_215 : i32 to index
      %swap3A_217 = tpu.vector_load %arg8[%swap3A_216] {strides = array<i32>} : memref<16384xi32, #tpu.memory_space<vmem>>, vector<16xi32>,
      tpu.vector_store %arg8[%swap3A_216], %min3A_207 {strides = array<i32>} : memref<16384xi32, #tpu.memory_space<vmem>>, vector<16xi32>,
      %swap3A_218 = arith.index_cast %add3A_215 : i32 to index
      %swap3A_219 = tpu.vector_load %arg9[%swap3A_218] {strides = array<i32>} : memref<16384xi32, #tpu.memory_space<vmem>>, vector<16xi32>,
      tpu.vector_store %arg9[%swap3A_218], %shift_left3A_213 {strides = array<i32>} : memref<16384xi32, #tpu.memory_space<vmem>>, vector<16xi32>,
      %mul3A_220 = arith.constant 384 : i32
      %mul3A_221 = arith.muli %scan3A_109, %mul3A_220 : i32
      %add3A_222 = arith.constant 96 : i32
      %add3A_223 = arith.addi %mul3A_221, %add3A_222 : i32
      %add3A_224 = vector.broadcast %add3A_223 : i32 to vector<16xi32>
      %add3A_225 = arith.addi %mul3A_14, %add3A_224 : vector<16xi32>
      %gather3A_226 = tpu.vector_load_idx %arg7[%add3A_225] : memref<49152xf32, #tpu.memory_space<vmem>>[vector<16xi32>], vector<16xf32>,
      %add3A_227 = arith.constant 1 : i32
      %add3A_228 = vector.broadcast %add3A_227 : i32 to vector<16xi32>
      %add3A_229 = arith.addi %add3A_225, %add3A_228 : vector<16xi32>
      %gather3A_230 = tpu.vector_load_idx %arg7[%add3A_229] : memref<49152xf32, #tpu.memory_space<vmem>>[vector<16xi32>], vector<16xf32>,
      %add3A_231 = arith.constant 2 : i32
      %add3A_232 = vector.broadcast %add3A_231 : i32 to vector<16xi32>
      %add3A_233 = arith.addi %add3A_225, %add3A_232 : vector<16xi32>
      %gather3A_234 = tpu.vector_load_idx %arg7[%add3A_233] : memref<49152xf32, #tpu.memory_space<vmem>>[vector<16xi32>], vector<16xf32>,
      %mul3A_235 = arith.mulf %gather3A_226, %get3A_1 : vector<16xf32>
      %add3A_236 = arith.addf %mul3A_235, %get3A_7 : vector<16xf32>
      %add3A_237 = arith.addf %add3A_236, %broadcast_in_dim3A_15 : vector<16xf32>
      %sub3A_238 = arith.subf %add3A_237, %broadcast_in_dim3A_15 : vector<16xf32>
      %convert_element_type3A_239 = arith.fptosi %sub3A_238 : vector<16xf32> to vector<16xi32>
      %mul3A_240 = arith.mulf %gather3A_230, %get3A_3 : vector<16xf32>
      %add3A_241 = arith.addf %mul3A_240, %get3A_9 : vector<16xf32>
      %add3A_242 = arith.addf %add3A_241, %broadcast_in_dim3A_15 : vector<16xf32>
      %sub3A_243 = arith.subf %add3A_242, %broadcast_in_dim3A_15 : vector<16xf32>
      %convert_element_type3A_244 = arith.fptosi %sub3A_243 : vector<16xf32> to vector<16xi32>
      %mul3A_245 = arith.mulf %gather3A_234, %get3A_5 : vector<16xf32>
      %add3A_246 = arith.addf %mul3A_245, %get3A_11 : vector<16xf32>
      %add3A_247 = arith.addf %add3A_246, %broadcast_in_dim3A_15 : vector<16xf32>
      %sub3A_248 = arith.subf %add3A_247, %broadcast_in_dim3A_15 : vector<16xf32>
      %convert_element_type3A_249 = arith.fptosi %sub3A_248 : vector<16xf32> to vector<16xi32>
      %shift_left3A_250 = arith.constant 16 : i32
      %shift_left3A_251 = vector.broadcast %shift_left3A_250 : i32 to vector<16xi32>
      %shift_left3A_252 = arith.shli %convert_element_type3A_239, %shift_left3A_251 : vector<16xi32>
      %shift_left3A_253 = arith.constant 8 : i32
      %shift_left3A_254 = vector.broadcast %shift_left3A_253 : i32 to vector<16xi32>
      %shift_left3A_255 = arith.shli %convert_element_type3A_244, %shift_left3A_254 : vector<16xi32>
      %or3A_256 = arith.ori %shift_left3A_252, %shift_left3A_255 : vector<16xi32>
      %or3A_257 = arith.ori %or3A_256, %convert_element_type3A_249 : vector<16xi32>
      %shift_right_arithmetic3A_258 = arith.constant 2 : i32
      %shift_right_arithmetic3A_259 = vector.broadcast %shift_right_arithmetic3A_258 : i32 to vector<16xi32>
      %shift_right_arithmetic3A_260 = arith.shrsi %or3A_257, %shift_right_arithmetic3A_259 : vector<16xi32>
      %max3A_261 = arith.constant 0 : i32
      %max3A_262 = vector.broadcast %max3A_261 : i32 to vector<16xi32>
      %max3A_263 = arith.maxsi %shift_right_arithmetic3A_260, %max3A_262 : vector<16xi32>
      %min3A_264 = arith.constant 4194303 : i32
      %min3A_265 = vector.broadcast %min3A_264 : i32 to vector<16xi32>
      %min3A_266 = arith.minsi %max3A_263, %min3A_265 : vector<16xi32>
      %and3A_267 = arith.constant 3 : i32
      %and3A_268 = vector.broadcast %and3A_267 : i32 to vector<16xi32>
      %and3A_269 = arith.andi %or3A_257, %and3A_268 : vector<16xi32>
      %shift_left3A_270 = arith.constant 3 : i32
      %shift_left3A_271 = vector.broadcast %shift_left3A_270 : i32 to vector<16xi32>
      %shift_left3A_272 = arith.shli %and3A_269, %shift_left3A_271 : vector<16xi32>
      %add3A_273 = arith.constant 32 : i32
      %add3A_274 = arith.addi %mul3A_111, %add3A_273 : i32
      %swap3A_275 = arith.index_cast %add3A_274 : i32 to index
      %swap3A_276 = tpu.vector_load %arg8[%swap3A_275] {strides = array<i32>} : memref<16384xi32, #tpu.memory_space<vmem>>, vector<16xi32>,
      tpu.vector_store %arg8[%swap3A_275], %min3A_266 {strides = array<i32>} : memref<16384xi32, #tpu.memory_space<vmem>>, vector<16xi32>,
      %swap3A_277 = arith.index_cast %add3A_274 : i32 to index
      %swap3A_278 = tpu.vector_load %arg9[%swap3A_277] {strides = array<i32>} : memref<16384xi32, #tpu.memory_space<vmem>>, vector<16xi32>,
      tpu.vector_store %arg9[%swap3A_277], %shift_left3A_272 {strides = array<i32>} : memref<16384xi32, #tpu.memory_space<vmem>>, vector<16xi32>,
      %mul3A_279 = arith.constant 384 : i32
      %mul3A_280 = arith.muli %scan3A_109, %mul3A_279 : i32
      %add3A_281 = arith.constant 144 : i32
      %add3A_282 = arith.addi %mul3A_280, %add3A_281 : i32
      %add3A_283 = vector.broadcast %add3A_282 : i32 to vector<16xi32>
      %add3A_284 = arith.addi %mul3A_14, %add3A_283 : vector<16xi32>
      %gather3A_285 = tpu.vector_load_idx %arg7[%add3A_284] : memref<49152xf32, #tpu.memory_space<vmem>>[vector<16xi32>], vector<16xf32>,
      %add3A_286 = arith.constant 1 : i32
      %add3A_287 = vector.broadcast %add3A_286 : i32 to vector<16xi32>
      %add3A_288 = arith.addi %add3A_284, %add3A_287 : vector<16xi32>
      %gather3A_289 = tpu.vector_load_idx %arg7[%add3A_288] : memref<49152xf32, #tpu.memory_space<vmem>>[vector<16xi32>], vector<16xf32>,
      %add3A_290 = arith.constant 2 : i32
      %add3A_291 = vector.broadcast %add3A_290 : i32 to vector<16xi32>
      %add3A_292 = arith.addi %add3A_284, %add3A_291 : vector<16xi32>
      %gather3A_293 = tpu.vector_load_idx %arg7[%add3A_292] : memref<49152xf32, #tpu.memory_space<vmem>>[vector<16xi32>], vector<16xf32>,
      %mul3A_294 = arith.mulf %gather3A_285, %get3A_1 : vector<16xf32>
      %add3A_295 = arith.addf %mul3A_294, %get3A_7 : vector<16xf32>
      %add3A_296 = arith.addf %add3A_295, %broadcast_in_dim3A_15 : vector<16xf32>
      %sub3A_297 = arith.subf %add3A_296, %broadcast_in_dim3A_15 : vector<16xf32>
      %convert_element_type3A_298 = arith.fptosi %sub3A_297 : vector<16xf32> to vector<16xi32>
      %mul3A_299 = arith.mulf %gather3A_289, %get3A_3 : vector<16xf32>
      %add3A_300 = arith.addf %mul3A_299, %get3A_9 : vector<16xf32>
      %add3A_301 = arith.addf %add3A_300, %broadcast_in_dim3A_15 : vector<16xf32>
      %sub3A_302 = arith.subf %add3A_301, %broadcast_in_dim3A_15 : vector<16xf32>
      %convert_element_type3A_303 = arith.fptosi %sub3A_302 : vector<16xf32> to vector<16xi32>
      %mul3A_304 = arith.mulf %gather3A_293, %get3A_5 : vector<16xf32>
      %add3A_305 = arith.addf %mul3A_304, %get3A_11 : vector<16xf32>
      %add3A_306 = arith.addf %add3A_305, %broadcast_in_dim3A_15 : vector<16xf32>
      %sub3A_307 = arith.subf %add3A_306, %broadcast_in_dim3A_15 : vector<16xf32>
      %convert_element_type3A_308 = arith.fptosi %sub3A_307 : vector<16xf32> to vector<16xi32>
      %shift_left3A_309 = arith.constant 16 : i32
      %shift_left3A_310 = vector.broadcast %shift_left3A_309 : i32 to vector<16xi32>
      %shift_left3A_311 = arith.shli %convert_element_type3A_298, %shift_left3A_310 : vector<16xi32>
      %shift_left3A_312 = arith.constant 8 : i32
      %shift_left3A_313 = vector.broadcast %shift_left3A_312 : i32 to vector<16xi32>
      %shift_left3A_314 = arith.shli %convert_element_type3A_303, %shift_left3A_313 : vector<16xi32>
      %or3A_315 = arith.ori %shift_left3A_311, %shift_left3A_314 : vector<16xi32>
      %or3A_316 = arith.ori %or3A_315, %convert_element_type3A_308 : vector<16xi32>
      %shift_right_arithmetic3A_317 = arith.constant 2 : i32
      %shift_right_arithmetic3A_318 = vector.broadcast %shift_right_arithmetic3A_317 : i32 to vector<16xi32>
      %shift_right_arithmetic3A_319 = arith.shrsi %or3A_316, %shift_right_arithmetic3A_318 : vector<16xi32>
      %max3A_320 = arith.constant 0 : i32
      %max3A_321 = vector.broadcast %max3A_320 : i32 to vector<16xi32>
      %max3A_322 = arith.maxsi %shift_right_arithmetic3A_319, %max3A_321 : vector<16xi32>
      %min3A_323 = arith.constant 4194303 : i32
      %min3A_324 = vector.broadcast %min3A_323 : i32 to vector<16xi32>
      %min3A_325 = arith.minsi %max3A_322, %min3A_324 : vector<16xi32>
      %and3A_326 = arith.constant 3 : i32
      %and3A_327 = vector.broadcast %and3A_326 : i32 to vector<16xi32>
      %and3A_328 = arith.andi %or3A_316, %and3A_327 : vector<16xi32>
      %shift_left3A_329 = arith.constant 3 : i32
      %shift_left3A_330 = vector.broadcast %shift_left3A_329 : i32 to vector<16xi32>
      %shift_left3A_331 = arith.shli %and3A_328, %shift_left3A_330 : vector<16xi32>
      %add3A_332 = arith.constant 48 : i32
      %add3A_333 = arith.addi %mul3A_111, %add3A_332 : i32
      %swap3A_334 = arith.index_cast %add3A_333 : i32 to index
      %swap3A_335 = tpu.vector_load %arg8[%swap3A_334] {strides = array<i32>} : memref<16384xi32, #tpu.memory_space<vmem>>, vector<16xi32>,
      tpu.vector_store %arg8[%swap3A_334], %min3A_325 {strides = array<i32>} : memref<16384xi32, #tpu.memory_space<vmem>>, vector<16xi32>,
      %swap3A_336 = arith.index_cast %add3A_333 : i32 to index
      %swap3A_337 = tpu.vector_load %arg9[%swap3A_336] {strides = array<i32>} : memref<16384xi32, #tpu.memory_space<vmem>>, vector<16xi32>,
      tpu.vector_store %arg9[%swap3A_336], %shift_left3A_331 {strides = array<i32>} : memref<16384xi32, #tpu.memory_space<vmem>>, vector<16xi32>,
      %mul3A_338 = arith.constant 384 : i32
      %mul3A_339 = arith.muli %scan3A_109, %mul3A_338 : i32
      %add3A_340 = arith.constant 192 : i32
      %add3A_341 = arith.addi %mul3A_339, %add3A_340 : i32
      %add3A_342 = vector.broadcast %add3A_341 : i32 to vector<16xi32>
      %add3A_343 = arith.addi %mul3A_14, %add3A_342 : vector<16xi32>
      %gather3A_344 = tpu.vector_load_idx %arg7[%add3A_343] : memref<49152xf32, #tpu.memory_space<vmem>>[vector<16xi32>], vector<16xf32>,
      %add3A_345 = arith.constant 1 : i32
      %add3A_346 = vector.broadcast %add3A_345 : i32 to vector<16xi32>
      %add3A_347 = arith.addi %add3A_343, %add3A_346 : vector<16xi32>
      %gather3A_348 = tpu.vector_load_idx %arg7[%add3A_347] : memref<49152xf32, #tpu.memory_space<vmem>>[vector<16xi32>], vector<16xf32>,
      %add3A_349 = arith.constant 2 : i32
      %add3A_350 = vector.broadcast %add3A_349 : i32 to vector<16xi32>
      %add3A_351 = arith.addi %add3A_343, %add3A_350 : vector<16xi32>
      %gather3A_352 = tpu.vector_load_idx %arg7[%add3A_351] : memref<49152xf32, #tpu.memory_space<vmem>>[vector<16xi32>], vector<16xf32>,
      %mul3A_353 = arith.mulf %gather3A_344, %get3A_1 : vector<16xf32>
      %add3A_354 = arith.addf %mul3A_353, %get3A_7 : vector<16xf32>
      %add3A_355 = arith.addf %add3A_354, %broadcast_in_dim3A_15 : vector<16xf32>
      %sub3A_356 = arith.subf %add3A_355, %broadcast_in_dim3A_15 : vector<16xf32>
      %convert_element_type3A_357 = arith.fptosi %sub3A_356 : vector<16xf32> to vector<16xi32>
      %mul3A_358 = arith.mulf %gather3A_348, %get3A_3 : vector<16xf32>
      %add3A_359 = arith.addf %mul3A_358, %get3A_9 : vector<16xf32>
      %add3A_360 = arith.addf %add3A_359, %broadcast_in_dim3A_15 : vector<16xf32>
      %sub3A_361 = arith.subf %add3A_360, %broadcast_in_dim3A_15 : vector<16xf32>
      %convert_element_type3A_362 = arith.fptosi %sub3A_361 : vector<16xf32> to vector<16xi32>
      %mul3A_363 = arith.mulf %gather3A_352, %get3A_5 : vector<16xf32>
      %add3A_364 = arith.addf %mul3A_363, %get3A_11 : vector<16xf32>
      %add3A_365 = arith.addf %add3A_364, %broadcast_in_dim3A_15 : vector<16xf32>
      %sub3A_366 = arith.subf %add3A_365, %broadcast_in_dim3A_15 : vector<16xf32>
      %convert_element_type3A_367 = arith.fptosi %sub3A_366 : vector<16xf32> to vector<16xi32>
      %shift_left3A_368 = arith.constant 16 : i32
      %shift_left3A_369 = vector.broadcast %shift_left3A_368 : i32 to vector<16xi32>
      %shift_left3A_370 = arith.shli %convert_element_type3A_357, %shift_left3A_369 : vector<16xi32>
      %shift_left3A_371 = arith.constant 8 : i32
      %shift_left3A_372 = vector.broadcast %shift_left3A_371 : i32 to vector<16xi32>
      %shift_left3A_373 = arith.shli %convert_element_type3A_362, %shift_left3A_372 : vector<16xi32>
      %or3A_374 = arith.ori %shift_left3A_370, %shift_left3A_373 : vector<16xi32>
      %or3A_375 = arith.ori %or3A_374, %convert_element_type3A_367 : vector<16xi32>
      %shift_right_arithmetic3A_376 = arith.constant 2 : i32
      %shift_right_arithmetic3A_377 = vector.broadcast %shift_right_arithmetic3A_376 : i32 to vector<16xi32>
      %shift_right_arithmetic3A_378 = arith.shrsi %or3A_375, %shift_right_arithmetic3A_377 : vector<16xi32>
      %max3A_379 = arith.constant 0 : i32
      %max3A_380 = vector.broadcast %max3A_379 : i32 to vector<16xi32>
      %max3A_381 = arith.maxsi %shift_right_arithmetic3A_378, %max3A_380 : vector<16xi32>
      %min3A_382 = arith.constant 4194303 : i32
      %min3A_383 = vector.broadcast %min3A_382 : i32 to vector<16xi32>
      %min3A_384 = arith.minsi %max3A_381, %min3A_383 : vector<16xi32>
      %and3A_385 = arith.constant 3 : i32
      %and3A_386 = vector.broadcast %and3A_385 : i32 to vector<16xi32>
      %and3A_387 = arith.andi %or3A_375, %and3A_386 : vector<16xi32>
      %shift_left3A_388 = arith.constant 3 : i32
      %shift_left3A_389 = vector.broadcast %shift_left3A_388 : i32 to vector<16xi32>
      %shift_left3A_390 = arith.shli %and3A_387, %shift_left3A_389 : vector<16xi32>
      %add3A_391 = arith.constant 64 : i32
      %add3A_392 = arith.addi %mul3A_111, %add3A_391 : i32
      %swap3A_393 = arith.index_cast %add3A_392 : i32 to index
      %swap3A_394 = tpu.vector_load %arg8[%swap3A_393] {strides = array<i32>} : memref<16384xi32, #tpu.memory_space<vmem>>, vector<16xi32>,
      tpu.vector_store %arg8[%swap3A_393], %min3A_384 {strides = array<i32>} : memref<16384xi32, #tpu.memory_space<vmem>>, vector<16xi32>,
      %swap3A_395 = arith.index_cast %add3A_392 : i32 to index
      %swap3A_396 = tpu.vector_load %arg9[%swap3A_395] {strides = array<i32>} : memref<16384xi32, #tpu.memory_space<vmem>>, vector<16xi32>,
      tpu.vector_store %arg9[%swap3A_395], %shift_left3A_390 {strides = array<i32>} : memref<16384xi32, #tpu.memory_space<vmem>>, vector<16xi32>,
      %mul3A_397 = arith.constant 384 : i32
      %mul3A_398 = arith.muli %scan3A_109, %mul3A_397 : i32
      %add3A_399 = arith.constant 240 : i32
      %add3A_400 = arith.addi %mul3A_398, %add3A_399 : i32
      %add3A_401 = vector.broadcast %add3A_400 : i32 to vector<16xi32>
      %add3A_402 = arith.addi %mul3A_14, %add3A_401 : vector<16xi32>
      %gather3A_403 = tpu.vector_load_idx %arg7[%add3A_402] : memref<49152xf32, #tpu.memory_space<vmem>>[vector<16xi32>], vector<16xf32>,
      %add3A_404 = arith.constant 1 : i32
      %add3A_405 = vector.broadcast %add3A_404 : i32 to vector<16xi32>
      %add3A_406 = arith.addi %add3A_402, %add3A_405 : vector<16xi32>
      %gather3A_407 = tpu.vector_load_idx %arg7[%add3A_406] : memref<49152xf32, #tpu.memory_space<vmem>>[vector<16xi32>], vector<16xf32>,
      %add3A_408 = arith.constant 2 : i32
      %add3A_409 = vector.broadcast %add3A_408 : i32 to vector<16xi32>
      %add3A_410 = arith.addi %add3A_402, %add3A_409 : vector<16xi32>
      %gather3A_411 = tpu.vector_load_idx %arg7[%add3A_410] : memref<49152xf32, #tpu.memory_space<vmem>>[vector<16xi32>], vector<16xf32>,
      %mul3A_412 = arith.mulf %gather3A_403, %get3A_1 : vector<16xf32>
      %add3A_413 = arith.addf %mul3A_412, %get3A_7 : vector<16xf32>
      %add3A_414 = arith.addf %add3A_413, %broadcast_in_dim3A_15 : vector<16xf32>
      %sub3A_415 = arith.subf %add3A_414, %broadcast_in_dim3A_15 : vector<16xf32>
      %convert_element_type3A_416 = arith.fptosi %sub3A_415 : vector<16xf32> to vector<16xi32>
      %mul3A_417 = arith.mulf %gather3A_407, %get3A_3 : vector<16xf32>
      %add3A_418 = arith.addf %mul3A_417, %get3A_9 : vector<16xf32>
      %add3A_419 = arith.addf %add3A_418, %broadcast_in_dim3A_15 : vector<16xf32>
      %sub3A_420 = arith.subf %add3A_419, %broadcast_in_dim3A_15 : vector<16xf32>
      %convert_element_type3A_421 = arith.fptosi %sub3A_420 : vector<16xf32> to vector<16xi32>
      %mul3A_422 = arith.mulf %gather3A_411, %get3A_5 : vector<16xf32>
      %add3A_423 = arith.addf %mul3A_422, %get3A_11 : vector<16xf32>
      %add3A_424 = arith.addf %add3A_423, %broadcast_in_dim3A_15 : vector<16xf32>
      %sub3A_425 = arith.subf %add3A_424, %broadcast_in_dim3A_15 : vector<16xf32>
      %convert_element_type3A_426 = arith.fptosi %sub3A_425 : vector<16xf32> to vector<16xi32>
      %shift_left3A_427 = arith.constant 16 : i32
      %shift_left3A_428 = vector.broadcast %shift_left3A_427 : i32 to vector<16xi32>
      %shift_left3A_429 = arith.shli %convert_element_type3A_416, %shift_left3A_428 : vector<16xi32>
      %shift_left3A_430 = arith.constant 8 : i32
      %shift_left3A_431 = vector.broadcast %shift_left3A_430 : i32 to vector<16xi32>
      %shift_left3A_432 = arith.shli %convert_element_type3A_421, %shift_left3A_431 : vector<16xi32>
      %or3A_433 = arith.ori %shift_left3A_429, %shift_left3A_432 : vector<16xi32>
      %or3A_434 = arith.ori %or3A_433, %convert_element_type3A_426 : vector<16xi32>
      %shift_right_arithmetic3A_435 = arith.constant 2 : i32
      %shift_right_arithmetic3A_436 = vector.broadcast %shift_right_arithmetic3A_435 : i32 to vector<16xi32>
      %shift_right_arithmetic3A_437 = arith.shrsi %or3A_434, %shift_right_arithmetic3A_436 : vector<16xi32>
      %max3A_438 = arith.constant 0 : i32
      %max3A_439 = vector.broadcast %max3A_438 : i32 to vector<16xi32>
      %max3A_440 = arith.maxsi %shift_right_arithmetic3A_437, %max3A_439 : vector<16xi32>
      %min3A_441 = arith.constant 4194303 : i32
      %min3A_442 = vector.broadcast %min3A_441 : i32 to vector<16xi32>
      %min3A_443 = arith.minsi %max3A_440, %min3A_442 : vector<16xi32>
      %and3A_444 = arith.constant 3 : i32
      %and3A_445 = vector.broadcast %and3A_444 : i32 to vector<16xi32>
      %and3A_446 = arith.andi %or3A_434, %and3A_445 : vector<16xi32>
      %shift_left3A_447 = arith.constant 3 : i32
      %shift_left3A_448 = vector.broadcast %shift_left3A_447 : i32 to vector<16xi32>
      %shift_left3A_449 = arith.shli %and3A_446, %shift_left3A_448 : vector<16xi32>
      %add3A_450 = arith.constant 80 : i32
      %add3A_451 = arith.addi %mul3A_111, %add3A_450 : i32
      %swap3A_452 = arith.index_cast %add3A_451 : i32 to index
      %swap3A_453 = tpu.vector_load %arg8[%swap3A_452] {strides = array<i32>} : memref<16384xi32, #tpu.memory_space<vmem>>, vector<16xi32>,
      tpu.vector_store %arg8[%swap3A_452], %min3A_443 {strides = array<i32>} : memref<16384xi32, #tpu.memory_space<vmem>>, vector<16xi32>,
      %swap3A_454 = arith.index_cast %add3A_451 : i32 to index
      %swap3A_455 = tpu.vector_load %arg9[%swap3A_454] {strides = array<i32>} : memref<16384xi32, #tpu.memory_space<vmem>>, vector<16xi32>,
      tpu.vector_store %arg9[%swap3A_454], %shift_left3A_449 {strides = array<i32>} : memref<16384xi32, #tpu.memory_space<vmem>>, vector<16xi32>,
      %mul3A_456 = arith.constant 384 : i32
      %mul3A_457 = arith.muli %scan3A_109, %mul3A_456 : i32
      %add3A_458 = arith.constant 288 : i32
      %add3A_459 = arith.addi %mul3A_457, %add3A_458 : i32
      %add3A_460 = vector.broadcast %add3A_459 : i32 to vector<16xi32>
      %add3A_461 = arith.addi %mul3A_14, %add3A_460 : vector<16xi32>
      %gather3A_462 = tpu.vector_load_idx %arg7[%add3A_461] : memref<49152xf32, #tpu.memory_space<vmem>>[vector<16xi32>], vector<16xf32>,
      %add3A_463 = arith.constant 1 : i32
      %add3A_464 = vector.broadcast %add3A_463 : i32 to vector<16xi32>
      %add3A_465 = arith.addi %add3A_461, %add3A_464 : vector<16xi32>
      %gather3A_466 = tpu.vector_load_idx %arg7[%add3A_465] : memref<49152xf32, #tpu.memory_space<vmem>>[vector<16xi32>], vector<16xf32>,
      %add3A_467 = arith.constant 2 : i32
      %add3A_468 = vector.broadcast %add3A_467 : i32 to vector<16xi32>
      %add3A_469 = arith.addi %add3A_461, %add3A_468 : vector<16xi32>
      %gather3A_470 = tpu.vector_load_idx %arg7[%add3A_469] : memref<49152xf32, #tpu.memory_space<vmem>>[vector<16xi32>], vector<16xf32>,
      %mul3A_471 = arith.mulf %gather3A_462, %get3A_1 : vector<16xf32>
      %add3A_472 = arith.addf %mul3A_471, %get3A_7 : vector<16xf32>
      %add3A_473 = arith.addf %add3A_472, %broadcast_in_dim3A_15 : vector<16xf32>
      %sub3A_474 = arith.subf %add3A_473, %broadcast_in_dim3A_15 : vector<16xf32>
      %convert_element_type3A_475 = arith.fptosi %sub3A_474 : vector<16xf32> to vector<16xi32>
      %mul3A_476 = arith.mulf %gather3A_466, %get3A_3 : vector<16xf32>
      %add3A_477 = arith.addf %mul3A_476, %get3A_9 : vector<16xf32>
      %add3A_478 = arith.addf %add3A_477, %broadcast_in_dim3A_15 : vector<16xf32>
      %sub3A_479 = arith.subf %add3A_478, %broadcast_in_dim3A_15 : vector<16xf32>
      %convert_element_type3A_480 = arith.fptosi %sub3A_479 : vector<16xf32> to vector<16xi32>
      %mul3A_481 = arith.mulf %gather3A_470, %get3A_5 : vector<16xf32>
      %add3A_482 = arith.addf %mul3A_481, %get3A_11 : vector<16xf32>
      %add3A_483 = arith.addf %add3A_482, %broadcast_in_dim3A_15 : vector<16xf32>
      %sub3A_484 = arith.subf %add3A_483, %broadcast_in_dim3A_15 : vector<16xf32>
      %convert_element_type3A_485 = arith.fptosi %sub3A_484 : vector<16xf32> to vector<16xi32>
      %shift_left3A_486 = arith.constant 16 : i32
      %shift_left3A_487 = vector.broadcast %shift_left3A_486 : i32 to vector<16xi32>
      %shift_left3A_488 = arith.shli %convert_element_type3A_475, %shift_left3A_487 : vector<16xi32>
      %shift_left3A_489 = arith.constant 8 : i32
      %shift_left3A_490 = vector.broadcast %shift_left3A_489 : i32 to vector<16xi32>
      %shift_left3A_491 = arith.shli %convert_element_type3A_480, %shift_left3A_490 : vector<16xi32>
      %or3A_492 = arith.ori %shift_left3A_488, %shift_left3A_491 : vector<16xi32>
      %or3A_493 = arith.ori %or3A_492, %convert_element_type3A_485 : vector<16xi32>
      %shift_right_arithmetic3A_494 = arith.constant 2 : i32
      %shift_right_arithmetic3A_495 = vector.broadcast %shift_right_arithmetic3A_494 : i32 to vector<16xi32>
      %shift_right_arithmetic3A_496 = arith.shrsi %or3A_493, %shift_right_arithmetic3A_495 : vector<16xi32>
      %max3A_497 = arith.constant 0 : i32
      %max3A_498 = vector.broadcast %max3A_497 : i32 to vector<16xi32>
      %max3A_499 = arith.maxsi %shift_right_arithmetic3A_496, %max3A_498 : vector<16xi32>
      %min3A_500 = arith.constant 4194303 : i32
      %min3A_501 = vector.broadcast %min3A_500 : i32 to vector<16xi32>
      %min3A_502 = arith.minsi %max3A_499, %min3A_501 : vector<16xi32>
      %and3A_503 = arith.constant 3 : i32
      %and3A_504 = vector.broadcast %and3A_503 : i32 to vector<16xi32>
      %and3A_505 = arith.andi %or3A_493, %and3A_504 : vector<16xi32>
      %shift_left3A_506 = arith.constant 3 : i32
      %shift_left3A_507 = vector.broadcast %shift_left3A_506 : i32 to vector<16xi32>
      %shift_left3A_508 = arith.shli %and3A_505, %shift_left3A_507 : vector<16xi32>
      %add3A_509 = arith.constant 96 : i32
      %add3A_510 = arith.addi %mul3A_111, %add3A_509 : i32
      %swap3A_511 = arith.index_cast %add3A_510 : i32 to index
      %swap3A_512 = tpu.vector_load %arg8[%swap3A_511] {strides = array<i32>} : memref<16384xi32, #tpu.memory_space<vmem>>, vector<16xi32>,
      tpu.vector_store %arg8[%swap3A_511], %min3A_502 {strides = array<i32>} : memref<16384xi32, #tpu.memory_space<vmem>>, vector<16xi32>,
      %swap3A_513 = arith.index_cast %add3A_510 : i32 to index
      %swap3A_514 = tpu.vector_load %arg9[%swap3A_513] {strides = array<i32>} : memref<16384xi32, #tpu.memory_space<vmem>>, vector<16xi32>,
      tpu.vector_store %arg9[%swap3A_513], %shift_left3A_508 {strides = array<i32>} : memref<16384xi32, #tpu.memory_space<vmem>>, vector<16xi32>,
      %mul3A_515 = arith.constant 384 : i32
      %mul3A_516 = arith.muli %scan3A_109, %mul3A_515 : i32
      %add3A_517 = arith.constant 336 : i32
      %add3A_518 = arith.addi %mul3A_516, %add3A_517 : i32
      %add3A_519 = vector.broadcast %add3A_518 : i32 to vector<16xi32>
      %add3A_520 = arith.addi %mul3A_14, %add3A_519 : vector<16xi32>
      %gather3A_521 = tpu.vector_load_idx %arg7[%add3A_520] : memref<49152xf32, #tpu.memory_space<vmem>>[vector<16xi32>], vector<16xf32>,
      %add3A_522 = arith.constant 1 : i32
      %add3A_523 = vector.broadcast %add3A_522 : i32 to vector<16xi32>
      %add3A_524 = arith.addi %add3A_520, %add3A_523 : vector<16xi32>
      %gather3A_525 = tpu.vector_load_idx %arg7[%add3A_524] : memref<49152xf32, #tpu.memory_space<vmem>>[vector<16xi32>], vector<16xf32>,
      %add3A_526 = arith.constant 2 : i32
      %add3A_527 = vector.broadcast %add3A_526 : i32 to vector<16xi32>
      %add3A_528 = arith.addi %add3A_520, %add3A_527 : vector<16xi32>
      %gather3A_529 = tpu.vector_load_idx %arg7[%add3A_528] : memref<49152xf32, #tpu.memory_space<vmem>>[vector<16xi32>], vector<16xf32>,
      %mul3A_530 = arith.mulf %gather3A_521, %get3A_1 : vector<16xf32>
      %add3A_531 = arith.addf %mul3A_530, %get3A_7 : vector<16xf32>
      %add3A_532 = arith.addf %add3A_531, %broadcast_in_dim3A_15 : vector<16xf32>
      %sub3A_533 = arith.subf %add3A_532, %broadcast_in_dim3A_15 : vector<16xf32>
      %convert_element_type3A_534 = arith.fptosi %sub3A_533 : vector<16xf32> to vector<16xi32>
      %mul3A_535 = arith.mulf %gather3A_525, %get3A_3 : vector<16xf32>
      %add3A_536 = arith.addf %mul3A_535, %get3A_9 : vector<16xf32>
      %add3A_537 = arith.addf %add3A_536, %broadcast_in_dim3A_15 : vector<16xf32>
      %sub3A_538 = arith.subf %add3A_537, %broadcast_in_dim3A_15 : vector<16xf32>
      %convert_element_type3A_539 = arith.fptosi %sub3A_538 : vector<16xf32> to vector<16xi32>
      %mul3A_540 = arith.mulf %gather3A_529, %get3A_5 : vector<16xf32>
      %add3A_541 = arith.addf %mul3A_540, %get3A_11 : vector<16xf32>
      %add3A_542 = arith.addf %add3A_541, %broadcast_in_dim3A_15 : vector<16xf32>
      %sub3A_543 = arith.subf %add3A_542, %broadcast_in_dim3A_15 : vector<16xf32>
      %convert_element_type3A_544 = arith.fptosi %sub3A_543 : vector<16xf32> to vector<16xi32>
      %shift_left3A_545 = arith.constant 16 : i32
      %shift_left3A_546 = vector.broadcast %shift_left3A_545 : i32 to vector<16xi32>
      %shift_left3A_547 = arith.shli %convert_element_type3A_534, %shift_left3A_546 : vector<16xi32>
      %shift_left3A_548 = arith.constant 8 : i32
      %shift_left3A_549 = vector.broadcast %shift_left3A_548 : i32 to vector<16xi32>
      %shift_left3A_550 = arith.shli %convert_element_type3A_539, %shift_left3A_549 : vector<16xi32>
      %or3A_551 = arith.ori %shift_left3A_547, %shift_left3A_550 : vector<16xi32>
      %or3A_552 = arith.ori %or3A_551, %convert_element_type3A_544 : vector<16xi32>
      %shift_right_arithmetic3A_553 = arith.constant 2 : i32
      %shift_right_arithmetic3A_554 = vector.broadcast %shift_right_arithmetic3A_553 : i32 to vector<16xi32>
      %shift_right_arithmetic3A_555 = arith.shrsi %or3A_552, %shift_right_arithmetic3A_554 : vector<16xi32>
      %max3A_556 = arith.constant 0 : i32
      %max3A_557 = vector.broadcast %max3A_556 : i32 to vector<16xi32>
      %max3A_558 = arith.maxsi %shift_right_arithmetic3A_555, %max3A_557 : vector<16xi32>
      %min3A_559 = arith.constant 4194303 : i32
      %min3A_560 = vector.broadcast %min3A_559 : i32 to vector<16xi32>
      %min3A_561 = arith.minsi %max3A_558, %min3A_560 : vector<16xi32>
      %and3A_562 = arith.constant 3 : i32
      %and3A_563 = vector.broadcast %and3A_562 : i32 to vector<16xi32>
      %and3A_564 = arith.andi %or3A_552, %and3A_563 : vector<16xi32>
      %shift_left3A_565 = arith.constant 3 : i32
      %shift_left3A_566 = vector.broadcast %shift_left3A_565 : i32 to vector<16xi32>
      %shift_left3A_567 = arith.shli %and3A_564, %shift_left3A_566 : vector<16xi32>
      %add3A_568 = arith.constant 112 : i32
      %add3A_569 = arith.addi %mul3A_111, %add3A_568 : i32
      %swap3A_570 = arith.index_cast %add3A_569 : i32 to index
      %swap3A_571 = tpu.vector_load %arg8[%swap3A_570] {strides = array<i32>} : memref<16384xi32, #tpu.memory_space<vmem>>, vector<16xi32>,
      tpu.vector_store %arg8[%swap3A_570], %min3A_561 {strides = array<i32>} : memref<16384xi32, #tpu.memory_space<vmem>>, vector<16xi32>,
      %swap3A_572 = arith.index_cast %add3A_569 : i32 to index
      %swap3A_573 = tpu.vector_load %arg9[%swap3A_572] {strides = array<i32>} : memref<16384xi32, #tpu.memory_space<vmem>>, vector<16xi32>,
      tpu.vector_store %arg9[%swap3A_572], %shift_left3A_567 {strides = array<i32>} : memref<16384xi32, #tpu.memory_space<vmem>>, vector<16xi32>,
    }
    %scan3A_74 = arith.constant 128 : i32
    %dma_start3A_75 = arith.constant 0 : i32
    %dma_start3A_76 = tpu.memref_slice %arg3[%dma_start3A_75] : memref<4194304xi32, #tpu.memory_space<hbm>> -> memref<4194304xi32, #tpu.memory_space<hbm>>
    tpu.enqueue_indirect_dma source(%dma_start3A_76 : memref<4194304xi32, #tpu.memory_space<hbm>>) target(%arg10 : memref<16384xi32, #tpu.memory_space<vmem>>) offsets(%arg8 : memref<16384xi32, #tpu.memory_space<vmem>>) semaphore(%arg12 : memref<!tpu.dma_semaphore, #tpu.memory_space<semaphore_mem>>)
    %dma_wait3A_77 = arith.constant 0 : i32
    %dma_wait3A_78 = tpu.memref_slice %arg3[%dma_wait3A_77] : memref<4194304xi32, #tpu.memory_space<hbm>> -> memref<4194304xi32, #tpu.memory_space<hbm>>
    tpu.wait_indirect_dma semaphore(%arg12 : memref<!tpu.dma_semaphore, #tpu.memory_space<semaphore_mem>>) src(%dma_wait3A_78 : memref<4194304xi32, #tpu.memory_space<hbm>>) dst(%arg10 : memref<16384xi32, #tpu.memory_space<vmem>>)
    %scan3A_79 = arith.constant 0 : i32
    %scan3A_80 = arith.constant 0 : i32
    %scan3A_81 = arith.constant 128 : i32
    %scan3A_82 = arith.addi %scan3A_80, %scan3A_81 : i32
    %scan3A_83 = arith.constant 1 : i32
    scf.for %scan3A_109 = %scan3A_80 to %scan3A_82 step %scan3A_83  : i32 {
      %mul3A_110 = arith.constant 128 : i32
      %mul3A_111 = arith.muli %scan3A_109, %mul3A_110 : i32
      %add3A_112 = arith.constant 0 : i32
      %add3A_113 = arith.addi %mul3A_111, %add3A_112 : i32
      %get3A_114 = arith.index_cast %add3A_113 : i32 to index
      %get3A_115 = tpu.vector_load %arg10[%get3A_114] {strides = array<i32>} : memref<16384xi32, #tpu.memory_space<vmem>>, vector<16xi32>,
      %get3A_116 = arith.index_cast %add3A_113 : i32 to index
      %get3A_117 = tpu.vector_load %arg9[%get3A_116] {strides = array<i32>} : memref<16384xi32, #tpu.memory_space<vmem>>, vector<16xi32>,
      %shift_right_logical3A = arith.shrui %get3A_115, %get3A_117 : vector<16xi32>
      %and3A = arith.constant 1 : i32
      %and3A_118 = vector.broadcast %and3A : i32 to vector<16xi32>
      %and3A_119 = arith.andi %shift_right_logical3A, %and3A_118 : vector<16xi32>
      %swap3A = arith.index_cast %add3A_113 : i32 to index
      %swap3A_120 = tpu.vector_load %arg11[%swap3A] {strides = array<i32>} : memref<16384xi32, #tpu.memory_space<vmem>>, vector<16xi32>,
      tpu.vector_store %arg11[%swap3A], %and3A_119 {strides = array<i32>} : memref<16384xi32, #tpu.memory_space<vmem>>, vector<16xi32>,
      %add3A_121 = arith.constant 16 : i32
      %add3A_122 = arith.addi %mul3A_111, %add3A_121 : i32
      %get3A_123 = arith.index_cast %add3A_122 : i32 to index
      %get3A_124 = tpu.vector_load %arg10[%get3A_123] {strides = array<i32>} : memref<16384xi32, #tpu.memory_space<vmem>>, vector<16xi32>,
      %get3A_125 = arith.index_cast %add3A_122 : i32 to index
      %get3A_126 = tpu.vector_load %arg9[%get3A_125] {strides = array<i32>} : memref<16384xi32, #tpu.memory_space<vmem>>, vector<16xi32>,
      %shift_right_logical3A_127 = arith.shrui %get3A_124, %get3A_126 : vector<16xi32>
      %and3A_128 = arith.constant 1 : i32
      %and3A_129 = vector.broadcast %and3A_128 : i32 to vector<16xi32>
      %and3A_130 = arith.andi %shift_right_logical3A_127, %and3A_129 : vector<16xi32>
      %swap3A_131 = arith.index_cast %add3A_122 : i32 to index
      %swap3A_132 = tpu.vector_load %arg11[%swap3A_131] {strides = array<i32>} : memref<16384xi32, #tpu.memory_space<vmem>>, vector<16xi32>,
      tpu.vector_store %arg11[%swap3A_131], %and3A_130 {strides = array<i32>} : memref<16384xi32, #tpu.memory_space<vmem>>, vector<16xi32>,
      %add3A_133 = arith.constant 32 : i32
      %add3A_134 = arith.addi %mul3A_111, %add3A_133 : i32
      %get3A_135 = arith.index_cast %add3A_134 : i32 to index
      %get3A_136 = tpu.vector_load %arg10[%get3A_135] {strides = array<i32>} : memref<16384xi32, #tpu.memory_space<vmem>>, vector<16xi32>,
      %get3A_137 = arith.index_cast %add3A_134 : i32 to index
      %get3A_138 = tpu.vector_load %arg9[%get3A_137] {strides = array<i32>} : memref<16384xi32, #tpu.memory_space<vmem>>, vector<16xi32>,
      %shift_right_logical3A_139 = arith.shrui %get3A_136, %get3A_138 : vector<16xi32>
      %and3A_140 = arith.constant 1 : i32
      %and3A_141 = vector.broadcast %and3A_140 : i32 to vector<16xi32>
      %and3A_142 = arith.andi %shift_right_logical3A_139, %and3A_141 : vector<16xi32>
      %swap3A_143 = arith.index_cast %add3A_134 : i32 to index
      %swap3A_144 = tpu.vector_load %arg11[%swap3A_143] {strides = array<i32>} : memref<16384xi32, #tpu.memory_space<vmem>>, vector<16xi32>,
      tpu.vector_store %arg11[%swap3A_143], %and3A_142 {strides = array<i32>} : memref<16384xi32, #tpu.memory_space<vmem>>, vector<16xi32>,
      %add3A_145 = arith.constant 48 : i32
      %add3A_146 = arith.addi %mul3A_111, %add3A_145 : i32
      %get3A_147 = arith.index_cast %add3A_146 : i32 to index
      %get3A_148 = tpu.vector_load %arg10[%get3A_147] {strides = array<i32>} : memref<16384xi32, #tpu.memory_space<vmem>>, vector<16xi32>,
      %get3A_149 = arith.index_cast %add3A_146 : i32 to index
      %get3A_150 = tpu.vector_load %arg9[%get3A_149] {strides = array<i32>} : memref<16384xi32, #tpu.memory_space<vmem>>, vector<16xi32>,
      %shift_right_logical3A_151 = arith.shrui %get3A_148, %get3A_150 : vector<16xi32>
      %and3A_152 = arith.constant 1 : i32
      %and3A_153 = vector.broadcast %and3A_152 : i32 to vector<16xi32>
      %and3A_154 = arith.andi %shift_right_logical3A_151, %and3A_153 : vector<16xi32>
      %swap3A_155 = arith.index_cast %add3A_146 : i32 to index
      %swap3A_156 = tpu.vector_load %arg11[%swap3A_155] {strides = array<i32>} : memref<16384xi32, #tpu.memory_space<vmem>>, vector<16xi32>,
      tpu.vector_store %arg11[%swap3A_155], %and3A_154 {strides = array<i32>} : memref<16384xi32, #tpu.memory_space<vmem>>, vector<16xi32>,
      %add3A_157 = arith.constant 64 : i32
      %add3A_158 = arith.addi %mul3A_111, %add3A_157 : i32
      %get3A_159 = arith.index_cast %add3A_158 : i32 to index
      %get3A_160 = tpu.vector_load %arg10[%get3A_159] {strides = array<i32>} : memref<16384xi32, #tpu.memory_space<vmem>>, vector<16xi32>,
      %get3A_161 = arith.index_cast %add3A_158 : i32 to index
      %get3A_162 = tpu.vector_load %arg9[%get3A_161] {strides = array<i32>} : memref<16384xi32, #tpu.memory_space<vmem>>, vector<16xi32>,
      %shift_right_logical3A_163 = arith.shrui %get3A_160, %get3A_162 : vector<16xi32>
      %and3A_164 = arith.constant 1 : i32
      %and3A_165 = vector.broadcast %and3A_164 : i32 to vector<16xi32>
      %and3A_166 = arith.andi %shift_right_logical3A_163, %and3A_165 : vector<16xi32>
      %swap3A_167 = arith.index_cast %add3A_158 : i32 to index
      %swap3A_168 = tpu.vector_load %arg11[%swap3A_167] {strides = array<i32>} : memref<16384xi32, #tpu.memory_space<vmem>>, vector<16xi32>,
      tpu.vector_store %arg11[%swap3A_167], %and3A_166 {strides = array<i32>} : memref<16384xi32, #tpu.memory_space<vmem>>, vector<16xi32>,
      %add3A_169 = arith.constant 80 : i32
      %add3A_170 = arith.addi %mul3A_111, %add3A_169 : i32
      %get3A_171 = arith.index_cast %add3A_170 : i32 to index
      %get3A_172 = tpu.vector_load %arg10[%get3A_171] {strides = array<i32>} : memref<16384xi32, #tpu.memory_space<vmem>>, vector<16xi32>,
      %get3A_173 = arith.index_cast %add3A_170 : i32 to index
      %get3A_174 = tpu.vector_load %arg9[%get3A_173] {strides = array<i32>} : memref<16384xi32, #tpu.memory_space<vmem>>, vector<16xi32>,
      %shift_right_logical3A_175 = arith.shrui %get3A_172, %get3A_174 : vector<16xi32>
      %and3A_176 = arith.constant 1 : i32
      %and3A_177 = vector.broadcast %and3A_176 : i32 to vector<16xi32>
      %and3A_178 = arith.andi %shift_right_logical3A_175, %and3A_177 : vector<16xi32>
      %swap3A_179 = arith.index_cast %add3A_170 : i32 to index
      %swap3A_180 = tpu.vector_load %arg11[%swap3A_179] {strides = array<i32>} : memref<16384xi32, #tpu.memory_space<vmem>>, vector<16xi32>,
      tpu.vector_store %arg11[%swap3A_179], %and3A_178 {strides = array<i32>} : memref<16384xi32, #tpu.memory_space<vmem>>, vector<16xi32>,
      %add3A_181 = arith.constant 96 : i32
      %add3A_182 = arith.addi %mul3A_111, %add3A_181 : i32
      %get3A_183 = arith.index_cast %add3A_182 : i32 to index
      %get3A_184 = tpu.vector_load %arg10[%get3A_183] {strides = array<i32>} : memref<16384xi32, #tpu.memory_space<vmem>>, vector<16xi32>,
      %get3A_185 = arith.index_cast %add3A_182 : i32 to index
      %get3A_186 = tpu.vector_load %arg9[%get3A_185] {strides = array<i32>} : memref<16384xi32, #tpu.memory_space<vmem>>, vector<16xi32>,
      %shift_right_logical3A_187 = arith.shrui %get3A_184, %get3A_186 : vector<16xi32>
      %and3A_188 = arith.constant 1 : i32
      %and3A_189 = vector.broadcast %and3A_188 : i32 to vector<16xi32>
      %and3A_190 = arith.andi %shift_right_logical3A_187, %and3A_189 : vector<16xi32>
      %swap3A_191 = arith.index_cast %add3A_182 : i32 to index
      %swap3A_192 = tpu.vector_load %arg11[%swap3A_191] {strides = array<i32>} : memref<16384xi32, #tpu.memory_space<vmem>>, vector<16xi32>,
      tpu.vector_store %arg11[%swap3A_191], %and3A_190 {strides = array<i32>} : memref<16384xi32, #tpu.memory_space<vmem>>, vector<16xi32>,
      %add3A_193 = arith.constant 112 : i32
      %add3A_194 = arith.addi %mul3A_111, %add3A_193 : i32
      %get3A_195 = arith.index_cast %add3A_194 : i32 to index
      %get3A_196 = tpu.vector_load %arg10[%get3A_195] {strides = array<i32>} : memref<16384xi32, #tpu.memory_space<vmem>>, vector<16xi32>,
      %get3A_197 = arith.index_cast %add3A_194 : i32 to index
      %get3A_198 = tpu.vector_load %arg9[%get3A_197] {strides = array<i32>} : memref<16384xi32, #tpu.memory_space<vmem>>, vector<16xi32>,
      %shift_right_logical3A_199 = arith.shrui %get3A_196, %get3A_198 : vector<16xi32>
      %and3A_200 = arith.constant 1 : i32
      %and3A_201 = vector.broadcast %and3A_200 : i32 to vector<16xi32>
      %and3A_202 = arith.andi %shift_right_logical3A_199, %and3A_201 : vector<16xi32>
      %swap3A_203 = arith.index_cast %add3A_194 : i32 to index
      %swap3A_204 = tpu.vector_load %arg11[%swap3A_203] {strides = array<i32>} : memref<16384xi32, #tpu.memory_space<vmem>>, vector<16xi32>,
      tpu.vector_store %arg11[%swap3A_203], %and3A_202 {strides = array<i32>} : memref<16384xi32, #tpu.memory_space<vmem>>, vector<16xi32>,
    }
    %scan3A_84 = arith.constant 128 : i32
    "tpu.region"() ({
      %run_scoped3A = tpu.sem_alloc : memref<!tpu.dma_semaphore, #tpu.memory_space<semaphore_mem>>
      %dma_start3A_109 = tpu.memref_slice %arg5[%mul3A_66] : memref<2097152xi32, #tpu.memory_space<hbm>> -> memref<16384xi32, #tpu.memory_space<hbm>>
      %dma_start3A_110 = tpu.memref_slice %arg5[%mul3A_66] : memref<2097152xi32, #tpu.memory_space<hbm>> -> memref<16384xi32, #tpu.memory_space<hbm>>
      tpu.enqueue_dma source(%arg11 : memref<16384xi32, #tpu.memory_space<vmem>>) target(%dma_start3A_110 : memref<16384xi32, #tpu.memory_space<hbm>>) target_semaphore(%run_scoped3A : memref<!tpu.dma_semaphore, #tpu.memory_space<semaphore_mem>>)
      %dma_wait3A_111 = tpu.memref_slice %arg5[%mul3A_66] : memref<2097152xi32, #tpu.memory_space<hbm>> -> memref<16384xi32, #tpu.memory_space<hbm>>
      %dma_wait3A_112 = tpu.memref_slice %arg5[%mul3A_66] : memref<2097152xi32, #tpu.memory_space<hbm>> -> memref<16384xi32, #tpu.memory_space<hbm>>
      tpu.wait_dma2 semaphore(%run_scoped3A : memref<!tpu.dma_semaphore, #tpu.memory_space<semaphore_mem>>) src(%arg11 : memref<16384xi32, #tpu.memory_space<vmem>>) dst(%dma_wait3A_112 : memref<16384xi32, #tpu.memory_space<hbm>>)
      tpu.yield
    }) : () -> ()
    %mul3A_85 = arith.constant 4 : i32
    %mul3A_86 = arith.muli %add3A, %mul3A_85 : i32
    %add3A_87 = arith.constant 3 : i32
    %add3A_88 = arith.addi %mul3A_86, %add3A_87 : i32
    %mul3A_89 = arith.constant 16384 : i32
    %mul3A_90 = arith.muli %add3A_88, %mul3A_89 : i32
    %mul3A_91 = arith.constant 3 : i32
    %mul3A_92 = arith.muli %mul3A_90, %mul3A_91 : i32
    "tpu.region"() ({
      %run_scoped3A = tpu.sem_alloc : memref<!tpu.dma_semaphore, #tpu.memory_space<semaphore_mem>>
      %dma_start3A_109 = tpu.memref_slice %arg2[%mul3A_92] : memref<6291456xf32, #tpu.memory_space<hbm>> -> memref<49152xf32, #tpu.memory_space<hbm>>
      %dma_start3A_110 = tpu.memref_slice %arg2[%mul3A_92] : memref<6291456xf32, #tpu.memory_space<hbm>> -> memref<49152xf32, #tpu.memory_space<hbm>>
      tpu.enqueue_dma source(%dma_start3A_110 : memref<49152xf32, #tpu.memory_space<hbm>>) target(%arg7 : memref<49152xf32, #tpu.memory_space<vmem>>) target_semaphore(%run_scoped3A : memref<!tpu.dma_semaphore, #tpu.memory_space<semaphore_mem>>)
      %dma_wait3A_111 = tpu.memref_slice %arg2[%mul3A_92] : memref<6291456xf32, #tpu.memory_space<hbm>> -> memref<49152xf32, #tpu.memory_space<hbm>>
      %dma_wait3A_112 = tpu.memref_slice %arg2[%mul3A_92] : memref<6291456xf32, #tpu.memory_space<hbm>> -> memref<49152xf32, #tpu.memory_space<hbm>>
      tpu.wait_dma2 semaphore(%run_scoped3A : memref<!tpu.dma_semaphore, #tpu.memory_space<semaphore_mem>>) src(%dma_wait3A_112 : memref<49152xf32, #tpu.memory_space<hbm>>) dst(%arg7 : memref<49152xf32, #tpu.memory_space<vmem>>)
      tpu.yield
    }) : () -> ()
    %scan3A_93 = arith.constant 0 : i32
    %scan3A_94 = arith.constant 0 : i32
    %scan3A_95 = arith.constant 128 : i32
    %scan3A_96 = arith.addi %scan3A_94, %scan3A_95 : i32
    %scan3A_97 = arith.constant 1 : i32
    scf.for %scan3A_109 = %scan3A_94 to %scan3A_96 step %scan3A_97  : i32 {
      %mul3A_110 = arith.constant 128 : i32
      %mul3A_111 = arith.muli %scan3A_109, %mul3A_110 : i32
      %mul3A_112 = arith.constant 384 : i32
      %mul3A_113 = arith.muli %scan3A_109, %mul3A_112 : i32
      %add3A_114 = arith.constant 0 : i32
      %add3A_115 = arith.addi %mul3A_113, %add3A_114 : i32
      %add3A_116 = vector.broadcast %add3A_115 : i32 to vector<16xi32>
      %add3A_117 = arith.addi %mul3A_14, %add3A_116 : vector<16xi32>
      %gather3A = tpu.vector_load_idx %arg7[%add3A_117] : memref<49152xf32, #tpu.memory_space<vmem>>[vector<16xi32>], vector<16xf32>,
      %add3A_118 = arith.constant 1 : i32
      %add3A_119 = vector.broadcast %add3A_118 : i32 to vector<16xi32>
      %add3A_120 = arith.addi %add3A_117, %add3A_119 : vector<16xi32>
      %gather3A_121 = tpu.vector_load_idx %arg7[%add3A_120] : memref<49152xf32, #tpu.memory_space<vmem>>[vector<16xi32>], vector<16xf32>,
      %add3A_122 = arith.constant 2 : i32
      %add3A_123 = vector.broadcast %add3A_122 : i32 to vector<16xi32>
      %add3A_124 = arith.addi %add3A_117, %add3A_123 : vector<16xi32>
      %gather3A_125 = tpu.vector_load_idx %arg7[%add3A_124] : memref<49152xf32, #tpu.memory_space<vmem>>[vector<16xi32>], vector<16xf32>,
      %mul3A_126 = arith.mulf %gather3A, %get3A_1 : vector<16xf32>
      %add3A_127 = arith.addf %mul3A_126, %get3A_7 : vector<16xf32>
      %add3A_128 = arith.addf %add3A_127, %broadcast_in_dim3A_15 : vector<16xf32>
      %sub3A = arith.subf %add3A_128, %broadcast_in_dim3A_15 : vector<16xf32>
      %convert_element_type3A = arith.fptosi %sub3A : vector<16xf32> to vector<16xi32>
      %mul3A_129 = arith.mulf %gather3A_121, %get3A_3 : vector<16xf32>
      %add3A_130 = arith.addf %mul3A_129, %get3A_9 : vector<16xf32>
      %add3A_131 = arith.addf %add3A_130, %broadcast_in_dim3A_15 : vector<16xf32>
      %sub3A_132 = arith.subf %add3A_131, %broadcast_in_dim3A_15 : vector<16xf32>
      %convert_element_type3A_133 = arith.fptosi %sub3A_132 : vector<16xf32> to vector<16xi32>
      %mul3A_134 = arith.mulf %gather3A_125, %get3A_5 : vector<16xf32>
      %add3A_135 = arith.addf %mul3A_134, %get3A_11 : vector<16xf32>
      %add3A_136 = arith.addf %add3A_135, %broadcast_in_dim3A_15 : vector<16xf32>
      %sub3A_137 = arith.subf %add3A_136, %broadcast_in_dim3A_15 : vector<16xf32>
      %convert_element_type3A_138 = arith.fptosi %sub3A_137 : vector<16xf32> to vector<16xi32>
      %shift_left3A = arith.constant 16 : i32
      %shift_left3A_139 = vector.broadcast %shift_left3A : i32 to vector<16xi32>
      %shift_left3A_140 = arith.shli %convert_element_type3A, %shift_left3A_139 : vector<16xi32>
      %shift_left3A_141 = arith.constant 8 : i32
      %shift_left3A_142 = vector.broadcast %shift_left3A_141 : i32 to vector<16xi32>
      %shift_left3A_143 = arith.shli %convert_element_type3A_133, %shift_left3A_142 : vector<16xi32>
      %or3A = arith.ori %shift_left3A_140, %shift_left3A_143 : vector<16xi32>
      %or3A_144 = arith.ori %or3A, %convert_element_type3A_138 : vector<16xi32>
      %shift_right_arithmetic3A = arith.constant 2 : i32
      %shift_right_arithmetic3A_145 = vector.broadcast %shift_right_arithmetic3A : i32 to vector<16xi32>
      %shift_right_arithmetic3A_146 = arith.shrsi %or3A_144, %shift_right_arithmetic3A_145 : vector<16xi32>
      %max3A = arith.constant 0 : i32
      %max3A_147 = vector.broadcast %max3A : i32 to vector<16xi32>
      %max3A_148 = arith.maxsi %shift_right_arithmetic3A_146, %max3A_147 : vector<16xi32>
      %min3A = arith.constant 4194303 : i32
      %min3A_149 = vector.broadcast %min3A : i32 to vector<16xi32>
      %min3A_150 = arith.minsi %max3A_148, %min3A_149 : vector<16xi32>
      %and3A = arith.constant 3 : i32
      %and3A_151 = vector.broadcast %and3A : i32 to vector<16xi32>
      %and3A_152 = arith.andi %or3A_144, %and3A_151 : vector<16xi32>
      %shift_left3A_153 = arith.constant 3 : i32
      %shift_left3A_154 = vector.broadcast %shift_left3A_153 : i32 to vector<16xi32>
      %shift_left3A_155 = arith.shli %and3A_152, %shift_left3A_154 : vector<16xi32>
      %add3A_156 = arith.constant 0 : i32
      %add3A_157 = arith.addi %mul3A_111, %add3A_156 : i32
      %swap3A = arith.index_cast %add3A_157 : i32 to index
      %swap3A_158 = tpu.vector_load %arg8[%swap3A] {strides = array<i32>} : memref<16384xi32, #tpu.memory_space<vmem>>, vector<16xi32>,
      tpu.vector_store %arg8[%swap3A], %min3A_150 {strides = array<i32>} : memref<16384xi32, #tpu.memory_space<vmem>>, vector<16xi32>,
      %swap3A_159 = arith.index_cast %add3A_157 : i32 to index
      %swap3A_160 = tpu.vector_load %arg9[%swap3A_159] {strides = array<i32>} : memref<16384xi32, #tpu.memory_space<vmem>>, vector<16xi32>,
      tpu.vector_store %arg9[%swap3A_159], %shift_left3A_155 {strides = array<i32>} : memref<16384xi32, #tpu.memory_space<vmem>>, vector<16xi32>,
      %mul3A_161 = arith.constant 384 : i32
      %mul3A_162 = arith.muli %scan3A_109, %mul3A_161 : i32
      %add3A_163 = arith.constant 48 : i32
      %add3A_164 = arith.addi %mul3A_162, %add3A_163 : i32
      %add3A_165 = vector.broadcast %add3A_164 : i32 to vector<16xi32>
      %add3A_166 = arith.addi %mul3A_14, %add3A_165 : vector<16xi32>
      %gather3A_167 = tpu.vector_load_idx %arg7[%add3A_166] : memref<49152xf32, #tpu.memory_space<vmem>>[vector<16xi32>], vector<16xf32>,
      %add3A_168 = arith.constant 1 : i32
      %add3A_169 = vector.broadcast %add3A_168 : i32 to vector<16xi32>
      %add3A_170 = arith.addi %add3A_166, %add3A_169 : vector<16xi32>
      %gather3A_171 = tpu.vector_load_idx %arg7[%add3A_170] : memref<49152xf32, #tpu.memory_space<vmem>>[vector<16xi32>], vector<16xf32>,
      %add3A_172 = arith.constant 2 : i32
      %add3A_173 = vector.broadcast %add3A_172 : i32 to vector<16xi32>
      %add3A_174 = arith.addi %add3A_166, %add3A_173 : vector<16xi32>
      %gather3A_175 = tpu.vector_load_idx %arg7[%add3A_174] : memref<49152xf32, #tpu.memory_space<vmem>>[vector<16xi32>], vector<16xf32>,
      %mul3A_176 = arith.mulf %gather3A_167, %get3A_1 : vector<16xf32>
      %add3A_177 = arith.addf %mul3A_176, %get3A_7 : vector<16xf32>
      %add3A_178 = arith.addf %add3A_177, %broadcast_in_dim3A_15 : vector<16xf32>
      %sub3A_179 = arith.subf %add3A_178, %broadcast_in_dim3A_15 : vector<16xf32>
      %convert_element_type3A_180 = arith.fptosi %sub3A_179 : vector<16xf32> to vector<16xi32>
      %mul3A_181 = arith.mulf %gather3A_171, %get3A_3 : vector<16xf32>
      %add3A_182 = arith.addf %mul3A_181, %get3A_9 : vector<16xf32>
      %add3A_183 = arith.addf %add3A_182, %broadcast_in_dim3A_15 : vector<16xf32>
      %sub3A_184 = arith.subf %add3A_183, %broadcast_in_dim3A_15 : vector<16xf32>
      %convert_element_type3A_185 = arith.fptosi %sub3A_184 : vector<16xf32> to vector<16xi32>
      %mul3A_186 = arith.mulf %gather3A_175, %get3A_5 : vector<16xf32>
      %add3A_187 = arith.addf %mul3A_186, %get3A_11 : vector<16xf32>
      %add3A_188 = arith.addf %add3A_187, %broadcast_in_dim3A_15 : vector<16xf32>
      %sub3A_189 = arith.subf %add3A_188, %broadcast_in_dim3A_15 : vector<16xf32>
      %convert_element_type3A_190 = arith.fptosi %sub3A_189 : vector<16xf32> to vector<16xi32>
      %shift_left3A_191 = arith.constant 16 : i32
      %shift_left3A_192 = vector.broadcast %shift_left3A_191 : i32 to vector<16xi32>
      %shift_left3A_193 = arith.shli %convert_element_type3A_180, %shift_left3A_192 : vector<16xi32>
      %shift_left3A_194 = arith.constant 8 : i32
      %shift_left3A_195 = vector.broadcast %shift_left3A_194 : i32 to vector<16xi32>
      %shift_left3A_196 = arith.shli %convert_element_type3A_185, %shift_left3A_195 : vector<16xi32>
      %or3A_197 = arith.ori %shift_left3A_193, %shift_left3A_196 : vector<16xi32>
      %or3A_198 = arith.ori %or3A_197, %convert_element_type3A_190 : vector<16xi32>
      %shift_right_arithmetic3A_199 = arith.constant 2 : i32
      %shift_right_arithmetic3A_200 = vector.broadcast %shift_right_arithmetic3A_199 : i32 to vector<16xi32>
      %shift_right_arithmetic3A_201 = arith.shrsi %or3A_198, %shift_right_arithmetic3A_200 : vector<16xi32>
      %max3A_202 = arith.constant 0 : i32
      %max3A_203 = vector.broadcast %max3A_202 : i32 to vector<16xi32>
      %max3A_204 = arith.maxsi %shift_right_arithmetic3A_201, %max3A_203 : vector<16xi32>
      %min3A_205 = arith.constant 4194303 : i32
      %min3A_206 = vector.broadcast %min3A_205 : i32 to vector<16xi32>
      %min3A_207 = arith.minsi %max3A_204, %min3A_206 : vector<16xi32>
      %and3A_208 = arith.constant 3 : i32
      %and3A_209 = vector.broadcast %and3A_208 : i32 to vector<16xi32>
      %and3A_210 = arith.andi %or3A_198, %and3A_209 : vector<16xi32>
      %shift_left3A_211 = arith.constant 3 : i32
      %shift_left3A_212 = vector.broadcast %shift_left3A_211 : i32 to vector<16xi32>
      %shift_left3A_213 = arith.shli %and3A_210, %shift_left3A_212 : vector<16xi32>
      %add3A_214 = arith.constant 16 : i32
      %add3A_215 = arith.addi %mul3A_111, %add3A_214 : i32
      %swap3A_216 = arith.index_cast %add3A_215 : i32 to index
      %swap3A_217 = tpu.vector_load %arg8[%swap3A_216] {strides = array<i32>} : memref<16384xi32, #tpu.memory_space<vmem>>, vector<16xi32>,
      tpu.vector_store %arg8[%swap3A_216], %min3A_207 {strides = array<i32>} : memref<16384xi32, #tpu.memory_space<vmem>>, vector<16xi32>,
      %swap3A_218 = arith.index_cast %add3A_215 : i32 to index
      %swap3A_219 = tpu.vector_load %arg9[%swap3A_218] {strides = array<i32>} : memref<16384xi32, #tpu.memory_space<vmem>>, vector<16xi32>,
      tpu.vector_store %arg9[%swap3A_218], %shift_left3A_213 {strides = array<i32>} : memref<16384xi32, #tpu.memory_space<vmem>>, vector<16xi32>,
      %mul3A_220 = arith.constant 384 : i32
      %mul3A_221 = arith.muli %scan3A_109, %mul3A_220 : i32
      %add3A_222 = arith.constant 96 : i32
      %add3A_223 = arith.addi %mul3A_221, %add3A_222 : i32
      %add3A_224 = vector.broadcast %add3A_223 : i32 to vector<16xi32>
      %add3A_225 = arith.addi %mul3A_14, %add3A_224 : vector<16xi32>
      %gather3A_226 = tpu.vector_load_idx %arg7[%add3A_225] : memref<49152xf32, #tpu.memory_space<vmem>>[vector<16xi32>], vector<16xf32>,
      %add3A_227 = arith.constant 1 : i32
      %add3A_228 = vector.broadcast %add3A_227 : i32 to vector<16xi32>
      %add3A_229 = arith.addi %add3A_225, %add3A_228 : vector<16xi32>
      %gather3A_230 = tpu.vector_load_idx %arg7[%add3A_229] : memref<49152xf32, #tpu.memory_space<vmem>>[vector<16xi32>], vector<16xf32>,
      %add3A_231 = arith.constant 2 : i32
      %add3A_232 = vector.broadcast %add3A_231 : i32 to vector<16xi32>
      %add3A_233 = arith.addi %add3A_225, %add3A_232 : vector<16xi32>
      %gather3A_234 = tpu.vector_load_idx %arg7[%add3A_233] : memref<49152xf32, #tpu.memory_space<vmem>>[vector<16xi32>], vector<16xf32>,
      %mul3A_235 = arith.mulf %gather3A_226, %get3A_1 : vector<16xf32>
      %add3A_236 = arith.addf %mul3A_235, %get3A_7 : vector<16xf32>
      %add3A_237 = arith.addf %add3A_236, %broadcast_in_dim3A_15 : vector<16xf32>
      %sub3A_238 = arith.subf %add3A_237, %broadcast_in_dim3A_15 : vector<16xf32>
      %convert_element_type3A_239 = arith.fptosi %sub3A_238 : vector<16xf32> to vector<16xi32>
      %mul3A_240 = arith.mulf %gather3A_230, %get3A_3 : vector<16xf32>
      %add3A_241 = arith.addf %mul3A_240, %get3A_9 : vector<16xf32>
      %add3A_242 = arith.addf %add3A_241, %broadcast_in_dim3A_15 : vector<16xf32>
      %sub3A_243 = arith.subf %add3A_242, %broadcast_in_dim3A_15 : vector<16xf32>
      %convert_element_type3A_244 = arith.fptosi %sub3A_243 : vector<16xf32> to vector<16xi32>
      %mul3A_245 = arith.mulf %gather3A_234, %get3A_5 : vector<16xf32>
      %add3A_246 = arith.addf %mul3A_245, %get3A_11 : vector<16xf32>
      %add3A_247 = arith.addf %add3A_246, %broadcast_in_dim3A_15 : vector<16xf32>
      %sub3A_248 = arith.subf %add3A_247, %broadcast_in_dim3A_15 : vector<16xf32>
      %convert_element_type3A_249 = arith.fptosi %sub3A_248 : vector<16xf32> to vector<16xi32>
      %shift_left3A_250 = arith.constant 16 : i32
      %shift_left3A_251 = vector.broadcast %shift_left3A_250 : i32 to vector<16xi32>
      %shift_left3A_252 = arith.shli %convert_element_type3A_239, %shift_left3A_251 : vector<16xi32>
      %shift_left3A_253 = arith.constant 8 : i32
      %shift_left3A_254 = vector.broadcast %shift_left3A_253 : i32 to vector<16xi32>
      %shift_left3A_255 = arith.shli %convert_element_type3A_244, %shift_left3A_254 : vector<16xi32>
      %or3A_256 = arith.ori %shift_left3A_252, %shift_left3A_255 : vector<16xi32>
      %or3A_257 = arith.ori %or3A_256, %convert_element_type3A_249 : vector<16xi32>
      %shift_right_arithmetic3A_258 = arith.constant 2 : i32
      %shift_right_arithmetic3A_259 = vector.broadcast %shift_right_arithmetic3A_258 : i32 to vector<16xi32>
      %shift_right_arithmetic3A_260 = arith.shrsi %or3A_257, %shift_right_arithmetic3A_259 : vector<16xi32>
      %max3A_261 = arith.constant 0 : i32
      %max3A_262 = vector.broadcast %max3A_261 : i32 to vector<16xi32>
      %max3A_263 = arith.maxsi %shift_right_arithmetic3A_260, %max3A_262 : vector<16xi32>
      %min3A_264 = arith.constant 4194303 : i32
      %min3A_265 = vector.broadcast %min3A_264 : i32 to vector<16xi32>
      %min3A_266 = arith.minsi %max3A_263, %min3A_265 : vector<16xi32>
      %and3A_267 = arith.constant 3 : i32
      %and3A_268 = vector.broadcast %and3A_267 : i32 to vector<16xi32>
      %and3A_269 = arith.andi %or3A_257, %and3A_268 : vector<16xi32>
      %shift_left3A_270 = arith.constant 3 : i32
      %shift_left3A_271 = vector.broadcast %shift_left3A_270 : i32 to vector<16xi32>
      %shift_left3A_272 = arith.shli %and3A_269, %shift_left3A_271 : vector<16xi32>
      %add3A_273 = arith.constant 32 : i32
      %add3A_274 = arith.addi %mul3A_111, %add3A_273 : i32
      %swap3A_275 = arith.index_cast %add3A_274 : i32 to index
      %swap3A_276 = tpu.vector_load %arg8[%swap3A_275] {strides = array<i32>} : memref<16384xi32, #tpu.memory_space<vmem>>, vector<16xi32>,
      tpu.vector_store %arg8[%swap3A_275], %min3A_266 {strides = array<i32>} : memref<16384xi32, #tpu.memory_space<vmem>>, vector<16xi32>,
      %swap3A_277 = arith.index_cast %add3A_274 : i32 to index
      %swap3A_278 = tpu.vector_load %arg9[%swap3A_277] {strides = array<i32>} : memref<16384xi32, #tpu.memory_space<vmem>>, vector<16xi32>,
      tpu.vector_store %arg9[%swap3A_277], %shift_left3A_272 {strides = array<i32>} : memref<16384xi32, #tpu.memory_space<vmem>>, vector<16xi32>,
      %mul3A_279 = arith.constant 384 : i32
      %mul3A_280 = arith.muli %scan3A_109, %mul3A_279 : i32
      %add3A_281 = arith.constant 144 : i32
      %add3A_282 = arith.addi %mul3A_280, %add3A_281 : i32
      %add3A_283 = vector.broadcast %add3A_282 : i32 to vector<16xi32>
      %add3A_284 = arith.addi %mul3A_14, %add3A_283 : vector<16xi32>
      %gather3A_285 = tpu.vector_load_idx %arg7[%add3A_284] : memref<49152xf32, #tpu.memory_space<vmem>>[vector<16xi32>], vector<16xf32>,
      %add3A_286 = arith.constant 1 : i32
      %add3A_287 = vector.broadcast %add3A_286 : i32 to vector<16xi32>
      %add3A_288 = arith.addi %add3A_284, %add3A_287 : vector<16xi32>
      %gather3A_289 = tpu.vector_load_idx %arg7[%add3A_288] : memref<49152xf32, #tpu.memory_space<vmem>>[vector<16xi32>], vector<16xf32>,
      %add3A_290 = arith.constant 2 : i32
      %add3A_291 = vector.broadcast %add3A_290 : i32 to vector<16xi32>
      %add3A_292 = arith.addi %add3A_284, %add3A_291 : vector<16xi32>
      %gather3A_293 = tpu.vector_load_idx %arg7[%add3A_292] : memref<49152xf32, #tpu.memory_space<vmem>>[vector<16xi32>], vector<16xf32>,
      %mul3A_294 = arith.mulf %gather3A_285, %get3A_1 : vector<16xf32>
      %add3A_295 = arith.addf %mul3A_294, %get3A_7 : vector<16xf32>
      %add3A_296 = arith.addf %add3A_295, %broadcast_in_dim3A_15 : vector<16xf32>
      %sub3A_297 = arith.subf %add3A_296, %broadcast_in_dim3A_15 : vector<16xf32>
      %convert_element_type3A_298 = arith.fptosi %sub3A_297 : vector<16xf32> to vector<16xi32>
      %mul3A_299 = arith.mulf %gather3A_289, %get3A_3 : vector<16xf32>
      %add3A_300 = arith.addf %mul3A_299, %get3A_9 : vector<16xf32>
      %add3A_301 = arith.addf %add3A_300, %broadcast_in_dim3A_15 : vector<16xf32>
      %sub3A_302 = arith.subf %add3A_301, %broadcast_in_dim3A_15 : vector<16xf32>
      %convert_element_type3A_303 = arith.fptosi %sub3A_302 : vector<16xf32> to vector<16xi32>
      %mul3A_304 = arith.mulf %gather3A_293, %get3A_5 : vector<16xf32>
      %add3A_305 = arith.addf %mul3A_304, %get3A_11 : vector<16xf32>
      %add3A_306 = arith.addf %add3A_305, %broadcast_in_dim3A_15 : vector<16xf32>
      %sub3A_307 = arith.subf %add3A_306, %broadcast_in_dim3A_15 : vector<16xf32>
      %convert_element_type3A_308 = arith.fptosi %sub3A_307 : vector<16xf32> to vector<16xi32>
      %shift_left3A_309 = arith.constant 16 : i32
      %shift_left3A_310 = vector.broadcast %shift_left3A_309 : i32 to vector<16xi32>
      %shift_left3A_311 = arith.shli %convert_element_type3A_298, %shift_left3A_310 : vector<16xi32>
      %shift_left3A_312 = arith.constant 8 : i32
      %shift_left3A_313 = vector.broadcast %shift_left3A_312 : i32 to vector<16xi32>
      %shift_left3A_314 = arith.shli %convert_element_type3A_303, %shift_left3A_313 : vector<16xi32>
      %or3A_315 = arith.ori %shift_left3A_311, %shift_left3A_314 : vector<16xi32>
      %or3A_316 = arith.ori %or3A_315, %convert_element_type3A_308 : vector<16xi32>
      %shift_right_arithmetic3A_317 = arith.constant 2 : i32
      %shift_right_arithmetic3A_318 = vector.broadcast %shift_right_arithmetic3A_317 : i32 to vector<16xi32>
      %shift_right_arithmetic3A_319 = arith.shrsi %or3A_316, %shift_right_arithmetic3A_318 : vector<16xi32>
      %max3A_320 = arith.constant 0 : i32
      %max3A_321 = vector.broadcast %max3A_320 : i32 to vector<16xi32>
      %max3A_322 = arith.maxsi %shift_right_arithmetic3A_319, %max3A_321 : vector<16xi32>
      %min3A_323 = arith.constant 4194303 : i32
      %min3A_324 = vector.broadcast %min3A_323 : i32 to vector<16xi32>
      %min3A_325 = arith.minsi %max3A_322, %min3A_324 : vector<16xi32>
      %and3A_326 = arith.constant 3 : i32
      %and3A_327 = vector.broadcast %and3A_326 : i32 to vector<16xi32>
      %and3A_328 = arith.andi %or3A_316, %and3A_327 : vector<16xi32>
      %shift_left3A_329 = arith.constant 3 : i32
      %shift_left3A_330 = vector.broadcast %shift_left3A_329 : i32 to vector<16xi32>
      %shift_left3A_331 = arith.shli %and3A_328, %shift_left3A_330 : vector<16xi32>
      %add3A_332 = arith.constant 48 : i32
      %add3A_333 = arith.addi %mul3A_111, %add3A_332 : i32
      %swap3A_334 = arith.index_cast %add3A_333 : i32 to index
      %swap3A_335 = tpu.vector_load %arg8[%swap3A_334] {strides = array<i32>} : memref<16384xi32, #tpu.memory_space<vmem>>, vector<16xi32>,
      tpu.vector_store %arg8[%swap3A_334], %min3A_325 {strides = array<i32>} : memref<16384xi32, #tpu.memory_space<vmem>>, vector<16xi32>,
      %swap3A_336 = arith.index_cast %add3A_333 : i32 to index
      %swap3A_337 = tpu.vector_load %arg9[%swap3A_336] {strides = array<i32>} : memref<16384xi32, #tpu.memory_space<vmem>>, vector<16xi32>,
      tpu.vector_store %arg9[%swap3A_336], %shift_left3A_331 {strides = array<i32>} : memref<16384xi32, #tpu.memory_space<vmem>>, vector<16xi32>,
      %mul3A_338 = arith.constant 384 : i32
      %mul3A_339 = arith.muli %scan3A_109, %mul3A_338 : i32
      %add3A_340 = arith.constant 192 : i32
      %add3A_341 = arith.addi %mul3A_339, %add3A_340 : i32
      %add3A_342 = vector.broadcast %add3A_341 : i32 to vector<16xi32>
      %add3A_343 = arith.addi %mul3A_14, %add3A_342 : vector<16xi32>
      %gather3A_344 = tpu.vector_load_idx %arg7[%add3A_343] : memref<49152xf32, #tpu.memory_space<vmem>>[vector<16xi32>], vector<16xf32>,
      %add3A_345 = arith.constant 1 : i32
      %add3A_346 = vector.broadcast %add3A_345 : i32 to vector<16xi32>
      %add3A_347 = arith.addi %add3A_343, %add3A_346 : vector<16xi32>
      %gather3A_348 = tpu.vector_load_idx %arg7[%add3A_347] : memref<49152xf32, #tpu.memory_space<vmem>>[vector<16xi32>], vector<16xf32>,
      %add3A_349 = arith.constant 2 : i32
      %add3A_350 = vector.broadcast %add3A_349 : i32 to vector<16xi32>
      %add3A_351 = arith.addi %add3A_343, %add3A_350 : vector<16xi32>
      %gather3A_352 = tpu.vector_load_idx %arg7[%add3A_351] : memref<49152xf32, #tpu.memory_space<vmem>>[vector<16xi32>], vector<16xf32>,
      %mul3A_353 = arith.mulf %gather3A_344, %get3A_1 : vector<16xf32>
      %add3A_354 = arith.addf %mul3A_353, %get3A_7 : vector<16xf32>
      %add3A_355 = arith.addf %add3A_354, %broadcast_in_dim3A_15 : vector<16xf32>
      %sub3A_356 = arith.subf %add3A_355, %broadcast_in_dim3A_15 : vector<16xf32>
      %convert_element_type3A_357 = arith.fptosi %sub3A_356 : vector<16xf32> to vector<16xi32>
      %mul3A_358 = arith.mulf %gather3A_348, %get3A_3 : vector<16xf32>
      %add3A_359 = arith.addf %mul3A_358, %get3A_9 : vector<16xf32>
      %add3A_360 = arith.addf %add3A_359, %broadcast_in_dim3A_15 : vector<16xf32>
      %sub3A_361 = arith.subf %add3A_360, %broadcast_in_dim3A_15 : vector<16xf32>
      %convert_element_type3A_362 = arith.fptosi %sub3A_361 : vector<16xf32> to vector<16xi32>
      %mul3A_363 = arith.mulf %gather3A_352, %get3A_5 : vector<16xf32>
      %add3A_364 = arith.addf %mul3A_363, %get3A_11 : vector<16xf32>
      %add3A_365 = arith.addf %add3A_364, %broadcast_in_dim3A_15 : vector<16xf32>
      %sub3A_366 = arith.subf %add3A_365, %broadcast_in_dim3A_15 : vector<16xf32>
      %convert_element_type3A_367 = arith.fptosi %sub3A_366 : vector<16xf32> to vector<16xi32>
      %shift_left3A_368 = arith.constant 16 : i32
      %shift_left3A_369 = vector.broadcast %shift_left3A_368 : i32 to vector<16xi32>
      %shift_left3A_370 = arith.shli %convert_element_type3A_357, %shift_left3A_369 : vector<16xi32>
      %shift_left3A_371 = arith.constant 8 : i32
      %shift_left3A_372 = vector.broadcast %shift_left3A_371 : i32 to vector<16xi32>
      %shift_left3A_373 = arith.shli %convert_element_type3A_362, %shift_left3A_372 : vector<16xi32>
      %or3A_374 = arith.ori %shift_left3A_370, %shift_left3A_373 : vector<16xi32>
      %or3A_375 = arith.ori %or3A_374, %convert_element_type3A_367 : vector<16xi32>
      %shift_right_arithmetic3A_376 = arith.constant 2 : i32
      %shift_right_arithmetic3A_377 = vector.broadcast %shift_right_arithmetic3A_376 : i32 to vector<16xi32>
      %shift_right_arithmetic3A_378 = arith.shrsi %or3A_375, %shift_right_arithmetic3A_377 : vector<16xi32>
      %max3A_379 = arith.constant 0 : i32
      %max3A_380 = vector.broadcast %max3A_379 : i32 to vector<16xi32>
      %max3A_381 = arith.maxsi %shift_right_arithmetic3A_378, %max3A_380 : vector<16xi32>
      %min3A_382 = arith.constant 4194303 : i32
      %min3A_383 = vector.broadcast %min3A_382 : i32 to vector<16xi32>
      %min3A_384 = arith.minsi %max3A_381, %min3A_383 : vector<16xi32>
      %and3A_385 = arith.constant 3 : i32
      %and3A_386 = vector.broadcast %and3A_385 : i32 to vector<16xi32>
      %and3A_387 = arith.andi %or3A_375, %and3A_386 : vector<16xi32>
      %shift_left3A_388 = arith.constant 3 : i32
      %shift_left3A_389 = vector.broadcast %shift_left3A_388 : i32 to vector<16xi32>
      %shift_left3A_390 = arith.shli %and3A_387, %shift_left3A_389 : vector<16xi32>
      %add3A_391 = arith.constant 64 : i32
      %add3A_392 = arith.addi %mul3A_111, %add3A_391 : i32
      %swap3A_393 = arith.index_cast %add3A_392 : i32 to index
      %swap3A_394 = tpu.vector_load %arg8[%swap3A_393] {strides = array<i32>} : memref<16384xi32, #tpu.memory_space<vmem>>, vector<16xi32>,
      tpu.vector_store %arg8[%swap3A_393], %min3A_384 {strides = array<i32>} : memref<16384xi32, #tpu.memory_space<vmem>>, vector<16xi32>,
      %swap3A_395 = arith.index_cast %add3A_392 : i32 to index
      %swap3A_396 = tpu.vector_load %arg9[%swap3A_395] {strides = array<i32>} : memref<16384xi32, #tpu.memory_space<vmem>>, vector<16xi32>,
      tpu.vector_store %arg9[%swap3A_395], %shift_left3A_390 {strides = array<i32>} : memref<16384xi32, #tpu.memory_space<vmem>>, vector<16xi32>,
      %mul3A_397 = arith.constant 384 : i32
      %mul3A_398 = arith.muli %scan3A_109, %mul3A_397 : i32
      %add3A_399 = arith.constant 240 : i32
      %add3A_400 = arith.addi %mul3A_398, %add3A_399 : i32
      %add3A_401 = vector.broadcast %add3A_400 : i32 to vector<16xi32>
      %add3A_402 = arith.addi %mul3A_14, %add3A_401 : vector<16xi32>
      %gather3A_403 = tpu.vector_load_idx %arg7[%add3A_402] : memref<49152xf32, #tpu.memory_space<vmem>>[vector<16xi32>], vector<16xf32>,
      %add3A_404 = arith.constant 1 : i32
      %add3A_405 = vector.broadcast %add3A_404 : i32 to vector<16xi32>
      %add3A_406 = arith.addi %add3A_402, %add3A_405 : vector<16xi32>
      %gather3A_407 = tpu.vector_load_idx %arg7[%add3A_406] : memref<49152xf32, #tpu.memory_space<vmem>>[vector<16xi32>], vector<16xf32>,
      %add3A_408 = arith.constant 2 : i32
      %add3A_409 = vector.broadcast %add3A_408 : i32 to vector<16xi32>
      %add3A_410 = arith.addi %add3A_402, %add3A_409 : vector<16xi32>
      %gather3A_411 = tpu.vector_load_idx %arg7[%add3A_410] : memref<49152xf32, #tpu.memory_space<vmem>>[vector<16xi32>], vector<16xf32>,
      %mul3A_412 = arith.mulf %gather3A_403, %get3A_1 : vector<16xf32>
      %add3A_413 = arith.addf %mul3A_412, %get3A_7 : vector<16xf32>
      %add3A_414 = arith.addf %add3A_413, %broadcast_in_dim3A_15 : vector<16xf32>
      %sub3A_415 = arith.subf %add3A_414, %broadcast_in_dim3A_15 : vector<16xf32>
      %convert_element_type3A_416 = arith.fptosi %sub3A_415 : vector<16xf32> to vector<16xi32>
      %mul3A_417 = arith.mulf %gather3A_407, %get3A_3 : vector<16xf32>
      %add3A_418 = arith.addf %mul3A_417, %get3A_9 : vector<16xf32>
      %add3A_419 = arith.addf %add3A_418, %broadcast_in_dim3A_15 : vector<16xf32>
      %sub3A_420 = arith.subf %add3A_419, %broadcast_in_dim3A_15 : vector<16xf32>
      %convert_element_type3A_421 = arith.fptosi %sub3A_420 : vector<16xf32> to vector<16xi32>
      %mul3A_422 = arith.mulf %gather3A_411, %get3A_5 : vector<16xf32>
      %add3A_423 = arith.addf %mul3A_422, %get3A_11 : vector<16xf32>
      %add3A_424 = arith.addf %add3A_423, %broadcast_in_dim3A_15 : vector<16xf32>
      %sub3A_425 = arith.subf %add3A_424, %broadcast_in_dim3A_15 : vector<16xf32>
      %convert_element_type3A_426 = arith.fptosi %sub3A_425 : vector<16xf32> to vector<16xi32>
      %shift_left3A_427 = arith.constant 16 : i32
      %shift_left3A_428 = vector.broadcast %shift_left3A_427 : i32 to vector<16xi32>
      %shift_left3A_429 = arith.shli %convert_element_type3A_416, %shift_left3A_428 : vector<16xi32>
      %shift_left3A_430 = arith.constant 8 : i32
      %shift_left3A_431 = vector.broadcast %shift_left3A_430 : i32 to vector<16xi32>
      %shift_left3A_432 = arith.shli %convert_element_type3A_421, %shift_left3A_431 : vector<16xi32>
      %or3A_433 = arith.ori %shift_left3A_429, %shift_left3A_432 : vector<16xi32>
      %or3A_434 = arith.ori %or3A_433, %convert_element_type3A_426 : vector<16xi32>
      %shift_right_arithmetic3A_435 = arith.constant 2 : i32
      %shift_right_arithmetic3A_436 = vector.broadcast %shift_right_arithmetic3A_435 : i32 to vector<16xi32>
      %shift_right_arithmetic3A_437 = arith.shrsi %or3A_434, %shift_right_arithmetic3A_436 : vector<16xi32>
      %max3A_438 = arith.constant 0 : i32
      %max3A_439 = vector.broadcast %max3A_438 : i32 to vector<16xi32>
      %max3A_440 = arith.maxsi %shift_right_arithmetic3A_437, %max3A_439 : vector<16xi32>
      %min3A_441 = arith.constant 4194303 : i32
      %min3A_442 = vector.broadcast %min3A_441 : i32 to vector<16xi32>
      %min3A_443 = arith.minsi %max3A_440, %min3A_442 : vector<16xi32>
      %and3A_444 = arith.constant 3 : i32
      %and3A_445 = vector.broadcast %and3A_444 : i32 to vector<16xi32>
      %and3A_446 = arith.andi %or3A_434, %and3A_445 : vector<16xi32>
      %shift_left3A_447 = arith.constant 3 : i32
      %shift_left3A_448 = vector.broadcast %shift_left3A_447 : i32 to vector<16xi32>
      %shift_left3A_449 = arith.shli %and3A_446, %shift_left3A_448 : vector<16xi32>
      %add3A_450 = arith.constant 80 : i32
      %add3A_451 = arith.addi %mul3A_111, %add3A_450 : i32
      %swap3A_452 = arith.index_cast %add3A_451 : i32 to index
      %swap3A_453 = tpu.vector_load %arg8[%swap3A_452] {strides = array<i32>} : memref<16384xi32, #tpu.memory_space<vmem>>, vector<16xi32>,
      tpu.vector_store %arg8[%swap3A_452], %min3A_443 {strides = array<i32>} : memref<16384xi32, #tpu.memory_space<vmem>>, vector<16xi32>,
      %swap3A_454 = arith.index_cast %add3A_451 : i32 to index
      %swap3A_455 = tpu.vector_load %arg9[%swap3A_454] {strides = array<i32>} : memref<16384xi32, #tpu.memory_space<vmem>>, vector<16xi32>,
      tpu.vector_store %arg9[%swap3A_454], %shift_left3A_449 {strides = array<i32>} : memref<16384xi32, #tpu.memory_space<vmem>>, vector<16xi32>,
      %mul3A_456 = arith.constant 384 : i32
      %mul3A_457 = arith.muli %scan3A_109, %mul3A_456 : i32
      %add3A_458 = arith.constant 288 : i32
      %add3A_459 = arith.addi %mul3A_457, %add3A_458 : i32
      %add3A_460 = vector.broadcast %add3A_459 : i32 to vector<16xi32>
      %add3A_461 = arith.addi %mul3A_14, %add3A_460 : vector<16xi32>
      %gather3A_462 = tpu.vector_load_idx %arg7[%add3A_461] : memref<49152xf32, #tpu.memory_space<vmem>>[vector<16xi32>], vector<16xf32>,
      %add3A_463 = arith.constant 1 : i32
      %add3A_464 = vector.broadcast %add3A_463 : i32 to vector<16xi32>
      %add3A_465 = arith.addi %add3A_461, %add3A_464 : vector<16xi32>
      %gather3A_466 = tpu.vector_load_idx %arg7[%add3A_465] : memref<49152xf32, #tpu.memory_space<vmem>>[vector<16xi32>], vector<16xf32>,
      %add3A_467 = arith.constant 2 : i32
      %add3A_468 = vector.broadcast %add3A_467 : i32 to vector<16xi32>
      %add3A_469 = arith.addi %add3A_461, %add3A_468 : vector<16xi32>
      %gather3A_470 = tpu.vector_load_idx %arg7[%add3A_469] : memref<49152xf32, #tpu.memory_space<vmem>>[vector<16xi32>], vector<16xf32>,
      %mul3A_471 = arith.mulf %gather3A_462, %get3A_1 : vector<16xf32>
      %add3A_472 = arith.addf %mul3A_471, %get3A_7 : vector<16xf32>
      %add3A_473 = arith.addf %add3A_472, %broadcast_in_dim3A_15 : vector<16xf32>
      %sub3A_474 = arith.subf %add3A_473, %broadcast_in_dim3A_15 : vector<16xf32>
      %convert_element_type3A_475 = arith.fptosi %sub3A_474 : vector<16xf32> to vector<16xi32>
      %mul3A_476 = arith.mulf %gather3A_466, %get3A_3 : vector<16xf32>
      %add3A_477 = arith.addf %mul3A_476, %get3A_9 : vector<16xf32>
      %add3A_478 = arith.addf %add3A_477, %broadcast_in_dim3A_15 : vector<16xf32>
      %sub3A_479 = arith.subf %add3A_478, %broadcast_in_dim3A_15 : vector<16xf32>
      %convert_element_type3A_480 = arith.fptosi %sub3A_479 : vector<16xf32> to vector<16xi32>
      %mul3A_481 = arith.mulf %gather3A_470, %get3A_5 : vector<16xf32>
      %add3A_482 = arith.addf %mul3A_481, %get3A_11 : vector<16xf32>
      %add3A_483 = arith.addf %add3A_482, %broadcast_in_dim3A_15 : vector<16xf32>
      %sub3A_484 = arith.subf %add3A_483, %broadcast_in_dim3A_15 : vector<16xf32>
      %convert_element_type3A_485 = arith.fptosi %sub3A_484 : vector<16xf32> to vector<16xi32>
      %shift_left3A_486 = arith.constant 16 : i32
      %shift_left3A_487 = vector.broadcast %shift_left3A_486 : i32 to vector<16xi32>
      %shift_left3A_488 = arith.shli %convert_element_type3A_475, %shift_left3A_487 : vector<16xi32>
      %shift_left3A_489 = arith.constant 8 : i32
      %shift_left3A_490 = vector.broadcast %shift_left3A_489 : i32 to vector<16xi32>
      %shift_left3A_491 = arith.shli %convert_element_type3A_480, %shift_left3A_490 : vector<16xi32>
      %or3A_492 = arith.ori %shift_left3A_488, %shift_left3A_491 : vector<16xi32>
      %or3A_493 = arith.ori %or3A_492, %convert_element_type3A_485 : vector<16xi32>
      %shift_right_arithmetic3A_494 = arith.constant 2 : i32
      %shift_right_arithmetic3A_495 = vector.broadcast %shift_right_arithmetic3A_494 : i32 to vector<16xi32>
      %shift_right_arithmetic3A_496 = arith.shrsi %or3A_493, %shift_right_arithmetic3A_495 : vector<16xi32>
      %max3A_497 = arith.constant 0 : i32
      %max3A_498 = vector.broadcast %max3A_497 : i32 to vector<16xi32>
      %max3A_499 = arith.maxsi %shift_right_arithmetic3A_496, %max3A_498 : vector<16xi32>
      %min3A_500 = arith.constant 4194303 : i32
      %min3A_501 = vector.broadcast %min3A_500 : i32 to vector<16xi32>
      %min3A_502 = arith.minsi %max3A_499, %min3A_501 : vector<16xi32>
      %and3A_503 = arith.constant 3 : i32
      %and3A_504 = vector.broadcast %and3A_503 : i32 to vector<16xi32>
      %and3A_505 = arith.andi %or3A_493, %and3A_504 : vector<16xi32>
      %shift_left3A_506 = arith.constant 3 : i32
      %shift_left3A_507 = vector.broadcast %shift_left3A_506 : i32 to vector<16xi32>
      %shift_left3A_508 = arith.shli %and3A_505, %shift_left3A_507 : vector<16xi32>
      %add3A_509 = arith.constant 96 : i32
      %add3A_510 = arith.addi %mul3A_111, %add3A_509 : i32
      %swap3A_511 = arith.index_cast %add3A_510 : i32 to index
      %swap3A_512 = tpu.vector_load %arg8[%swap3A_511] {strides = array<i32>} : memref<16384xi32, #tpu.memory_space<vmem>>, vector<16xi32>,
      tpu.vector_store %arg8[%swap3A_511], %min3A_502 {strides = array<i32>} : memref<16384xi32, #tpu.memory_space<vmem>>, vector<16xi32>,
      %swap3A_513 = arith.index_cast %add3A_510 : i32 to index
      %swap3A_514 = tpu.vector_load %arg9[%swap3A_513] {strides = array<i32>} : memref<16384xi32, #tpu.memory_space<vmem>>, vector<16xi32>,
      tpu.vector_store %arg9[%swap3A_513], %shift_left3A_508 {strides = array<i32>} : memref<16384xi32, #tpu.memory_space<vmem>>, vector<16xi32>,
      %mul3A_515 = arith.constant 384 : i32
      %mul3A_516 = arith.muli %scan3A_109, %mul3A_515 : i32
      %add3A_517 = arith.constant 336 : i32
      %add3A_518 = arith.addi %mul3A_516, %add3A_517 : i32
      %add3A_519 = vector.broadcast %add3A_518 : i32 to vector<16xi32>
      %add3A_520 = arith.addi %mul3A_14, %add3A_519 : vector<16xi32>
      %gather3A_521 = tpu.vector_load_idx %arg7[%add3A_520] : memref<49152xf32, #tpu.memory_space<vmem>>[vector<16xi32>], vector<16xf32>,
      %add3A_522 = arith.constant 1 : i32
      %add3A_523 = vector.broadcast %add3A_522 : i32 to vector<16xi32>
      %add3A_524 = arith.addi %add3A_520, %add3A_523 : vector<16xi32>
      %gather3A_525 = tpu.vector_load_idx %arg7[%add3A_524] : memref<49152xf32, #tpu.memory_space<vmem>>[vector<16xi32>], vector<16xf32>,
      %add3A_526 = arith.constant 2 : i32
      %add3A_527 = vector.broadcast %add3A_526 : i32 to vector<16xi32>
      %add3A_528 = arith.addi %add3A_520, %add3A_527 : vector<16xi32>
      %gather3A_529 = tpu.vector_load_idx %arg7[%add3A_528] : memref<49152xf32, #tpu.memory_space<vmem>>[vector<16xi32>], vector<16xf32>,
      %mul3A_530 = arith.mulf %gather3A_521, %get3A_1 : vector<16xf32>
      %add3A_531 = arith.addf %mul3A_530, %get3A_7 : vector<16xf32>
      %add3A_532 = arith.addf %add3A_531, %broadcast_in_dim3A_15 : vector<16xf32>
      %sub3A_533 = arith.subf %add3A_532, %broadcast_in_dim3A_15 : vector<16xf32>
      %convert_element_type3A_534 = arith.fptosi %sub3A_533 : vector<16xf32> to vector<16xi32>
      %mul3A_535 = arith.mulf %gather3A_525, %get3A_3 : vector<16xf32>
      %add3A_536 = arith.addf %mul3A_535, %get3A_9 : vector<16xf32>
      %add3A_537 = arith.addf %add3A_536, %broadcast_in_dim3A_15 : vector<16xf32>
      %sub3A_538 = arith.subf %add3A_537, %broadcast_in_dim3A_15 : vector<16xf32>
      %convert_element_type3A_539 = arith.fptosi %sub3A_538 : vector<16xf32> to vector<16xi32>
      %mul3A_540 = arith.mulf %gather3A_529, %get3A_5 : vector<16xf32>
      %add3A_541 = arith.addf %mul3A_540, %get3A_11 : vector<16xf32>
      %add3A_542 = arith.addf %add3A_541, %broadcast_in_dim3A_15 : vector<16xf32>
      %sub3A_543 = arith.subf %add3A_542, %broadcast_in_dim3A_15 : vector<16xf32>
      %convert_element_type3A_544 = arith.fptosi %sub3A_543 : vector<16xf32> to vector<16xi32>
      %shift_left3A_545 = arith.constant 16 : i32
      %shift_left3A_546 = vector.broadcast %shift_left3A_545 : i32 to vector<16xi32>
      %shift_left3A_547 = arith.shli %convert_element_type3A_534, %shift_left3A_546 : vector<16xi32>
      %shift_left3A_548 = arith.constant 8 : i32
      %shift_left3A_549 = vector.broadcast %shift_left3A_548 : i32 to vector<16xi32>
      %shift_left3A_550 = arith.shli %convert_element_type3A_539, %shift_left3A_549 : vector<16xi32>
      %or3A_551 = arith.ori %shift_left3A_547, %shift_left3A_550 : vector<16xi32>
      %or3A_552 = arith.ori %or3A_551, %convert_element_type3A_544 : vector<16xi32>
      %shift_right_arithmetic3A_553 = arith.constant 2 : i32
      %shift_right_arithmetic3A_554 = vector.broadcast %shift_right_arithmetic3A_553 : i32 to vector<16xi32>
      %shift_right_arithmetic3A_555 = arith.shrsi %or3A_552, %shift_right_arithmetic3A_554 : vector<16xi32>
      %max3A_556 = arith.constant 0 : i32
      %max3A_557 = vector.broadcast %max3A_556 : i32 to vector<16xi32>
      %max3A_558 = arith.maxsi %shift_right_arithmetic3A_555, %max3A_557 : vector<16xi32>
      %min3A_559 = arith.constant 4194303 : i32
      %min3A_560 = vector.broadcast %min3A_559 : i32 to vector<16xi32>
      %min3A_561 = arith.minsi %max3A_558, %min3A_560 : vector<16xi32>
      %and3A_562 = arith.constant 3 : i32
      %and3A_563 = vector.broadcast %and3A_562 : i32 to vector<16xi32>
      %and3A_564 = arith.andi %or3A_552, %and3A_563 : vector<16xi32>
      %shift_left3A_565 = arith.constant 3 : i32
      %shift_left3A_566 = vector.broadcast %shift_left3A_565 : i32 to vector<16xi32>
      %shift_left3A_567 = arith.shli %and3A_564, %shift_left3A_566 : vector<16xi32>
      %add3A_568 = arith.constant 112 : i32
      %add3A_569 = arith.addi %mul3A_111, %add3A_568 : i32
      %swap3A_570 = arith.index_cast %add3A_569 : i32 to index
      %swap3A_571 = tpu.vector_load %arg8[%swap3A_570] {strides = array<i32>} : memref<16384xi32, #tpu.memory_space<vmem>>, vector<16xi32>,
      tpu.vector_store %arg8[%swap3A_570], %min3A_561 {strides = array<i32>} : memref<16384xi32, #tpu.memory_space<vmem>>, vector<16xi32>,
      %swap3A_572 = arith.index_cast %add3A_569 : i32 to index
      %swap3A_573 = tpu.vector_load %arg9[%swap3A_572] {strides = array<i32>} : memref<16384xi32, #tpu.memory_space<vmem>>, vector<16xi32>,
      tpu.vector_store %arg9[%swap3A_572], %shift_left3A_567 {strides = array<i32>} : memref<16384xi32, #tpu.memory_space<vmem>>, vector<16xi32>,
    }
    %scan3A_98 = arith.constant 128 : i32
    %dma_start3A_99 = arith.constant 0 : i32
    %dma_start3A_100 = tpu.memref_slice %arg3[%dma_start3A_99] : memref<4194304xi32, #tpu.memory_space<hbm>> -> memref<4194304xi32, #tpu.memory_space<hbm>>
    tpu.enqueue_indirect_dma source(%dma_start3A_100 : memref<4194304xi32, #tpu.memory_space<hbm>>) target(%arg10 : memref<16384xi32, #tpu.memory_space<vmem>>) offsets(%arg8 : memref<16384xi32, #tpu.memory_space<vmem>>) semaphore(%arg12 : memref<!tpu.dma_semaphore, #tpu.memory_space<semaphore_mem>>)
    %dma_wait3A_101 = arith.constant 0 : i32
    %dma_wait3A_102 = tpu.memref_slice %arg3[%dma_wait3A_101] : memref<4194304xi32, #tpu.memory_space<hbm>> -> memref<4194304xi32, #tpu.memory_space<hbm>>
    tpu.wait_indirect_dma semaphore(%arg12 : memref<!tpu.dma_semaphore, #tpu.memory_space<semaphore_mem>>) src(%dma_wait3A_102 : memref<4194304xi32, #tpu.memory_space<hbm>>) dst(%arg10 : memref<16384xi32, #tpu.memory_space<vmem>>)
    %scan3A_103 = arith.constant 0 : i32
    %scan3A_104 = arith.constant 0 : i32
    %scan3A_105 = arith.constant 128 : i32
    %scan3A_106 = arith.addi %scan3A_104, %scan3A_105 : i32
    %scan3A_107 = arith.constant 1 : i32
    scf.for %scan3A_109 = %scan3A_104 to %scan3A_106 step %scan3A_107  : i32 {
      %mul3A_110 = arith.constant 128 : i32
      %mul3A_111 = arith.muli %scan3A_109, %mul3A_110 : i32
      %add3A_112 = arith.constant 0 : i32
      %add3A_113 = arith.addi %mul3A_111, %add3A_112 : i32
      %get3A_114 = arith.index_cast %add3A_113 : i32 to index
      %get3A_115 = tpu.vector_load %arg10[%get3A_114] {strides = array<i32>} : memref<16384xi32, #tpu.memory_space<vmem>>, vector<16xi32>,
      %get3A_116 = arith.index_cast %add3A_113 : i32 to index
      %get3A_117 = tpu.vector_load %arg9[%get3A_116] {strides = array<i32>} : memref<16384xi32, #tpu.memory_space<vmem>>, vector<16xi32>,
      %shift_right_logical3A = arith.shrui %get3A_115, %get3A_117 : vector<16xi32>
      %and3A = arith.constant 1 : i32
      %and3A_118 = vector.broadcast %and3A : i32 to vector<16xi32>
      %and3A_119 = arith.andi %shift_right_logical3A, %and3A_118 : vector<16xi32>
      %swap3A = arith.index_cast %add3A_113 : i32 to index
      %swap3A_120 = tpu.vector_load %arg11[%swap3A] {strides = array<i32>} : memref<16384xi32, #tpu.memory_space<vmem>>, vector<16xi32>,
      tpu.vector_store %arg11[%swap3A], %and3A_119 {strides = array<i32>} : memref<16384xi32, #tpu.memory_space<vmem>>, vector<16xi32>,
      %add3A_121 = arith.constant 16 : i32
      %add3A_122 = arith.addi %mul3A_111, %add3A_121 : i32
      %get3A_123 = arith.index_cast %add3A_122 : i32 to index
      %get3A_124 = tpu.vector_load %arg10[%get3A_123] {strides = array<i32>} : memref<16384xi32, #tpu.memory_space<vmem>>, vector<16xi32>,
      %get3A_125 = arith.index_cast %add3A_122 : i32 to index
      %get3A_126 = tpu.vector_load %arg9[%get3A_125] {strides = array<i32>} : memref<16384xi32, #tpu.memory_space<vmem>>, vector<16xi32>,
      %shift_right_logical3A_127 = arith.shrui %get3A_124, %get3A_126 : vector<16xi32>
      %and3A_128 = arith.constant 1 : i32
      %and3A_129 = vector.broadcast %and3A_128 : i32 to vector<16xi32>
      %and3A_130 = arith.andi %shift_right_logical3A_127, %and3A_129 : vector<16xi32>
      %swap3A_131 = arith.index_cast %add3A_122 : i32 to index
      %swap3A_132 = tpu.vector_load %arg11[%swap3A_131] {strides = array<i32>} : memref<16384xi32, #tpu.memory_space<vmem>>, vector<16xi32>,
      tpu.vector_store %arg11[%swap3A_131], %and3A_130 {strides = array<i32>} : memref<16384xi32, #tpu.memory_space<vmem>>, vector<16xi32>,
      %add3A_133 = arith.constant 32 : i32
      %add3A_134 = arith.addi %mul3A_111, %add3A_133 : i32
      %get3A_135 = arith.index_cast %add3A_134 : i32 to index
      %get3A_136 = tpu.vector_load %arg10[%get3A_135] {strides = array<i32>} : memref<16384xi32, #tpu.memory_space<vmem>>, vector<16xi32>,
      %get3A_137 = arith.index_cast %add3A_134 : i32 to index
      %get3A_138 = tpu.vector_load %arg9[%get3A_137] {strides = array<i32>} : memref<16384xi32, #tpu.memory_space<vmem>>, vector<16xi32>,
      %shift_right_logical3A_139 = arith.shrui %get3A_136, %get3A_138 : vector<16xi32>
      %and3A_140 = arith.constant 1 : i32
      %and3A_141 = vector.broadcast %and3A_140 : i32 to vector<16xi32>
      %and3A_142 = arith.andi %shift_right_logical3A_139, %and3A_141 : vector<16xi32>
      %swap3A_143 = arith.index_cast %add3A_134 : i32 to index
      %swap3A_144 = tpu.vector_load %arg11[%swap3A_143] {strides = array<i32>} : memref<16384xi32, #tpu.memory_space<vmem>>, vector<16xi32>,
      tpu.vector_store %arg11[%swap3A_143], %and3A_142 {strides = array<i32>} : memref<16384xi32, #tpu.memory_space<vmem>>, vector<16xi32>,
      %add3A_145 = arith.constant 48 : i32
      %add3A_146 = arith.addi %mul3A_111, %add3A_145 : i32
      %get3A_147 = arith.index_cast %add3A_146 : i32 to index
      %get3A_148 = tpu.vector_load %arg10[%get3A_147] {strides = array<i32>} : memref<16384xi32, #tpu.memory_space<vmem>>, vector<16xi32>,
      %get3A_149 = arith.index_cast %add3A_146 : i32 to index
      %get3A_150 = tpu.vector_load %arg9[%get3A_149] {strides = array<i32>} : memref<16384xi32, #tpu.memory_space<vmem>>, vector<16xi32>,
      %shift_right_logical3A_151 = arith.shrui %get3A_148, %get3A_150 : vector<16xi32>
      %and3A_152 = arith.constant 1 : i32
      %and3A_153 = vector.broadcast %and3A_152 : i32 to vector<16xi32>
      %and3A_154 = arith.andi %shift_right_logical3A_151, %and3A_153 : vector<16xi32>
      %swap3A_155 = arith.index_cast %add3A_146 : i32 to index
      %swap3A_156 = tpu.vector_load %arg11[%swap3A_155] {strides = array<i32>} : memref<16384xi32, #tpu.memory_space<vmem>>, vector<16xi32>,
      tpu.vector_store %arg11[%swap3A_155], %and3A_154 {strides = array<i32>} : memref<16384xi32, #tpu.memory_space<vmem>>, vector<16xi32>,
      %add3A_157 = arith.constant 64 : i32
      %add3A_158 = arith.addi %mul3A_111, %add3A_157 : i32
      %get3A_159 = arith.index_cast %add3A_158 : i32 to index
      %get3A_160 = tpu.vector_load %arg10[%get3A_159] {strides = array<i32>} : memref<16384xi32, #tpu.memory_space<vmem>>, vector<16xi32>,
      %get3A_161 = arith.index_cast %add3A_158 : i32 to index
      %get3A_162 = tpu.vector_load %arg9[%get3A_161] {strides = array<i32>} : memref<16384xi32, #tpu.memory_space<vmem>>, vector<16xi32>,
      %shift_right_logical3A_163 = arith.shrui %get3A_160, %get3A_162 : vector<16xi32>
      %and3A_164 = arith.constant 1 : i32
      %and3A_165 = vector.broadcast %and3A_164 : i32 to vector<16xi32>
      %and3A_166 = arith.andi %shift_right_logical3A_163, %and3A_165 : vector<16xi32>
      %swap3A_167 = arith.index_cast %add3A_158 : i32 to index
      %swap3A_168 = tpu.vector_load %arg11[%swap3A_167] {strides = array<i32>} : memref<16384xi32, #tpu.memory_space<vmem>>, vector<16xi32>,
      tpu.vector_store %arg11[%swap3A_167], %and3A_166 {strides = array<i32>} : memref<16384xi32, #tpu.memory_space<vmem>>, vector<16xi32>,
      %add3A_169 = arith.constant 80 : i32
      %add3A_170 = arith.addi %mul3A_111, %add3A_169 : i32
      %get3A_171 = arith.index_cast %add3A_170 : i32 to index
      %get3A_172 = tpu.vector_load %arg10[%get3A_171] {strides = array<i32>} : memref<16384xi32, #tpu.memory_space<vmem>>, vector<16xi32>,
      %get3A_173 = arith.index_cast %add3A_170 : i32 to index
      %get3A_174 = tpu.vector_load %arg9[%get3A_173] {strides = array<i32>} : memref<16384xi32, #tpu.memory_space<vmem>>, vector<16xi32>,
      %shift_right_logical3A_175 = arith.shrui %get3A_172, %get3A_174 : vector<16xi32>
      %and3A_176 = arith.constant 1 : i32
      %and3A_177 = vector.broadcast %and3A_176 : i32 to vector<16xi32>
      %and3A_178 = arith.andi %shift_right_logical3A_175, %and3A_177 : vector<16xi32>
      %swap3A_179 = arith.index_cast %add3A_170 : i32 to index
      %swap3A_180 = tpu.vector_load %arg11[%swap3A_179] {strides = array<i32>} : memref<16384xi32, #tpu.memory_space<vmem>>, vector<16xi32>,
      tpu.vector_store %arg11[%swap3A_179], %and3A_178 {strides = array<i32>} : memref<16384xi32, #tpu.memory_space<vmem>>, vector<16xi32>,
      %add3A_181 = arith.constant 96 : i32
      %add3A_182 = arith.addi %mul3A_111, %add3A_181 : i32
      %get3A_183 = arith.index_cast %add3A_182 : i32 to index
      %get3A_184 = tpu.vector_load %arg10[%get3A_183] {strides = array<i32>} : memref<16384xi32, #tpu.memory_space<vmem>>, vector<16xi32>,
      %get3A_185 = arith.index_cast %add3A_182 : i32 to index
      %get3A_186 = tpu.vector_load %arg9[%get3A_185] {strides = array<i32>} : memref<16384xi32, #tpu.memory_space<vmem>>, vector<16xi32>,
      %shift_right_logical3A_187 = arith.shrui %get3A_184, %get3A_186 : vector<16xi32>
      %and3A_188 = arith.constant 1 : i32
      %and3A_189 = vector.broadcast %and3A_188 : i32 to vector<16xi32>
      %and3A_190 = arith.andi %shift_right_logical3A_187, %and3A_189 : vector<16xi32>
      %swap3A_191 = arith.index_cast %add3A_182 : i32 to index
      %swap3A_192 = tpu.vector_load %arg11[%swap3A_191] {strides = array<i32>} : memref<16384xi32, #tpu.memory_space<vmem>>, vector<16xi32>,
      tpu.vector_store %arg11[%swap3A_191], %and3A_190 {strides = array<i32>} : memref<16384xi32, #tpu.memory_space<vmem>>, vector<16xi32>,
      %add3A_193 = arith.constant 112 : i32
      %add3A_194 = arith.addi %mul3A_111, %add3A_193 : i32
      %get3A_195 = arith.index_cast %add3A_194 : i32 to index
      %get3A_196 = tpu.vector_load %arg10[%get3A_195] {strides = array<i32>} : memref<16384xi32, #tpu.memory_space<vmem>>, vector<16xi32>,
      %get3A_197 = arith.index_cast %add3A_194 : i32 to index
      %get3A_198 = tpu.vector_load %arg9[%get3A_197] {strides = array<i32>} : memref<16384xi32, #tpu.memory_space<vmem>>, vector<16xi32>,
      %shift_right_logical3A_199 = arith.shrui %get3A_196, %get3A_198 : vector<16xi32>
      %and3A_200 = arith.constant 1 : i32
      %and3A_201 = vector.broadcast %and3A_200 : i32 to vector<16xi32>
      %and3A_202 = arith.andi %shift_right_logical3A_199, %and3A_201 : vector<16xi32>
      %swap3A_203 = arith.index_cast %add3A_194 : i32 to index
      %swap3A_204 = tpu.vector_load %arg11[%swap3A_203] {strides = array<i32>} : memref<16384xi32, #tpu.memory_space<vmem>>, vector<16xi32>,
      tpu.vector_store %arg11[%swap3A_203], %and3A_202 {strides = array<i32>} : memref<16384xi32, #tpu.memory_space<vmem>>, vector<16xi32>,
    }
    %scan3A_108 = arith.constant 128 : i32
    "tpu.region"() ({
      %run_scoped3A = tpu.sem_alloc : memref<!tpu.dma_semaphore, #tpu.memory_space<semaphore_mem>>
      %dma_start3A_109 = tpu.memref_slice %arg5[%mul3A_90] : memref<2097152xi32, #tpu.memory_space<hbm>> -> memref<16384xi32, #tpu.memory_space<hbm>>
      %dma_start3A_110 = tpu.memref_slice %arg5[%mul3A_90] : memref<2097152xi32, #tpu.memory_space<hbm>> -> memref<16384xi32, #tpu.memory_space<hbm>>
      tpu.enqueue_dma source(%arg11 : memref<16384xi32, #tpu.memory_space<vmem>>) target(%dma_start3A_110 : memref<16384xi32, #tpu.memory_space<hbm>>) target_semaphore(%run_scoped3A : memref<!tpu.dma_semaphore, #tpu.memory_space<semaphore_mem>>)
      %dma_wait3A_111 = tpu.memref_slice %arg5[%mul3A_90] : memref<2097152xi32, #tpu.memory_space<hbm>> -> memref<16384xi32, #tpu.memory_space<hbm>>
      %dma_wait3A_112 = tpu.memref_slice %arg5[%mul3A_90] : memref<2097152xi32, #tpu.memory_space<hbm>> -> memref<16384xi32, #tpu.memory_space<hbm>>
      tpu.wait_dma2 semaphore(%run_scoped3A : memref<!tpu.dma_semaphore, #tpu.memory_space<semaphore_mem>>) src(%arg11 : memref<16384xi32, #tpu.memory_space<vmem>>) dst(%dma_wait3A_112 : memref<16384xi32, #tpu.memory_space<hbm>>)
      tpu.yield
    }) : () -> ()
    return
  }
}

</mosaic_0001>

<sc_bundles>
// kernel: kernel.3.cloned.1.call-start
scs
__scs_entry_jumppad:
0x0: {  	(pc) =	sbr.rel $0x88, $3  }
0x1: {  	(tag) =	ssettag $0x0;
	lr =	simm.s32 $0x1  }
0x2: {  	[smem:$0x3F9D] =	sst lr;
	_ =	strace $0xD0000000  }
0x3: {  	_ = 	snop  }
0x4: {  	_ = 	snop  }
0x5: {  	_ = 	snop  }
0x6: {  	_ = 	snop  }
0x7: {  	_ = 	snop  }
__scs_overlays_trampoline_lowered:
0x8: {  	[smem:$0x3FAC] =	sst s0  }
0x9: {  	[smem:$0x3FAD] =	sst s1  }
0xa: {  	[smem:$0x3FAE] =	sst s2  }
0xb: {  	[smem:$0x3FAF] =	sst s3  }
0xc: {  	[smem:$0x3FB0] =	sst s4  }
0xd: {  	[smem:$0x3FB1] =	sst s5  }
0xe: {  	[smem:$0x3FB2] =	sst s6  }
0xf: {  	[smem:$0x3FB3] =	sst s7  }
0x10: {  	[smem:$0x3FB4] =	sst s8  }
0x11: {  	[smem:$0x3FB5] =	sst s9;
	s0 =	simm.s32 @!p0 $0x0  }
0x12: {  	s1 =	sld [smem:$0x3F9B];
	s0 =	simm.s32 @p0 $0x1  }
0x13: {  	[smem:$0x3FB6] =	sst s0;
	s0 =	simm.s32 @!p1 $0x0  }
0x14: {  	s2 =	sld [smem:$0x3F9A];
	s0 =	simm.s32 @p1 $0x1  }
0x15: {  	[smem:$0x3FB7] =	sst s0;
	s0 =	simm.s32 @!p2 $0x0  }
0x16: {  	s3 =	sld [smem:$0x3FDB];
	s0 =	simm.s32 @p2 $0x1  }
0x17: {  	s4 =	simm.s32 $0x1BF5;
	[smem:$0x3FB9] =	sst s0  }
0x18: {  	s0 =	sld [smem:$0x3F9C];
	_ =	swait.ge [sflag:s4], $0x0  }
0x19: {  	s7 =	sld [smem:$0x3F9D]  }
0x1a: {  	s8 =	sadd.s32 $0xFFFFE003, lr  }
0x1b: {  	s9 =	sadd.s32 $0xFFFFFEF7, lr;
	s5 =	simm.s32 $0xFFFFFFFF;
	p2 =	slt.u32 s8, $0xFFFFF086  }
0x1c: {  	p1 =	slt.u32 s9, $0xF7A;
	s5 =	simm.s32 @!p2 $0x0  }
0x1d: {  	s5 =	simm.s32 @p1 $0x1;
	p0 =	seq.s32 s7, s2  }
0x1e: {  	s7 =	smul.u32 @!p0 $0xF7A, s2;
	p2 =	seq.s32 @!p0 s5, $0x0  }
0x1f: {  	s9 =	smul.u32 $0xF7A, s1;
	s8 =	simm.s32 @!p0 $0x1BF5;
	p2 =	por !p2, p0  }
0x20: {  	[sflag:s8] =	ssyncset.s32 @!p0 $0xFFFFF086;
	s6 =	sadd.s32 @!p0 s3, s7;
	s7 =	simm.s32 @!p0 $0x108  }
0x21: {  	s3 =	sadd.s32 s3, s9;
	s6 =	sadd.s32 @!p0 $0x88, s6;
	s7 =	simm.s32 @p2 $0x1082  }
0x22: {  	[simem:s7], [sflag:s8] =	dma.local @!p0 [hbm:s6], $0xF7A  }
0x23: {  	s9 =	sor.u32 $0xD0000000, s2;
	s6 =	simm.s32 $0x108;
	_ =	swait.ge @!p0 [sflag:s8], $0x0  }
0x24: {  	s3 =	sadd.s32 $0x88, s3;
	s6 =	simm.s32 @!p1 $0x1082;
	[sflag:s4] =	ssyncset.s32 $0xFFFFF086  }
0x25: {  	[simem:s6], [sflag:s4] =	dma.local [hbm:s3], $0xF7A  }
0x26: {  	[smem:$0x3F9D] =	sst s1;
	(tag) =	ssettag s2;
	_ =	strace s9  }
0x27: {  	s1 =	sld [smem:$0x3FAD]  }
0x28: {  	s2 =	sld [smem:$0x3FAE]  }
0x29: {  	s4 =	sld [smem:$0x3FB0]  }
0x2a: {  	p0 =	seq.s32 s5, $0x0;
	s5 =	sld [smem:$0x3FB1]  }
0x2b: {  	s6 =	sld [smem:$0x3FB2]  }
0x2c: {  	s7 =	sld [smem:$0x3FB3]  }
0x2d: {  	s3 =	simm.s32 $0x108;
	s8 =	sld [smem:$0x3FB4]  }
0x2e: {  	s3 =	simm.s32 @!p0 $0x1082;
	s9 =	sld [smem:$0x3FB5]  }
0x2f: {  	lr =	sadd.s32 s0, s3;
	s0 =	sld [smem:$0x3FAC]  }
0x30: {  	s3 =	sld [smem:$0x3FAF]  }
0x31: {  	[smem:$0x3FB8] =	sst s10  }
0x32: {  	s10 =	sld [smem:$0x3FB6];
	_ =	sdelay $0x3  }
0x33: {  	p0 =	seq.s32 s10, $0x1;
	s10 =	sld [smem:$0x3FB8];
	_ =	sdelay $0x3  }
0x34: {  	[smem:$0x3FB8] =	sst s10  }
0x35: {  	s10 =	sld [smem:$0x3FB7];
	_ =	sdelay $0x3  }
0x36: {  	p1 =	seq.s32 s10, $0x1;
	s10 =	sld [smem:$0x3FB8];
	_ =	sdelay $0x3  }
0x37: {  	[smem:$0x3FB8] =	sst s10  }
0x38: {  	s10 =	sld [smem:$0x3FB9]  }
0x39: {  	_ = 	snop;
	(pc) =	sbr.ind lr, $3  }
0x3a: {  	_ = 	snop  }
0x3b: {  	_ = 	snop  }
0x3c: {  	p2 =	seq.s32 s10, $0x1;
	s10 =	sld [smem:$0x3FB8]  }
0x3d: {  	_ =	shalt  }
0x3e: {  	_ =	shalt  }
0x3f: {  	_ =	shalt  }
0x40: {  	_ =	shalt  }
0x41: {  	_ =	shalt  }
0x42: {  	_ =	shalt  }
0x43: {  	_ =	shalt  }
0x44: {  	_ =	shalt  }
0x45: {  	_ =	shalt  }
0x46: {  	_ =	shalt  }
0x47: {  	_ =	shalt  }
0x48: {  	_ =	shalt  }
0x49: {  	_ =	shalt  }
0x4a: {  	_ =	shalt  }
0x4b: {  	_ =	shalt  }
0x4c: {  	_ =	shalt  }
0x4d: {  	_ =	shalt  }
0x4e: {  	_ =	shalt  }
0x4f: {  	_ =	shalt  }
0x50: {  	_ =	shalt  }
0x51: {  	_ =	shalt  }
0x52: {  	_ =	shalt  }
0x53: {  	_ =	shalt  }
0x54: {  	_ =	shalt  }
0x55: {  	_ =	shalt  }
0x56: {  	_ =	shalt  }
0x57: {  	_ =	shalt  }
0x58: {  	_ =	shalt  }
0x59: {  	_ =	shalt  }
0x5a: {  	_ =	shalt  }
0x5b: {  	_ =	shalt  }
0x5c: {  	_ =	shalt  }
0x5d: {  	_ =	shalt  }
0x5e: {  	_ =	shalt  }
0x5f: {  	_ =	shalt  }
0x60: {  	_ =	shalt  }
0x61: {  	_ =	shalt  }
0x62: {  	_ =	shalt  }
0x63: {  	_ =	shalt  }
0x64: {  	_ =	shalt  }
0x65: {  	_ =	shalt  }
0x66: {  	_ =	shalt  }
0x67: {  	_ =	shalt  }
0x68: {  	_ =	shalt  }
0x69: {  	_ =	shalt  }
0x6a: {  	_ =	shalt  }
0x6b: {  	_ =	shalt  }
0x6c: {  	_ =	shalt  }
0x6d: {  	_ =	shalt  }
0x6e: {  	_ =	shalt  }
0x6f: {  	_ =	shalt  }
0x70: {  	_ =	shalt  }
0x71: {  	_ =	shalt  }
0x72: {  	_ =	shalt  }
0x73: {  	_ =	shalt  }
0x74: {  	_ =	shalt  }
0x75: {  	_ =	shalt  }
0x76: {  	_ =	shalt  }
0x77: {  	_ =	shalt  }
0x78: {  	_ =	shalt  }
0x79: {  	_ =	shalt  }
0x7a: {  	_ =	shalt  }
0x7b: {  	_ =	shalt  }
0x7c: {  	_ =	shalt  }
0x7d: {  	_ =	shalt  }
0x7e: {  	_ =	shalt  }
0x7f: {  	_ =	shalt  }
0x80: {  	_ =	shalt  }
0x81: {  	_ =	shalt  }
0x82: {  	_ =	shalt  }
0x83: {  	_ =	shalt  }
0x84: {  	_ =	shalt  }
0x85: {  	_ =	shalt  }
0x86: {  	_ =	shalt  }
0x87: {  	_ =	shalt  }
.Lfunc_end0:
.L_simem_size_0:
called_computation_lowered:
.L_overlay_start_0:
0x88: {  	s2 =	sld [smem:$0x3FD9]  }
0x89: {  	s3 =	sld [smem:$0x3FFE];
	_ =	sdelay $0x1  }
0x8a: {  	s1 =	srdreg.scid  }
0x8b: {  	s0 =	sand.u32 $0x1, s1  }
0x8c: {  	s17 =	sshll.u32 s0, $0xA;
	s2 =	sadd.s32 s3, s2  }
0x8d: {  	s2 =	sadd.s32 s2, s17  }
0x8e: {  	[smem:$0x3FC4] =	sst s2  }
0x8f: {  	_ = 	snop  }
0x90: {  	s2 =	sld [smem:$0x3FD0];
	(tm) =	ssettm $0x1  }
0x91: {  	s18 =	sld [smem:$0x3FFB];
	_ =	sdelay $0x3  }
0x92: {  	_ =	strace s18  }
0x93: {  	s3 =	sld [smem:$0x3FFC];
	_ =	sdelay $0x3  }
0x94: {  	_ =	strace s3  }
0x95: {  	s3 =	sld [smem:$0x3FFD];
	_ =	sdelay $0x3  }
0x96: {  	_ =	strace s3  }
0x97: {  	_ =	strace $0x8FFFFFFF  }
0x98: {  	s19 =	sld [smem:$0x3FDB];
	_ =	sdelay $0x1  }
0x99: {  	s4 =	simm.s32 $_scs_section_size  }
0x9a: {  	s5 =	simm.s32 $_size__tile_overlayer_lowered;
	s6 =	simm.s32 $_tile_overlayer_lowered  }
0x9b: {  	s22 =	simm.s32 $0x1BFF;
	s21 =	sshll.u32 s6, $0x1;
	s3 =	sadd.s32 s4, s19  }
0x9c: {  	s7 =	simm.s32 $0x0;
	s20 =	sshll.u32 s5, $0x1;
	s5 =	sadd.s32 s21, s3  }
0x9d: {  	[timem:s7], [sflag:s22] =	dma.local [hbm:s5], s20  }
0x9e: {  	_ =	swait.ge [sflag:s22], s20  }
0x9f: {  	s4 =	ssub.s32 $0x0, s20;
	[sflag:s22] =	ssyncset.done $0x0  }
0xa0: {  	[sflag:s22] =	ssyncadd.s32 s4;
	_ =	sdelay $0x1  }
0xa1: {  	s23 =	simm.s32 $0x1B8B  }
0xa2: {  	_ =	swait.ge [sflag:s23], $0x1  }
0xa3: {  	[sflag:s23] =	ssyncset.done $0x0  }
0xa4: {  	s25 =	simm.s32 $0x1B8E;
	s24 =	sld [smem:$0x3FFE];
	[sflag:s23] =	ssyncadd.s32 $0xFFFFFFFF  }
0xa5: {  	s26 =	simm.s32 $execute0_lowered;
	[smem:$0x3FD2] =	sst s25  }
0xa6: {  	s5 =	sshll.u32 s26, $0x1;
	_ =	strace $0x80000046;
	[dreg:$0x1] =	wrdreg $0xFFFFFFFF  }
0xa7: {  	s28 =	simm.s32 $_size_execute0_lowered;
	s3 =	sadd.s32 s3, s5;
	[dreg:$0x0] =	wrdreg $0x0  }
0xa8: {  	s5 =	sshll.u32 s28, $0x1;
	[dreg:$0x2] =	wrdreg s3  }
0xa9: {  	[dreg:$0x3] =	wrdreg s5  }
0xaa: {  	[dreg:$0x4] =	wrdreg $0xC0  }
0xab: {  	_ =	task [dreg:s7], $0x5FFFF  }
0xac: {  	[dreg:$0x1] =	wrdreg $0xFFFFFFFF  }
0xad: {  	[dreg:$0x0] =	wrdreg $0x60  }
0xae: {  	[dreg:$0x2] =	wrdreg s24  }
0xaf: {  	[dreg:$0x3] =	wrdreg s2  }
0xb0: {  	[dreg:$0x4] =	wrdreg $0x9  }
0xb1: {  	_ =	task.clear_ibuf [dreg:s7], $0x5FFFF;
	_ =	strace $0x90000046  }
0xb2: {  	s29 =	simm.s32 $0x9;
	_ =	strace $0x80000048  }
0xb3: {  	_ =	swait.ge [sflag:s29], $0x1  }
0xb4: {  	[sflag:s29] =	ssyncadd.s32 $0xFFFFFFFF  }
0xb5: {  	_ =	strace $0x90000048  }
0xb6: {  	_ =	sfence  }
0xb7: {  	s30 =	sld [smem:$0x0];
	_ =	sdelay $0x2  }
0xb8: {  	s31 =	sshll.u32 s1, $0xD;
	s1 =	sshrl.u32 s1, $0x2  }
0xb9: {  	s3 =	sand.u32 $0x4000, s31;
	s1 =	sadd.s32 s1, s30  }
0xba: {  	s0 =	sor.u32 s3, s0;
	s1 =	sshll.u32 s1, $0x11  }
0xbb: {  	s0 =	sor.u32 s1, s0  }
0xbc: {  	s0 =	sadd.s32 $0x8F2B, s0  }
0xbd: {  	[sflag:s0] =	ssyncadd.remote.s32 $0x1  }
0xbe: {  	_ =	sfence.sel $0xFFFF  }
0xbf: {  	[dreg:$0x0] =	wrdreg $0xFFFFFFFF;
	(pc) =	sbr.abs _section_cstart, $3  }
0xc0: {  	[dreg:$0x1] =	wrdreg $0xFFFFFFFF  }
0xc1: {  	_ =	task.clear_ibuf [dreg:s7], $0x2FFFF;
	_ =	strace $0x9FFFFFFF  }
0xc2: {  	(tm) =	ssettm $0x7FFFFFFF  }
0xc3: {  	_ =	shalt  }
tec
execute0_lowered:
.L_overlay_start_1:
0x0: {  	(tag) =	ssettag $0x1  }
0x1: {  	s5 =	rddreg [dreg:$0x0]  }
0x2: {  	s1 =	rddreg [dreg:$0x1]  }
0x3: {  	s0 =	rddreg [dreg:$0x2];
	s3 =	simm.s32 $0x0  }
0x4: {  	s4 =	srdreg.scid;
	s2 =	stileid.u32;
	s18 =	simm.s32 $0x14080  }
0x5: {  	s19 =	simm.s32 $0x1;
	s20 =	simm.s32 $0x18080;
	s21 =	simm.s32 $0x0  }
0x6: {  	[smem:$0x7FF] =	sst s3;
	s4 =	sand.u32 $0x1, s4;
	s11 =	sadd.s32 $0x2080400, s5  }
0x7: {  	s6 =	sshll.u32 s2, $0x1;
	s12 =	sadd.s32 $0x80400, s5;
	_ =	strace $0x80000047  }
0x8: {  	s7 =	ssub.s32 $0x2, s4;
	s8 =	sor.u32 s4, s6;
	s4 =	sadd.s32 $0x400, s5  }
0x9: {  	s25 =	sshrl.u32 s7, $0x1;
	s9 =	smul.u32 $0x6000, s8;
	s26 =	sshll.u32 s8, $0x2  }
0xa: {  	s28 =	sshll.u32 s8, $0xD;
	s16 =	sshllo.u32 s8, $0x2;
	s13 =	ssub.s32 s7, s25  }
0xb: {  	s29 =	sor.u32 $0x1, s26;
	s6 =	sadd.s32 s12, s28;
	s14 =	sor.u32 $0x2, s26  }
0xc: {  	s17 =	smul.u32 $0x1800, s16;
	s31 =	sshll.u32 s16, $0xB;
	s16 =	simm.s32 $0x4000  }
0xd: {  	v0 =	vlaneseq.u32;
	s5 =	sadd.s32 s11, s9;
	s10 =	smul.u32 $0x1800, s29;
	s9 =	sshll.u32 s29, $0xB  }
0xe: {  	v0 =	vmul.u32 $0x3, v0;
	s15 =	smul.u32 $0x1800, s14;
	s30 =	sshll.u32 s14, $0xB;
	s13 =	smax.u32 s13, $0x1  }
0xf: {  	s14 =	simm.s32 $0x2;
	s8 =	sadd.s32 s12, s9;
	s7 =	sadd.s32 s11, s10  }
0x10: {  	v1 =	vadd.s32 $0x1, v0;
	s9 =	sadd.s32 s11, s15;
	s10 =	sadd.s32 s12, s30;
	s11 =	sadd.s32 s11, s17  }
0x11: {  	v2 =	vadd.s32 $0x2, v0;
	v3 =	vadd.s32 $0x41, v0;
	v4 =	vadd.s32 $0x42, v0;
	s12 =	sadd.s32 s12, s31;
	s15 =	simm.s32 $0x80;
	s17 =	simm.s32 $0xC080  }
.LBB2_1:
0x12: {  	[tilespmem:s3], [sflag:$0x2] =	stream.linear.gather [hbm4b:s1+s3], $0x80, $0x38;
	[tilespmem:$0x1C080] =	vst v63  }
0x13: {  	_ =	swait.ge [sflag:s14], $0x80  }
0x14: {  	[sflag:s14] =	ssyncset.done $0x0  }
0x15: {  	[sflag:s14] =	ssyncadd.s32 $0xFFFFFF80  }
0x16: {  	v5 =	vld [tilespmem:$0x0]  }
0x17: {  	v6 =	vld [tilespmem:$0x10]  }
0x18: {  	v7 =	vld [tilespmem:$0x20]  }
0x19: {  	s22 =	simm.s32 $0x0;
	v8 =	vld [tilespmem:$0x30]  }
0x1a: {  	v11 =	vor.u32 s22, v0;
	v9 =	vld [tilespmem:$0x40]  }
0x1b: {  	v12 =	vor.u32 s22, v1;
	v10 =	vld [tilespmem:$0x50];
	[tilespmem:s15], [sflag:$0x2] =	stream.linear.gather [hbm4b:s5+s3], $0xC000, $0x38  }
0x1c: {  	v13 =	vor.u32 s22, v2;
	_ =	swait.ge [sflag:s14], $0xC000  }
0x1d: {  	[sflag:s14] =	ssyncset.done $0x0  }
0x1e: {  	[sflag:s14] =	ssyncadd.s32 $0xFFFF4000  }
0x1f: {  	v11 =	vld.idx.msk [tilespmem:v11+s15+$0x0], $0xffff  }
0x20: {  	v12 =	vld.idx.msk [tilespmem:v12+s15+$0x0], $0xffff  }
0x21: {  	v13 =	vld.idx.msk [tilespmem:v13+s15+$0x0], $0xffff;
	_ =	sdelay $0x3  }
0x22: {  	v11 =	vmul.f32 v11, v5;
	v12 =	vmul.f32 v12, v6  }
0x23: {  	v13 =	vmul.f32 v13, v7  }
0x24: {  	v11 =	vadd.f32 v11, v8;
	v12 =	vadd.f32 v12, v9  }
0x25: {  	v13 =	vadd.f32 v13, v10  }
0x26: {  	v11 =	vadd.f32 $1.258291200e+07, v11;
	v12 =	vadd.f32 $1.258291200e+07, v12  }
0x27: {  	v13 =	vadd.f32 $1.258291200e+07, v13  }
0x28: {  	v11 =	vadd.f32 $-1.258291200e+07, v11;
	v12 =	vadd.f32 $-1.258291200e+07, v12;
	_ =	sdelay $0x1  }
0x29: {  	v13 =	vadd.f32 $-1.258291200e+07, v13;
	v11 =	vtrunc.f32 v11;
	v12 =	vtrunc.f32 v12  }
0x2a: {  	v11 =	vcvt.f32.s32 v11;
	v12 =	vcvt.f32.s32 v12  }
0x2b: {  	v13 =	vtrunc.f32 v13  }
0x2c: {  	v13 =	vcvt.f32.s32 v13;
	v11 =	vshll.u32 v11, $0x10;
	v12 =	vshll.u32 v12, $0x8  }
0x2d: {  	v11 =	vor.u32 v11, v12  }
0x2e: {  	v11 =	vor.u32 v13, v11  }
0x2f: {  	s24 =	simm.s32 $0x30;
	v11 =	vshra.s32 v11, $0x2  }
0x30: {  	v12 =	vadd.s32 s24, v0;
	vm0 =	vgt.s32 v11, $0x0  }
0x31: {  	v14 =	vadd.s32 s24, v1;
	v11 =	vnsel vm0, $0x0, v11  }
0x32: {  	s22 =	simm.s32 $0xC0C0;
	v13 =	vshll.u32 v13, $0x3;
	v11 =	vmin.u32 v11, $0x3FFFFF  }
0x33: {  	s23 =	simm.s32 $0x100C0;
	v13 =	vand.u32 $0x18, v13;
	[tilespmem:s22+$0xFFFFFFC0] =	vst v11;
	v11 =	vadd.s32 s24, v2  }
0x34: {  	[tilespmem:s23+$0xFFFFFFC0] =	vst v13  }
0x35: {  	v12 =	vld.idx.msk [tilespmem:v12+s15+$0x0], $0xffff  }
0x36: {  	v13 =	vld.idx.msk [tilespmem:v14+s15+$0x0], $0xffff;
	_ =	sdelay $0x1  }
0x37: {  	v11 =	vld.idx.msk [tilespmem:v11+s15+$0x0], $0xffff;
	_ =	sdelay $0x1  }
0x38: {  	v12 =	vmul.f32 v12, v5  }
0x39: {  	v13 =	vmul.f32 v13, v6  }
0x3a: {  	v12 =	vadd.f32 v12, v8  }
0x3b: {  	v13 =	vadd.f32 v13, v9;
	v11 =	vmul.f32 v11, v7  }
0x3c: {  	v12 =	vadd.f32 $1.258291200e+07, v12  }
0x3d: {  	v13 =	vadd.f32 $1.258291200e+07, v13;
	v11 =	vadd.f32 v11, v10  }
0x3e: {  	v12 =	vadd.f32 $-1.258291200e+07, v12  }
0x3f: {  	v13 =	vadd.f32 $-1.258291200e+07, v13;
	v11 =	vadd.f32 $1.258291200e+07, v11;
	_ =	sdelay $0x1  }
0x40: {  	v12 =	vtrunc.f32 v12;
	v13 =	vtrunc.f32 v13;
	v11 =	vadd.f32 $-1.258291200e+07, v11  }
0x41: {  	v12 =	vcvt.f32.s32 v12;
	v13 =	vcvt.f32.s32 v13  }
0x42: {  	v11 =	vtrunc.f32 v11  }
0x43: {  	v12 =	vshll.u32 v12, $0x10;
	v13 =	vshll.u32 v13, $0x8;
	v11 =	vcvt.f32.s32 v11  }
0x44: {  	v12 =	vor.u32 v12, v13  }
0x45: {  	v12 =	vor.u32 v11, v12  }
0x46: {  	s25 =	simm.s32 $0x60;
	v12 =	vshra.s32 v12, $0x2  }
0x47: {  	v13 =	vadd.s32 s25, v0;
	vm10 =	vgt.s32 v12, $0x0  }
0x48: {  	v14 =	vadd.s32 s25, v1;
	v12 =	vnsel vm10, $0x0, v12  }
0x49: {  	v11 =	vshll.u32 v11, $0x3;
	v12 =	vmin.u32 v12, $0x3FFFFF  }
0x4a: {  	v11 =	vand.u32 $0x18, v11;
	[tilespmem:s22+$0xFFFFFFD0] =	vst v12;
	v12 =	vadd.s32 s25, v2  }
0x4b: {  	[tilespmem:s23+$0xFFFFFFD0] =	vst v11  }
0x4c: {  	v11 =	vld.idx.msk [tilespmem:v13+s15+$0x0], $0xffff  }
0x4d: {  	v13 =	vld.idx.msk [tilespmem:v14+s15+$0x0], $0xffff;
	_ =	sdelay $0x1  }
0x4e: {  	v12 =	vld.idx.msk [tilespmem:v12+s15+$0x0], $0xffff;
	_ =	sdelay $0x1  }
0x4f: {  	v11 =	vmul.f32 v11, v5  }
0x50: {  	v13 =	vmul.f32 v13, v6  }
0x51: {  	v11 =	vadd.f32 v11, v8  }
0x52: {  	v13 =	vadd.f32 v13, v9;
	v12 =	vmul.f32 v12, v7  }
0x53: {  	v11 =	vadd.f32 $1.258291200e+07, v11  }
0x54: {  	v13 =	vadd.f32 $1.258291200e+07, v13;
	v12 =	vadd.f32 v12, v10  }
0x55: {  	v11 =	vadd.f32 $-1.258291200e+07, v11  }
0x56: {  	v13 =	vadd.f32 $-1.258291200e+07, v13;
	v12 =	vadd.f32 $1.258291200e+07, v12;
	_ =	sdelay $0x1  }
0x57: {  	v11 =	vtrunc.f32 v11;
	v13 =	vtrunc.f32 v13;
	v12 =	vadd.f32 $-1.258291200e+07, v12  }
0x58: {  	v11 =	vcvt.f32.s32 v11;
	v13 =	vcvt.f32.s32 v13  }
0x59: {  	v12 =	vtrunc.f32 v12  }
0x5a: {  	v11 =	vshll.u32 v11, $0x10;
	v13 =	vshll.u32 v13, $0x8;
	v12 =	vcvt.f32.s32 v12  }
0x5b: {  	v11 =	vor.u32 v11, v13  }
0x5c: {  	v11 =	vor.u32 v12, v11  }
0x5d: {  	s26 =	simm.s32 $0x90;
	v11 =	vshra.s32 v11, $0x2  }
0x5e: {  	v13 =	vadd.s32 s26, v0;
	vm11 =	vgt.s32 v11, $0x0  }
0x5f: {  	v14 =	vadd.s32 s26, v1;
	v11 =	vnsel vm11, $0x0, v11  }
0x60: {  	v12 =	vshll.u32 v12, $0x3;
	v11 =	vmin.u32 v11, $0x3FFFFF  }
0x61: {  	v12 =	vand.u32 $0x18, v12;
	[tilespmem:s22+$0xFFFFFFE0] =	vst v11;
	v11 =	vadd.s32 s26, v2  }
0x62: {  	[tilespmem:s23+$0xFFFFFFE0] =	vst v12  }
0x63: {  	v12 =	vld.idx.msk [tilespmem:v13+s15+$0x0], $0xffff  }
0x64: {  	v13 =	vld.idx.msk [tilespmem:v14+s15+$0x0], $0xffff;
	_ =	sdelay $0x1  }
0x65: {  	v11 =	vld.idx.msk [tilespmem:v11+s15+$0x0], $0xffff;
	_ =	sdelay $0x1  }
0x66: {  	v12 =	vmul.f32 v12, v5  }
0x67: {  	v13 =	vmul.f32 v13, v6  }
0x68: {  	v12 =	vadd.f32 v12, v8  }
0x69: {  	v13 =	vadd.f32 v13, v9;
	v11 =	vmul.f32 v11, v7  }
0x6a: {  	v12 =	vadd.f32 $1.258291200e+07, v12  }
0x6b: {  	v13 =	vadd.f32 $1.258291200e+07, v13;
	v11 =	vadd.f32 v11, v10  }
0x6c: {  	v12 =	vadd.f32 $-1.258291200e+07, v12  }
0x6d: {  	v13 =	vadd.f32 $-1.258291200e+07, v13;
	v11 =	vadd.f32 $1.258291200e+07, v11;
	_ =	sdelay $0x1  }
0x6e: {  	v12 =	vtrunc.f32 v12;
	v13 =	vtrunc.f32 v13;
	v11 =	vadd.f32 $-1.258291200e+07, v11  }
0x6f: {  	v12 =	vcvt.f32.s32 v12;
	v13 =	vcvt.f32.s32 v13  }
0x70: {  	v11 =	vtrunc.f32 v11  }
0x71: {  	v12 =	vshll.u32 v12, $0x10;
	v13 =	vshll.u32 v13, $0x8;
	v11 =	vcvt.f32.s32 v11  }
0x72: {  	v12 =	vor.u32 v12, v13  }
0x73: {  	v12 =	vor.u32 v11, v12  }
0x74: {  	s28 =	simm.s32 $0xC0;
	v12 =	vshra.s32 v12, $0x2  }
0x75: {  	v13 =	vor.u32 s28, v0;
	vm12 =	vgt.s32 v12, $0x0  }
0x76: {  	v14 =	vor.u32 s28, v3;
	v12 =	vnsel vm12, $0x0, v12  }
0x77: {  	v11 =	vshll.u32 v11, $0x3;
	v12 =	vmin.u32 v12, $0x3FFFFF  }
0x78: {  	v11 =	vand.u32 $0x18, v11;
	[tilespmem:s22+$0xFFFFFFF0] =	vst v12;
	v12 =	vor.u32 s28, v4  }
0x79: {  	[tilespmem:s23+$0xFFFFFFF0] =	vst v11  }
0x7a: {  	v11 =	vld.idx.msk [tilespmem:v13+s15+$0x0], $0xffff  }
0x7b: {  	v13 =	vld.idx.msk [tilespmem:v14+s15+$0x0], $0xffff;
	_ =	sdelay $0x1  }
0x7c: {  	v12 =	vld.idx.msk [tilespmem:v12+s15+$0x0], $0xffff;
	_ =	sdelay $0x1  }
0x7d: {  	v11 =	vmul.f32 v11, v5  }
0x7e: {  	v13 =	vmul.f32 v13, v6  }
0x7f: {  	v11 =	vadd.f32 v11, v8  }
0x80: {  	v13 =	vadd.f32 v13, v9;
	v12 =	vmul.f32 v12, v7  }
0x81: {  	v11 =	vadd.f32 $1.258291200e+07, v11  }
0x82: {  	v13 =	vadd.f32 $1.258291200e+07, v13;
	v12 =	vadd.f32 v12, v10  }
0x83: {  	v11 =	vadd.f32 $-1.258291200e+07, v11  }
0x84: {  	v13 =	vadd.f32 $-1.258291200e+07, v13;
	v12 =	vadd.f32 $1.258291200e+07, v12;
	_ =	sdelay $0x1  }
0x85: {  	v11 =	vtrunc.f32 v11;
	v13 =	vtrunc.f32 v13;
	v12 =	vadd.f32 $-1.258291200e+07, v12  }
0x86: {  	v11 =	vcvt.f32.s32 v11;
	v13 =	vcvt.f32.s32 v13  }
0x87: {  	v12 =	vtrunc.f32 v12  }
0x88: {  	v11 =	vshll.u32 v11, $0x10;
	v13 =	vshll.u32 v13, $0x8;
	v12 =	vcvt.f32.s32 v12  }
0x89: {  	v11 =	vor.u32 v11, v13  }
0x8a: {  	v11 =	vor.u32 v12, v11  }
0x8b: {  	s29 =	simm.s32 $0xF0;
	v11 =	vshra.s32 v11, $0x2  }
0x8c: {  	v13 =	vadd.s32 s29, v0;
	vm13 =	vgt.s32 v11, $0x0  }
0x8d: {  	v14 =	vadd.s32 s29, v1;
	v11 =	vnsel vm13, $0x0, v11  }
0x8e: {  	v15 =	vadd.s32 s29, v2;
	v12 =	vshll.u32 v12, $0x3;
	v11 =	vmin.u32 v11, $0x3FFFFF  }
0x8f: {  	v12 =	vand.u32 $0x18, v12;
	[tilespmem:s22+$0x0] =	vst v11  }
0x90: {  	[tilespmem:s23+$0x0] =	vst v12  }
0x91: {  	v11 =	vld.idx.msk [tilespmem:v13+s15+$0x0], $0xffff  }
0x92: {  	v12 =	vld.idx.msk [tilespmem:v14+s15+$0x0], $0xffff  }
0x93: {  	v13 =	vld.idx.msk [tilespmem:v15+s15+$0x0], $0xffff;
	_ =	sdelay $0x3  }
0x94: {  	v11 =	vmul.f32 v11, v5;
	v12 =	vmul.f32 v12, v6  }
0x95: {  	v13 =	vmul.f32 v13, v7  }
0x96: {  	v11 =	vadd.f32 v11, v8;
	v12 =	vadd.f32 v12, v9  }
0x97: {  	v13 =	vadd.f32 v13, v10  }
0x98: {  	v11 =	vadd.f32 $1.258291200e+07, v11;
	v12 =	vadd.f32 $1.258291200e+07, v12  }
0x99: {  	v13 =	vadd.f32 $1.258291200e+07, v13  }
0x9a: {  	v11 =	vadd.f32 $-1.258291200e+07, v11;
	v12 =	vadd.f32 $-1.258291200e+07, v12;
	_ =	sdelay $0x1  }
0x9b: {  	v13 =	vadd.f32 $-1.258291200e+07, v13;
	v11 =	vtrunc.f32 v11;
	v12 =	vtrunc.f32 v12  }
0x9c: {  	v11 =	vcvt.f32.s32 v11;
	v12 =	vcvt.f32.s32 v12  }
0x9d: {  	v13 =	vtrunc.f32 v13  }
0x9e: {  	v13 =	vcvt.f32.s32 v13;
	v11 =	vshll.u32 v11, $0x10;
	v12 =	vshll.u32 v12, $0x8  }
0x9f: {  	v11 =	vor.u32 v11, v12  }
0xa0: {  	v11 =	vor.u32 v13, v11  }
0xa1: {  	s30 =	simm.s32 $0x120;
	v11 =	vshra.s32 v11, $0x2  }
0xa2: {  	v12 =	vadd.s32 s30, v1;
	vm14 =	vgt.s32 v11, $0x0  }
0xa3: {  	v14 =	vadd.s32 s30, v0;
	v11 =	vnsel vm14, $0x0, v11  }
0xa4: {  	v15 =	vadd.s32 s30, v2;
	v13 =	vshll.u32 v13, $0x3;
	v11 =	vmin.u32 v11, $0x3FFFFF  }
0xa5: {  	v13 =	vand.u32 $0x18, v13;
	[tilespmem:s22+$0x10] =	vst v11  }
0xa6: {  	[tilespmem:s23+$0x10] =	vst v13  }
0xa7: {  	v11 =	vld.idx.msk [tilespmem:v12+s15+$0x0], $0xffff  }
0xa8: {  	v12 =	vld.idx.msk [tilespmem:v14+s15+$0x0], $0xffff  }
0xa9: {  	v13 =	vld.idx.msk [tilespmem:v15+s15+$0x0], $0xffff;
	_ =	sdelay $0x3  }
0xaa: {  	v11 =	vmul.f32 v11, v6;
	v12 =	vmul.f32 v12, v5  }
0xab: {  	v13 =	vmul.f32 v13, v7  }
0xac: {  	v11 =	vadd.f32 v11, v9;
	v12 =	vadd.f32 v12, v8  }
0xad: {  	v13 =	vadd.f32 v13, v10  }
0xae: {  	v11 =	vadd.f32 $1.258291200e+07, v11;
	v12 =	vadd.f32 $1.258291200e+07, v12  }
0xaf: {  	v13 =	vadd.f32 $1.258291200e+07, v13  }
0xb0: {  	v11 =	vadd.f32 $-1.258291200e+07, v11;
	v12 =	vadd.f32 $-1.258291200e+07, v12;
	_ =	sdelay $0x1  }
0xb1: {  	v13 =	vadd.f32 $-1.258291200e+07, v13;
	v11 =	vtrunc.f32 v11;
	v12 =	vtrunc.f32 v12  }
0xb2: {  	v11 =	vcvt.f32.s32 v11;
	v12 =	vcvt.f32.s32 v12  }
0xb3: {  	v13 =	vtrunc.f32 v13  }
0xb4: {  	v13 =	vcvt.f32.s32 v13;
	v12 =	vshll.u32 v12, $0x10;
	v11 =	vshll.u32 v11, $0x8  }
0xb5: {  	v11 =	vor.u32 v12, v11  }
0xb6: {  	v11 =	vor.u32 v13, v11  }
0xb7: {  	s31 =	simm.s32 $0x150;
	v11 =	vshra.s32 v11, $0x2  }
0xb8: {  	v12 =	vadd.s32 s31, v0;
	vm15 =	vgt.s32 v11, $0x0  }
0xb9: {  	v14 =	vadd.s32 s31, v1;
	v11 =	vnsel vm15, $0x0, v11  }
0xba: {  	v15 =	vadd.s32 s31, v2;
	v13 =	vshll.u32 v13, $0x3;
	v11 =	vmin.u32 v11, $0x3FFFFF  }
0xbb: {  	v13 =	vand.u32 $0x18, v13;
	[tilespmem:s22+$0x20] =	vst v11  }
0xbc: {  	[tilespmem:s23+$0x20] =	vst v13  }
0xbd: {  	v11 =	vld.idx.msk [tilespmem:v12+s15+$0x0], $0xffff  }
0xbe: {  	v12 =	vld.idx.msk [tilespmem:v14+s15+$0x0], $0xffff  }
0xbf: {  	v13 =	vld.idx.msk [tilespmem:v15+s15+$0x0], $0xffff;
	_ =	sdelay $0x2  }
0xc0: {  	v11 =	vmul.f32 v11, v5  }
0xc1: {  	v12 =	vmul.f32 v12, v6  }
0xc2: {  	v13 =	vmul.f32 v13, v7;
	v11 =	vadd.f32 v11, v8  }
0xc3: {  	v12 =	vadd.f32 v12, v9  }
0xc4: {  	v13 =	vadd.f32 v13, v10;
	v11 =	vadd.f32 $1.258291200e+07, v11  }
0xc5: {  	v12 =	vadd.f32 $1.258291200e+07, v12  }
0xc6: {  	v13 =	vadd.f32 $1.258291200e+07, v13;
	v11 =	vadd.f32 $-1.258291200e+07, v11  }
0xc7: {  	v12 =	vadd.f32 $-1.258291200e+07, v12  }
0xc8: {  	v13 =	vadd.f32 $-1.258291200e+07, v13;
	v11 =	vtrunc.f32 v11  }
0xc9: {  	v12 =	vtrunc.f32 v12;
	v11 =	vcvt.f32.s32 v11  }
0xca: {  	s24 =	simm.s32 $0xC0C0;
	s25 =	simm.s32 $0x100C0;
	s26 =	simm.s32 $0x2D0;
	v13 =	vtrunc.f32 v13;
	v12 =	vcvt.f32.s32 v12  }
.LBB2_2:
0xcb: {  	p0 =	sne.s32 s26, $0xBFD0;
	v13 =	vcvt.f32.s32 v13;
	v11 =	vshll.u32 v11, $0x10;
	s23 =	sadd.s32 $0x80, s23;
	s22 =	sadd.s32 $0x80, s22  }
0xcc: {  	s28 =	smov.u32 s26;
	s26 =	sadd.s32 $0x180, s26;
	v12 =	vshll.u32 v12, $0x8  }
0xcd: {  	v11 =	vor.u32 v11, v12;
	v12 =	vshll.u32 v13, $0x3  }
0xce: {  	s29 =	sadd.s32 $0xFFFFFEB0, s28;
	v11 =	vor.u32 v13, v11  }
0xcf: {  	v14 =	vor.u32 s29, v1;
	v13 =	vor.u32 s29, v0;
	v11 =	vshra.s32 v11, $0x2  }
0xd0: {  	vm0 =	vgt.s32 v11, $0x0  }
0xd1: {  	v11 =	vnsel vm0, $0x0, v11  }
0xd2: {  	v12 =	vand.u32 $0x18, v12;
	v11 =	vmin.u32 v11, $0x3FFFFF  }
0xd3: {  	v15 =	vor.u32 s29, v2;
	[tilespmem:s24+$0x30] =	vst v11;
	s24 =	smov.u32 s22  }
0xd4: {  	[tilespmem:s25+$0x30] =	vst v12;
	s25 =	smov.u32 s23  }
0xd5: {  	v11 =	vld.idx.msk [tilespmem:v13+s15+$0x0], $0xffff  }
0xd6: {  	v12 =	vld.idx.msk [tilespmem:v14+s15+$0x0], $0xffff;
	_ =	sdelay $0x1  }
0xd7: {  	v13 =	vld.idx.msk [tilespmem:v15+s15+$0x0], $0xffff;
	_ =	sdelay $0x2  }
0xd8: {  	v11 =	vmul.f32 v11, v5  }
0xd9: {  	v12 =	vmul.f32 v12, v6  }
0xda: {  	v11 =	vadd.f32 v11, v8  }
0xdb: {  	v12 =	vadd.f32 v12, v9;
	v13 =	vmul.f32 v13, v7  }
0xdc: {  	v11 =	vadd.f32 $1.258291200e+07, v11  }
0xdd: {  	v12 =	vadd.f32 $1.258291200e+07, v12;
	v13 =	vadd.f32 v13, v10  }
0xde: {  	v11 =	vadd.f32 $-1.258291200e+07, v11  }
0xdf: {  	v12 =	vadd.f32 $-1.258291200e+07, v12;
	v13 =	vadd.f32 $1.258291200e+07, v13  }
0xe0: {  	v11 =	vtrunc.f32 v11  }
0xe1: {  	v11 =	vcvt.f32.s32 v11;
	v12 =	vtrunc.f32 v12;
	v13 =	vadd.f32 $-1.258291200e+07, v13  }
0xe2: {  	v12 =	vcvt.f32.s32 v12  }
0xe3: {  	v13 =	vtrunc.f32 v13  }
0xe4: {  	v11 =	vshll.u32 v11, $0x10;
	v13 =	vcvt.f32.s32 v13;
	v12 =	vshll.u32 v12, $0x8  }
0xe5: {  	v11 =	vor.u32 v11, v12  }
0xe6: {  	v11 =	vor.u32 v13, v11;
	v12 =	vshll.u32 v13, $0x3  }
0xe7: {  	s29 =	sadd.s32 $0xFFFFFEE0, s28;
	v11 =	vshra.s32 v11, $0x2  }
0xe8: {  	v13 =	vadd.s32 s29, v0;
	vm0 =	vgt.s32 v11, $0x0  }
0xe9: {  	v14 =	vadd.s32 s29, v1;
	v11 =	vnsel vm0, $0x0, v11  }
0xea: {  	v11 =	vmin.u32 v11, $0x3FFFFF  }
0xeb: {  	v12 =	vand.u32 $0x18, v12;
	[tilespmem:s22+$0xFFFFFFC0] =	vst v11;
	v11 =	vadd.s32 s29, v2  }
0xec: {  	[tilespmem:s23+$0xFFFFFFC0] =	vst v12  }
0xed: {  	v12 =	vld.idx.msk [tilespmem:v13+s15+$0x0], $0xffff  }
0xee: {  	v13 =	vld.idx.msk [tilespmem:v14+s15+$0x0], $0xffff;
	_ =	sdelay $0x1  }
0xef: {  	v11 =	vld.idx.msk [tilespmem:v11+s15+$0x0], $0xffff;
	_ =	sdelay $0x2  }
0xf0: {  	v12 =	vmul.f32 v12, v5  }
0xf1: {  	v13 =	vmul.f32 v13, v6  }
0xf2: {  	v12 =	vadd.f32 v12, v8  }
0xf3: {  	v13 =	vadd.f32 v13, v9;
	v11 =	vmul.f32 v11, v7  }
0xf4: {  	v12 =	vadd.f32 $1.258291200e+07, v12  }
0xf5: {  	v13 =	vadd.f32 $1.258291200e+07, v13;
	v11 =	vadd.f32 v11, v10  }
0xf6: {  	v12 =	vadd.f32 $-1.258291200e+07, v12  }
0xf7: {  	v13 =	vadd.f32 $-1.258291200e+07, v13;
	v11 =	vadd.f32 $1.258291200e+07, v11  }
0xf8: {  	v12 =	vtrunc.f32 v12  }
0xf9: {  	v12 =	vcvt.f32.s32 v12;
	v13 =	vtrunc.f32 v13;
	v11 =	vadd.f32 $-1.258291200e+07, v11  }
0xfa: {  	v13 =	vcvt.f32.s32 v13  }
0xfb: {  	v11 =	vtrunc.f32 v11  }
0xfc: {  	v12 =	vshll.u32 v12, $0x10;
	v11 =	vcvt.f32.s32 v11;
	v13 =	vshll.u32 v13, $0x8  }
0xfd: {  	v12 =	vor.u32 v12, v13  }
0xfe: {  	v12 =	vor.u32 v11, v12;
	v11 =	vshll.u32 v11, $0x3  }
0xff: {  	s29 =	sadd.s32 $0xFFFFFF10, s28;
	v12 =	vshra.s32 v12, $0x2  }
0x100: {  	v13 =	vadd.s32 s29, v0;
	vm0 =	vgt.s32 v12, $0x0  }
0x101: {  	v14 =	vadd.s32 s29, v1;
	v12 =	vnsel vm0, $0x0, v12  }
0x102: {  	v12 =	vmin.u32 v12, $0x3FFFFF  }
0x103: {  	v11 =	vand.u32 $0x18, v11;
	[tilespmem:s22+$0xFFFFFFD0] =	vst v12;
	v12 =	vadd.s32 s29, v2  }
0x104: {  	[tilespmem:s23+$0xFFFFFFD0] =	vst v11  }
0x105: {  	v11 =	vld.idx.msk [tilespmem:v13+s15+$0x0], $0xffff  }
0x106: {  	v13 =	vld.idx.msk [tilespmem:v14+s15+$0x0], $0xffff;
	_ =	sdelay $0x1  }
0x107: {  	v12 =	vld.idx.msk [tilespmem:v12+s15+$0x0], $0xffff;
	_ =	sdelay $0x2  }
0x108: {  	v11 =	vmul.f32 v11, v5  }
0x109: {  	v13 =	vmul.f32 v13, v6  }
0x10a: {  	v11 =	vadd.f32 v11, v8  }
0x10b: {  	v13 =	vadd.f32 v13, v9;
	v12 =	vmul.f32 v12, v7  }
0x10c: {  	v11 =	vadd.f32 $1.258291200e+07, v11  }
0x10d: {  	v13 =	vadd.f32 $1.258291200e+07, v13;
	v12 =	vadd.f32 v12, v10  }
0x10e: {  	v11 =	vadd.f32 $-1.258291200e+07, v11  }
0x10f: {  	v13 =	vadd.f32 $-1.258291200e+07, v13;
	v12 =	vadd.f32 $1.258291200e+07, v12  }
0x110: {  	v11 =	vtrunc.f32 v11  }
0x111: {  	v11 =	vcvt.f32.s32 v11;
	v13 =	vtrunc.f32 v13;
	v12 =	vadd.f32 $-1.258291200e+07, v12  }
0x112: {  	v13 =	vcvt.f32.s32 v13  }
0x113: {  	v12 =	vtrunc.f32 v12;
	v11 =	vshll.u32 v11, $0x10  }
0x114: {  	v12 =	vcvt.f32.s32 v12;
	v13 =	vshll.u32 v13, $0x8  }
0x115: {  	v11 =	vor.u32 v11, v13  }
0x116: {  	v11 =	vor.u32 v12, v11;
	v12 =	vshll.u32 v12, $0x3  }
0x117: {  	s29 =	sadd.s32 $0xFFFFFF40, s28;
	v11 =	vshra.s32 v11, $0x2  }
0x118: {  	v13 =	vadd.s32 s29, v0;
	vm0 =	vgt.s32 v11, $0x0  }
0x119: {  	v14 =	vadd.s32 s29, v1;
	v11 =	vnsel vm0, $0x0, v11  }
0x11a: {  	v11 =	vmin.u32 v11, $0x3FFFFF  }
0x11b: {  	v12 =	vand.u32 $0x18, v12;
	[tilespmem:s22+$0xFFFFFFE0] =	vst v11;
	v11 =	vadd.s32 s29, v2  }
0x11c: {  	[tilespmem:s23+$0xFFFFFFE0] =	vst v12  }
0x11d: {  	v12 =	vld.idx.msk [tilespmem:v13+s15+$0x0], $0xffff  }
0x11e: {  	v13 =	vld.idx.msk [tilespmem:v14+s15+$0x0], $0xffff;
	_ =	sdelay $0x1  }
0x11f: {  	v11 =	vld.idx.msk [tilespmem:v11+s15+$0x0], $0xffff;
	_ =	sdelay $0x2  }
0x120: {  	v12 =	vmul.f32 v12, v5  }
0x121: {  	v13 =	vmul.f32 v13, v6  }
0x122: {  	v12 =	vadd.f32 v12, v8  }
0x123: {  	v13 =	vadd.f32 v13, v9;
	v11 =	vmul.f32 v11, v7  }
0x124: {  	v12 =	vadd.f32 $1.258291200e+07, v12  }
0x125: {  	v13 =	vadd.f32 $1.258291200e+07, v13;
	v11 =	vadd.f32 v11, v10  }
0x126: {  	v12 =	vadd.f32 $-1.258291200e+07, v12  }
0x127: {  	v13 =	vadd.f32 $-1.258291200e+07, v13;
	v11 =	vadd.f32 $1.258291200e+07, v11  }
0x128: {  	v12 =	vtrunc.f32 v12  }
0x129: {  	v12 =	vcvt.f32.s32 v12;
	v13 =	vtrunc.f32 v13;
	v11 =	vadd.f32 $-1.258291200e+07, v11  }
0x12a: {  	v13 =	vcvt.f32.s32 v13  }
0x12b: {  	v11 =	vtrunc.f32 v11;
	v12 =	vshll.u32 v12, $0x10  }
0x12c: {  	v11 =	vcvt.f32.s32 v11;
	v13 =	vshll.u32 v13, $0x8  }
0x12d: {  	v12 =	vor.u32 v12, v13  }
0x12e: {  	v12 =	vor.u32 v11, v12;
	v11 =	vshll.u32 v11, $0x3  }
0x12f: {  	s29 =	sadd.s32 $0xFFFFFF70, s28;
	v12 =	vshra.s32 v12, $0x2  }
0x130: {  	v13 =	vor.u32 s29, v0;
	vm0 =	vgt.s32 v12, $0x0  }
0x131: {  	v14 =	vor.u32 s29, v3;
	v12 =	vnsel vm0, $0x0, v12  }
0x132: {  	v12 =	vmin.u32 v12, $0x3FFFFF  }
0x133: {  	v11 =	vand.u32 $0x18, v11;
	[tilespmem:s22+$0xFFFFFFF0] =	vst v12;
	v12 =	vor.u32 s29, v4  }
0x134: {  	[tilespmem:s23+$0xFFFFFFF0] =	vst v11  }
0x135: {  	v11 =	vld.idx.msk [tilespmem:v13+s15+$0x0], $0xffff  }
0x136: {  	v13 =	vld.idx.msk [tilespmem:v14+s15+$0x0], $0xffff;
	_ =	sdelay $0x1  }
0x137: {  	v12 =	vld.idx.msk [tilespmem:v12+s15+$0x0], $0xffff;
	_ =	sdelay $0x2  }
0x138: {  	v11 =	vmul.f32 v11, v5  }
0x139: {  	v13 =	vmul.f32 v13, v6  }
0x13a: {  	v11 =	vadd.f32 v11, v8  }
0x13b: {  	v13 =	vadd.f32 v13, v9;
	v12 =	vmul.f32 v12, v7  }
0x13c: {  	v11 =	vadd.f32 $1.258291200e+07, v11  }
0x13d: {  	v13 =	vadd.f32 $1.258291200e+07, v13;
	v12 =	vadd.f32 v12, v10  }
0x13e: {  	v11 =	vadd.f32 $-1.258291200e+07, v11  }
0x13f: {  	v13 =	vadd.f32 $-1.258291200e+07, v13;
	v12 =	vadd.f32 $1.258291200e+07, v12  }
0x140: {  	v11 =	vtrunc.f32 v11  }
0x141: {  	v13 =	vtrunc.f32 v13;
	v12 =	vadd.f32 $-1.258291200e+07, v12  }
0x142: {  	v11 =	vcvt.f32.s32 v11;
	v13 =	vcvt.f32.s32 v13  }
0x143: {  	v12 =	vtrunc.f32 v12  }
0x144: {  	v11 =	vshll.u32 v11, $0x10;
	v12 =	vcvt.f32.s32 v12;
	v13 =	vshll.u32 v13, $0x8  }
0x145: {  	v11 =	vor.u32 v11, v13  }
0x146: {  	v11 =	vor.u32 v12, v11;
	v12 =	vshll.u32 v12, $0x3  }
0x147: {  	s29 =	sadd.s32 $0xFFFFFFA0, s28;
	v11 =	vshra.s32 v11, $0x2  }
0x148: {  	v13 =	vadd.s32 s29, v0;
	vm0 =	vgt.s32 v11, $0x0  }
0x149: {  	v14 =	vadd.s32 s29, v1;
	v11 =	vnsel vm0, $0x0, v11  }
0x14a: {  	v15 =	vadd.s32 s29, v2;
	v11 =	vmin.u32 v11, $0x3FFFFF  }
0x14b: {  	v12 =	vand.u32 $0x18, v12;
	[tilespmem:s22+$0x0] =	vst v11  }
0x14c: {  	[tilespmem:s23+$0x0] =	vst v12  }
0x14d: {  	v11 =	vld.idx.msk [tilespmem:v13+s15+$0x0], $0xffff  }
0x14e: {  	v12 =	vld.idx.msk [tilespmem:v14+s15+$0x0], $0xffff  }
0x14f: {  	v13 =	vld.idx.msk [tilespmem:v15+s15+$0x0], $0xffff;
	_ =	sdelay $0x3  }
0x150: {  	v11 =	vmul.f32 v11, v5  }
0x151: {  	v12 =	vmul.f32 v12, v6  }
0x152: {  	v11 =	vadd.f32 v11, v8;
	v13 =	vmul.f32 v13, v7  }
0x153: {  	v12 =	vadd.f32 v12, v9  }
0x154: {  	v11 =	vadd.f32 $1.258291200e+07, v11;
	v13 =	vadd.f32 v13, v10  }
0x155: {  	v12 =	vadd.f32 $1.258291200e+07, v12  }
0x156: {  	v11 =	vadd.f32 $-1.258291200e+07, v11;
	v13 =	vadd.f32 $1.258291200e+07, v13  }
0x157: {  	v12 =	vadd.f32 $-1.258291200e+07, v12  }
0x158: {  	v11 =	vtrunc.f32 v11;
	v13 =	vadd.f32 $-1.258291200e+07, v13  }
0x159: {  	v11 =	vcvt.f32.s32 v11;
	v12 =	vtrunc.f32 v12  }
0x15a: {  	v12 =	vcvt.f32.s32 v12;
	v13 =	vtrunc.f32 v13  }
0x15b: {  	v11 =	vshll.u32 v11, $0x10  }
0x15c: {  	v13 =	vcvt.f32.s32 v13;
	v12 =	vshll.u32 v12, $0x8  }
0x15d: {  	v11 =	vor.u32 v11, v12  }
0x15e: {  	v12 =	vshll.u32 v13, $0x3;
	v11 =	vor.u32 v13, v11  }
0x15f: {  	s29 =	sadd.s32 $0xFFFFFFD0, s28;
	v11 =	vshra.s32 v11, $0x2  }
0x160: {  	v13 =	vadd.s32 s29, v1;
	vm0 =	vgt.s32 v11, $0x0  }
0x161: {  	v14 =	vadd.s32 s29, v0;
	v11 =	vnsel vm0, $0x0, v11  }
0x162: {  	v15 =	vadd.s32 s29, v2;
	v11 =	vmin.u32 v11, $0x3FFFFF  }
0x163: {  	v12 =	vand.u32 $0x18, v12;
	[tilespmem:s22+$0x10] =	vst v11  }
0x164: {  	[tilespmem:s23+$0x10] =	vst v12  }
0x165: {  	v11 =	vld.idx.msk [tilespmem:v13+s15+$0x0], $0xffff  }
0x166: {  	v12 =	vld.idx.msk [tilespmem:v14+s15+$0x0], $0xffff  }
0x167: {  	v13 =	vld.idx.msk [tilespmem:v15+s15+$0x0], $0xffff;
	_ =	sdelay $0x3  }
0x168: {  	v11 =	vmul.f32 v11, v6  }
0x169: {  	v12 =	vmul.f32 v12, v5  }
0x16a: {  	v11 =	vadd.f32 v11, v9;
	v13 =	vmul.f32 v13, v7  }
0x16b: {  	v12 =	vadd.f32 v12, v8  }
0x16c: {  	v11 =	vadd.f32 $1.258291200e+07, v11;
	v13 =	vadd.f32 v13, v10  }
0x16d: {  	v12 =	vadd.f32 $1.258291200e+07, v12  }
0x16e: {  	v11 =	vadd.f32 $-1.258291200e+07, v11;
	v13 =	vadd.f32 $1.258291200e+07, v13  }
0x16f: {  	v12 =	vadd.f32 $-1.258291200e+07, v12  }
0x170: {  	v11 =	vtrunc.f32 v11;
	v13 =	vadd.f32 $-1.258291200e+07, v13  }
0x171: {  	v12 =	vtrunc.f32 v12;
	v11 =	vcvt.f32.s32 v11  }
0x172: {  	v12 =	vcvt.f32.s32 v12;
	v13 =	vtrunc.f32 v13;
	_ =	sdelay $0x1  }
0x173: {  	v13 =	vcvt.f32.s32 v13;
	v11 =	vshll.u32 v11, $0x8;
	v12 =	vshll.u32 v12, $0x10  }
0x174: {  	v11 =	vor.u32 v12, v11  }
0x175: {  	v12 =	vshll.u32 v13, $0x3;
	v11 =	vor.u32 v13, v11  }
0x176: {  	v11 =	vshra.s32 v11, $0x2  }
0x177: {  	v14 =	vadd.s32 s28, v1;
	v13 =	vadd.s32 s28, v0;
	vm0 =	vgt.s32 v11, $0x0  }
0x178: {  	v11 =	vnsel vm0, $0x0, v11  }
0x179: {  	v15 =	vadd.s32 s28, v2;
	v11 =	vmin.u32 v11, $0x3FFFFF  }
0x17a: {  	v12 =	vand.u32 $0x18, v12;
	[tilespmem:s22+$0x20] =	vst v11  }
0x17b: {  	[tilespmem:s23+$0x20] =	vst v12  }
0x17c: {  	v11 =	vld.idx.msk [tilespmem:v13+s15+$0x0], $0xffff  }
0x17d: {  	v12 =	vld.idx.msk [tilespmem:v14+s15+$0x0], $0xffff  }
0x17e: {  	v13 =	vld.idx.msk [tilespmem:v15+s15+$0x0], $0xffff;
	_ =	sdelay $0x3  }
0x17f: {  	v11 =	vmul.f32 v11, v5  }
0x180: {  	v12 =	vmul.f32 v12, v6  }
0x181: {  	v11 =	vadd.f32 v11, v8;
	v13 =	vmul.f32 v13, v7  }
0x182: {  	v12 =	vadd.f32 v12, v9  }
0x183: {  	v11 =	vadd.f32 $1.258291200e+07, v11;
	v13 =	vadd.f32 v13, v10  }
0x184: {  	v12 =	vadd.f32 $1.258291200e+07, v12  }
.Ltmp0:
0x185: {  	v11 =	vadd.f32 $-1.258291200e+07, v11;
	v13 =	vadd.f32 $1.258291200e+07, v13;
	(pc) =	sbr.rel @p0 .LBB2_2-.Ltmp0, $4  }
0x186: {  	v12 =	vadd.f32 $-1.258291200e+07, v12  }
0x187: {  	v11 =	vtrunc.f32 v11;
	v13 =	vadd.f32 $-1.258291200e+07, v13  }
0x188: {  	v11 =	vcvt.f32.s32 v11;
	v12 =	vtrunc.f32 v12  }
0x189: {  	v12 =	vcvt.f32.s32 v12;
	v13 =	vtrunc.f32 v13  }
0x18a: {  	_ = 	snop  }
0x18b: {  	v13 =	vcvt.f32.s32 v13;
	v11 =	vshll.u32 v11, $0x10;
	v12 =	vshll.u32 v12, $0x8  }
0x18c: {  	v11 =	vor.u32 v11, v12  }
0x18d: {  	v11 =	vor.u32 v13, v11  }
0x18e: {  	v11 =	vshra.s32 v11, $0x2  }
0x18f: {  	vm0 =	vgt.s32 v11, $0x0  }
0x190: {  	v11 =	vnsel vm0, $0x0, v11  }
0x191: {  	v12 =	vshll.u32 v13, $0x3;
	v11 =	vmin.u32 v11, $0x3FFFFF  }
0x192: {  	v12 =	vand.u32 $0x18, v12;
	[tilespmem:s24+$0x30] =	vst v11  }
0x193: {  	[tilespmem:s25+$0x30] =	vst v12  }
0x194: {  	[tilespmem:s18], [sflag:$0x1] =	stream.indirect.gather [hbm4b:s4+s16], $0x1, s17, s16, $0xb8;
	[tilespmem:$0x1C080] =	vst v63  }
0x195: {  	_ =	swait.ge [sflag:s19], $0x4000  }
0x196: {  	[sflag:s19] =	ssyncset.done $0x0  }
0x197: {  	s22 =	simm.s32 $0x0;
	[sflag:s19] =	ssyncadd.s32 $0xFFFFC000  }
0x198: {  	v11 =	vld [tilespmem:s22+$0x140F0]  }
0x199: {  	v12 =	vld [tilespmem:s22+$0x100F0]  }
0x19a: {  	v13 =	vld [tilespmem:s22+$0x14080]  }
0x19b: {  	v14 =	vld [tilespmem:s22+$0x10080]  }
0x19c: {  	v15 =	vld [tilespmem:s22+$0x14090]  }
0x19d: {  	v16 =	vld [tilespmem:s22+$0x10090]  }
0x19e: {  	v17 =	vld [tilespmem:s22+$0x140A0]  }
0x19f: {  	v18 =	vld [tilespmem:s22+$0x140B0]  }
0x1a0: {  	v11 =	vshrl.u32 v11, v12;
	v12 =	vld [tilespmem:s22+$0x100A0]  }
0x1a1: {  	v19 =	vld [tilespmem:s22+$0x100B0];
	v13 =	vshrl.u32 v13, v14;
	v11 =	vand.u32 $0x1, v11  }
0x1a2: {  	v20 =	vld [tilespmem:s22+$0x100C0];
	[tilespmem:s22+$0x180F0] =	vst v11;
	v11 =	vand.u32 $0x1, v13  }
0x1a3: {  	[tilespmem:s22+$0x18080] =	vst v11;
	v11 =	vshrl.u32 v15, v16;
	v16 =	vld [tilespmem:s22+$0x140C0]  }
0x1a4: {  	v14 =	vld [tilespmem:s22+$0x100D0];
	v11 =	vand.u32 $0x1, v11  }
0x1a5: {  	v13 =	vld [tilespmem:s22+$0x140D0];
	[tilespmem:s22+$0x18090] =	vst v11;
	v11 =	vshrl.u32 v17, v12  }
0x1a6: {  	v15 =	vld [tilespmem:s22+$0x100E0];
	v12 =	vshrl.u32 v18, v19;
	v11 =	vand.u32 $0x1, v11  }
0x1a7: {  	s23 =	simm.s32 $0x80;
	v17 =	vand.u32 $0x1, v12;
	[tilespmem:s22+$0x180A0] =	vst v11;
	v11 =	vld [tilespmem:s22+$0x140E0]  }
0x1a8: {  	s24 =	simm.s32 $0x400;
	v12 =	vld [tilespmem:s23+$0x140F0];
	[tilespmem:s22+$0x180B0] =	vst v17;
	v16 =	vshrl.u32 v16, v20  }
.LBB2_4:
0x1a9: {  	p0 =	sne.s32 s24, $0xFE00;
	v17 =	vld [tilespmem:s23+$0x100F0];
	v16 =	vand.u32 $0x1, v16  }
0x1aa: {  	v18 =	vld [tilespmem:s23+$0x14080];
	[tilespmem:s22+$0x180C0] =	vst v16;
	v13 =	vshrl.u32 v13, v14  }
0x1ab: {  	v14 =	vld [tilespmem:s23+$0x10080];
	v13 =	vand.u32 $0x1, v13  }
0x1ac: {  	v16 =	vld [tilespmem:s23+$0x14090];
	[tilespmem:s22+$0x180D0] =	vst v13;
	v11 =	vshrl.u32 v11, v15  }
0x1ad: {  	v13 =	vld [tilespmem:s23+$0x10090];
	v11 =	vand.u32 $0x1, v11  }
0x1ae: {  	v15 =	vld [tilespmem:s23+$0x140A0];
	v12 =	vshrl.u32 v12, v17;
	[tilespmem:s22+$0x180E0] =	vst v11;
	s22 =	smov.u32 s23  }
0x1af: {  	v11 =	vld [tilespmem:s22+$0x100A0];
	v12 =	vand.u32 $0x1, v12  }
0x1b0: {  	v14 =	vshrl.u32 v18, v14;
	v17 =	vld [tilespmem:s22+$0x140B0];
	[tilespmem:s22+$0x180F0] =	vst v12  }
0x1b1: {  	v12 =	vand.u32 $0x1, v14;
	v18 =	vld [tilespmem:s22+$0x100B0]  }
0x1b2: {  	[tilespmem:s22+$0x18080] =	vst v12;
	v12 =	vshrl.u32 v16, v13;
	v16 =	vld [tilespmem:s22+$0x140C0]  }
0x1b3: {  	v12 =	vand.u32 $0x1, v12;
	v19 =	vld [tilespmem:s22+$0x100C0]  }
.Ltmp1:
0x1b4: {  	[tilespmem:s22+$0x18090] =	vst v12;
	v11 =	vshrl.u32 v15, v11;
	v13 =	vld [tilespmem:s22+$0x140D0];
	(pc) =	sbr.rel @p0 .LBB2_4-.Ltmp1, $4  }
0x1b5: {  	v11 =	vand.u32 $0x1, v11;
	v14 =	vld [tilespmem:s22+$0x100D0]  }
0x1b6: {  	[tilespmem:s22+$0x180A0] =	vst v11;
	v12 =	vshrl.u32 v17, v18;
	v11 =	vld [tilespmem:s22+$0x140E0]  }
0x1b7: {  	s23 =	sshra.s32 s24, $0x2;
	v17 =	vand.u32 $0x1, v12;
	v15 =	vld [tilespmem:s22+$0x100E0]  }
0x1b8: {  	s24 =	sadd.s32 $0x200, s24;
	v12 =	vld [tilespmem:s23+$0x140F0];
	[tilespmem:s22+$0x180B0] =	vst v17;
	v16 =	vshrl.u32 v16, v19  }
0x1b9: {  	v17 =	vld [tilespmem:s23+$0x100F0];
	v16 =	vand.u32 $0x1, v16  }
0x1ba: {  	v18 =	vld [tilespmem:s23+$0x14080];
	[tilespmem:s22+$0x180C0] =	vst v16;
	v13 =	vshrl.u32 v13, v14  }
0x1bb: {  	v14 =	vld [tilespmem:s23+$0x10080];
	v13 =	vand.u32 $0x1, v13  }
0x1bc: {  	v16 =	vld [tilespmem:s23+$0x14090];
	[tilespmem:s22+$0x180D0] =	vst v13;
	v11 =	vshrl.u32 v11, v15  }
0x1bd: {  	v13 =	vld [tilespmem:s23+$0x10090];
	v11 =	vand.u32 $0x1, v11  }
0x1be: {  	v15 =	vld [tilespmem:s23+$0x140A0];
	[tilespmem:s22+$0x180E0] =	vst v11  }
0x1bf: {  	v11 =	vshrl.u32 v12, v17;
	v12 =	vld [tilespmem:s23+$0x100A0]  }
0x1c0: {  	v61 =	vld [tilespmem:s23+$0x140B0]  }
0x1c1: {  	v11 =	vand.u32 $0x1, v11;
	v62 =	vld [tilespmem:s23+$0x100C0];
	v14 =	vshrl.u32 v18, v14  }
0x1c2: {  	v63 =	vld [tilespmem:s23+$0x100E0];
	[tilespmem:s23+$0x180F0] =	vst v11;
	v11 =	vand.u32 $0x1, v14  }
0x1c3: {  	v14 =	vld [tilespmem:s23+$0x100B0];
	[tilespmem:s23+$0x18080] =	vst v11;
	v11 =	vshrl.u32 v16, v13  }
0x1c4: {  	v13 =	vld [tilespmem:s23+$0x140C0];
	v11 =	vand.u32 $0x1, v11  }
0x1c5: {  	[tilespmem:s23+$0x18090] =	vst v11;
	v11 =	vshrl.u32 v15, v12;
	v12 =	vld [tilespmem:s23+$0x140D0]  }
0x1c6: {  	v15 =	vld [tilespmem:s23+$0x100D0];
	v11 =	vand.u32 $0x1, v11  }
0x1c7: {  	[tilespmem:s23+$0x180A0] =	vst v11;
	v11 =	vld [tilespmem:s23+$0x140E0];
	_ =	sdelay $0x1  }
0x1c8: {  	v14 =	vshrl.u32 v61, v14  }
0x1c9: {  	v14 =	vand.u32 $0x1, v14;
	v13 =	vshrl.u32 v13, v62  }
0x1ca: {  	[tilespmem:s23+$0x180B0] =	vst v14;
	v13 =	vand.u32 $0x1, v13;
	v12 =	vshrl.u32 v12, v15  }
0x1cb: {  	[tilespmem:s23+$0x180C0] =	vst v13;
	v12 =	vand.u32 $0x1, v12;
	v11 =	vshrl.u32 v11, v63  }
0x1cc: {  	[tilespmem:s23+$0x180D0] =	vst v12;
	v11 =	vand.u32 $0x1, v11  }
0x1cd: {  	[tilespmem:s23+$0x180E0] =	vst v11  }
0x1ce: {  	[hbm4b:s6+s3] =	stream.linear.scatter [tilespmem:s20], [sflag:$0x2], $0x4000, $0x38;
	[tilespmem:$0x1C080] =	vst v63  }
0x1cf: {  	_ =	swait.ge [sflag:s14], $0x4000  }
0x1d0: {  	s24 =	simm.s32 $0x0;
	[sflag:s14] =	ssyncset.done $0x0  }
0x1d1: {  	v11 =	vor.u32 s24, v0;
	[sflag:s14] =	ssyncadd.s32 $0xFFFFC000  }
0x1d2: {  	v12 =	vor.u32 s24, v1;
	[tilespmem:s15], [sflag:$0x2] =	stream.linear.gather [hbm4b:s7+s3], $0xC000, $0x38;
	[tilespmem:$0x1C080] =	vst v63  }
0x1d3: {  	v13 =	vor.u32 s24, v2;
	_ =	swait.ge [sflag:s14], $0xC000  }
0x1d4: {  	[sflag:s14] =	ssyncset.done $0x0  }
0x1d5: {  	[sflag:s14] =	ssyncadd.s32 $0xFFFF4000  }
0x1d6: {  	v11 =	vld.idx.msk [tilespmem:v11+s15+$0x0], $0xffff  }
0x1d7: {  	v12 =	vld.idx.msk [tilespmem:v12+s15+$0x0], $0xffff  }
0x1d8: {  	v13 =	vld.idx.msk [tilespmem:v13+s15+$0x0], $0xffff;
	_ =	sdelay $0x3  }
0x1d9: {  	v11 =	vmul.f32 v11, v5;
	v12 =	vmul.f32 v12, v6  }
0x1da: {  	v13 =	vmul.f32 v13, v7  }
0x1db: {  	v11 =	vadd.f32 v11, v8;
	v12 =	vadd.f32 v12, v9  }
0x1dc: {  	v13 =	vadd.f32 v13, v10  }
0x1dd: {  	v11 =	vadd.f32 $1.258291200e+07, v11;
	v12 =	vadd.f32 $1.258291200e+07, v12  }
0x1de: {  	v13 =	vadd.f32 $1.258291200e+07, v13  }
0x1df: {  	v11 =	vadd.f32 $-1.258291200e+07, v11;
	v12 =	vadd.f32 $-1.258291200e+07, v12;
	_ =	sdelay $0x1  }
0x1e0: {  	v13 =	vadd.f32 $-1.258291200e+07, v13;
	v11 =	vtrunc.f32 v11;
	v12 =	vtrunc.f32 v12  }
0x1e1: {  	v11 =	vcvt.f32.s32 v11;
	v12 =	vcvt.f32.s32 v12  }
0x1e2: {  	v13 =	vtrunc.f32 v13  }
0x1e3: {  	v13 =	vcvt.f32.s32 v13;
	v11 =	vshll.u32 v11, $0x10;
	v12 =	vshll.u32 v12, $0x8  }
0x1e4: {  	v11 =	vor.u32 v11, v12  }
0x1e5: {  	v11 =	vor.u32 v13, v11  }
0x1e6: {  	s24 =	simm.s32 $0x30;
	v11 =	vshra.s32 v11, $0x2  }
0x1e7: {  	v12 =	vadd.s32 s24, v0;
	vm0 =	vgt.s32 v11, $0x0  }
0x1e8: {  	v14 =	vadd.s32 s24, v1;
	v11 =	vnsel vm0, $0x0, v11  }
0x1e9: {  	s22 =	simm.s32 $0xC0C0;
	v13 =	vshll.u32 v13, $0x3;
	v11 =	vmin.u32 v11, $0x3FFFFF  }
0x1ea: {  	s23 =	simm.s32 $0x100C0;
	v13 =	vand.u32 $0x18, v13;
	[tilespmem:s22+$0xFFFFFFC0] =	vst v11;
	v11 =	vadd.s32 s24, v2  }
0x1eb: {  	[tilespmem:s23+$0xFFFFFFC0] =	vst v13  }
0x1ec: {  	v12 =	vld.idx.msk [tilespmem:v12+s15+$0x0], $0xffff  }
0x1ed: {  	v13 =	vld.idx.msk [tilespmem:v14+s15+$0x0], $0xffff;
	_ =	sdelay $0x1  }
0x1ee: {  	v11 =	vld.idx.msk [tilespmem:v11+s15+$0x0], $0xffff;
	_ =	sdelay $0x1  }
0x1ef: {  	v12 =	vmul.f32 v12, v5  }
0x1f0: {  	v13 =	vmul.f32 v13, v6  }
0x1f1: {  	v12 =	vadd.f32 v12, v8  }
0x1f2: {  	v13 =	vadd.f32 v13, v9;
	v11 =	vmul.f32 v11, v7  }
0x1f3: {  	v12 =	vadd.f32 $1.258291200e+07, v12  }
0x1f4: {  	v13 =	vadd.f32 $1.258291200e+07, v13;
	v11 =	vadd.f32 v11, v10  }
0x1f5: {  	v12 =	vadd.f32 $-1.258291200e+07, v12  }
0x1f6: {  	v13 =	vadd.f32 $-1.258291200e+07, v13;
	v11 =	vadd.f32 $1.258291200e+07, v11;
	_ =	sdelay $0x1  }
0x1f7: {  	v12 =	vtrunc.f32 v12;
	v13 =	vtrunc.f32 v13;
	v11 =	vadd.f32 $-1.258291200e+07, v11  }
0x1f8: {  	v12 =	vcvt.f32.s32 v12;
	v13 =	vcvt.f32.s32 v13  }
0x1f9: {  	v11 =	vtrunc.f32 v11  }
0x1fa: {  	v12 =	vshll.u32 v12, $0x10;
	v13 =	vshll.u32 v13, $0x8;
	v11 =	vcvt.f32.s32 v11  }
0x1fb: {  	v12 =	vor.u32 v12, v13  }
0x1fc: {  	v12 =	vor.u32 v11, v12  }
0x1fd: {  	s25 =	simm.s32 $0x60;
	v12 =	vshra.s32 v12, $0x2  }
0x1fe: {  	v13 =	vadd.s32 s25, v0;
	vm10 =	vgt.s32 v12, $0x0  }
0x1ff: {  	v14 =	vadd.s32 s25, v1;
	v12 =	vnsel vm10, $0x0, v12  }
0x200: {  	v11 =	vshll.u32 v11, $0x3;
	v12 =	vmin.u32 v12, $0x3FFFFF  }
0x201: {  	v11 =	vand.u32 $0x18, v11;
	[tilespmem:s22+$0xFFFFFFD0] =	vst v12;
	v12 =	vadd.s32 s25, v2  }
0x202: {  	[tilespmem:s23+$0xFFFFFFD0] =	vst v11  }
0x203: {  	v11 =	vld.idx.msk [tilespmem:v13+s15+$0x0], $0xffff  }
0x204: {  	v13 =	vld.idx.msk [tilespmem:v14+s15+$0x0], $0xffff;
	_ =	sdelay $0x1  }
0x205: {  	v12 =	vld.idx.msk [tilespmem:v12+s15+$0x0], $0xffff;
	_ =	sdelay $0x1  }
0x206: {  	v11 =	vmul.f32 v11, v5  }
0x207: {  	v13 =	vmul.f32 v13, v6  }
0x208: {  	v11 =	vadd.f32 v11, v8  }
0x209: {  	v13 =	vadd.f32 v13, v9;
	v12 =	vmul.f32 v12, v7  }
0x20a: {  	v11 =	vadd.f32 $1.258291200e+07, v11  }
0x20b: {  	v13 =	vadd.f32 $1.258291200e+07, v13;
	v12 =	vadd.f32 v12, v10  }
0x20c: {  	v11 =	vadd.f32 $-1.258291200e+07, v11  }
0x20d: {  	v13 =	vadd.f32 $-1.258291200e+07, v13;
	v12 =	vadd.f32 $1.258291200e+07, v12;
	_ =	sdelay $0x1  }
0x20e: {  	v11 =	vtrunc.f32 v11;
	v13 =	vtrunc.f32 v13;
	v12 =	vadd.f32 $-1.258291200e+07, v12  }
0x20f: {  	v11 =	vcvt.f32.s32 v11;
	v13 =	vcvt.f32.s32 v13  }
0x210: {  	v12 =	vtrunc.f32 v12  }
0x211: {  	v11 =	vshll.u32 v11, $0x10;
	v13 =	vshll.u32 v13, $0x8;
	v12 =	vcvt.f32.s32 v12  }
0x212: {  	v11 =	vor.u32 v11, v13  }
0x213: {  	v11 =	vor.u32 v12, v11  }
0x214: {  	s26 =	simm.s32 $0x90;
	v11 =	vshra.s32 v11, $0x2  }
0x215: {  	v13 =	vadd.s32 s26, v0;
	vm11 =	vgt.s32 v11, $0x0  }
0x216: {  	v14 =	vadd.s32 s26, v1;
	v11 =	vnsel vm11, $0x0, v11  }
0x217: {  	v12 =	vshll.u32 v12, $0x3;
	v11 =	vmin.u32 v11, $0x3FFFFF  }
0x218: {  	v12 =	vand.u32 $0x18, v12;
	[tilespmem:s22+$0xFFFFFFE0] =	vst v11;
	v11 =	vadd.s32 s26, v2  }
0x219: {  	[tilespmem:s23+$0xFFFFFFE0] =	vst v12  }
0x21a: {  	v12 =	vld.idx.msk [tilespmem:v13+s15+$0x0], $0xffff  }
0x21b: {  	v13 =	vld.idx.msk [tilespmem:v14+s15+$0x0], $0xffff;
	_ =	sdelay $0x1  }
0x21c: {  	v11 =	vld.idx.msk [tilespmem:v11+s15+$0x0], $0xffff;
	_ =	sdelay $0x1  }
0x21d: {  	v12 =	vmul.f32 v12, v5  }
0x21e: {  	v13 =	vmul.f32 v13, v6  }
0x21f: {  	v12 =	vadd.f32 v12, v8  }
0x220: {  	v13 =	vadd.f32 v13, v9;
	v11 =	vmul.f32 v11, v7  }
0x221: {  	v12 =	vadd.f32 $1.258291200e+07, v12  }
0x222: {  	v13 =	vadd.f32 $1.258291200e+07, v13;
	v11 =	vadd.f32 v11, v10  }
0x223: {  	v12 =	vadd.f32 $-1.258291200e+07, v12  }
0x224: {  	v13 =	vadd.f32 $-1.258291200e+07, v13;
	v11 =	vadd.f32 $1.258291200e+07, v11;
	_ =	sdelay $0x1  }
0x225: {  	v12 =	vtrunc.f32 v12;
	v13 =	vtrunc.f32 v13;
	v11 =	vadd.f32 $-1.258291200e+07, v11  }
0x226: {  	v12 =	vcvt.f32.s32 v12;
	v13 =	vcvt.f32.s32 v13  }
0x227: {  	v11 =	vtrunc.f32 v11  }
0x228: {  	v12 =	vshll.u32 v12, $0x10;
	v13 =	vshll.u32 v13, $0x8;
	v11 =	vcvt.f32.s32 v11  }
0x229: {  	v12 =	vor.u32 v12, v13  }
0x22a: {  	v12 =	vor.u32 v11, v12  }
0x22b: {  	s28 =	simm.s32 $0xC0;
	v12 =	vshra.s32 v12, $0x2  }
0x22c: {  	v13 =	vor.u32 s28, v0;
	vm12 =	vgt.s32 v12, $0x0  }
0x22d: {  	v14 =	vor.u32 s28, v3;
	v12 =	vnsel vm12, $0x0, v12  }
0x22e: {  	v11 =	vshll.u32 v11, $0x3;
	v12 =	vmin.u32 v12, $0x3FFFFF  }
0x22f: {  	v11 =	vand.u32 $0x18, v11;
	[tilespmem:s22+$0xFFFFFFF0] =	vst v12;
	v12 =	vor.u32 s28, v4  }
0x230: {  	[tilespmem:s23+$0xFFFFFFF0] =	vst v11  }
0x231: {  	v11 =	vld.idx.msk [tilespmem:v13+s15+$0x0], $0xffff  }
0x232: {  	v13 =	vld.idx.msk [tilespmem:v14+s15+$0x0], $0xffff;
	_ =	sdelay $0x1  }
0x233: {  	v12 =	vld.idx.msk [tilespmem:v12+s15+$0x0], $0xffff;
	_ =	sdelay $0x1  }
0x234: {  	v11 =	vmul.f32 v11, v5  }
0x235: {  	v13 =	vmul.f32 v13, v6  }
0x236: {  	v11 =	vadd.f32 v11, v8  }
0x237: {  	v13 =	vadd.f32 v13, v9;
	v12 =	vmul.f32 v12, v7  }
0x238: {  	v11 =	vadd.f32 $1.258291200e+07, v11  }
0x239: {  	v13 =	vadd.f32 $1.258291200e+07, v13;
	v12 =	vadd.f32 v12, v10  }
0x23a: {  	v11 =	vadd.f32 $-1.258291200e+07, v11  }
0x23b: {  	v13 =	vadd.f32 $-1.258291200e+07, v13;
	v12 =	vadd.f32 $1.258291200e+07, v12;
	_ =	sdelay $0x1  }
0x23c: {  	v11 =	vtrunc.f32 v11;
	v13 =	vtrunc.f32 v13;
	v12 =	vadd.f32 $-1.258291200e+07, v12  }
0x23d: {  	v11 =	vcvt.f32.s32 v11;
	v13 =	vcvt.f32.s32 v13  }
0x23e: {  	v12 =	vtrunc.f32 v12  }
0x23f: {  	v11 =	vshll.u32 v11, $0x10;
	v13 =	vshll.u32 v13, $0x8;
	v12 =	vcvt.f32.s32 v12  }
0x240: {  	v11 =	vor.u32 v11, v13  }
0x241: {  	v11 =	vor.u32 v12, v11  }
0x242: {  	s29 =	simm.s32 $0xF0;
	v11 =	vshra.s32 v11, $0x2  }
0x243: {  	v13 =	vadd.s32 s29, v0;
	vm13 =	vgt.s32 v11, $0x0  }
0x244: {  	v14 =	vadd.s32 s29, v1;
	v11 =	vnsel vm13, $0x0, v11  }
0x245: {  	v15 =	vadd.s32 s29, v2;
	v12 =	vshll.u32 v12, $0x3;
	v11 =	vmin.u32 v11, $0x3FFFFF  }
0x246: {  	v12 =	vand.u32 $0x18, v12;
	[tilespmem:s22+$0x0] =	vst v11  }
0x247: {  	[tilespmem:s23+$0x0] =	vst v12  }
0x248: {  	v11 =	vld.idx.msk [tilespmem:v13+s15+$0x0], $0xffff  }
0x249: {  	v12 =	vld.idx.msk [tilespmem:v14+s15+$0x0], $0xffff  }
0x24a: {  	v13 =	vld.idx.msk [tilespmem:v15+s15+$0x0], $0xffff;
	_ =	sdelay $0x3  }
0x24b: {  	v11 =	vmul.f32 v11, v5;
	v12 =	vmul.f32 v12, v6  }
0x24c: {  	v13 =	vmul.f32 v13, v7  }
0x24d: {  	v11 =	vadd.f32 v11, v8;
	v12 =	vadd.f32 v12, v9  }
0x24e: {  	v13 =	vadd.f32 v13, v10  }
0x24f: {  	v11 =	vadd.f32 $1.258291200e+07, v11;
	v12 =	vadd.f32 $1.258291200e+07, v12  }
0x250: {  	v13 =	vadd.f32 $1.258291200e+07, v13  }
0x251: {  	v11 =	vadd.f32 $-1.258291200e+07, v11;
	v12 =	vadd.f32 $-1.258291200e+07, v12;
	_ =	sdelay $0x1  }
0x252: {  	v13 =	vadd.f32 $-1.258291200e+07, v13;
	v11 =	vtrunc.f32 v11;
	v12 =	vtrunc.f32 v12  }
0x253: {  	v11 =	vcvt.f32.s32 v11;
	v12 =	vcvt.f32.s32 v12  }
0x254: {  	v13 =	vtrunc.f32 v13  }
0x255: {  	v13 =	vcvt.f32.s32 v13;
	v11 =	vshll.u32 v11, $0x10;
	v12 =	vshll.u32 v12, $0x8  }
0x256: {  	v11 =	vor.u32 v11, v12  }
0x257: {  	v11 =	vor.u32 v13, v11  }
0x258: {  	s30 =	simm.s32 $0x120;
	v11 =	vshra.s32 v11, $0x2  }
0x259: {  	v12 =	vadd.s32 s30, v1;
	vm14 =	vgt.s32 v11, $0x0  }
0x25a: {  	v14 =	vadd.s32 s30, v0;
	v11 =	vnsel vm14, $0x0, v11  }
0x25b: {  	v15 =	vadd.s32 s30, v2;
	v13 =	vshll.u32 v13, $0x3;
	v11 =	vmin.u32 v11, $0x3FFFFF  }
0x25c: {  	v13 =	vand.u32 $0x18, v13;
	[tilespmem:s22+$0x10] =	vst v11  }
0x25d: {  	[tilespmem:s23+$0x10] =	vst v13  }
0x25e: {  	v11 =	vld.idx.msk [tilespmem:v12+s15+$0x0], $0xffff  }
0x25f: {  	v12 =	vld.idx.msk [tilespmem:v14+s15+$0x0], $0xffff  }
0x260: {  	v13 =	vld.idx.msk [tilespmem:v15+s15+$0x0], $0xffff;
	_ =	sdelay $0x3  }
0x261: {  	v11 =	vmul.f32 v11, v6;
	v12 =	vmul.f32 v12, v5  }
0x262: {  	v13 =	vmul.f32 v13, v7  }
0x263: {  	v11 =	vadd.f32 v11, v9;
	v12 =	vadd.f32 v12, v8  }
0x264: {  	v13 =	vadd.f32 v13, v10  }
0x265: {  	v11 =	vadd.f32 $1.258291200e+07, v11;
	v12 =	vadd.f32 $1.258291200e+07, v12  }
0x266: {  	v13 =	vadd.f32 $1.258291200e+07, v13  }
0x267: {  	v11 =	vadd.f32 $-1.258291200e+07, v11;
	v12 =	vadd.f32 $-1.258291200e+07, v12;
	_ =	sdelay $0x1  }
0x268: {  	v13 =	vadd.f32 $-1.258291200e+07, v13;
	v11 =	vtrunc.f32 v11;
	v12 =	vtrunc.f32 v12  }
0x269: {  	v11 =	vcvt.f32.s32 v11;
	v12 =	vcvt.f32.s32 v12  }
0x26a: {  	v13 =	vtrunc.f32 v13  }
0x26b: {  	v13 =	vcvt.f32.s32 v13;
	v12 =	vshll.u32 v12, $0x10;
	v11 =	vshll.u32 v11, $0x8  }
0x26c: {  	v11 =	vor.u32 v12, v11  }
0x26d: {  	v11 =	vor.u32 v13, v11  }
0x26e: {  	s31 =	simm.s32 $0x150;
	v11 =	vshra.s32 v11, $0x2  }
0x26f: {  	v12 =	vadd.s32 s31, v0;
	vm15 =	vgt.s32 v11, $0x0  }
0x270: {  	v14 =	vadd.s32 s31, v1;
	v11 =	vnsel vm15, $0x0, v11  }
0x271: {  	v15 =	vadd.s32 s31, v2;
	v13 =	vshll.u32 v13, $0x3;
	v11 =	vmin.u32 v11, $0x3FFFFF  }
0x272: {  	v13 =	vand.u32 $0x18, v13;
	[tilespmem:s22+$0x20] =	vst v11  }
0x273: {  	[tilespmem:s23+$0x20] =	vst v13  }
0x274: {  	v11 =	vld.idx.msk [tilespmem:v12+s15+$0x0], $0xffff  }
0x275: {  	v12 =	vld.idx.msk [tilespmem:v14+s15+$0x0], $0xffff  }
0x276: {  	v13 =	vld.idx.msk [tilespmem:v15+s15+$0x0], $0xffff;
	_ =	sdelay $0x2  }
0x277: {  	v11 =	vmul.f32 v11, v5  }
0x278: {  	v12 =	vmul.f32 v12, v6  }
0x279: {  	v13 =	vmul.f32 v13, v7;
	v11 =	vadd.f32 v11, v8  }
0x27a: {  	v12 =	vadd.f32 v12, v9  }
0x27b: {  	v13 =	vadd.f32 v13, v10;
	v11 =	vadd.f32 $1.258291200e+07, v11  }
0x27c: {  	v12 =	vadd.f32 $1.258291200e+07, v12  }
0x27d: {  	v13 =	vadd.f32 $1.258291200e+07, v13;
	v11 =	vadd.f32 $-1.258291200e+07, v11  }
0x27e: {  	v12 =	vadd.f32 $-1.258291200e+07, v12  }
0x27f: {  	v13 =	vadd.f32 $-1.258291200e+07, v13;
	v11 =	vtrunc.f32 v11  }
0x280: {  	v12 =	vtrunc.f32 v12;
	v11 =	vcvt.f32.s32 v11  }
0x281: {  	s24 =	simm.s32 $0xC0C0;
	s25 =	simm.s32 $0x100C0;
	s26 =	simm.s32 $0x2D0;
	v13 =	vtrunc.f32 v13;
	v12 =	vcvt.f32.s32 v12  }
.LBB2_6:
0x282: {  	p0 =	sne.s32 s26, $0xBFD0;
	v13 =	vcvt.f32.s32 v13;
	v11 =	vshll.u32 v11, $0x10;
	s23 =	sadd.s32 $0x80, s23;
	s22 =	sadd.s32 $0x80, s22  }
0x283: {  	s28 =	smov.u32 s26;
	s26 =	sadd.s32 $0x180, s26;
	v12 =	vshll.u32 v12, $0x8  }
0x284: {  	v11 =	vor.u32 v11, v12;
	v12 =	vshll.u32 v13, $0x3  }
0x285: {  	s29 =	sadd.s32 $0xFFFFFEB0, s28;
	v11 =	vor.u32 v13, v11  }
0x286: {  	v14 =	vor.u32 s29, v1;
	v13 =	vor.u32 s29, v0;
	v11 =	vshra.s32 v11, $0x2  }
0x287: {  	vm0 =	vgt.s32 v11, $0x0  }
0x288: {  	v11 =	vnsel vm0, $0x0, v11  }
0x289: {  	v12 =	vand.u32 $0x18, v12;
	v11 =	vmin.u32 v11, $0x3FFFFF  }
0x28a: {  	v15 =	vor.u32 s29, v2;
	[tilespmem:s24+$0x30] =	vst v11;
	s24 =	smov.u32 s22  }
0x28b: {  	[tilespmem:s25+$0x30] =	vst v12;
	s25 =	smov.u32 s23  }
0x28c: {  	v11 =	vld.idx.msk [tilespmem:v13+s15+$0x0], $0xffff  }
0x28d: {  	v12 =	vld.idx.msk [tilespmem:v14+s15+$0x0], $0xffff;
	_ =	sdelay $0x1  }
0x28e: {  	v13 =	vld.idx.msk [tilespmem:v15+s15+$0x0], $0xffff;
	_ =	sdelay $0x2  }
0x28f: {  	v11 =	vmul.f32 v11, v5  }
0x290: {  	v12 =	vmul.f32 v12, v6  }
0x291: {  	v11 =	vadd.f32 v11, v8  }
0x292: {  	v12 =	vadd.f32 v12, v9;
	v13 =	vmul.f32 v13, v7  }
0x293: {  	v11 =	vadd.f32 $1.258291200e+07, v11  }
0x294: {  	v12 =	vadd.f32 $1.258291200e+07, v12;
	v13 =	vadd.f32 v13, v10  }
0x295: {  	v11 =	vadd.f32 $-1.258291200e+07, v11  }
0x296: {  	v12 =	vadd.f32 $-1.258291200e+07, v12;
	v13 =	vadd.f32 $1.258291200e+07, v13  }
0x297: {  	v11 =	vtrunc.f32 v11  }
0x298: {  	v11 =	vcvt.f32.s32 v11;
	v12 =	vtrunc.f32 v12;
	v13 =	vadd.f32 $-1.258291200e+07, v13  }
0x299: {  	v12 =	vcvt.f32.s32 v12  }
0x29a: {  	v13 =	vtrunc.f32 v13  }
0x29b: {  	v11 =	vshll.u32 v11, $0x10;
	v13 =	vcvt.f32.s32 v13;
	v12 =	vshll.u32 v12, $0x8  }
0x29c: {  	v11 =	vor.u32 v11, v12  }
0x29d: {  	v11 =	vor.u32 v13, v11;
	v12 =	vshll.u32 v13, $0x3  }
0x29e: {  	s29 =	sadd.s32 $0xFFFFFEE0, s28;
	v11 =	vshra.s32 v11, $0x2  }
0x29f: {  	v13 =	vadd.s32 s29, v0;
	vm0 =	vgt.s32 v11, $0x0  }
0x2a0: {  	v14 =	vadd.s32 s29, v1;
	v11 =	vnsel vm0, $0x0, v11  }
0x2a1: {  	v11 =	vmin.u32 v11, $0x3FFFFF  }
0x2a2: {  	v12 =	vand.u32 $0x18, v12;
	[tilespmem:s22+$0xFFFFFFC0] =	vst v11;
	v11 =	vadd.s32 s29, v2  }
0x2a3: {  	[tilespmem:s23+$0xFFFFFFC0] =	vst v12  }
0x2a4: {  	v12 =	vld.idx.msk [tilespmem:v13+s15+$0x0], $0xffff  }
0x2a5: {  	v13 =	vld.idx.msk [tilespmem:v14+s15+$0x0], $0xffff;
	_ =	sdelay $0x1  }
0x2a6: {  	v11 =	vld.idx.msk [tilespmem:v11+s15+$0x0], $0xffff;
	_ =	sdelay $0x2  }
0x2a7: {  	v12 =	vmul.f32 v12, v5  }
0x2a8: {  	v13 =	vmul.f32 v13, v6  }
0x2a9: {  	v12 =	vadd.f32 v12, v8  }
0x2aa: {  	v13 =	vadd.f32 v13, v9;
	v11 =	vmul.f32 v11, v7  }
0x2ab: {  	v12 =	vadd.f32 $1.258291200e+07, v12  }
0x2ac: {  	v13 =	vadd.f32 $1.258291200e+07, v13;
	v11 =	vadd.f32 v11, v10  }
0x2ad: {  	v12 =	vadd.f32 $-1.258291200e+07, v12  }
0x2ae: {  	v13 =	vadd.f32 $-1.258291200e+07, v13;
	v11 =	vadd.f32 $1.258291200e+07, v11  }
0x2af: {  	v12 =	vtrunc.f32 v12  }
0x2b0: {  	v12 =	vcvt.f32.s32 v12;
	v13 =	vtrunc.f32 v13;
	v11 =	vadd.f32 $-1.258291200e+07, v11  }
0x2b1: {  	v13 =	vcvt.f32.s32 v13  }
0x2b2: {  	v11 =	vtrunc.f32 v11  }
0x2b3: {  	v12 =	vshll.u32 v12, $0x10;
	v11 =	vcvt.f32.s32 v11;
	v13 =	vshll.u32 v13, $0x8  }
0x2b4: {  	v12 =	vor.u32 v12, v13  }
0x2b5: {  	v12 =	vor.u32 v11, v12;
	v11 =	vshll.u32 v11, $0x3  }
0x2b6: {  	s29 =	sadd.s32 $0xFFFFFF10, s28;
	v12 =	vshra.s32 v12, $0x2  }
0x2b7: {  	v13 =	vadd.s32 s29, v0;
	vm0 =	vgt.s32 v12, $0x0  }
0x2b8: {  	v14 =	vadd.s32 s29, v1;
	v12 =	vnsel vm0, $0x0, v12  }
0x2b9: {  	v12 =	vmin.u32 v12, $0x3FFFFF  }
0x2ba: {  	v11 =	vand.u32 $0x18, v11;
	[tilespmem:s22+$0xFFFFFFD0] =	vst v12;
	v12 =	vadd.s32 s29, v2  }
0x2bb: {  	[tilespmem:s23+$0xFFFFFFD0] =	vst v11  }
0x2bc: {  	v11 =	vld.idx.msk [tilespmem:v13+s15+$0x0], $0xffff  }
0x2bd: {  	v13 =	vld.idx.msk [tilespmem:v14+s15+$0x0], $0xffff;
	_ =	sdelay $0x1  }
0x2be: {  	v12 =	vld.idx.msk [tilespmem:v12+s15+$0x0], $0xffff;
	_ =	sdelay $0x2  }
0x2bf: {  	v11 =	vmul.f32 v11, v5  }
0x2c0: {  	v13 =	vmul.f32 v13, v6  }
0x2c1: {  	v11 =	vadd.f32 v11, v8  }
0x2c2: {  	v13 =	vadd.f32 v13, v9;
	v12 =	vmul.f32 v12, v7  }
0x2c3: {  	v11 =	vadd.f32 $1.258291200e+07, v11  }
0x2c4: {  	v13 =	vadd.f32 $1.258291200e+07, v13;
	v12 =	vadd.f32 v12, v10  }
0x2c5: {  	v11 =	vadd.f32 $-1.258291200e+07, v11  }
0x2c6: {  	v13 =	vadd.f32 $-1.258291200e+07, v13;
	v12 =	vadd.f32 $1.258291200e+07, v12  }
0x2c7: {  	v11 =	vtrunc.f32 v11  }
0x2c8: {  	v11 =	vcvt.f32.s32 v11;
	v13 =	vtrunc.f32 v13;
	v12 =	vadd.f32 $-1.258291200e+07, v12  }
0x2c9: {  	v13 =	vcvt.f32.s32 v13  }
0x2ca: {  	v12 =	vtrunc.f32 v12;
	v11 =	vshll.u32 v11, $0x10  }
0x2cb: {  	v12 =	vcvt.f32.s32 v12;
	v13 =	vshll.u32 v13, $0x8  }
0x2cc: {  	v11 =	vor.u32 v11, v13  }
0x2cd: {  	v11 =	vor.u32 v12, v11;
	v12 =	vshll.u32 v12, $0x3  }
0x2ce: {  	s29 =	sadd.s32 $0xFFFFFF40, s28;
	v11 =	vshra.s32 v11, $0x2  }
0x2cf: {  	v13 =	vadd.s32 s29, v0;
	vm0 =	vgt.s32 v11, $0x0  }
0x2d0: {  	v14 =	vadd.s32 s29, v1;
	v11 =	vnsel vm0, $0x0, v11  }
0x2d1: {  	v11 =	vmin.u32 v11, $0x3FFFFF  }
0x2d2: {  	v12 =	vand.u32 $0x18, v12;
	[tilespmem:s22+$0xFFFFFFE0] =	vst v11;
	v11 =	vadd.s32 s29, v2  }
0x2d3: {  	[tilespmem:s23+$0xFFFFFFE0] =	vst v12  }
0x2d4: {  	v12 =	vld.idx.msk [tilespmem:v13+s15+$0x0], $0xffff  }
0x2d5: {  	v13 =	vld.idx.msk [tilespmem:v14+s15+$0x0], $0xffff;
	_ =	sdelay $0x1  }
0x2d6: {  	v11 =	vld.idx.msk [tilespmem:v11+s15+$0x0], $0xffff;
	_ =	sdelay $0x2  }
0x2d7: {  	v12 =	vmul.f32 v12, v5  }
0x2d8: {  	v13 =	vmul.f32 v13, v6  }
0x2d9: {  	v12 =	vadd.f32 v12, v8  }
0x2da: {  	v13 =	vadd.f32 v13, v9;
	v11 =	vmul.f32 v11, v7  }
0x2db: {  	v12 =	vadd.f32 $1.258291200e+07, v12  }
0x2dc: {  	v13 =	vadd.f32 $1.258291200e+07, v13;
	v11 =	vadd.f32 v11, v10  }
0x2dd: {  	v12 =	vadd.f32 $-1.258291200e+07, v12  }
0x2de: {  	v13 =	vadd.f32 $-1.258291200e+07, v13;
	v11 =	vadd.f32 $1.258291200e+07, v11  }
0x2df: {  	v12 =	vtrunc.f32 v12  }
0x2e0: {  	v12 =	vcvt.f32.s32 v12;
	v13 =	vtrunc.f32 v13;
	v11 =	vadd.f32 $-1.258291200e+07, v11  }
0x2e1: {  	v13 =	vcvt.f32.s32 v13  }
0x2e2: {  	v11 =	vtrunc.f32 v11;
	v12 =	vshll.u32 v12, $0x10  }
0x2e3: {  	v11 =	vcvt.f32.s32 v11;
	v13 =	vshll.u32 v13, $0x8  }
0x2e4: {  	v12 =	vor.u32 v12, v13  }
0x2e5: {  	v12 =	vor.u32 v11, v12;
	v11 =	vshll.u32 v11, $0x3  }
0x2e6: {  	s29 =	sadd.s32 $0xFFFFFF70, s28;
	v12 =	vshra.s32 v12, $0x2  }
0x2e7: {  	v13 =	vor.u32 s29, v0;
	vm0 =	vgt.s32 v12, $0x0  }
0x2e8: {  	v14 =	vor.u32 s29, v3;
	v12 =	vnsel vm0, $0x0, v12  }
0x2e9: {  	v12 =	vmin.u32 v12, $0x3FFFFF  }
0x2ea: {  	v11 =	vand.u32 $0x18, v11;
	[tilespmem:s22+$0xFFFFFFF0] =	vst v12;
	v12 =	vor.u32 s29, v4  }
0x2eb: {  	[tilespmem:s23+$0xFFFFFFF0] =	vst v11  }
0x2ec: {  	v11 =	vld.idx.msk [tilespmem:v13+s15+$0x0], $0xffff  }
0x2ed: {  	v13 =	vld.idx.msk [tilespmem:v14+s15+$0x0], $0xffff;
	_ =	sdelay $0x1  }
0x2ee: {  	v12 =	vld.idx.msk [tilespmem:v12+s15+$0x0], $0xffff;
	_ =	sdelay $0x2  }
0x2ef: {  	v11 =	vmul.f32 v11, v5  }
0x2f0: {  	v13 =	vmul.f32 v13, v6  }
0x2f1: {  	v11 =	vadd.f32 v11, v8  }
0x2f2: {  	v13 =	vadd.f32 v13, v9;
	v12 =	vmul.f32 v12, v7  }
0x2f3: {  	v11 =	vadd.f32 $1.258291200e+07, v11  }
0x2f4: {  	v13 =	vadd.f32 $1.258291200e+07, v13;
	v12 =	vadd.f32 v12, v10  }
0x2f5: {  	v11 =	vadd.f32 $-1.258291200e+07, v11  }
0x2f6: {  	v13 =	vadd.f32 $-1.258291200e+07, v13;
	v12 =	vadd.f32 $1.258291200e+07, v12  }
0x2f7: {  	v11 =	vtrunc.f32 v11  }
0x2f8: {  	v13 =	vtrunc.f32 v13;
	v12 =	vadd.f32 $-1.258291200e+07, v12  }
0x2f9: {  	v11 =	vcvt.f32.s32 v11;
	v13 =	vcvt.f32.s32 v13  }
0x2fa: {  	v12 =	vtrunc.f32 v12  }
0x2fb: {  	v11 =	vshll.u32 v11, $0x10;
	v12 =	vcvt.f32.s32 v12;
	v13 =	vshll.u32 v13, $0x8  }
0x2fc: {  	v11 =	vor.u32 v11, v13  }
0x2fd: {  	v11 =	vor.u32 v12, v11;
	v12 =	vshll.u32 v12, $0x3  }
0x2fe: {  	s29 =	sadd.s32 $0xFFFFFFA0, s28;
	v11 =	vshra.s32 v11, $0x2  }
0x2ff: {  	v13 =	vadd.s32 s29, v0;
	vm0 =	vgt.s32 v11, $0x0  }
0x300: {  	v14 =	vadd.s32 s29, v1;
	v11 =	vnsel vm0, $0x0, v11  }
0x301: {  	v15 =	vadd.s32 s29, v2;
	v11 =	vmin.u32 v11, $0x3FFFFF  }
0x302: {  	v12 =	vand.u32 $0x18, v12;
	[tilespmem:s22+$0x0] =	vst v11  }
0x303: {  	[tilespmem:s23+$0x0] =	vst v12  }
0x304: {  	v11 =	vld.idx.msk [tilespmem:v13+s15+$0x0], $0xffff  }
0x305: {  	v12 =	vld.idx.msk [tilespmem:v14+s15+$0x0], $0xffff  }
0x306: {  	v13 =	vld.idx.msk [tilespmem:v15+s15+$0x0], $0xffff;
	_ =	sdelay $0x3  }
0x307: {  	v11 =	vmul.f32 v11, v5  }
0x308: {  	v12 =	vmul.f32 v12, v6  }
0x309: {  	v11 =	vadd.f32 v11, v8;
	v13 =	vmul.f32 v13, v7  }
0x30a: {  	v12 =	vadd.f32 v12, v9  }
0x30b: {  	v11 =	vadd.f32 $1.258291200e+07, v11;
	v13 =	vadd.f32 v13, v10  }
0x30c: {  	v12 =	vadd.f32 $1.258291200e+07, v12  }
0x30d: {  	v11 =	vadd.f32 $-1.258291200e+07, v11;
	v13 =	vadd.f32 $1.258291200e+07, v13  }
0x30e: {  	v12 =	vadd.f32 $-1.258291200e+07, v12  }
0x30f: {  	v11 =	vtrunc.f32 v11;
	v13 =	vadd.f32 $-1.258291200e+07, v13  }
0x310: {  	v11 =	vcvt.f32.s32 v11;
	v12 =	vtrunc.f32 v12  }
0x311: {  	v12 =	vcvt.f32.s32 v12;
	v13 =	vtrunc.f32 v13  }
0x312: {  	v11 =	vshll.u32 v11, $0x10  }
0x313: {  	v13 =	vcvt.f32.s32 v13;
	v12 =	vshll.u32 v12, $0x8  }
0x314: {  	v11 =	vor.u32 v11, v12  }
0x315: {  	v12 =	vshll.u32 v13, $0x3;
	v11 =	vor.u32 v13, v11  }
0x316: {  	s29 =	sadd.s32 $0xFFFFFFD0, s28;
	v11 =	vshra.s32 v11, $0x2  }
0x317: {  	v13 =	vadd.s32 s29, v1;
	vm0 =	vgt.s32 v11, $0x0  }
0x318: {  	v14 =	vadd.s32 s29, v0;
	v11 =	vnsel vm0, $0x0, v11  }
0x319: {  	v15 =	vadd.s32 s29, v2;
	v11 =	vmin.u32 v11, $0x3FFFFF  }
0x31a: {  	v12 =	vand.u32 $0x18, v12;
	[tilespmem:s22+$0x10] =	vst v11  }
0x31b: {  	[tilespmem:s23+$0x10] =	vst v12  }
0x31c: {  	v11 =	vld.idx.msk [tilespmem:v13+s15+$0x0], $0xffff  }
0x31d: {  	v12 =	vld.idx.msk [tilespmem:v14+s15+$0x0], $0xffff  }
0x31e: {  	v13 =	vld.idx.msk [tilespmem:v15+s15+$0x0], $0xffff;
	_ =	sdelay $0x3  }
0x31f: {  	v11 =	vmul.f32 v11, v6  }
0x320: {  	v12 =	vmul.f32 v12, v5  }
0x321: {  	v11 =	vadd.f32 v11, v9;
	v13 =	vmul.f32 v13, v7  }
0x322: {  	v12 =	vadd.f32 v12, v8  }
0x323: {  	v11 =	vadd.f32 $1.258291200e+07, v11;
	v13 =	vadd.f32 v13, v10  }
0x324: {  	v12 =	vadd.f32 $1.258291200e+07, v12  }
0x325: {  	v11 =	vadd.f32 $-1.258291200e+07, v11;
	v13 =	vadd.f32 $1.258291200e+07, v13  }
0x326: {  	v12 =	vadd.f32 $-1.258291200e+07, v12  }
0x327: {  	v11 =	vtrunc.f32 v11;
	v13 =	vadd.f32 $-1.258291200e+07, v13  }
0x328: {  	v12 =	vtrunc.f32 v12;
	v11 =	vcvt.f32.s32 v11  }
0x329: {  	v12 =	vcvt.f32.s32 v12;
	v13 =	vtrunc.f32 v13;
	_ =	sdelay $0x1  }
0x32a: {  	v13 =	vcvt.f32.s32 v13;
	v11 =	vshll.u32 v11, $0x8;
	v12 =	vshll.u32 v12, $0x10  }
0x32b: {  	v11 =	vor.u32 v12, v11  }
0x32c: {  	v12 =	vshll.u32 v13, $0x3;
	v11 =	vor.u32 v13, v11  }
0x32d: {  	v11 =	vshra.s32 v11, $0x2  }
0x32e: {  	v14 =	vadd.s32 s28, v1;
	v13 =	vadd.s32 s28, v0;
	vm0 =	vgt.s32 v11, $0x0  }
0x32f: {  	v11 =	vnsel vm0, $0x0, v11  }
0x330: {  	v15 =	vadd.s32 s28, v2;
	v11 =	vmin.u32 v11, $0x3FFFFF  }
0x331: {  	v12 =	vand.u32 $0x18, v12;
	[tilespmem:s22+$0x20] =	vst v11  }
0x332: {  	[tilespmem:s23+$0x20] =	vst v12  }
0x333: {  	v11 =	vld.idx.msk [tilespmem:v13+s15+$0x0], $0xffff  }
0x334: {  	v12 =	vld.idx.msk [tilespmem:v14+s15+$0x0], $0xffff  }
0x335: {  	v13 =	vld.idx.msk [tilespmem:v15+s15+$0x0], $0xffff;
	_ =	sdelay $0x3  }
0x336: {  	v11 =	vmul.f32 v11, v5  }
0x337: {  	v12 =	vmul.f32 v12, v6  }
0x338: {  	v11 =	vadd.f32 v11, v8;
	v13 =	vmul.f32 v13, v7  }
0x339: {  	v12 =	vadd.f32 v12, v9  }
0x33a: {  	v11 =	vadd.f32 $1.258291200e+07, v11;
	v13 =	vadd.f32 v13, v10  }
0x33b: {  	v12 =	vadd.f32 $1.258291200e+07, v12  }
.Ltmp2:
0x33c: {  	v11 =	vadd.f32 $-1.258291200e+07, v11;
	v13 =	vadd.f32 $1.258291200e+07, v13;
	(pc) =	sbr.rel @p0 .LBB2_6-.Ltmp2, $4  }
0x33d: {  	v12 =	vadd.f32 $-1.258291200e+07, v12  }
0x33e: {  	v11 =	vtrunc.f32 v11;
	v13 =	vadd.f32 $-1.258291200e+07, v13  }
0x33f: {  	v11 =	vcvt.f32.s32 v11;
	v12 =	vtrunc.f32 v12  }
0x340: {  	v12 =	vcvt.f32.s32 v12;
	v13 =	vtrunc.f32 v13  }
0x341: {  	_ = 	snop  }
0x342: {  	v13 =	vcvt.f32.s32 v13;
	v11 =	vshll.u32 v11, $0x10;
	v12 =	vshll.u32 v12, $0x8  }
0x343: {  	v11 =	vor.u32 v11, v12  }
0x344: {  	v11 =	vor.u32 v13, v11  }
0x345: {  	v11 =	vshra.s32 v11, $0x2  }
0x346: {  	vm0 =	vgt.s32 v11, $0x0  }
0x347: {  	v11 =	vnsel vm0, $0x0, v11  }
0x348: {  	v12 =	vshll.u32 v13, $0x3;
	v11 =	vmin.u32 v11, $0x3FFFFF  }
0x349: {  	v12 =	vand.u32 $0x18, v12;
	[tilespmem:s24+$0x30] =	vst v11  }
0x34a: {  	[tilespmem:s25+$0x30] =	vst v12  }
0x34b: {  	[tilespmem:s18], [sflag:$0x1] =	stream.indirect.gather [hbm4b:s4+s16], $0x1, s17, s16, $0xb8;
	[tilespmem:$0x1C080] =	vst v63  }
0x34c: {  	_ =	swait.ge [sflag:s19], $0x4000  }
0x34d: {  	[sflag:s19] =	ssyncset.done $0x0  }
0x34e: {  	s22 =	simm.s32 $0x0;
	[sflag:s19] =	ssyncadd.s32 $0xFFFFC000  }
0x34f: {  	v11 =	vld [tilespmem:s22+$0x140F0]  }
0x350: {  	v12 =	vld [tilespmem:s22+$0x100F0]  }
0x351: {  	v13 =	vld [tilespmem:s22+$0x14080]  }
0x352: {  	v14 =	vld [tilespmem:s22+$0x10080]  }
0x353: {  	v15 =	vld [tilespmem:s22+$0x14090]  }
0x354: {  	v16 =	vld [tilespmem:s22+$0x10090]  }
0x355: {  	v17 =	vld [tilespmem:s22+$0x140A0]  }
0x356: {  	v18 =	vld [tilespmem:s22+$0x140B0]  }
0x357: {  	v11 =	vshrl.u32 v11, v12;
	v12 =	vld [tilespmem:s22+$0x100A0]  }
0x358: {  	v19 =	vld [tilespmem:s22+$0x100B0];
	v13 =	vshrl.u32 v13, v14;
	v11 =	vand.u32 $0x1, v11  }
0x359: {  	v20 =	vld [tilespmem:s22+$0x100C0];
	[tilespmem:s22+$0x180F0] =	vst v11;
	v11 =	vand.u32 $0x1, v13  }
0x35a: {  	[tilespmem:s22+$0x18080] =	vst v11;
	v11 =	vshrl.u32 v15, v16;
	v16 =	vld [tilespmem:s22+$0x140C0]  }
0x35b: {  	v14 =	vld [tilespmem:s22+$0x100D0];
	v11 =	vand.u32 $0x1, v11  }
0x35c: {  	v13 =	vld [tilespmem:s22+$0x140D0];
	[tilespmem:s22+$0x18090] =	vst v11;
	v11 =	vshrl.u32 v17, v12  }
0x35d: {  	v15 =	vld [tilespmem:s22+$0x100E0];
	v12 =	vshrl.u32 v18, v19;
	v11 =	vand.u32 $0x1, v11  }
0x35e: {  	s23 =	simm.s32 $0x80;
	v17 =	vand.u32 $0x1, v12;
	[tilespmem:s22+$0x180A0] =	vst v11;
	v11 =	vld [tilespmem:s22+$0x140E0]  }
0x35f: {  	s24 =	simm.s32 $0x400;
	v12 =	vld [tilespmem:s23+$0x140F0];
	[tilespmem:s22+$0x180B0] =	vst v17;
	v16 =	vshrl.u32 v16, v20  }
.LBB2_8:
0x360: {  	p0 =	sne.s32 s24, $0xFE00;
	v17 =	vld [tilespmem:s23+$0x100F0];
	v16 =	vand.u32 $0x1, v16  }
0x361: {  	v18 =	vld [tilespmem:s23+$0x14080];
	[tilespmem:s22+$0x180C0] =	vst v16;
	v13 =	vshrl.u32 v13, v14  }
0x362: {  	v14 =	vld [tilespmem:s23+$0x10080];
	v13 =	vand.u32 $0x1, v13  }
0x363: {  	v16 =	vld [tilespmem:s23+$0x14090];
	[tilespmem:s22+$0x180D0] =	vst v13;
	v11 =	vshrl.u32 v11, v15  }
0x364: {  	v13 =	vld [tilespmem:s23+$0x10090];
	v11 =	vand.u32 $0x1, v11  }
0x365: {  	v15 =	vld [tilespmem:s23+$0x140A0];
	v12 =	vshrl.u32 v12, v17;
	[tilespmem:s22+$0x180E0] =	vst v11;
	s22 =	smov.u32 s23  }
0x366: {  	v11 =	vld [tilespmem:s22+$0x100A0];
	v12 =	vand.u32 $0x1, v12  }
0x367: {  	v14 =	vshrl.u32 v18, v14;
	v17 =	vld [tilespmem:s22+$0x140B0];
	[tilespmem:s22+$0x180F0] =	vst v12  }
0x368: {  	v12 =	vand.u32 $0x1, v14;
	v18 =	vld [tilespmem:s22+$0x100B0]  }
0x369: {  	[tilespmem:s22+$0x18080] =	vst v12;
	v12 =	vshrl.u32 v16, v13;
	v16 =	vld [tilespmem:s22+$0x140C0]  }
0x36a: {  	v12 =	vand.u32 $0x1, v12;
	v19 =	vld [tilespmem:s22+$0x100C0]  }
.Ltmp3:
0x36b: {  	[tilespmem:s22+$0x18090] =	vst v12;
	v11 =	vshrl.u32 v15, v11;
	v13 =	vld [tilespmem:s22+$0x140D0];
	(pc) =	sbr.rel @p0 .LBB2_8-.Ltmp3, $4  }
0x36c: {  	v11 =	vand.u32 $0x1, v11;
	v14 =	vld [tilespmem:s22+$0x100D0]  }
0x36d: {  	[tilespmem:s22+$0x180A0] =	vst v11;
	v12 =	vshrl.u32 v17, v18;
	v11 =	vld [tilespmem:s22+$0x140E0]  }
0x36e: {  	s23 =	sshra.s32 s24, $0x2;
	v17 =	vand.u32 $0x1, v12;
	v15 =	vld [tilespmem:s22+$0x100E0]  }
0x36f: {  	s24 =	sadd.s32 $0x200, s24;
	v12 =	vld [tilespmem:s23+$0x140F0];
	[tilespmem:s22+$0x180B0] =	vst v17;
	v16 =	vshrl.u32 v16, v19  }
0x370: {  	v17 =	vld [tilespmem:s23+$0x100F0];
	v16 =	vand.u32 $0x1, v16  }
0x371: {  	v18 =	vld [tilespmem:s23+$0x14080];
	[tilespmem:s22+$0x180C0] =	vst v16;
	v13 =	vshrl.u32 v13, v14  }
0x372: {  	v14 =	vld [tilespmem:s23+$0x10080];
	v13 =	vand.u32 $0x1, v13  }
0x373: {  	v16 =	vld [tilespmem:s23+$0x14090];
	[tilespmem:s22+$0x180D0] =	vst v13;
	v11 =	vshrl.u32 v11, v15  }
0x374: {  	v13 =	vld [tilespmem:s23+$0x10090];
	v11 =	vand.u32 $0x1, v11  }
0x375: {  	v15 =	vld [tilespmem:s23+$0x140A0];
	[tilespmem:s22+$0x180E0] =	vst v11  }
0x376: {  	v11 =	vshrl.u32 v12, v17;
	v12 =	vld [tilespmem:s23+$0x100A0]  }
0x377: {  	v61 =	vld [tilespmem:s23+$0x140B0]  }
0x378: {  	v11 =	vand.u32 $0x1, v11;
	v62 =	vld [tilespmem:s23+$0x100C0];
	v14 =	vshrl.u32 v18, v14  }
0x379: {  	v63 =	vld [tilespmem:s23+$0x100E0];
	[tilespmem:s23+$0x180F0] =	vst v11;
	v11 =	vand.u32 $0x1, v14  }
0x37a: {  	v14 =	vld [tilespmem:s23+$0x100B0];
	[tilespmem:s23+$0x18080] =	vst v11;
	v11 =	vshrl.u32 v16, v13  }
0x37b: {  	v13 =	vld [tilespmem:s23+$0x140C0];
	v11 =	vand.u32 $0x1, v11  }
0x37c: {  	[tilespmem:s23+$0x18090] =	vst v11;
	v11 =	vshrl.u32 v15, v12;
	v12 =	vld [tilespmem:s23+$0x140D0]  }
0x37d: {  	v15 =	vld [tilespmem:s23+$0x100D0];
	v11 =	vand.u32 $0x1, v11  }
0x37e: {  	[tilespmem:s23+$0x180A0] =	vst v11;
	v11 =	vld [tilespmem:s23+$0x140E0];
	_ =	sdelay $0x1  }
0x37f: {  	v14 =	vshrl.u32 v61, v14  }
0x380: {  	v14 =	vand.u32 $0x1, v14;
	v13 =	vshrl.u32 v13, v62  }
0x381: {  	[tilespmem:s23+$0x180B0] =	vst v14;
	v13 =	vand.u32 $0x1, v13;
	v12 =	vshrl.u32 v12, v15  }
0x382: {  	[tilespmem:s23+$0x180C0] =	vst v13;
	v12 =	vand.u32 $0x1, v12;
	v11 =	vshrl.u32 v11, v63  }
0x383: {  	[tilespmem:s23+$0x180D0] =	vst v12;
	v11 =	vand.u32 $0x1, v11  }
0x384: {  	[tilespmem:s23+$0x180E0] =	vst v11  }
0x385: {  	[hbm4b:s8+s3] =	stream.linear.scatter [tilespmem:s20], [sflag:$0x2], $0x4000, $0x38;
	[tilespmem:$0x1C080] =	vst v63  }
0x386: {  	_ =	swait.ge [sflag:s14], $0x4000  }
0x387: {  	s24 =	simm.s32 $0x0;
	[sflag:s14] =	ssyncset.done $0x0  }
0x388: {  	v11 =	vor.u32 s24, v0;
	[sflag:s14] =	ssyncadd.s32 $0xFFFFC000  }
0x389: {  	v12 =	vor.u32 s24, v1;
	[tilespmem:s15], [sflag:$0x2] =	stream.linear.gather [hbm4b:s9+s3], $0xC000, $0x38;
	[tilespmem:$0x1C080] =	vst v63  }
0x38a: {  	v13 =	vor.u32 s24, v2;
	_ =	swait.ge [sflag:s14], $0xC000  }
0x38b: {  	[sflag:s14] =	ssyncset.done $0x0  }
0x38c: {  	[sflag:s14] =	ssyncadd.s32 $0xFFFF4000  }
0x38d: {  	v11 =	vld.idx.msk [tilespmem:v11+s15+$0x0], $0xffff  }
0x38e: {  	v12 =	vld.idx.msk [tilespmem:v12+s15+$0x0], $0xffff  }
0x38f: {  	v13 =	vld.idx.msk [tilespmem:v13+s15+$0x0], $0xffff;
	_ =	sdelay $0x3  }
0x390: {  	v11 =	vmul.f32 v11, v5;
	v12 =	vmul.f32 v12, v6  }
0x391: {  	v13 =	vmul.f32 v13, v7  }
0x392: {  	v11 =	vadd.f32 v11, v8;
	v12 =	vadd.f32 v12, v9  }
0x393: {  	v13 =	vadd.f32 v13, v10  }
0x394: {  	v11 =	vadd.f32 $1.258291200e+07, v11;
	v12 =	vadd.f32 $1.258291200e+07, v12  }
0x395: {  	v13 =	vadd.f32 $1.258291200e+07, v13  }
0x396: {  	v11 =	vadd.f32 $-1.258291200e+07, v11;
	v12 =	vadd.f32 $-1.258291200e+07, v12;
	_ =	sdelay $0x1  }
0x397: {  	v13 =	vadd.f32 $-1.258291200e+07, v13;
	v11 =	vtrunc.f32 v11;
	v12 =	vtrunc.f32 v12  }
0x398: {  	v11 =	vcvt.f32.s32 v11;
	v12 =	vcvt.f32.s32 v12  }
0x399: {  	v13 =	vtrunc.f32 v13  }
0x39a: {  	v13 =	vcvt.f32.s32 v13;
	v11 =	vshll.u32 v11, $0x10;
	v12 =	vshll.u32 v12, $0x8  }
0x39b: {  	v11 =	vor.u32 v11, v12  }
0x39c: {  	v11 =	vor.u32 v13, v11  }
0x39d: {  	s24 =	simm.s32 $0x30;
	v11 =	vshra.s32 v11, $0x2  }
0x39e: {  	v12 =	vadd.s32 s24, v0;
	vm0 =	vgt.s32 v11, $0x0  }
0x39f: {  	v14 =	vadd.s32 s24, v1;
	v11 =	vnsel vm0, $0x0, v11  }
0x3a0: {  	s22 =	simm.s32 $0xC0C0;
	v13 =	vshll.u32 v13, $0x3;
	v11 =	vmin.u32 v11, $0x3FFFFF  }
0x3a1: {  	s23 =	simm.s32 $0x100C0;
	v13 =	vand.u32 $0x18, v13;
	[tilespmem:s22+$0xFFFFFFC0] =	vst v11;
	v11 =	vadd.s32 s24, v2  }
0x3a2: {  	[tilespmem:s23+$0xFFFFFFC0] =	vst v13  }
0x3a3: {  	v12 =	vld.idx.msk [tilespmem:v12+s15+$0x0], $0xffff  }
0x3a4: {  	v13 =	vld.idx.msk [tilespmem:v14+s15+$0x0], $0xffff;
	_ =	sdelay $0x1  }
0x3a5: {  	v11 =	vld.idx.msk [tilespmem:v11+s15+$0x0], $0xffff;
	_ =	sdelay $0x1  }
0x3a6: {  	v12 =	vmul.f32 v12, v5  }
0x3a7: {  	v13 =	vmul.f32 v13, v6  }
0x3a8: {  	v12 =	vadd.f32 v12, v8  }
0x3a9: {  	v13 =	vadd.f32 v13, v9;
	v11 =	vmul.f32 v11, v7  }
0x3aa: {  	v12 =	vadd.f32 $1.258291200e+07, v12  }
0x3ab: {  	v13 =	vadd.f32 $1.258291200e+07, v13;
	v11 =	vadd.f32 v11, v10  }
0x3ac: {  	v12 =	vadd.f32 $-1.258291200e+07, v12  }
0x3ad: {  	v13 =	vadd.f32 $-1.258291200e+07, v13;
	v11 =	vadd.f32 $1.258291200e+07, v11;
	_ =	sdelay $0x1  }
0x3ae: {  	v12 =	vtrunc.f32 v12;
	v13 =	vtrunc.f32 v13;
	v11 =	vadd.f32 $-1.258291200e+07, v11  }
0x3af: {  	v12 =	vcvt.f32.s32 v12;
	v13 =	vcvt.f32.s32 v13  }
0x3b0: {  	v11 =	vtrunc.f32 v11  }
0x3b1: {  	v12 =	vshll.u32 v12, $0x10;
	v13 =	vshll.u32 v13, $0x8;
	v11 =	vcvt.f32.s32 v11  }
0x3b2: {  	v12 =	vor.u32 v12, v13  }
0x3b3: {  	v12 =	vor.u32 v11, v12  }
0x3b4: {  	s25 =	simm.s32 $0x60;
	v12 =	vshra.s32 v12, $0x2  }
0x3b5: {  	v13 =	vadd.s32 s25, v0;
	vm10 =	vgt.s32 v12, $0x0  }
0x3b6: {  	v14 =	vadd.s32 s25, v1;
	v12 =	vnsel vm10, $0x0, v12  }
0x3b7: {  	v11 =	vshll.u32 v11, $0x3;
	v12 =	vmin.u32 v12, $0x3FFFFF  }
0x3b8: {  	v11 =	vand.u32 $0x18, v11;
	[tilespmem:s22+$0xFFFFFFD0] =	vst v12;
	v12 =	vadd.s32 s25, v2  }
0x3b9: {  	[tilespmem:s23+$0xFFFFFFD0] =	vst v11  }
0x3ba: {  	v11 =	vld.idx.msk [tilespmem:v13+s15+$0x0], $0xffff  }
0x3bb: {  	v13 =	vld.idx.msk [tilespmem:v14+s15+$0x0], $0xffff;
	_ =	sdelay $0x1  }
0x3bc: {  	v12 =	vld.idx.msk [tilespmem:v12+s15+$0x0], $0xffff;
	_ =	sdelay $0x1  }
0x3bd: {  	v11 =	vmul.f32 v11, v5  }
0x3be: {  	v13 =	vmul.f32 v13, v6  }
0x3bf: {  	v11 =	vadd.f32 v11, v8  }
0x3c0: {  	v13 =	vadd.f32 v13, v9;
	v12 =	vmul.f32 v12, v7  }
0x3c1: {  	v11 =	vadd.f32 $1.258291200e+07, v11  }
0x3c2: {  	v13 =	vadd.f32 $1.258291200e+07, v13;
	v12 =	vadd.f32 v12, v10  }
0x3c3: {  	v11 =	vadd.f32 $-1.258291200e+07, v11  }
0x3c4: {  	v13 =	vadd.f32 $-1.258291200e+07, v13;
	v12 =	vadd.f32 $1.258291200e+07, v12;
	_ =	sdelay $0x1  }
0x3c5: {  	v11 =	vtrunc.f32 v11;
	v13 =	vtrunc.f32 v13;
	v12 =	vadd.f32 $-1.258291200e+07, v12  }
0x3c6: {  	v11 =	vcvt.f32.s32 v11;
	v13 =	vcvt.f32.s32 v13  }
0x3c7: {  	v12 =	vtrunc.f32 v12  }
0x3c8: {  	v11 =	vshll.u32 v11, $0x10;
	v13 =	vshll.u32 v13, $0x8;
	v12 =	vcvt.f32.s32 v12  }
0x3c9: {  	v11 =	vor.u32 v11, v13  }
0x3ca: {  	v11 =	vor.u32 v12, v11  }
0x3cb: {  	s26 =	simm.s32 $0x90;
	v11 =	vshra.s32 v11, $0x2  }
0x3cc: {  	v13 =	vadd.s32 s26, v0;
	vm11 =	vgt.s32 v11, $0x0  }
0x3cd: {  	v14 =	vadd.s32 s26, v1;
	v11 =	vnsel vm11, $0x0, v11  }
0x3ce: {  	v12 =	vshll.u32 v12, $0x3;
	v11 =	vmin.u32 v11, $0x3FFFFF  }
0x3cf: {  	v12 =	vand.u32 $0x18, v12;
	[tilespmem:s22+$0xFFFFFFE0] =	vst v11;
	v11 =	vadd.s32 s26, v2  }
0x3d0: {  	[tilespmem:s23+$0xFFFFFFE0] =	vst v12  }
0x3d1: {  	v12 =	vld.idx.msk [tilespmem:v13+s15+$0x0], $0xffff  }
0x3d2: {  	v13 =	vld.idx.msk [tilespmem:v14+s15+$0x0], $0xffff;
	_ =	sdelay $0x1  }
0x3d3: {  	v11 =	vld.idx.msk [tilespmem:v11+s15+$0x0], $0xffff;
	_ =	sdelay $0x1  }
0x3d4: {  	v12 =	vmul.f32 v12, v5  }
0x3d5: {  	v13 =	vmul.f32 v13, v6  }
0x3d6: {  	v12 =	vadd.f32 v12, v8  }
0x3d7: {  	v13 =	vadd.f32 v13, v9;
	v11 =	vmul.f32 v11, v7  }
0x3d8: {  	v12 =	vadd.f32 $1.258291200e+07, v12  }
0x3d9: {  	v13 =	vadd.f32 $1.258291200e+07, v13;
	v11 =	vadd.f32 v11, v10  }
0x3da: {  	v12 =	vadd.f32 $-1.258291200e+07, v12  }
0x3db: {  	v13 =	vadd.f32 $-1.258291200e+07, v13;
	v11 =	vadd.f32 $1.258291200e+07, v11;
	_ =	sdelay $0x1  }
0x3dc: {  	v12 =	vtrunc.f32 v12;
	v13 =	vtrunc.f32 v13;
	v11 =	vadd.f32 $-1.258291200e+07, v11  }
0x3dd: {  	v12 =	vcvt.f32.s32 v12;
	v13 =	vcvt.f32.s32 v13  }
0x3de: {  	v11 =	vtrunc.f32 v11  }
0x3df: {  	v12 =	vshll.u32 v12, $0x10;
	v13 =	vshll.u32 v13, $0x8;
	v11 =	vcvt.f32.s32 v11  }
0x3e0: {  	v12 =	vor.u32 v12, v13  }
0x3e1: {  	v12 =	vor.u32 v11, v12  }
0x3e2: {  	s28 =	simm.s32 $0xC0;
	v12 =	vshra.s32 v12, $0x2  }
0x3e3: {  	v13 =	vor.u32 s28, v0;
	vm12 =	vgt.s32 v12, $0x0  }
0x3e4: {  	v14 =	vor.u32 s28, v3;
	v12 =	vnsel vm12, $0x0, v12  }
0x3e5: {  	v11 =	vshll.u32 v11, $0x3;
	v12 =	vmin.u32 v12, $0x3FFFFF  }
0x3e6: {  	v11 =	vand.u32 $0x18, v11;
	[tilespmem:s22+$0xFFFFFFF0] =	vst v12;
	v12 =	vor.u32 s28, v4  }
0x3e7: {  	[tilespmem:s23+$0xFFFFFFF0] =	vst v11  }
0x3e8: {  	v11 =	vld.idx.msk [tilespmem:v13+s15+$0x0], $0xffff  }
0x3e9: {  	v13 =	vld.idx.msk [tilespmem:v14+s15+$0x0], $0xffff;
	_ =	sdelay $0x1  }
0x3ea: {  	v12 =	vld.idx.msk [tilespmem:v12+s15+$0x0], $0xffff;
	_ =	sdelay $0x1  }
0x3eb: {  	v11 =	vmul.f32 v11, v5  }
0x3ec: {  	v13 =	vmul.f32 v13, v6  }
0x3ed: {  	v11 =	vadd.f32 v11, v8  }
0x3ee: {  	v13 =	vadd.f32 v13, v9;
	v12 =	vmul.f32 v12, v7  }
0x3ef: {  	v11 =	vadd.f32 $1.258291200e+07, v11  }
0x3f0: {  	v13 =	vadd.f32 $1.258291200e+07, v13;
	v12 =	vadd.f32 v12, v10  }
0x3f1: {  	v11 =	vadd.f32 $-1.258291200e+07, v11  }
0x3f2: {  	v13 =	vadd.f32 $-1.258291200e+07, v13;
	v12 =	vadd.f32 $1.258291200e+07, v12;
	_ =	sdelay $0x1  }
0x3f3: {  	v11 =	vtrunc.f32 v11;
	v13 =	vtrunc.f32 v13;
	v12 =	vadd.f32 $-1.258291200e+07, v12  }
0x3f4: {  	v11 =	vcvt.f32.s32 v11;
	v13 =	vcvt.f32.s32 v13  }
0x3f5: {  	v12 =	vtrunc.f32 v12  }
0x3f6: {  	v11 =	vshll.u32 v11, $0x10;
	v13 =	vshll.u32 v13, $0x8;
	v12 =	vcvt.f32.s32 v12  }
0x3f7: {  	v11 =	vor.u32 v11, v13  }
0x3f8: {  	v11 =	vor.u32 v12, v11  }
0x3f9: {  	s29 =	simm.s32 $0xF0;
	v11 =	vshra.s32 v11, $0x2  }
0x3fa: {  	v13 =	vadd.s32 s29, v0;
	vm13 =	vgt.s32 v11, $0x0  }
0x3fb: {  	v14 =	vadd.s32 s29, v1;
	v11 =	vnsel vm13, $0x0, v11  }
0x3fc: {  	v15 =	vadd.s32 s29, v2;
	v12 =	vshll.u32 v12, $0x3;
	v11 =	vmin.u32 v11, $0x3FFFFF  }
0x3fd: {  	v12 =	vand.u32 $0x18, v12;
	[tilespmem:s22+$0x0] =	vst v11  }
0x3fe: {  	[tilespmem:s23+$0x0] =	vst v12  }
0x3ff: {  	v11 =	vld.idx.msk [tilespmem:v13+s15+$0x0], $0xffff  }
0x400: {  	v12 =	vld.idx.msk [tilespmem:v14+s15+$0x0], $0xffff  }
0x401: {  	v13 =	vld.idx.msk [tilespmem:v15+s15+$0x0], $0xffff;
	_ =	sdelay $0x3  }
0x402: {  	v11 =	vmul.f32 v11, v5;
	v12 =	vmul.f32 v12, v6  }
0x403: {  	v13 =	vmul.f32 v13, v7  }
0x404: {  	v11 =	vadd.f32 v11, v8;
	v12 =	vadd.f32 v12, v9  }
0x405: {  	v13 =	vadd.f32 v13, v10  }
0x406: {  	v11 =	vadd.f32 $1.258291200e+07, v11;
	v12 =	vadd.f32 $1.258291200e+07, v12  }
0x407: {  	v13 =	vadd.f32 $1.258291200e+07, v13  }
0x408: {  	v11 =	vadd.f32 $-1.258291200e+07, v11;
	v12 =	vadd.f32 $-1.258291200e+07, v12;
	_ =	sdelay $0x1  }
0x409: {  	v13 =	vadd.f32 $-1.258291200e+07, v13;
	v11 =	vtrunc.f32 v11;
	v12 =	vtrunc.f32 v12  }
0x40a: {  	v11 =	vcvt.f32.s32 v11;
	v12 =	vcvt.f32.s32 v12  }
0x40b: {  	v13 =	vtrunc.f32 v13  }
0x40c: {  	v13 =	vcvt.f32.s32 v13;
	v11 =	vshll.u32 v11, $0x10;
	v12 =	vshll.u32 v12, $0x8  }
0x40d: {  	v11 =	vor.u32 v11, v12  }
0x40e: {  	v11 =	vor.u32 v13, v11  }
0x40f: {  	s30 =	simm.s32 $0x120;
	v11 =	vshra.s32 v11, $0x2  }
0x410: {  	v12 =	vadd.s32 s30, v1;
	vm14 =	vgt.s32 v11, $0x0  }
0x411: {  	v14 =	vadd.s32 s30, v0;
	v11 =	vnsel vm14, $0x0, v11  }
0x412: {  	v15 =	vadd.s32 s30, v2;
	v13 =	vshll.u32 v13, $0x3;
	v11 =	vmin.u32 v11, $0x3FFFFF  }
0x413: {  	v13 =	vand.u32 $0x18, v13;
	[tilespmem:s22+$0x10] =	vst v11  }
0x414: {  	[tilespmem:s23+$0x10] =	vst v13  }
0x415: {  	v11 =	vld.idx.msk [tilespmem:v12+s15+$0x0], $0xffff  }
0x416: {  	v12 =	vld.idx.msk [tilespmem:v14+s15+$0x0], $0xffff  }
0x417: {  	v13 =	vld.idx.msk [tilespmem:v15+s15+$0x0], $0xffff;
	_ =	sdelay $0x3  }
0x418: {  	v11 =	vmul.f32 v11, v6;
	v12 =	vmul.f32 v12, v5  }
0x419: {  	v13 =	vmul.f32 v13, v7  }
0x41a: {  	v11 =	vadd.f32 v11, v9;
	v12 =	vadd.f32 v12, v8  }
0x41b: {  	v13 =	vadd.f32 v13, v10  }
0x41c: {  	v11 =	vadd.f32 $1.258291200e+07, v11;
	v12 =	vadd.f32 $1.258291200e+07, v12  }
0x41d: {  	v13 =	vadd.f32 $1.258291200e+07, v13  }
0x41e: {  	v11 =	vadd.f32 $-1.258291200e+07, v11;
	v12 =	vadd.f32 $-1.258291200e+07, v12;
	_ =	sdelay $0x1  }
0x41f: {  	v13 =	vadd.f32 $-1.258291200e+07, v13;
	v11 =	vtrunc.f32 v11;
	v12 =	vtrunc.f32 v12  }
0x420: {  	v11 =	vcvt.f32.s32 v11;
	v12 =	vcvt.f32.s32 v12  }
0x421: {  	v13 =	vtrunc.f32 v13  }
0x422: {  	v13 =	vcvt.f32.s32 v13;
	v12 =	vshll.u32 v12, $0x10;
	v11 =	vshll.u32 v11, $0x8  }
0x423: {  	v11 =	vor.u32 v12, v11  }
0x424: {  	v11 =	vor.u32 v13, v11  }
0x425: {  	s31 =	simm.s32 $0x150;
	v11 =	vshra.s32 v11, $0x2  }
0x426: {  	v12 =	vadd.s32 s31, v0;
	vm15 =	vgt.s32 v11, $0x0  }
0x427: {  	v14 =	vadd.s32 s31, v1;
	v11 =	vnsel vm15, $0x0, v11  }
0x428: {  	v15 =	vadd.s32 s31, v2;
	v13 =	vshll.u32 v13, $0x3;
	v11 =	vmin.u32 v11, $0x3FFFFF  }
0x429: {  	v13 =	vand.u32 $0x18, v13;
	[tilespmem:s22+$0x20] =	vst v11  }
0x42a: {  	[tilespmem:s23+$0x20] =	vst v13  }
0x42b: {  	v11 =	vld.idx.msk [tilespmem:v12+s15+$0x0], $0xffff  }
0x42c: {  	v12 =	vld.idx.msk [tilespmem:v14+s15+$0x0], $0xffff  }
0x42d: {  	v13 =	vld.idx.msk [tilespmem:v15+s15+$0x0], $0xffff;
	_ =	sdelay $0x2  }
0x42e: {  	v11 =	vmul.f32 v11, v5  }
0x42f: {  	v12 =	vmul.f32 v12, v6  }
0x430: {  	v13 =	vmul.f32 v13, v7;
	v11 =	vadd.f32 v11, v8  }
0x431: {  	v12 =	vadd.f32 v12, v9  }
0x432: {  	v13 =	vadd.f32 v13, v10;
	v11 =	vadd.f32 $1.258291200e+07, v11  }
0x433: {  	v12 =	vadd.f32 $1.258291200e+07, v12  }
0x434: {  	v13 =	vadd.f32 $1.258291200e+07, v13;
	v11 =	vadd.f32 $-1.258291200e+07, v11  }
0x435: {  	v12 =	vadd.f32 $-1.258291200e+07, v12  }
0x436: {  	v13 =	vadd.f32 $-1.258291200e+07, v13;
	v11 =	vtrunc.f32 v11  }
0x437: {  	v12 =	vtrunc.f32 v12;
	v11 =	vcvt.f32.s32 v11  }
0x438: {  	s24 =	simm.s32 $0xC0C0;
	s25 =	simm.s32 $0x100C0;
	s26 =	simm.s32 $0x2D0;
	v13 =	vtrunc.f32 v13;
	v12 =	vcvt.f32.s32 v12  }
.LBB2_10:
0x439: {  	p0 =	sne.s32 s26, $0xBFD0;
	v13 =	vcvt.f32.s32 v13;
	v11 =	vshll.u32 v11, $0x10;
	s23 =	sadd.s32 $0x80, s23;
	s22 =	sadd.s32 $0x80, s22  }
0x43a: {  	s28 =	smov.u32 s26;
	s26 =	sadd.s32 $0x180, s26;
	v12 =	vshll.u32 v12, $0x8  }
0x43b: {  	v11 =	vor.u32 v11, v12;
	v12 =	vshll.u32 v13, $0x3  }
0x43c: {  	s29 =	sadd.s32 $0xFFFFFEB0, s28;
	v11 =	vor.u32 v13, v11  }
0x43d: {  	v14 =	vor.u32 s29, v1;
	v13 =	vor.u32 s29, v0;
	v11 =	vshra.s32 v11, $0x2  }
0x43e: {  	vm0 =	vgt.s32 v11, $0x0  }
0x43f: {  	v11 =	vnsel vm0, $0x0, v11  }
0x440: {  	v12 =	vand.u32 $0x18, v12;
	v11 =	vmin.u32 v11, $0x3FFFFF  }
0x441: {  	v15 =	vor.u32 s29, v2;
	[tilespmem:s24+$0x30] =	vst v11;
	s24 =	smov.u32 s22  }
0x442: {  	[tilespmem:s25+$0x30] =	vst v12;
	s25 =	smov.u32 s23  }
0x443: {  	v11 =	vld.idx.msk [tilespmem:v13+s15+$0x0], $0xffff  }
0x444: {  	v12 =	vld.idx.msk [tilespmem:v14+s15+$0x0], $0xffff;
	_ =	sdelay $0x1  }
0x445: {  	v13 =	vld.idx.msk [tilespmem:v15+s15+$0x0], $0xffff;
	_ =	sdelay $0x2  }
0x446: {  	v11 =	vmul.f32 v11, v5  }
0x447: {  	v12 =	vmul.f32 v12, v6  }
0x448: {  	v11 =	vadd.f32 v11, v8  }
0x449: {  	v12 =	vadd.f32 v12, v9;
	v13 =	vmul.f32 v13, v7  }
0x44a: {  	v11 =	vadd.f32 $1.258291200e+07, v11  }
0x44b: {  	v12 =	vadd.f32 $1.258291200e+07, v12;
	v13 =	vadd.f32 v13, v10  }
0x44c: {  	v11 =	vadd.f32 $-1.258291200e+07, v11  }
0x44d: {  	v12 =	vadd.f32 $-1.258291200e+07, v12;
	v13 =	vadd.f32 $1.258291200e+07, v13  }
0x44e: {  	v11 =	vtrunc.f32 v11  }
0x44f: {  	v11 =	vcvt.f32.s32 v11;
	v12 =	vtrunc.f32 v12;
	v13 =	vadd.f32 $-1.258291200e+07, v13  }
0x450: {  	v12 =	vcvt.f32.s32 v12  }
0x451: {  	v13 =	vtrunc.f32 v13  }
0x452: {  	v11 =	vshll.u32 v11, $0x10;
	v13 =	vcvt.f32.s32 v13;
	v12 =	vshll.u32 v12, $0x8  }
0x453: {  	v11 =	vor.u32 v11, v12  }
0x454: {  	v11 =	vor.u32 v13, v11;
	v12 =	vshll.u32 v13, $0x3  }
0x455: {  	s29 =	sadd.s32 $0xFFFFFEE0, s28;
	v11 =	vshra.s32 v11, $0x2  }
0x456: {  	v13 =	vadd.s32 s29, v0;
	vm0 =	vgt.s32 v11, $0x0  }
0x457: {  	v14 =	vadd.s32 s29, v1;
	v11 =	vnsel vm0, $0x0, v11  }
0x458: {  	v11 =	vmin.u32 v11, $0x3FFFFF  }
0x459: {  	v12 =	vand.u32 $0x18, v12;
	[tilespmem:s22+$0xFFFFFFC0] =	vst v11;
	v11 =	vadd.s32 s29, v2  }
0x45a: {  	[tilespmem:s23+$0xFFFFFFC0] =	vst v12  }
0x45b: {  	v12 =	vld.idx.msk [tilespmem:v13+s15+$0x0], $0xffff  }
0x45c: {  	v13 =	vld.idx.msk [tilespmem:v14+s15+$0x0], $0xffff;
	_ =	sdelay $0x1  }
0x45d: {  	v11 =	vld.idx.msk [tilespmem:v11+s15+$0x0], $0xffff;
	_ =	sdelay $0x2  }
0x45e: {  	v12 =	vmul.f32 v12, v5  }
0x45f: {  	v13 =	vmul.f32 v13, v6  }
0x460: {  	v12 =	vadd.f32 v12, v8  }
0x461: {  	v13 =	vadd.f32 v13, v9;
	v11 =	vmul.f32 v11, v7  }
0x462: {  	v12 =	vadd.f32 $1.258291200e+07, v12  }
0x463: {  	v13 =	vadd.f32 $1.258291200e+07, v13;
	v11 =	vadd.f32 v11, v10  }
0x464: {  	v12 =	vadd.f32 $-1.258291200e+07, v12  }
0x465: {  	v13 =	vadd.f32 $-1.258291200e+07, v13;
	v11 =	vadd.f32 $1.258291200e+07, v11  }
0x466: {  	v12 =	vtrunc.f32 v12  }
0x467: {  	v12 =	vcvt.f32.s32 v12;
	v13 =	vtrunc.f32 v13;
	v11 =	vadd.f32 $-1.258291200e+07, v11  }
0x468: {  	v13 =	vcvt.f32.s32 v13  }
0x469: {  	v11 =	vtrunc.f32 v11  }
0x46a: {  	v12 =	vshll.u32 v12, $0x10;
	v11 =	vcvt.f32.s32 v11;
	v13 =	vshll.u32 v13, $0x8  }
0x46b: {  	v12 =	vor.u32 v12, v13  }
0x46c: {  	v12 =	vor.u32 v11, v12;
	v11 =	vshll.u32 v11, $0x3  }
0x46d: {  	s29 =	sadd.s32 $0xFFFFFF10, s28;
	v12 =	vshra.s32 v12, $0x2  }
0x46e: {  	v13 =	vadd.s32 s29, v0;
	vm0 =	vgt.s32 v12, $0x0  }
0x46f: {  	v14 =	vadd.s32 s29, v1;
	v12 =	vnsel vm0, $0x0, v12  }
0x470: {  	v12 =	vmin.u32 v12, $0x3FFFFF  }
0x471: {  	v11 =	vand.u32 $0x18, v11;
	[tilespmem:s22+$0xFFFFFFD0] =	vst v12;
	v12 =	vadd.s32 s29, v2  }
0x472: {  	[tilespmem:s23+$0xFFFFFFD0] =	vst v11  }
0x473: {  	v11 =	vld.idx.msk [tilespmem:v13+s15+$0x0], $0xffff  }
0x474: {  	v13 =	vld.idx.msk [tilespmem:v14+s15+$0x0], $0xffff;
	_ =	sdelay $0x1  }
0x475: {  	v12 =	vld.idx.msk [tilespmem:v12+s15+$0x0], $0xffff;
	_ =	sdelay $0x2  }
0x476: {  	v11 =	vmul.f32 v11, v5  }
0x477: {  	v13 =	vmul.f32 v13, v6  }
0x478: {  	v11 =	vadd.f32 v11, v8  }
0x479: {  	v13 =	vadd.f32 v13, v9;
	v12 =	vmul.f32 v12, v7  }
0x47a: {  	v11 =	vadd.f32 $1.258291200e+07, v11  }
0x47b: {  	v13 =	vadd.f32 $1.258291200e+07, v13;
	v12 =	vadd.f32 v12, v10  }
0x47c: {  	v11 =	vadd.f32 $-1.258291200e+07, v11  }
0x47d: {  	v13 =	vadd.f32 $-1.258291200e+07, v13;
	v12 =	vadd.f32 $1.258291200e+07, v12  }
0x47e: {  	v11 =	vtrunc.f32 v11  }
0x47f: {  	v11 =	vcvt.f32.s32 v11;
	v13 =	vtrunc.f32 v13;
	v12 =	vadd.f32 $-1.258291200e+07, v12  }
0x480: {  	v13 =	vcvt.f32.s32 v13  }
0x481: {  	v12 =	vtrunc.f32 v12;
	v11 =	vshll.u32 v11, $0x10  }
0x482: {  	v12 =	vcvt.f32.s32 v12;
	v13 =	vshll.u32 v13, $0x8  }
0x483: {  	v11 =	vor.u32 v11, v13  }
0x484: {  	v11 =	vor.u32 v12, v11;
	v12 =	vshll.u32 v12, $0x3  }
0x485: {  	s29 =	sadd.s32 $0xFFFFFF40, s28;
	v11 =	vshra.s32 v11, $0x2  }
0x486: {  	v13 =	vadd.s32 s29, v0;
	vm0 =	vgt.s32 v11, $0x0  }
0x487: {  	v14 =	vadd.s32 s29, v1;
	v11 =	vnsel vm0, $0x0, v11  }
0x488: {  	v11 =	vmin.u32 v11, $0x3FFFFF  }
0x489: {  	v12 =	vand.u32 $0x18, v12;
	[tilespmem:s22+$0xFFFFFFE0] =	vst v11;
	v11 =	vadd.s32 s29, v2  }
0x48a: {  	[tilespmem:s23+$0xFFFFFFE0] =	vst v12  }
0x48b: {  	v12 =	vld.idx.msk [tilespmem:v13+s15+$0x0], $0xffff  }
0x48c: {  	v13 =	vld.idx.msk [tilespmem:v14+s15+$0x0], $0xffff;
	_ =	sdelay $0x1  }
0x48d: {  	v11 =	vld.idx.msk [tilespmem:v11+s15+$0x0], $0xffff;
	_ =	sdelay $0x2  }
0x48e: {  	v12 =	vmul.f32 v12, v5  }
0x48f: {  	v13 =	vmul.f32 v13, v6  }
0x490: {  	v12 =	vadd.f32 v12, v8  }
0x491: {  	v13 =	vadd.f32 v13, v9;
	v11 =	vmul.f32 v11, v7  }
0x492: {  	v12 =	vadd.f32 $1.258291200e+07, v12  }
0x493: {  	v13 =	vadd.f32 $1.258291200e+07, v13;
	v11 =	vadd.f32 v11, v10  }
0x494: {  	v12 =	vadd.f32 $-1.258291200e+07, v12  }
0x495: {  	v13 =	vadd.f32 $-1.258291200e+07, v13;
	v11 =	vadd.f32 $1.258291200e+07, v11  }
0x496: {  	v12 =	vtrunc.f32 v12  }
0x497: {  	v12 =	vcvt.f32.s32 v12;
	v13 =	vtrunc.f32 v13;
	v11 =	vadd.f32 $-1.258291200e+07, v11  }
0x498: {  	v13 =	vcvt.f32.s32 v13  }
0x499: {  	v11 =	vtrunc.f32 v11;
	v12 =	vshll.u32 v12, $0x10  }
0x49a: {  	v11 =	vcvt.f32.s32 v11;
	v13 =	vshll.u32 v13, $0x8  }
0x49b: {  	v12 =	vor.u32 v12, v13  }
0x49c: {  	v12 =	vor.u32 v11, v12;
	v11 =	vshll.u32 v11, $0x3  }
0x49d: {  	s29 =	sadd.s32 $0xFFFFFF70, s28;
	v12 =	vshra.s32 v12, $0x2  }
0x49e: {  	v13 =	vor.u32 s29, v0;
	vm0 =	vgt.s32 v12, $0x0  }
0x49f: {  	v14 =	vor.u32 s29, v3;
	v12 =	vnsel vm0, $0x0, v12  }
0x4a0: {  	v12 =	vmin.u32 v12, $0x3FFFFF  }
0x4a1: {  	v11 =	vand.u32 $0x18, v11;
	[tilespmem:s22+$0xFFFFFFF0] =	vst v12;
	v12 =	vor.u32 s29, v4  }
0x4a2: {  	[tilespmem:s23+$0xFFFFFFF0] =	vst v11  }
0x4a3: {  	v11 =	vld.idx.msk [tilespmem:v13+s15+$0x0], $0xffff  }
0x4a4: {  	v13 =	vld.idx.msk [tilespmem:v14+s15+$0x0], $0xffff;
	_ =	sdelay $0x1  }
0x4a5: {  	v12 =	vld.idx.msk [tilespmem:v12+s15+$0x0], $0xffff;
	_ =	sdelay $0x2  }
0x4a6: {  	v11 =	vmul.f32 v11, v5  }
0x4a7: {  	v13 =	vmul.f32 v13, v6  }
0x4a8: {  	v11 =	vadd.f32 v11, v8  }
0x4a9: {  	v13 =	vadd.f32 v13, v9;
	v12 =	vmul.f32 v12, v7  }
0x4aa: {  	v11 =	vadd.f32 $1.258291200e+07, v11  }
0x4ab: {  	v13 =	vadd.f32 $1.258291200e+07, v13;
	v12 =	vadd.f32 v12, v10  }
0x4ac: {  	v11 =	vadd.f32 $-1.258291200e+07, v11  }
0x4ad: {  	v13 =	vadd.f32 $-1.258291200e+07, v13;
	v12 =	vadd.f32 $1.258291200e+07, v12  }
0x4ae: {  	v11 =	vtrunc.f32 v11  }
0x4af: {  	v13 =	vtrunc.f32 v13;
	v12 =	vadd.f32 $-1.258291200e+07, v12  }
0x4b0: {  	v11 =	vcvt.f32.s32 v11;
	v13 =	vcvt.f32.s32 v13  }
0x4b1: {  	v12 =	vtrunc.f32 v12  }
0x4b2: {  	v11 =	vshll.u32 v11, $0x10;
	v12 =	vcvt.f32.s32 v12;
	v13 =	vshll.u32 v13, $0x8  }
0x4b3: {  	v11 =	vor.u32 v11, v13  }
0x4b4: {  	v11 =	vor.u32 v12, v11;
	v12 =	vshll.u32 v12, $0x3  }
0x4b5: {  	s29 =	sadd.s32 $0xFFFFFFA0, s28;
	v11 =	vshra.s32 v11, $0x2  }
0x4b6: {  	v13 =	vadd.s32 s29, v0;
	vm0 =	vgt.s32 v11, $0x0  }
0x4b7: {  	v14 =	vadd.s32 s29, v1;
	v11 =	vnsel vm0, $0x0, v11  }
0x4b8: {  	v15 =	vadd.s32 s29, v2;
	v11 =	vmin.u32 v11, $0x3FFFFF  }
0x4b9: {  	v12 =	vand.u32 $0x18, v12;
	[tilespmem:s22+$0x0] =	vst v11  }
0x4ba: {  	[tilespmem:s23+$0x0] =	vst v12  }
0x4bb: {  	v11 =	vld.idx.msk [tilespmem:v13+s15+$0x0], $0xffff  }
0x4bc: {  	v12 =	vld.idx.msk [tilespmem:v14+s15+$0x0], $0xffff  }
0x4bd: {  	v13 =	vld.idx.msk [tilespmem:v15+s15+$0x0], $0xffff;
	_ =	sdelay $0x3  }
0x4be: {  	v11 =	vmul.f32 v11, v5  }
0x4bf: {  	v12 =	vmul.f32 v12, v6  }
0x4c0: {  	v11 =	vadd.f32 v11, v8;
	v13 =	vmul.f32 v13, v7  }
0x4c1: {  	v12 =	vadd.f32 v12, v9  }
0x4c2: {  	v11 =	vadd.f32 $1.258291200e+07, v11;
	v13 =	vadd.f32 v13, v10  }
0x4c3: {  	v12 =	vadd.f32 $1.258291200e+07, v12  }
0x4c4: {  	v11 =	vadd.f32 $-1.258291200e+07, v11;
	v13 =	vadd.f32 $1.258291200e+07, v13  }
0x4c5: {  	v12 =	vadd.f32 $-1.258291200e+07, v12  }
0x4c6: {  	v11 =	vtrunc.f32 v11;
	v13 =	vadd.f32 $-1.258291200e+07, v13  }
0x4c7: {  	v11 =	vcvt.f32.s32 v11;
	v12 =	vtrunc.f32 v12  }
0x4c8: {  	v12 =	vcvt.f32.s32 v12;
	v13 =	vtrunc.f32 v13  }
0x4c9: {  	v11 =	vshll.u32 v11, $0x10  }
0x4ca: {  	v13 =	vcvt.f32.s32 v13;
	v12 =	vshll.u32 v12, $0x8  }
0x4cb: {  	v11 =	vor.u32 v11, v12  }
0x4cc: {  	v12 =	vshll.u32 v13, $0x3;
	v11 =	vor.u32 v13, v11  }
0x4cd: {  	s29 =	sadd.s32 $0xFFFFFFD0, s28;
	v11 =	vshra.s32 v11, $0x2  }
0x4ce: {  	v13 =	vadd.s32 s29, v1;
	vm0 =	vgt.s32 v11, $0x0  }
0x4cf: {  	v14 =	vadd.s32 s29, v0;
	v11 =	vnsel vm0, $0x0, v11  }
0x4d0: {  	v15 =	vadd.s32 s29, v2;
	v11 =	vmin.u32 v11, $0x3FFFFF  }
0x4d1: {  	v12 =	vand.u32 $0x18, v12;
	[tilespmem:s22+$0x10] =	vst v11  }
0x4d2: {  	[tilespmem:s23+$0x10] =	vst v12  }
0x4d3: {  	v11 =	vld.idx.msk [tilespmem:v13+s15+$0x0], $0xffff  }
0x4d4: {  	v12 =	vld.idx.msk [tilespmem:v14+s15+$0x0], $0xffff  }
0x4d5: {  	v13 =	vld.idx.msk [tilespmem:v15+s15+$0x0], $0xffff;
	_ =	sdelay $0x3  }
0x4d6: {  	v11 =	vmul.f32 v11, v6  }
0x4d7: {  	v12 =	vmul.f32 v12, v5  }
0x4d8: {  	v11 =	vadd.f32 v11, v9;
	v13 =	vmul.f32 v13, v7  }
0x4d9: {  	v12 =	vadd.f32 v12, v8  }
0x4da: {  	v11 =	vadd.f32 $1.258291200e+07, v11;
	v13 =	vadd.f32 v13, v10  }
0x4db: {  	v12 =	vadd.f32 $1.258291200e+07, v12  }
0x4dc: {  	v11 =	vadd.f32 $-1.258291200e+07, v11;
	v13 =	vadd.f32 $1.258291200e+07, v13  }
0x4dd: {  	v12 =	vadd.f32 $-1.258291200e+07, v12  }
0x4de: {  	v11 =	vtrunc.f32 v11;
	v13 =	vadd.f32 $-1.258291200e+07, v13  }
0x4df: {  	v12 =	vtrunc.f32 v12;
	v11 =	vcvt.f32.s32 v11  }
0x4e0: {  	v12 =	vcvt.f32.s32 v12;
	v13 =	vtrunc.f32 v13;
	_ =	sdelay $0x1  }
0x4e1: {  	v13 =	vcvt.f32.s32 v13;
	v11 =	vshll.u32 v11, $0x8;
	v12 =	vshll.u32 v12, $0x10  }
0x4e2: {  	v11 =	vor.u32 v12, v11  }
0x4e3: {  	v12 =	vshll.u32 v13, $0x3;
	v11 =	vor.u32 v13, v11  }
0x4e4: {  	v11 =	vshra.s32 v11, $0x2  }
0x4e5: {  	v14 =	vadd.s32 s28, v1;
	v13 =	vadd.s32 s28, v0;
	vm0 =	vgt.s32 v11, $0x0  }
0x4e6: {  	v11 =	vnsel vm0, $0x0, v11  }
0x4e7: {  	v15 =	vadd.s32 s28, v2;
	v11 =	vmin.u32 v11, $0x3FFFFF  }
0x4e8: {  	v12 =	vand.u32 $0x18, v12;
	[tilespmem:s22+$0x20] =	vst v11  }
0x4e9: {  	[tilespmem:s23+$0x20] =	vst v12  }
0x4ea: {  	v11 =	vld.idx.msk [tilespmem:v13+s15+$0x0], $0xffff  }
0x4eb: {  	v12 =	vld.idx.msk [tilespmem:v14+s15+$0x0], $0xffff  }
0x4ec: {  	v13 =	vld.idx.msk [tilespmem:v15+s15+$0x0], $0xffff;
	_ =	sdelay $0x3  }
0x4ed: {  	v11 =	vmul.f32 v11, v5  }
0x4ee: {  	v12 =	vmul.f32 v12, v6  }
0x4ef: {  	v11 =	vadd.f32 v11, v8;
	v13 =	vmul.f32 v13, v7  }
0x4f0: {  	v12 =	vadd.f32 v12, v9  }
0x4f1: {  	v11 =	vadd.f32 $1.258291200e+07, v11;
	v13 =	vadd.f32 v13, v10  }
0x4f2: {  	v12 =	vadd.f32 $1.258291200e+07, v12  }
.Ltmp4:
0x4f3: {  	v11 =	vadd.f32 $-1.258291200e+07, v11;
	v13 =	vadd.f32 $1.258291200e+07, v13;
	(pc) =	sbr.rel @p0 .LBB2_10-.Ltmp4, $4  }
0x4f4: {  	v12 =	vadd.f32 $-1.258291200e+07, v12  }
0x4f5: {  	v11 =	vtrunc.f32 v11;
	v13 =	vadd.f32 $-1.258291200e+07, v13  }
0x4f6: {  	v11 =	vcvt.f32.s32 v11;
	v12 =	vtrunc.f32 v12  }
0x4f7: {  	v12 =	vcvt.f32.s32 v12;
	v13 =	vtrunc.f32 v13  }
0x4f8: {  	_ = 	snop  }
0x4f9: {  	v13 =	vcvt.f32.s32 v13;
	v11 =	vshll.u32 v11, $0x10;
	v12 =	vshll.u32 v12, $0x8  }
0x4fa: {  	v11 =	vor.u32 v11, v12  }
0x4fb: {  	v11 =	vor.u32 v13, v11  }
0x4fc: {  	v11 =	vshra.s32 v11, $0x2  }
0x4fd: {  	vm0 =	vgt.s32 v11, $0x0  }
0x4fe: {  	v11 =	vnsel vm0, $0x0, v11  }
0x4ff: {  	v12 =	vshll.u32 v13, $0x3;
	v11 =	vmin.u32 v11, $0x3FFFFF  }
0x500: {  	v12 =	vand.u32 $0x18, v12;
	[tilespmem:s24+$0x30] =	vst v11  }
0x501: {  	[tilespmem:s25+$0x30] =	vst v12  }
0x502: {  	[tilespmem:s18], [sflag:$0x1] =	stream.indirect.gather [hbm4b:s4+s16], $0x1, s17, s16, $0xb8;
	[tilespmem:$0x1C080] =	vst v63  }
0x503: {  	_ =	swait.ge [sflag:s19], $0x4000  }
0x504: {  	[sflag:s19] =	ssyncset.done $0x0  }
0x505: {  	s22 =	simm.s32 $0x0;
	[sflag:s19] =	ssyncadd.s32 $0xFFFFC000  }
0x506: {  	v11 =	vld [tilespmem:s22+$0x140F0]  }
0x507: {  	v12 =	vld [tilespmem:s22+$0x100F0]  }
0x508: {  	v13 =	vld [tilespmem:s22+$0x14080]  }
0x509: {  	v14 =	vld [tilespmem:s22+$0x10080]  }
0x50a: {  	v15 =	vld [tilespmem:s22+$0x14090]  }
0x50b: {  	v16 =	vld [tilespmem:s22+$0x10090]  }
0x50c: {  	v17 =	vld [tilespmem:s22+$0x140A0]  }
0x50d: {  	v18 =	vld [tilespmem:s22+$0x140B0]  }
0x50e: {  	v11 =	vshrl.u32 v11, v12;
	v12 =	vld [tilespmem:s22+$0x100A0]  }
0x50f: {  	v19 =	vld [tilespmem:s22+$0x100B0];
	v13 =	vshrl.u32 v13, v14;
	v11 =	vand.u32 $0x1, v11  }
0x510: {  	v20 =	vld [tilespmem:s22+$0x100C0];
	[tilespmem:s22+$0x180F0] =	vst v11;
	v11 =	vand.u32 $0x1, v13  }
0x511: {  	[tilespmem:s22+$0x18080] =	vst v11;
	v11 =	vshrl.u32 v15, v16;
	v16 =	vld [tilespmem:s22+$0x140C0]  }
0x512: {  	v14 =	vld [tilespmem:s22+$0x100D0];
	v11 =	vand.u32 $0x1, v11  }
0x513: {  	v13 =	vld [tilespmem:s22+$0x140D0];
	[tilespmem:s22+$0x18090] =	vst v11;
	v11 =	vshrl.u32 v17, v12  }
0x514: {  	v15 =	vld [tilespmem:s22+$0x100E0];
	v12 =	vshrl.u32 v18, v19;
	v11 =	vand.u32 $0x1, v11  }
0x515: {  	s23 =	simm.s32 $0x80;
	v17 =	vand.u32 $0x1, v12;
	[tilespmem:s22+$0x180A0] =	vst v11;
	v11 =	vld [tilespmem:s22+$0x140E0]  }
0x516: {  	s24 =	simm.s32 $0x400;
	v12 =	vld [tilespmem:s23+$0x140F0];
	[tilespmem:s22+$0x180B0] =	vst v17;
	v16 =	vshrl.u32 v16, v20  }
.LBB2_12:
0x517: {  	p0 =	sne.s32 s24, $0xFE00;
	v17 =	vld [tilespmem:s23+$0x100F0];
	v16 =	vand.u32 $0x1, v16  }
0x518: {  	v18 =	vld [tilespmem:s23+$0x14080];
	[tilespmem:s22+$0x180C0] =	vst v16;
	v13 =	vshrl.u32 v13, v14  }
0x519: {  	v14 =	vld [tilespmem:s23+$0x10080];
	v13 =	vand.u32 $0x1, v13  }
0x51a: {  	v16 =	vld [tilespmem:s23+$0x14090];
	[tilespmem:s22+$0x180D0] =	vst v13;
	v11 =	vshrl.u32 v11, v15  }
0x51b: {  	v13 =	vld [tilespmem:s23+$0x10090];
	v11 =	vand.u32 $0x1, v11  }
0x51c: {  	v15 =	vld [tilespmem:s23+$0x140A0];
	v12 =	vshrl.u32 v12, v17;
	[tilespmem:s22+$0x180E0] =	vst v11;
	s22 =	smov.u32 s23  }
0x51d: {  	v11 =	vld [tilespmem:s22+$0x100A0];
	v12 =	vand.u32 $0x1, v12  }
0x51e: {  	v14 =	vshrl.u32 v18, v14;
	v17 =	vld [tilespmem:s22+$0x140B0];
	[tilespmem:s22+$0x180F0] =	vst v12  }
0x51f: {  	v12 =	vand.u32 $0x1, v14;
	v18 =	vld [tilespmem:s22+$0x100B0]  }
0x520: {  	[tilespmem:s22+$0x18080] =	vst v12;
	v12 =	vshrl.u32 v16, v13;
	v16 =	vld [tilespmem:s22+$0x140C0]  }
0x521: {  	v12 =	vand.u32 $0x1, v12;
	v19 =	vld [tilespmem:s22+$0x100C0]  }
.Ltmp5:
0x522: {  	[tilespmem:s22+$0x18090] =	vst v12;
	v11 =	vshrl.u32 v15, v11;
	v13 =	vld [tilespmem:s22+$0x140D0];
	(pc) =	sbr.rel @p0 .LBB2_12-.Ltmp5, $4  }
0x523: {  	v11 =	vand.u32 $0x1, v11;
	v14 =	vld [tilespmem:s22+$0x100D0]  }
0x524: {  	[tilespmem:s22+$0x180A0] =	vst v11;
	v12 =	vshrl.u32 v17, v18;
	v11 =	vld [tilespmem:s22+$0x140E0]  }
0x525: {  	s23 =	sshra.s32 s24, $0x2;
	v17 =	vand.u32 $0x1, v12;
	v15 =	vld [tilespmem:s22+$0x100E0]  }
0x526: {  	s24 =	sadd.s32 $0x200, s24;
	v12 =	vld [tilespmem:s23+$0x140F0];
	[tilespmem:s22+$0x180B0] =	vst v17;
	v16 =	vshrl.u32 v16, v19  }
0x527: {  	v17 =	vld [tilespmem:s23+$0x100F0];
	v16 =	vand.u32 $0x1, v16  }
0x528: {  	v18 =	vld [tilespmem:s23+$0x14080];
	[tilespmem:s22+$0x180C0] =	vst v16;
	v13 =	vshrl.u32 v13, v14  }
0x529: {  	v14 =	vld [tilespmem:s23+$0x10080];
	v13 =	vand.u32 $0x1, v13  }
0x52a: {  	v16 =	vld [tilespmem:s23+$0x14090];
	[tilespmem:s22+$0x180D0] =	vst v13;
	v11 =	vshrl.u32 v11, v15  }
0x52b: {  	v13 =	vld [tilespmem:s23+$0x10090];
	v11 =	vand.u32 $0x1, v11  }
0x52c: {  	v15 =	vld [tilespmem:s23+$0x140A0];
	[tilespmem:s22+$0x180E0] =	vst v11  }
0x52d: {  	v11 =	vshrl.u32 v12, v17;
	v12 =	vld [tilespmem:s23+$0x100A0]  }
0x52e: {  	v61 =	vld [tilespmem:s23+$0x140B0]  }
0x52f: {  	v11 =	vand.u32 $0x1, v11;
	v62 =	vld [tilespmem:s23+$0x100C0];
	v14 =	vshrl.u32 v18, v14  }
0x530: {  	v63 =	vld [tilespmem:s23+$0x100E0];
	[tilespmem:s23+$0x180F0] =	vst v11;
	v11 =	vand.u32 $0x1, v14  }
0x531: {  	v14 =	vld [tilespmem:s23+$0x100B0];
	[tilespmem:s23+$0x18080] =	vst v11;
	v11 =	vshrl.u32 v16, v13  }
0x532: {  	v13 =	vld [tilespmem:s23+$0x140C0];
	v11 =	vand.u32 $0x1, v11  }
0x533: {  	[tilespmem:s23+$0x18090] =	vst v11;
	v11 =	vshrl.u32 v15, v12;
	v12 =	vld [tilespmem:s23+$0x140D0]  }
0x534: {  	v15 =	vld [tilespmem:s23+$0x100D0];
	v11 =	vand.u32 $0x1, v11  }
0x535: {  	[tilespmem:s23+$0x180A0] =	vst v11;
	v11 =	vld [tilespmem:s23+$0x140E0];
	_ =	sdelay $0x1  }
0x536: {  	v14 =	vshrl.u32 v61, v14  }
0x537: {  	v14 =	vand.u32 $0x1, v14;
	v13 =	vshrl.u32 v13, v62  }
0x538: {  	[tilespmem:s23+$0x180B0] =	vst v14;
	v13 =	vand.u32 $0x1, v13;
	v12 =	vshrl.u32 v12, v15  }
0x539: {  	[tilespmem:s23+$0x180C0] =	vst v13;
	v12 =	vand.u32 $0x1, v12;
	v11 =	vshrl.u32 v11, v63  }
0x53a: {  	[tilespmem:s23+$0x180D0] =	vst v12;
	v11 =	vand.u32 $0x1, v11  }
0x53b: {  	[tilespmem:s23+$0x180E0] =	vst v11  }
0x53c: {  	[hbm4b:s10+s3] =	stream.linear.scatter [tilespmem:s20], [sflag:$0x2], $0x4000, $0x38;
	[tilespmem:$0x1C080] =	vst v63  }
0x53d: {  	_ =	swait.ge [sflag:s14], $0x4000  }
0x53e: {  	s24 =	simm.s32 $0x0;
	[sflag:s14] =	ssyncset.done $0x0  }
0x53f: {  	v11 =	vor.u32 s24, v0;
	[sflag:s14] =	ssyncadd.s32 $0xFFFFC000  }
0x540: {  	v12 =	vor.u32 s24, v1;
	[tilespmem:s15], [sflag:$0x2] =	stream.linear.gather [hbm4b:s11+s3], $0xC000, $0x38;
	[tilespmem:$0x1C080] =	vst v63  }
0x541: {  	v13 =	vor.u32 s24, v2;
	_ =	swait.ge [sflag:s14], $0xC000  }
0x542: {  	[sflag:s14] =	ssyncset.done $0x0  }
0x543: {  	[sflag:s14] =	ssyncadd.s32 $0xFFFF4000  }
0x544: {  	v11 =	vld.idx.msk [tilespmem:v11+s15+$0x0], $0xffff  }
0x545: {  	v12 =	vld.idx.msk [tilespmem:v12+s15+$0x0], $0xffff  }
0x546: {  	v13 =	vld.idx.msk [tilespmem:v13+s15+$0x0], $0xffff;
	_ =	sdelay $0x3  }
0x547: {  	v11 =	vmul.f32 v11, v5;
	v12 =	vmul.f32 v12, v6  }
0x548: {  	v13 =	vmul.f32 v13, v7  }
0x549: {  	v11 =	vadd.f32 v11, v8;
	v12 =	vadd.f32 v12, v9  }
0x54a: {  	v13 =	vadd.f32 v13, v10  }
0x54b: {  	v11 =	vadd.f32 $1.258291200e+07, v11;
	v12 =	vadd.f32 $1.258291200e+07, v12  }
0x54c: {  	v13 =	vadd.f32 $1.258291200e+07, v13  }
0x54d: {  	v11 =	vadd.f32 $-1.258291200e+07, v11;
	v12 =	vadd.f32 $-1.258291200e+07, v12;
	_ =	sdelay $0x1  }
0x54e: {  	v13 =	vadd.f32 $-1.258291200e+07, v13;
	v11 =	vtrunc.f32 v11;
	v12 =	vtrunc.f32 v12  }
0x54f: {  	v11 =	vcvt.f32.s32 v11;
	v12 =	vcvt.f32.s32 v12  }
0x550: {  	v13 =	vtrunc.f32 v13  }
0x551: {  	v13 =	vcvt.f32.s32 v13;
	v11 =	vshll.u32 v11, $0x10;
	v12 =	vshll.u32 v12, $0x8  }
0x552: {  	v11 =	vor.u32 v11, v12  }
0x553: {  	v11 =	vor.u32 v13, v11  }
0x554: {  	s24 =	simm.s32 $0x30;
	v11 =	vshra.s32 v11, $0x2  }
0x555: {  	v12 =	vadd.s32 s24, v0;
	vm0 =	vgt.s32 v11, $0x0  }
0x556: {  	v14 =	vadd.s32 s24, v1;
	v11 =	vnsel vm0, $0x0, v11  }
0x557: {  	s22 =	simm.s32 $0xC0C0;
	v13 =	vshll.u32 v13, $0x3;
	v11 =	vmin.u32 v11, $0x3FFFFF  }
0x558: {  	s23 =	simm.s32 $0x100C0;
	v13 =	vand.u32 $0x18, v13;
	[tilespmem:s22+$0xFFFFFFC0] =	vst v11;
	v11 =	vadd.s32 s24, v2  }
0x559: {  	[tilespmem:s23+$0xFFFFFFC0] =	vst v13  }
0x55a: {  	v12 =	vld.idx.msk [tilespmem:v12+s15+$0x0], $0xffff  }
0x55b: {  	v13 =	vld.idx.msk [tilespmem:v14+s15+$0x0], $0xffff;
	_ =	sdelay $0x1  }
0x55c: {  	v11 =	vld.idx.msk [tilespmem:v11+s15+$0x0], $0xffff;
	_ =	sdelay $0x1  }
0x55d: {  	v12 =	vmul.f32 v12, v5  }
0x55e: {  	v13 =	vmul.f32 v13, v6  }
0x55f: {  	v12 =	vadd.f32 v12, v8  }
0x560: {  	v13 =	vadd.f32 v13, v9;
	v11 =	vmul.f32 v11, v7  }
0x561: {  	v12 =	vadd.f32 $1.258291200e+07, v12  }
0x562: {  	v13 =	vadd.f32 $1.258291200e+07, v13;
	v11 =	vadd.f32 v11, v10  }
0x563: {  	v12 =	vadd.f32 $-1.258291200e+07, v12  }
0x564: {  	v13 =	vadd.f32 $-1.258291200e+07, v13;
	v11 =	vadd.f32 $1.258291200e+07, v11;
	_ =	sdelay $0x1  }
0x565: {  	v12 =	vtrunc.f32 v12;
	v13 =	vtrunc.f32 v13;
	v11 =	vadd.f32 $-1.258291200e+07, v11  }
0x566: {  	v12 =	vcvt.f32.s32 v12;
	v13 =	vcvt.f32.s32 v13  }
0x567: {  	v11 =	vtrunc.f32 v11  }
0x568: {  	v12 =	vshll.u32 v12, $0x10;
	v13 =	vshll.u32 v13, $0x8;
	v11 =	vcvt.f32.s32 v11  }
0x569: {  	v12 =	vor.u32 v12, v13  }
0x56a: {  	v12 =	vor.u32 v11, v12  }
0x56b: {  	s25 =	simm.s32 $0x60;
	v12 =	vshra.s32 v12, $0x2  }
0x56c: {  	v13 =	vadd.s32 s25, v0;
	vm10 =	vgt.s32 v12, $0x0  }
0x56d: {  	v14 =	vadd.s32 s25, v1;
	v12 =	vnsel vm10, $0x0, v12  }
0x56e: {  	v11 =	vshll.u32 v11, $0x3;
	v12 =	vmin.u32 v12, $0x3FFFFF  }
0x56f: {  	v11 =	vand.u32 $0x18, v11;
	[tilespmem:s22+$0xFFFFFFD0] =	vst v12;
	v12 =	vadd.s32 s25, v2  }
0x570: {  	[tilespmem:s23+$0xFFFFFFD0] =	vst v11  }
0x571: {  	v11 =	vld.idx.msk [tilespmem:v13+s15+$0x0], $0xffff  }
0x572: {  	v13 =	vld.idx.msk [tilespmem:v14+s15+$0x0], $0xffff;
	_ =	sdelay $0x1  }
0x573: {  	v12 =	vld.idx.msk [tilespmem:v12+s15+$0x0], $0xffff;
	_ =	sdelay $0x1  }
0x574: {  	v11 =	vmul.f32 v11, v5  }
0x575: {  	v13 =	vmul.f32 v13, v6  }
0x576: {  	v11 =	vadd.f32 v11, v8  }
0x577: {  	v13 =	vadd.f32 v13, v9;
	v12 =	vmul.f32 v12, v7  }
0x578: {  	v11 =	vadd.f32 $1.258291200e+07, v11  }
0x579: {  	v13 =	vadd.f32 $1.258291200e+07, v13;
	v12 =	vadd.f32 v12, v10  }
0x57a: {  	v11 =	vadd.f32 $-1.258291200e+07, v11  }
0x57b: {  	v13 =	vadd.f32 $-1.258291200e+07, v13;
	v12 =	vadd.f32 $1.258291200e+07, v12;
	_ =	sdelay $0x1  }
0x57c: {  	v11 =	vtrunc.f32 v11;
	v13 =	vtrunc.f32 v13;
	v12 =	vadd.f32 $-1.258291200e+07, v12  }
0x57d: {  	v11 =	vcvt.f32.s32 v11;
	v13 =	vcvt.f32.s32 v13  }
0x57e: {  	v12 =	vtrunc.f32 v12  }
0x57f: {  	v11 =	vshll.u32 v11, $0x10;
	v13 =	vshll.u32 v13, $0x8;
	v12 =	vcvt.f32.s32 v12  }
0x580: {  	v11 =	vor.u32 v11, v13  }
0x581: {  	v11 =	vor.u32 v12, v11  }
0x582: {  	s26 =	simm.s32 $0x90;
	v11 =	vshra.s32 v11, $0x2  }
0x583: {  	v13 =	vadd.s32 s26, v0;
	vm11 =	vgt.s32 v11, $0x0  }
0x584: {  	v14 =	vadd.s32 s26, v1;
	v11 =	vnsel vm11, $0x0, v11  }
0x585: {  	v12 =	vshll.u32 v12, $0x3;
	v11 =	vmin.u32 v11, $0x3FFFFF  }
0x586: {  	v12 =	vand.u32 $0x18, v12;
	[tilespmem:s22+$0xFFFFFFE0] =	vst v11;
	v11 =	vadd.s32 s26, v2  }
0x587: {  	[tilespmem:s23+$0xFFFFFFE0] =	vst v12  }
0x588: {  	v12 =	vld.idx.msk [tilespmem:v13+s15+$0x0], $0xffff  }
0x589: {  	v13 =	vld.idx.msk [tilespmem:v14+s15+$0x0], $0xffff;
	_ =	sdelay $0x1  }
0x58a: {  	v11 =	vld.idx.msk [tilespmem:v11+s15+$0x0], $0xffff;
	_ =	sdelay $0x1  }
0x58b: {  	v12 =	vmul.f32 v12, v5  }
0x58c: {  	v13 =	vmul.f32 v13, v6  }
0x58d: {  	v12 =	vadd.f32 v12, v8  }
0x58e: {  	v13 =	vadd.f32 v13, v9;
	v11 =	vmul.f32 v11, v7  }
0x58f: {  	v12 =	vadd.f32 $1.258291200e+07, v12  }
0x590: {  	v13 =	vadd.f32 $1.258291200e+07, v13;
	v11 =	vadd.f32 v11, v10  }
0x591: {  	v12 =	vadd.f32 $-1.258291200e+07, v12  }
0x592: {  	v13 =	vadd.f32 $-1.258291200e+07, v13;
	v11 =	vadd.f32 $1.258291200e+07, v11;
	_ =	sdelay $0x1  }
0x593: {  	v12 =	vtrunc.f32 v12;
	v13 =	vtrunc.f32 v13;
	v11 =	vadd.f32 $-1.258291200e+07, v11  }
0x594: {  	v12 =	vcvt.f32.s32 v12;
	v13 =	vcvt.f32.s32 v13  }
0x595: {  	v11 =	vtrunc.f32 v11  }
0x596: {  	v12 =	vshll.u32 v12, $0x10;
	v13 =	vshll.u32 v13, $0x8;
	v11 =	vcvt.f32.s32 v11  }
0x597: {  	v12 =	vor.u32 v12, v13  }
0x598: {  	v12 =	vor.u32 v11, v12  }
0x599: {  	s28 =	simm.s32 $0xC0;
	v12 =	vshra.s32 v12, $0x2  }
0x59a: {  	v13 =	vor.u32 s28, v0;
	vm12 =	vgt.s32 v12, $0x0  }
0x59b: {  	v14 =	vor.u32 s28, v3;
	v12 =	vnsel vm12, $0x0, v12  }
0x59c: {  	v11 =	vshll.u32 v11, $0x3;
	v12 =	vmin.u32 v12, $0x3FFFFF  }
0x59d: {  	v11 =	vand.u32 $0x18, v11;
	[tilespmem:s22+$0xFFFFFFF0] =	vst v12;
	v12 =	vor.u32 s28, v4  }
0x59e: {  	[tilespmem:s23+$0xFFFFFFF0] =	vst v11  }
0x59f: {  	v11 =	vld.idx.msk [tilespmem:v13+s15+$0x0], $0xffff  }
0x5a0: {  	v13 =	vld.idx.msk [tilespmem:v14+s15+$0x0], $0xffff;
	_ =	sdelay $0x1  }
0x5a1: {  	v12 =	vld.idx.msk [tilespmem:v12+s15+$0x0], $0xffff;
	_ =	sdelay $0x1  }
0x5a2: {  	v11 =	vmul.f32 v11, v5  }
0x5a3: {  	v13 =	vmul.f32 v13, v6  }
0x5a4: {  	v11 =	vadd.f32 v11, v8  }
0x5a5: {  	v13 =	vadd.f32 v13, v9;
	v12 =	vmul.f32 v12, v7  }
0x5a6: {  	v11 =	vadd.f32 $1.258291200e+07, v11  }
0x5a7: {  	v13 =	vadd.f32 $1.258291200e+07, v13;
	v12 =	vadd.f32 v12, v10  }
0x5a8: {  	v11 =	vadd.f32 $-1.258291200e+07, v11  }
0x5a9: {  	v13 =	vadd.f32 $-1.258291200e+07, v13;
	v12 =	vadd.f32 $1.258291200e+07, v12;
	_ =	sdelay $0x1  }
0x5aa: {  	v11 =	vtrunc.f32 v11;
	v13 =	vtrunc.f32 v13;
	v12 =	vadd.f32 $-1.258291200e+07, v12  }
0x5ab: {  	v11 =	vcvt.f32.s32 v11;
	v13 =	vcvt.f32.s32 v13  }
0x5ac: {  	v12 =	vtrunc.f32 v12  }
0x5ad: {  	v11 =	vshll.u32 v11, $0x10;
	v13 =	vshll.u32 v13, $0x8;
	v12 =	vcvt.f32.s32 v12  }
0x5ae: {  	v11 =	vor.u32 v11, v13  }
0x5af: {  	v11 =	vor.u32 v12, v11  }
0x5b0: {  	s29 =	simm.s32 $0xF0;
	v11 =	vshra.s32 v11, $0x2  }
0x5b1: {  	v13 =	vadd.s32 s29, v0;
	vm13 =	vgt.s32 v11, $0x0  }
0x5b2: {  	v14 =	vadd.s32 s29, v1;
	v11 =	vnsel vm13, $0x0, v11  }
0x5b3: {  	v15 =	vadd.s32 s29, v2;
	v12 =	vshll.u32 v12, $0x3;
	v11 =	vmin.u32 v11, $0x3FFFFF  }
0x5b4: {  	v12 =	vand.u32 $0x18, v12;
	[tilespmem:s22+$0x0] =	vst v11  }
0x5b5: {  	[tilespmem:s23+$0x0] =	vst v12  }
0x5b6: {  	v11 =	vld.idx.msk [tilespmem:v13+s15+$0x0], $0xffff  }
0x5b7: {  	v12 =	vld.idx.msk [tilespmem:v14+s15+$0x0], $0xffff  }
0x5b8: {  	v13 =	vld.idx.msk [tilespmem:v15+s15+$0x0], $0xffff;
	_ =	sdelay $0x3  }
0x5b9: {  	v11 =	vmul.f32 v11, v5;
	v12 =	vmul.f32 v12, v6  }
0x5ba: {  	v13 =	vmul.f32 v13, v7  }
0x5bb: {  	v11 =	vadd.f32 v11, v8;
	v12 =	vadd.f32 v12, v9  }
0x5bc: {  	v13 =	vadd.f32 v13, v10  }
0x5bd: {  	v11 =	vadd.f32 $1.258291200e+07, v11;
	v12 =	vadd.f32 $1.258291200e+07, v12  }
0x5be: {  	v13 =	vadd.f32 $1.258291200e+07, v13  }
0x5bf: {  	v11 =	vadd.f32 $-1.258291200e+07, v11;
	v12 =	vadd.f32 $-1.258291200e+07, v12;
	_ =	sdelay $0x1  }
0x5c0: {  	v13 =	vadd.f32 $-1.258291200e+07, v13;
	v11 =	vtrunc.f32 v11;
	v12 =	vtrunc.f32 v12  }
0x5c1: {  	v11 =	vcvt.f32.s32 v11;
	v12 =	vcvt.f32.s32 v12  }
0x5c2: {  	v13 =	vtrunc.f32 v13  }
0x5c3: {  	v13 =	vcvt.f32.s32 v13;
	v11 =	vshll.u32 v11, $0x10;
	v12 =	vshll.u32 v12, $0x8  }
0x5c4: {  	v11 =	vor.u32 v11, v12  }
0x5c5: {  	v11 =	vor.u32 v13, v11  }
0x5c6: {  	s30 =	simm.s32 $0x120;
	v11 =	vshra.s32 v11, $0x2  }
0x5c7: {  	v12 =	vadd.s32 s30, v1;
	vm14 =	vgt.s32 v11, $0x0  }
0x5c8: {  	v14 =	vadd.s32 s30, v0;
	v11 =	vnsel vm14, $0x0, v11  }
0x5c9: {  	v15 =	vadd.s32 s30, v2;
	v13 =	vshll.u32 v13, $0x3;
	v11 =	vmin.u32 v11, $0x3FFFFF  }
0x5ca: {  	v13 =	vand.u32 $0x18, v13;
	[tilespmem:s22+$0x10] =	vst v11  }
0x5cb: {  	[tilespmem:s23+$0x10] =	vst v13  }
0x5cc: {  	v11 =	vld.idx.msk [tilespmem:v12+s15+$0x0], $0xffff  }
0x5cd: {  	v12 =	vld.idx.msk [tilespmem:v14+s15+$0x0], $0xffff  }
0x5ce: {  	v13 =	vld.idx.msk [tilespmem:v15+s15+$0x0], $0xffff;
	_ =	sdelay $0x3  }
0x5cf: {  	v11 =	vmul.f32 v11, v6;
	v12 =	vmul.f32 v12, v5  }
0x5d0: {  	v13 =	vmul.f32 v13, v7  }
0x5d1: {  	v11 =	vadd.f32 v11, v9;
	v12 =	vadd.f32 v12, v8  }
0x5d2: {  	v13 =	vadd.f32 v13, v10  }
0x5d3: {  	v11 =	vadd.f32 $1.258291200e+07, v11;
	v12 =	vadd.f32 $1.258291200e+07, v12  }
0x5d4: {  	v13 =	vadd.f32 $1.258291200e+07, v13  }
0x5d5: {  	v11 =	vadd.f32 $-1.258291200e+07, v11;
	v12 =	vadd.f32 $-1.258291200e+07, v12;
	_ =	sdelay $0x1  }
0x5d6: {  	v13 =	vadd.f32 $-1.258291200e+07, v13;
	v11 =	vtrunc.f32 v11;
	v12 =	vtrunc.f32 v12  }
0x5d7: {  	v11 =	vcvt.f32.s32 v11;
	v12 =	vcvt.f32.s32 v12  }
0x5d8: {  	v13 =	vtrunc.f32 v13  }
0x5d9: {  	v13 =	vcvt.f32.s32 v13;
	v12 =	vshll.u32 v12, $0x10;
	v11 =	vshll.u32 v11, $0x8  }
0x5da: {  	v11 =	vor.u32 v12, v11  }
0x5db: {  	v11 =	vor.u32 v13, v11  }
0x5dc: {  	s31 =	simm.s32 $0x150;
	v11 =	vshra.s32 v11, $0x2  }
0x5dd: {  	v12 =	vadd.s32 s31, v0;
	vm15 =	vgt.s32 v11, $0x0  }
0x5de: {  	v14 =	vadd.s32 s31, v1;
	v11 =	vnsel vm15, $0x0, v11  }
0x5df: {  	v15 =	vadd.s32 s31, v2;
	v13 =	vshll.u32 v13, $0x3;
	v11 =	vmin.u32 v11, $0x3FFFFF  }
0x5e0: {  	v13 =	vand.u32 $0x18, v13;
	[tilespmem:s22+$0x20] =	vst v11  }
0x5e1: {  	[tilespmem:s23+$0x20] =	vst v13  }
0x5e2: {  	v11 =	vld.idx.msk [tilespmem:v12+s15+$0x0], $0xffff  }
0x5e3: {  	v12 =	vld.idx.msk [tilespmem:v14+s15+$0x0], $0xffff  }
0x5e4: {  	v13 =	vld.idx.msk [tilespmem:v15+s15+$0x0], $0xffff;
	_ =	sdelay $0x2  }
0x5e5: {  	v11 =	vmul.f32 v11, v5  }
0x5e6: {  	v12 =	vmul.f32 v12, v6  }
0x5e7: {  	v13 =	vmul.f32 v13, v7;
	v11 =	vadd.f32 v11, v8  }
0x5e8: {  	v12 =	vadd.f32 v12, v9  }
0x5e9: {  	v13 =	vadd.f32 v13, v10;
	v11 =	vadd.f32 $1.258291200e+07, v11  }
0x5ea: {  	v12 =	vadd.f32 $1.258291200e+07, v12  }
0x5eb: {  	v13 =	vadd.f32 $1.258291200e+07, v13;
	v11 =	vadd.f32 $-1.258291200e+07, v11  }
0x5ec: {  	v12 =	vadd.f32 $-1.258291200e+07, v12  }
0x5ed: {  	v13 =	vadd.f32 $-1.258291200e+07, v13;
	v11 =	vtrunc.f32 v11  }
0x5ee: {  	v12 =	vtrunc.f32 v12;
	v11 =	vcvt.f32.s32 v11  }
0x5ef: {  	s24 =	simm.s32 $0xC0C0;
	s25 =	simm.s32 $0x100C0;
	s26 =	simm.s32 $0x2D0;
	v13 =	vtrunc.f32 v13;
	v12 =	vcvt.f32.s32 v12  }
.LBB2_14:
0x5f0: {  	p0 =	sne.s32 s26, $0xBFD0;
	v13 =	vcvt.f32.s32 v13;
	v11 =	vshll.u32 v11, $0x10;
	s23 =	sadd.s32 $0x80, s23;
	s22 =	sadd.s32 $0x80, s22  }
0x5f1: {  	s28 =	smov.u32 s26;
	s26 =	sadd.s32 $0x180, s26;
	v12 =	vshll.u32 v12, $0x8  }
0x5f2: {  	v11 =	vor.u32 v11, v12;
	v12 =	vshll.u32 v13, $0x3  }
0x5f3: {  	s29 =	sadd.s32 $0xFFFFFEB0, s28;
	v11 =	vor.u32 v13, v11  }
0x5f4: {  	v14 =	vor.u32 s29, v1;
	v13 =	vor.u32 s29, v0;
	v11 =	vshra.s32 v11, $0x2  }
0x5f5: {  	vm0 =	vgt.s32 v11, $0x0  }
0x5f6: {  	v11 =	vnsel vm0, $0x0, v11  }
0x5f7: {  	v12 =	vand.u32 $0x18, v12;
	v11 =	vmin.u32 v11, $0x3FFFFF  }
0x5f8: {  	v15 =	vor.u32 s29, v2;
	[tilespmem:s24+$0x30] =	vst v11;
	s24 =	smov.u32 s22  }
0x5f9: {  	[tilespmem:s25+$0x30] =	vst v12;
	s25 =	smov.u32 s23  }
0x5fa: {  	v11 =	vld.idx.msk [tilespmem:v13+s15+$0x0], $0xffff  }
0x5fb: {  	v12 =	vld.idx.msk [tilespmem:v14+s15+$0x0], $0xffff;
	_ =	sdelay $0x1  }
0x5fc: {  	v13 =	vld.idx.msk [tilespmem:v15+s15+$0x0], $0xffff;
	_ =	sdelay $0x2  }
0x5fd: {  	v11 =	vmul.f32 v11, v5  }
0x5fe: {  	v12 =	vmul.f32 v12, v6  }
0x5ff: {  	v11 =	vadd.f32 v11, v8  }
0x600: {  	v12 =	vadd.f32 v12, v9;
	v13 =	vmul.f32 v13, v7  }
0x601: {  	v11 =	vadd.f32 $1.258291200e+07, v11  }
0x602: {  	v12 =	vadd.f32 $1.258291200e+07, v12;
	v13 =	vadd.f32 v13, v10  }
0x603: {  	v11 =	vadd.f32 $-1.258291200e+07, v11  }
0x604: {  	v12 =	vadd.f32 $-1.258291200e+07, v12;
	v13 =	vadd.f32 $1.258291200e+07, v13  }
0x605: {  	v11 =	vtrunc.f32 v11  }
0x606: {  	v11 =	vcvt.f32.s32 v11;
	v12 =	vtrunc.f32 v12;
	v13 =	vadd.f32 $-1.258291200e+07, v13  }
0x607: {  	v12 =	vcvt.f32.s32 v12  }
0x608: {  	v13 =	vtrunc.f32 v13  }
0x609: {  	v11 =	vshll.u32 v11, $0x10;
	v13 =	vcvt.f32.s32 v13;
	v12 =	vshll.u32 v12, $0x8  }
0x60a: {  	v11 =	vor.u32 v11, v12  }
0x60b: {  	v11 =	vor.u32 v13, v11;
	v12 =	vshll.u32 v13, $0x3  }
0x60c: {  	s29 =	sadd.s32 $0xFFFFFEE0, s28;
	v11 =	vshra.s32 v11, $0x2  }
0x60d: {  	v13 =	vadd.s32 s29, v0;
	vm0 =	vgt.s32 v11, $0x0  }
0x60e: {  	v14 =	vadd.s32 s29, v1;
	v11 =	vnsel vm0, $0x0, v11  }
0x60f: {  	v11 =	vmin.u32 v11, $0x3FFFFF  }
0x610: {  	v12 =	vand.u32 $0x18, v12;
	[tilespmem:s22+$0xFFFFFFC0] =	vst v11;
	v11 =	vadd.s32 s29, v2  }
0x611: {  	[tilespmem:s23+$0xFFFFFFC0] =	vst v12  }
0x612: {  	v12 =	vld.idx.msk [tilespmem:v13+s15+$0x0], $0xffff  }
0x613: {  	v13 =	vld.idx.msk [tilespmem:v14+s15+$0x0], $0xffff;
	_ =	sdelay $0x1  }
0x614: {  	v11 =	vld.idx.msk [tilespmem:v11+s15+$0x0], $0xffff;
	_ =	sdelay $0x2  }
0x615: {  	v12 =	vmul.f32 v12, v5  }
0x616: {  	v13 =	vmul.f32 v13, v6  }
0x617: {  	v12 =	vadd.f32 v12, v8  }
0x618: {  	v13 =	vadd.f32 v13, v9;
	v11 =	vmul.f32 v11, v7  }
0x619: {  	v12 =	vadd.f32 $1.258291200e+07, v12  }
0x61a: {  	v13 =	vadd.f32 $1.258291200e+07, v13;
	v11 =	vadd.f32 v11, v10  }
0x61b: {  	v12 =	vadd.f32 $-1.258291200e+07, v12  }
0x61c: {  	v13 =	vadd.f32 $-1.258291200e+07, v13;
	v11 =	vadd.f32 $1.258291200e+07, v11  }
0x61d: {  	v12 =	vtrunc.f32 v12  }
0x61e: {  	v12 =	vcvt.f32.s32 v12;
	v13 =	vtrunc.f32 v13;
	v11 =	vadd.f32 $-1.258291200e+07, v11  }
0x61f: {  	v13 =	vcvt.f32.s32 v13  }
0x620: {  	v11 =	vtrunc.f32 v11  }
0x621: {  	v12 =	vshll.u32 v12, $0x10;
	v11 =	vcvt.f32.s32 v11;
	v13 =	vshll.u32 v13, $0x8  }
0x622: {  	v12 =	vor.u32 v12, v13  }
0x623: {  	v12 =	vor.u32 v11, v12;
	v11 =	vshll.u32 v11, $0x3  }
0x624: {  	s29 =	sadd.s32 $0xFFFFFF10, s28;
	v12 =	vshra.s32 v12, $0x2  }
0x625: {  	v13 =	vadd.s32 s29, v0;
	vm0 =	vgt.s32 v12, $0x0  }
0x626: {  	v14 =	vadd.s32 s29, v1;
	v12 =	vnsel vm0, $0x0, v12  }
0x627: {  	v12 =	vmin.u32 v12, $0x3FFFFF  }
0x628: {  	v11 =	vand.u32 $0x18, v11;
	[tilespmem:s22+$0xFFFFFFD0] =	vst v12;
	v12 =	vadd.s32 s29, v2  }
0x629: {  	[tilespmem:s23+$0xFFFFFFD0] =	vst v11  }
0x62a: {  	v11 =	vld.idx.msk [tilespmem:v13+s15+$0x0], $0xffff  }
0x62b: {  	v13 =	vld.idx.msk [tilespmem:v14+s15+$0x0], $0xffff;
	_ =	sdelay $0x1  }
0x62c: {  	v12 =	vld.idx.msk [tilespmem:v12+s15+$0x0], $0xffff;
	_ =	sdelay $0x2  }
0x62d: {  	v11 =	vmul.f32 v11, v5  }
0x62e: {  	v13 =	vmul.f32 v13, v6  }
0x62f: {  	v11 =	vadd.f32 v11, v8  }
0x630: {  	v13 =	vadd.f32 v13, v9;
	v12 =	vmul.f32 v12, v7  }
0x631: {  	v11 =	vadd.f32 $1.258291200e+07, v11  }
0x632: {  	v13 =	vadd.f32 $1.258291200e+07, v13;
	v12 =	vadd.f32 v12, v10  }
0x633: {  	v11 =	vadd.f32 $-1.258291200e+07, v11  }
0x634: {  	v13 =	vadd.f32 $-1.258291200e+07, v13;
	v12 =	vadd.f32 $1.258291200e+07, v12  }
0x635: {  	v11 =	vtrunc.f32 v11  }
0x636: {  	v11 =	vcvt.f32.s32 v11;
	v13 =	vtrunc.f32 v13;
	v12 =	vadd.f32 $-1.258291200e+07, v12  }
0x637: {  	v13 =	vcvt.f32.s32 v13  }
0x638: {  	v12 =	vtrunc.f32 v12;
	v11 =	vshll.u32 v11, $0x10  }
0x639: {  	v12 =	vcvt.f32.s32 v12;
	v13 =	vshll.u32 v13, $0x8  }
0x63a: {  	v11 =	vor.u32 v11, v13  }
0x63b: {  	v11 =	vor.u32 v12, v11;
	v12 =	vshll.u32 v12, $0x3  }
0x63c: {  	s29 =	sadd.s32 $0xFFFFFF40, s28;
	v11 =	vshra.s32 v11, $0x2  }
0x63d: {  	v13 =	vadd.s32 s29, v0;
	vm0 =	vgt.s32 v11, $0x0  }
0x63e: {  	v14 =	vadd.s32 s29, v1;
	v11 =	vnsel vm0, $0x0, v11  }
0x63f: {  	v11 =	vmin.u32 v11, $0x3FFFFF  }
0x640: {  	v12 =	vand.u32 $0x18, v12;
	[tilespmem:s22+$0xFFFFFFE0] =	vst v11;
	v11 =	vadd.s32 s29, v2  }
0x641: {  	[tilespmem:s23+$0xFFFFFFE0] =	vst v12  }
0x642: {  	v12 =	vld.idx.msk [tilespmem:v13+s15+$0x0], $0xffff  }
0x643: {  	v13 =	vld.idx.msk [tilespmem:v14+s15+$0x0], $0xffff;
	_ =	sdelay $0x1  }
0x644: {  	v11 =	vld.idx.msk [tilespmem:v11+s15+$0x0], $0xffff;
	_ =	sdelay $0x2  }
0x645: {  	v12 =	vmul.f32 v12, v5  }
0x646: {  	v13 =	vmul.f32 v13, v6  }
0x647: {  	v12 =	vadd.f32 v12, v8  }
0x648: {  	v13 =	vadd.f32 v13, v9;
	v11 =	vmul.f32 v11, v7  }
0x649: {  	v12 =	vadd.f32 $1.258291200e+07, v12  }
0x64a: {  	v13 =	vadd.f32 $1.258291200e+07, v13;
	v11 =	vadd.f32 v11, v10  }
0x64b: {  	v12 =	vadd.f32 $-1.258291200e+07, v12  }
0x64c: {  	v13 =	vadd.f32 $-1.258291200e+07, v13;
	v11 =	vadd.f32 $1.258291200e+07, v11  }
0x64d: {  	v12 =	vtrunc.f32 v12  }
0x64e: {  	v12 =	vcvt.f32.s32 v12;
	v13 =	vtrunc.f32 v13;
	v11 =	vadd.f32 $-1.258291200e+07, v11  }
0x64f: {  	v13 =	vcvt.f32.s32 v13  }
0x650: {  	v11 =	vtrunc.f32 v11;
	v12 =	vshll.u32 v12, $0x10  }
0x651: {  	v11 =	vcvt.f32.s32 v11;
	v13 =	vshll.u32 v13, $0x8  }
0x652: {  	v12 =	vor.u32 v12, v13  }
0x653: {  	v12 =	vor.u32 v11, v12;
	v11 =	vshll.u32 v11, $0x3  }
0x654: {  	s29 =	sadd.s32 $0xFFFFFF70, s28;
	v12 =	vshra.s32 v12, $0x2  }
0x655: {  	v13 =	vor.u32 s29, v0;
	vm0 =	vgt.s32 v12, $0x0  }
0x656: {  	v14 =	vor.u32 s29, v3;
	v12 =	vnsel vm0, $0x0, v12  }
0x657: {  	v12 =	vmin.u32 v12, $0x3FFFFF  }
0x658: {  	v11 =	vand.u32 $0x18, v11;
	[tilespmem:s22+$0xFFFFFFF0] =	vst v12;
	v12 =	vor.u32 s29, v4  }
0x659: {  	[tilespmem:s23+$0xFFFFFFF0] =	vst v11  }
0x65a: {  	v11 =	vld.idx.msk [tilespmem:v13+s15+$0x0], $0xffff  }
0x65b: {  	v13 =	vld.idx.msk [tilespmem:v14+s15+$0x0], $0xffff;
	_ =	sdelay $0x1  }
0x65c: {  	v12 =	vld.idx.msk [tilespmem:v12+s15+$0x0], $0xffff;
	_ =	sdelay $0x2  }
0x65d: {  	v11 =	vmul.f32 v11, v5  }
0x65e: {  	v13 =	vmul.f32 v13, v6  }
0x65f: {  	v11 =	vadd.f32 v11, v8  }
0x660: {  	v13 =	vadd.f32 v13, v9;
	v12 =	vmul.f32 v12, v7  }
0x661: {  	v11 =	vadd.f32 $1.258291200e+07, v11  }
0x662: {  	v13 =	vadd.f32 $1.258291200e+07, v13;
	v12 =	vadd.f32 v12, v10  }
0x663: {  	v11 =	vadd.f32 $-1.258291200e+07, v11  }
0x664: {  	v13 =	vadd.f32 $-1.258291200e+07, v13;
	v12 =	vadd.f32 $1.258291200e+07, v12  }
0x665: {  	v11 =	vtrunc.f32 v11  }
0x666: {  	v13 =	vtrunc.f32 v13;
	v12 =	vadd.f32 $-1.258291200e+07, v12  }
0x667: {  	v11 =	vcvt.f32.s32 v11;
	v13 =	vcvt.f32.s32 v13  }
0x668: {  	v12 =	vtrunc.f32 v12  }
0x669: {  	v11 =	vshll.u32 v11, $0x10;
	v12 =	vcvt.f32.s32 v12;
	v13 =	vshll.u32 v13, $0x8  }
0x66a: {  	v11 =	vor.u32 v11, v13  }
0x66b: {  	v11 =	vor.u32 v12, v11;
	v12 =	vshll.u32 v12, $0x3  }
0x66c: {  	s29 =	sadd.s32 $0xFFFFFFA0, s28;
	v11 =	vshra.s32 v11, $0x2  }
0x66d: {  	v13 =	vadd.s32 s29, v0;
	vm0 =	vgt.s32 v11, $0x0  }
0x66e: {  	v14 =	vadd.s32 s29, v1;
	v11 =	vnsel vm0, $0x0, v11  }
0x66f: {  	v15 =	vadd.s32 s29, v2;
	v11 =	vmin.u32 v11, $0x3FFFFF  }
0x670: {  	v12 =	vand.u32 $0x18, v12;
	[tilespmem:s22+$0x0] =	vst v11  }
0x671: {  	[tilespmem:s23+$0x0] =	vst v12  }
0x672: {  	v11 =	vld.idx.msk [tilespmem:v13+s15+$0x0], $0xffff  }
0x673: {  	v12 =	vld.idx.msk [tilespmem:v14+s15+$0x0], $0xffff  }
0x674: {  	v13 =	vld.idx.msk [tilespmem:v15+s15+$0x0], $0xffff;
	_ =	sdelay $0x3  }
0x675: {  	v11 =	vmul.f32 v11, v5  }
0x676: {  	v12 =	vmul.f32 v12, v6  }
0x677: {  	v11 =	vadd.f32 v11, v8;
	v13 =	vmul.f32 v13, v7  }
0x678: {  	v12 =	vadd.f32 v12, v9  }
0x679: {  	v11 =	vadd.f32 $1.258291200e+07, v11;
	v13 =	vadd.f32 v13, v10  }
0x67a: {  	v12 =	vadd.f32 $1.258291200e+07, v12  }
0x67b: {  	v11 =	vadd.f32 $-1.258291200e+07, v11;
	v13 =	vadd.f32 $1.258291200e+07, v13  }
0x67c: {  	v12 =	vadd.f32 $-1.258291200e+07, v12  }
0x67d: {  	v11 =	vtrunc.f32 v11;
	v13 =	vadd.f32 $-1.258291200e+07, v13  }
0x67e: {  	v11 =	vcvt.f32.s32 v11;
	v12 =	vtrunc.f32 v12  }
0x67f: {  	v12 =	vcvt.f32.s32 v12;
	v13 =	vtrunc.f32 v13  }
0x680: {  	v11 =	vshll.u32 v11, $0x10  }
0x681: {  	v13 =	vcvt.f32.s32 v13;
	v12 =	vshll.u32 v12, $0x8  }
0x682: {  	v11 =	vor.u32 v11, v12  }
0x683: {  	v12 =	vshll.u32 v13, $0x3;
	v11 =	vor.u32 v13, v11  }
0x684: {  	s29 =	sadd.s32 $0xFFFFFFD0, s28;
	v11 =	vshra.s32 v11, $0x2  }
0x685: {  	v13 =	vadd.s32 s29, v1;
	vm0 =	vgt.s32 v11, $0x0  }
0x686: {  	v14 =	vadd.s32 s29, v0;
	v11 =	vnsel vm0, $0x0, v11  }
0x687: {  	v15 =	vadd.s32 s29, v2;
	v11 =	vmin.u32 v11, $0x3FFFFF  }
0x688: {  	v12 =	vand.u32 $0x18, v12;
	[tilespmem:s22+$0x10] =	vst v11  }
0x689: {  	[tilespmem:s23+$0x10] =	vst v12  }
0x68a: {  	v11 =	vld.idx.msk [tilespmem:v13+s15+$0x0], $0xffff  }
0x68b: {  	v12 =	vld.idx.msk [tilespmem:v14+s15+$0x0], $0xffff  }
0x68c: {  	v13 =	vld.idx.msk [tilespmem:v15+s15+$0x0], $0xffff;
	_ =	sdelay $0x3  }
0x68d: {  	v11 =	vmul.f32 v11, v6  }
0x68e: {  	v12 =	vmul.f32 v12, v5  }
0x68f: {  	v11 =	vadd.f32 v11, v9;
	v13 =	vmul.f32 v13, v7  }
0x690: {  	v12 =	vadd.f32 v12, v8  }
0x691: {  	v11 =	vadd.f32 $1.258291200e+07, v11;
	v13 =	vadd.f32 v13, v10  }
0x692: {  	v12 =	vadd.f32 $1.258291200e+07, v12  }
0x693: {  	v11 =	vadd.f32 $-1.258291200e+07, v11;
	v13 =	vadd.f32 $1.258291200e+07, v13  }
0x694: {  	v12 =	vadd.f32 $-1.258291200e+07, v12  }
0x695: {  	v11 =	vtrunc.f32 v11;
	v13 =	vadd.f32 $-1.258291200e+07, v13  }
0x696: {  	v12 =	vtrunc.f32 v12;
	v11 =	vcvt.f32.s32 v11  }
0x697: {  	v12 =	vcvt.f32.s32 v12;
	v13 =	vtrunc.f32 v13;
	_ =	sdelay $0x1  }
0x698: {  	v13 =	vcvt.f32.s32 v13;
	v11 =	vshll.u32 v11, $0x8;
	v12 =	vshll.u32 v12, $0x10  }
0x699: {  	v11 =	vor.u32 v12, v11  }
0x69a: {  	v12 =	vshll.u32 v13, $0x3;
	v11 =	vor.u32 v13, v11  }
0x69b: {  	v11 =	vshra.s32 v11, $0x2  }
0x69c: {  	v14 =	vadd.s32 s28, v1;
	v13 =	vadd.s32 s28, v0;
	vm0 =	vgt.s32 v11, $0x0  }
0x69d: {  	v11 =	vnsel vm0, $0x0, v11  }
0x69e: {  	v15 =	vadd.s32 s28, v2;
	v11 =	vmin.u32 v11, $0x3FFFFF  }
0x69f: {  	v12 =	vand.u32 $0x18, v12;
	[tilespmem:s22+$0x20] =	vst v11  }
0x6a0: {  	[tilespmem:s23+$0x20] =	vst v12  }
0x6a1: {  	v11 =	vld.idx.msk [tilespmem:v13+s15+$0x0], $0xffff  }
0x6a2: {  	v12 =	vld.idx.msk [tilespmem:v14+s15+$0x0], $0xffff  }
0x6a3: {  	v13 =	vld.idx.msk [tilespmem:v15+s15+$0x0], $0xffff;
	_ =	sdelay $0x3  }
0x6a4: {  	v11 =	vmul.f32 v11, v5  }
0x6a5: {  	v12 =	vmul.f32 v12, v6  }
0x6a6: {  	v11 =	vadd.f32 v11, v8;
	v13 =	vmul.f32 v13, v7  }
0x6a7: {  	v12 =	vadd.f32 v12, v9  }
0x6a8: {  	v11 =	vadd.f32 $1.258291200e+07, v11;
	v13 =	vadd.f32 v13, v10  }
0x6a9: {  	v12 =	vadd.f32 $1.258291200e+07, v12  }
.Ltmp6:
0x6aa: {  	v11 =	vadd.f32 $-1.258291200e+07, v11;
	v13 =	vadd.f32 $1.258291200e+07, v13;
	(pc) =	sbr.rel @p0 .LBB2_14-.Ltmp6, $4  }
0x6ab: {  	v12 =	vadd.f32 $-1.258291200e+07, v12  }
0x6ac: {  	v11 =	vtrunc.f32 v11;
	v13 =	vadd.f32 $-1.258291200e+07, v13  }
0x6ad: {  	v11 =	vcvt.f32.s32 v11;
	v12 =	vtrunc.f32 v12  }
0x6ae: {  	v12 =	vcvt.f32.s32 v12;
	v13 =	vtrunc.f32 v13  }
0x6af: {  	_ = 	snop  }
0x6b0: {  	v5 =	vcvt.f32.s32 v13;
	v6 =	vshll.u32 v11, $0x10;
	v7 =	vshll.u32 v12, $0x8  }
0x6b1: {  	v6 =	vor.u32 v6, v7  }
0x6b2: {  	v6 =	vor.u32 v5, v6  }
0x6b3: {  	v6 =	vshra.s32 v6, $0x2  }
0x6b4: {  	vm0 =	vgt.s32 v6, $0x0  }
0x6b5: {  	v6 =	vnsel vm0, $0x0, v6  }
0x6b6: {  	v5 =	vshll.u32 v5, $0x3;
	v6 =	vmin.u32 v6, $0x3FFFFF  }
0x6b7: {  	v5 =	vand.u32 $0x18, v5;
	[tilespmem:s24+$0x30] =	vst v6  }
0x6b8: {  	[tilespmem:s25+$0x30] =	vst v5  }
0x6b9: {  	[tilespmem:s18], [sflag:$0x1] =	stream.indirect.gather [hbm4b:s4+s16], $0x1, s17, s16, $0xb8;
	[tilespmem:$0x1C080] =	vst v63  }
0x6ba: {  	_ =	swait.ge [sflag:s19], $0x4000  }
0x6bb: {  	[sflag:s19] =	ssyncset.done $0x0  }
0x6bc: {  	s22 =	simm.s32 $0x0;
	[sflag:s19] =	ssyncadd.s32 $0xFFFFC000  }
0x6bd: {  	v5 =	vld [tilespmem:s22+$0x140F0]  }
0x6be: {  	v6 =	vld [tilespmem:s22+$0x100F0]  }
0x6bf: {  	v7 =	vld [tilespmem:s22+$0x14080]  }
0x6c0: {  	v8 =	vld [tilespmem:s22+$0x10080]  }
0x6c1: {  	v9 =	vld [tilespmem:s22+$0x14090]  }
0x6c2: {  	v10 =	vld [tilespmem:s22+$0x10090]  }
0x6c3: {  	v11 =	vld [tilespmem:s22+$0x140A0]  }
0x6c4: {  	v62 =	vld [tilespmem:s22+$0x140B0]  }
0x6c5: {  	v5 =	vshrl.u32 v5, v6;
	v6 =	vld [tilespmem:s22+$0x100A0]  }
0x6c6: {  	v63 =	vld [tilespmem:s22+$0x100B0];
	v7 =	vshrl.u32 v7, v8;
	v5 =	vand.u32 $0x1, v5  }
0x6c7: {  	v14 =	vld [tilespmem:s22+$0x100C0];
	[tilespmem:s22+$0x180F0] =	vst v5;
	v5 =	vand.u32 $0x1, v7  }
0x6c8: {  	[tilespmem:s22+$0x18080] =	vst v5;
	v5 =	vshrl.u32 v9, v10;
	v10 =	vld [tilespmem:s22+$0x140C0]  }
0x6c9: {  	v8 =	vld [tilespmem:s22+$0x100D0];
	v5 =	vand.u32 $0x1, v5  }
0x6ca: {  	v7 =	vld [tilespmem:s22+$0x140D0];
	[tilespmem:s22+$0x18090] =	vst v5;
	v5 =	vshrl.u32 v11, v6  }
0x6cb: {  	v9 =	vld [tilespmem:s22+$0x100E0];
	v6 =	vshrl.u32 v62, v63;
	v5 =	vand.u32 $0x1, v5  }
0x6cc: {  	s23 =	simm.s32 $0x80;
	v11 =	vand.u32 $0x1, v6;
	[tilespmem:s22+$0x180A0] =	vst v5;
	v5 =	vld [tilespmem:s22+$0x140E0]  }
0x6cd: {  	s24 =	simm.s32 $0x400;
	v6 =	vld [tilespmem:s23+$0x140F0];
	[tilespmem:s22+$0x180B0] =	vst v11;
	v10 =	vshrl.u32 v10, v14  }
.LBB2_16:
0x6ce: {  	p0 =	sne.s32 s24, $0xFE00;
	v11 =	vld [tilespmem:s23+$0x100F0];
	v10 =	vand.u32 $0x1, v10  }
0x6cf: {  	v12 =	vld [tilespmem:s23+$0x14080];
	[tilespmem:s22+$0x180C0] =	vst v10;
	v7 =	vshrl.u32 v7, v8  }
0x6d0: {  	v8 =	vld [tilespmem:s23+$0x10080];
	v7 =	vand.u32 $0x1, v7  }
0x6d1: {  	v10 =	vld [tilespmem:s23+$0x14090];
	[tilespmem:s22+$0x180D0] =	vst v7;
	v5 =	vshrl.u32 v5, v9  }
0x6d2: {  	v7 =	vld [tilespmem:s23+$0x10090];
	v5 =	vand.u32 $0x1, v5  }
0x6d3: {  	v9 =	vld [tilespmem:s23+$0x140A0];
	v6 =	vshrl.u32 v6, v11;
	[tilespmem:s22+$0x180E0] =	vst v5;
	s22 =	smov.u32 s23  }
0x6d4: {  	v5 =	vld [tilespmem:s22+$0x100A0];
	v6 =	vand.u32 $0x1, v6  }
0x6d5: {  	v8 =	vshrl.u32 v12, v8;
	v11 =	vld [tilespmem:s22+$0x140B0];
	[tilespmem:s22+$0x180F0] =	vst v6  }
0x6d6: {  	v6 =	vand.u32 $0x1, v8;
	v12 =	vld [tilespmem:s22+$0x100B0]  }
0x6d7: {  	[tilespmem:s22+$0x18080] =	vst v6;
	v6 =	vshrl.u32 v10, v7;
	v10 =	vld [tilespmem:s22+$0x140C0]  }
0x6d8: {  	v6 =	vand.u32 $0x1, v6;
	v13 =	vld [tilespmem:s22+$0x100C0]  }
.Ltmp7:
0x6d9: {  	[tilespmem:s22+$0x18090] =	vst v6;
	v5 =	vshrl.u32 v9, v5;
	v7 =	vld [tilespmem:s22+$0x140D0];
	(pc) =	sbr.rel @p0 .LBB2_16-.Ltmp7, $4  }
0x6da: {  	v5 =	vand.u32 $0x1, v5;
	v8 =	vld [tilespmem:s22+$0x100D0]  }
0x6db: {  	[tilespmem:s22+$0x180A0] =	vst v5;
	v6 =	vshrl.u32 v11, v12;
	v5 =	vld [tilespmem:s22+$0x140E0]  }
0x6dc: {  	s23 =	sshra.s32 s24, $0x2;
	v11 =	vand.u32 $0x1, v6;
	v9 =	vld [tilespmem:s22+$0x100E0]  }
0x6dd: {  	s24 =	sadd.s32 $0x200, s24;
	v6 =	vld [tilespmem:s23+$0x140F0];
	[tilespmem:s22+$0x180B0] =	vst v11;
	v10 =	vshrl.u32 v10, v13  }
0x6de: {  	v11 =	vld [tilespmem:s23+$0x100F0];
	v10 =	vand.u32 $0x1, v10  }
0x6df: {  	v12 =	vld [tilespmem:s23+$0x14080];
	[tilespmem:s22+$0x180C0] =	vst v10;
	v7 =	vshrl.u32 v7, v8  }
0x6e0: {  	v57 =	vld [tilespmem:s23+$0x10080];
	v7 =	vand.u32 $0x1, v7  }
0x6e1: {  	v10 =	vld [tilespmem:s23+$0x14090];
	[tilespmem:s22+$0x180D0] =	vst v7;
	v5 =	vshrl.u32 v5, v9  }
0x6e2: {  	v7 =	vld [tilespmem:s23+$0x10090];
	v5 =	vand.u32 $0x1, v5  }
0x6e3: {  	v58 =	vld [tilespmem:s23+$0x140A0];
	[tilespmem:s22+$0x180E0] =	vst v5  }
0x6e4: {  	v5 =	vshrl.u32 v6, v11;
	v6 =	vld [tilespmem:s23+$0x100A0]  }
0x6e5: {  	v59 =	vld [tilespmem:s23+$0x140B0]  }
0x6e6: {  	v5 =	vand.u32 $0x1, v5;
	v60 =	vld [tilespmem:s23+$0x100B0];
	v8 =	vshrl.u32 v12, v57  }
0x6e7: {  	v61 =	vld [tilespmem:s23+$0x100C0];
	[tilespmem:s23+$0x180F0] =	vst v5;
	v5 =	vand.u32 $0x1, v8  }
0x6e8: {  	v62 =	vld [tilespmem:s23+$0x100D0];
	[tilespmem:s23+$0x18080] =	vst v5;
	v5 =	vshrl.u32 v10, v7  }
0x6e9: {  	v63 =	vld [tilespmem:s23+$0x100E0];
	v5 =	vand.u32 $0x1, v5  }
0x6ea: {  	v7 =	vld [tilespmem:s23+$0x140C0];
	[tilespmem:s23+$0x18090] =	vst v5;
	v5 =	vshrl.u32 v58, v6  }
0x6eb: {  	v6 =	vld [tilespmem:s23+$0x140D0];
	v5 =	vand.u32 $0x1, v5  }
0x6ec: {  	[tilespmem:s23+$0x180A0] =	vst v5;
	v5 =	vld [tilespmem:s23+$0x140E0];
	_ =	sdelay $0x1  }
0x6ed: {  	v8 =	vshrl.u32 v59, v60  }
0x6ee: {  	v8 =	vand.u32 $0x1, v8;
	v7 =	vshrl.u32 v7, v61  }
0x6ef: {  	[tilespmem:s23+$0x180B0] =	vst v8;
	v7 =	vand.u32 $0x1, v7;
	v6 =	vshrl.u32 v6, v62  }
0x6f0: {  	s21 =	sadd.s32 $0x1, s21;
	[tilespmem:s23+$0x180C0] =	vst v7;
	v6 =	vand.u32 $0x1, v6;
	v5 =	vshrl.u32 v5, v63  }
0x6f1: {  	p0 =	sne.s32 s21, s13;
	[tilespmem:s23+$0x180D0] =	vst v6;
	v5 =	vand.u32 $0x1, v5  }
.Ltmp8:
0x6f2: {  	[tilespmem:s23+$0x180E0] =	vst v5;
	(pc) =	sbr.rel @p0 .LBB2_1-.Ltmp8, $4  }
0x6f3: {  	[hbm4b:s12+s3] =	stream.linear.scatter [tilespmem:s20], [sflag:$0x2], $0x4000, $0x38;
	[tilespmem:$0x1C080] =	vst v63  }
0x6f4: {  	_ =	swait.ge [sflag:s14], $0x4000  }
0x6f5: {  	[sflag:s14] =	ssyncset.done $0x0  }
0x6f6: {  	[sflag:s14] =	ssyncadd.s32 $0xFFFFC000  }
0x6f7: {  	_ =	sfence.sel $0x180000  }
0x6f8: {  	[bflag:$0x0] =	sbarrier.arrive $0xFFFF  }
0x6f9: {  	p0 =	sne.s32 s2, $0x0;
	_ =	strace $0x90000047  }
0x6fa: {  	s0 =	sadd.s32 @!p0 $0x100000, s0;
	[bflag:$0x2] =	sbarrier.arrive $0xFFFF  }
0x6fb: {  	[sflag:s0] =	ssyncadd.tile.s32 @!p0 $0x1;
	_ =	shalt  }
.Lfunc_end2:
_tile_overlayer_lowered:
.L_overlay_start_2:
0x6fc: {  	(tag) =	ssettag $0x2  }
0x6fd: {  	s0 =	rddreg [dreg:$0x0];
	s2 =	stileid.u32  }
0x6fe: {  	s1 =	rddreg [dreg:$0x1];
	p0 =	sne.s32 s2, $0x0  }
0x6ff: {  	s3 =	rddreg [dreg:$0x2];
	[bflag:$0x3] =	sbarrier.arrive $0xFFFF;
	s2 =	simm.s32 @!p0 $0x1C02  }
0x700: {  	[timem:s3], [sflag:s2] =	dma.local @!p0 [hbm:s0], s1  }
0x701: {  	s0 =	simm.s32 @!p0 $0x2  }
0x702: {  	_ =	swait.ge @!p0 [sflag:s0], s1  }
0x703: {  	s1 =	ssub.s32 @!p0 $0x0, s1;
	[sflag:s0] =	ssyncset.done @!p0 $0x0  }
0x704: {  	[sflag:s0] =	ssyncadd.s32 @!p0 s1  }
0x705: {  	[bflag:$0x3] =	sbarrier.arrive $0xFFFF  }
0x706: {  	_ =	shalt  }

</sc_bundles>
